<compile_context>
chip_gen: v7x
topology: tpu7x:2x2x1
jax: 0.10.2.dev20260603
libtpu: 0.0.44.dev20260713+nightly
codegen_flags: <defaults>
</compile_context>

<pallas_src>
import functools

import jax
import jax.numpy as jnp
from jax import lax
from jax.experimental import pallas as pl
from jax.experimental.pallas import tpu as pltpu
from jax.experimental.pallas import tpu_sc as plsc

BATCH = 32
POS = 1024
DIM = 768

NUM_CORES = 2
NUM_SUBCORES = 16
NW = NUM_CORES * NUM_SUBCORES
PPW = POS // NW
LANES = 16
NBUF = 4
NROUND = BATCH // NBUF

_MESH = plsc.VectorSubcoreMesh(
    core_axis_name="c", subcore_axis_name="s",
    num_cores=NUM_CORES, num_subcores=NUM_SUBCORES)


@functools.partial(
    pl.kernel,
    out_type=jax.ShapeDtypeStruct((BATCH, POS, DIM), jnp.float32),
    mesh=_MESH,
    scratch_types=[
        pltpu.VMEM((PPW, DIM), jnp.float32),
        pltpu.VMEM((PPW, DIM), jnp.float32),
        pltpu.VMEM((PPW, DIM), jnp.float32),
        pltpu.VMEM((PPW, DIM), jnp.float32),
        pltpu.VMEM((PPW, DIM), jnp.float32),
        pltpu.SemaphoreType.DMA,
        pltpu.SemaphoreType.DMA,
        pltpu.SemaphoreType.DMA,
        pltpu.SemaphoreType.DMA,
        pltpu.SemaphoreType.DMA,
        pltpu.SemaphoreType.DMA,
        pltpu.SemaphoreType.DMA,
        pltpu.SemaphoreType.DMA,
    ],
)
def _pos_add_sc(x_hbm, pos_hbm, out_hbm, pos_v, b0, b1, b2, b3,
                si0, si1, si2, si3, so0, so1, so2, so3):
    w = lax.axis_index("s") * NUM_CORES + lax.axis_index("c")
    rows = pl.ds(w * PPW, PPW)

    bufs = (b0, b1, b2, b3)
    sin = (si0, si1, si2, si3)
    sout = (so0, so1, so2, so3)

    pltpu.async_copy(x_hbm.at[0, rows], b0, si0)
    pltpu.async_copy(x_hbm.at[1, rows], b1, si1)
    pltpu.sync_copy(pos_hbm.at[rows], pos_v)

    def round_body(j, carry):
        for s in range(NBUF):
            b = NBUF * j + s
            f = (s + 2) % NBUF
            @pl.when(b >= 2)
            def _retire(f=f, b=b):
                pltpu.make_async_copy(bufs[f], out_hbm.at[b - 2, rows],
                                      sout[f]).wait()

            @pl.when(b + 2 < BATCH)
            def _prefetch(f=f, b=b):
                pltpu.async_copy(x_hbm.at[b + 2, rows], bufs[f], sin[f])

            pltpu.make_async_copy(x_hbm.at[b, rows], bufs[s], sin[s]).wait()

            @plsc.parallel_loop(0, PPW)
            def _add(i, s=s):
                for c in range(0, DIM, LANES):
                    sl = pl.ds(c, LANES)
                    plsc.addupdate(bufs[s].at[i, sl], pos_v[i, sl])

            pltpu.async_copy(bufs[s], out_hbm.at[b, rows], sout[s])
        return carry

    lax.fori_loop(0, NROUND, round_body, 0)

    pltpu.make_async_copy(b2, out_hbm.at[BATCH - 2, rows], so2).wait()
    pltpu.make_async_copy(b3, out_hbm.at[BATCH - 1, rows], so3).wait()


def kernel(inputs, pos_table):
    return _pos_add_sc(inputs, pos_table)

# --- scband reference (transcript-rebuilt; emitter-appended) ---
"""Pipeline reference for scband-positional-encoding-56049323213118 (READ-ONLY COPY).

The authoritative reference and input builder live on the scoring server;
editing this copy changes nothing except your own understanding.
"""

import jax, jax.numpy as jnp
import numpy as np

EMBED_DIM = 768
HEIGHT = 32
WIDTH = 32
BATCH = 32

def setup_inputs(seed: int = 0) -> dict:
    key = jax.random.key(seed)
    k1, k2 = jax.random.split(key)
    inputs = jax.random.normal(k1, (BATCH, HEIGHT * WIDTH, EMBED_DIM), dtype=jnp.float32)
    # Embedding table: Keras Embedding default init is uniform(-0.05, 0.05)
    pos_table = jax.random.uniform(k2, (HEIGHT * WIDTH, EMBED_DIM), dtype=jnp.float32, minval=-0.05, maxval=0.05)
    return {"inputs": inputs, "pos_table": pos_table}

def reference(inputs, pos_table):
    # position_indices = range(0, H*W)
    position_indices = jnp.arange(HEIGHT * WIDTH)
    # Embedding lookup (gather)
    position_embeddings = jnp.take(pos_table, position_indices, axis=0)
    # expand_dims(axis=0) then broadcast-add
    position_embeddings = position_embeddings[None, :, :]
    return inputs + position_embeddings

if __name__ == "__main__":
    import jax
    _d = setup_inputs()
    print(jax.jit(kernel)(*tuple(_d.values())))

</pallas_src>

<mosaic_0001>
#map = affine_map<(d0, d1) -> (0, 0, 0)>
#map1 = affine_map<(d0, d1) -> (0, 0)>
module attributes {stable_mosaic.version = 14 : i64} {
  func.func @_pos_add_sc(%arg0: i32, %arg1: i32, %arg2: memref<32x1024x768xf32, #tpu.memory_space<hbm>>, %arg3: memref<1024x768xf32, #tpu.memory_space<hbm>>, %arg4: memref<32x1024x768xf32, #tpu.memory_space<hbm>>, %arg5: memref<32x768xf32, #tpu.memory_space<vmem>>, %arg6: memref<32x768xf32, #tpu.memory_space<vmem>>, %arg7: memref<32x768xf32, #tpu.memory_space<vmem>>, %arg8: memref<32x768xf32, #tpu.memory_space<vmem>>, %arg9: memref<32x768xf32, #tpu.memory_space<vmem>>, %arg10: memref<!tpu.dma_semaphore, #tpu.memory_space<semaphore_mem>>, %arg11: memref<!tpu.dma_semaphore, #tpu.memory_space<semaphore_mem>>, %arg12: memref<!tpu.dma_semaphore, #tpu.memory_space<semaphore_mem>>, %arg13: memref<!tpu.dma_semaphore, #tpu.memory_space<semaphore_mem>>, %arg14: memref<!tpu.dma_semaphore, #tpu.memory_space<semaphore_mem>>, %arg15: memref<!tpu.dma_semaphore, #tpu.memory_space<semaphore_mem>>, %arg16: memref<!tpu.dma_semaphore, #tpu.memory_space<semaphore_mem>>, %arg17: memref<!tpu.dma_semaphore, #tpu.memory_space<semaphore_mem>>) attributes {dimension_semantics = [#tpu.dimension_semantics<core_parallel>, #tpu.dimension_semantics<subcore_parallel>], iteration_bounds = array<i64: 2, 16>, scalar_prefetch = 0 : i64, scratch_operands = 13 : i64, tpu.core_type = #tpu.core_type<sc_vector_subcore>, window_params = [{transform_indices = #map}, {transform_indices = #map1}, {transform_indices = #map}]} {
    %mul3A = arith.constant 2 : i32
    %mul3A_0 = arith.muli %arg1, %mul3A : i32
    %add3A = arith.addi %mul3A_0, %arg0 : i32
    %mul3A_1 = arith.constant 32 : i32
    %mul3A_2 = arith.muli %add3A, %mul3A_1 : i32
    %dma_start3A = arith.constant 0 : i32
    %dma_start3A_3 = arith.constant 0 : i32
    %dma_start3A_4 = tpu.memref_slice %arg2[%dma_start3A, %mul3A_2, %dma_start3A_3] : memref<32x1024x768xf32, #tpu.memory_space<hbm>> -> memref<1x32x768xf32, #tpu.memory_space<hbm>>
    %dma_start3A_5 = tpu.memref_squeeze %dma_start3A_4 : memref<1x32x768xf32, #tpu.memory_space<hbm>> -> memref<32x768xf32, #tpu.memory_space<hbm>>
    %dma_start3A_6 = arith.constant 0 : i32
    %dma_start3A_7 = tpu.memref_slice %arg2[%dma_start3A, %mul3A_2, %dma_start3A_6] : memref<32x1024x768xf32, #tpu.memory_space<hbm>> -> memref<1x32x768xf32, #tpu.memory_space<hbm>>
    %dma_start3A_8 = tpu.memref_squeeze %dma_start3A_7 : memref<1x32x768xf32, #tpu.memory_space<hbm>> -> memref<32x768xf32, #tpu.memory_space<hbm>>
    tpu.enqueue_dma source(%dma_start3A_8 : memref<32x768xf32, #tpu.memory_space<hbm>>) target(%arg6 : memref<32x768xf32, #tpu.memory_space<vmem>>) target_semaphore(%arg10 : memref<!tpu.dma_semaphore, #tpu.memory_space<semaphore_mem>>)
    %dma_start3A_9 = arith.constant 1 : i32
    %dma_start3A_10 = arith.constant 0 : i32
    %dma_start3A_11 = tpu.memref_slice %arg2[%dma_start3A_9, %mul3A_2, %dma_start3A_10] : memref<32x1024x768xf32, #tpu.memory_space<hbm>> -> memref<1x32x768xf32, #tpu.memory_space<hbm>>
    %dma_start3A_12 = tpu.memref_squeeze %dma_start3A_11 : memref<1x32x768xf32, #tpu.memory_space<hbm>> -> memref<32x768xf32, #tpu.memory_space<hbm>>
    %dma_start3A_13 = arith.constant 0 : i32
    %dma_start3A_14 = tpu.memref_slice %arg2[%dma_start3A_9, %mul3A_2, %dma_start3A_13] : memref<32x1024x768xf32, #tpu.memory_space<hbm>> -> memref<1x32x768xf32, #tpu.memory_space<hbm>>
    %dma_start3A_15 = tpu.memref_squeeze %dma_start3A_14 : memref<1x32x768xf32, #tpu.memory_space<hbm>> -> memref<32x768xf32, #tpu.memory_space<hbm>>
    tpu.enqueue_dma source(%dma_start3A_15 : memref<32x768xf32, #tpu.memory_space<hbm>>) target(%arg7 : memref<32x768xf32, #tpu.memory_space<vmem>>) target_semaphore(%arg11 : memref<!tpu.dma_semaphore, #tpu.memory_space<semaphore_mem>>)
    "tpu.region"() ({
      %run_scoped3A = tpu.sem_alloc : memref<!tpu.dma_semaphore, #tpu.memory_space<semaphore_mem>>
      %dma_start3A_34 = arith.constant 0 : i32
      %dma_start3A_35 = tpu.memref_slice %arg3[%mul3A_2, %dma_start3A_34] : memref<1024x768xf32, #tpu.memory_space<hbm>> -> memref<32x768xf32, #tpu.memory_space<hbm>>
      %dma_start3A_36 = arith.constant 0 : i32
      %dma_start3A_37 = tpu.memref_slice %arg3[%mul3A_2, %dma_start3A_36] : memref<1024x768xf32, #tpu.memory_space<hbm>> -> memref<32x768xf32, #tpu.memory_space<hbm>>
      tpu.enqueue_dma source(%dma_start3A_37 : memref<32x768xf32, #tpu.memory_space<hbm>>) target(%arg5 : memref<32x768xf32, #tpu.memory_space<vmem>>) target_semaphore(%run_scoped3A : memref<!tpu.dma_semaphore, #tpu.memory_space<semaphore_mem>>)
      %dma_wait3A_38 = arith.constant 0 : i32
      %dma_wait3A_39 = tpu.memref_slice %arg3[%mul3A_2, %dma_wait3A_38] : memref<1024x768xf32, #tpu.memory_space<hbm>> -> memref<32x768xf32, #tpu.memory_space<hbm>>
      %dma_wait3A_40 = arith.constant 0 : i32
      %dma_wait3A_41 = tpu.memref_slice %arg3[%mul3A_2, %dma_wait3A_40] : memref<1024x768xf32, #tpu.memory_space<hbm>> -> memref<32x768xf32, #tpu.memory_space<hbm>>
      tpu.wait_dma2 semaphore(%run_scoped3A : memref<!tpu.dma_semaphore, #tpu.memory_space<semaphore_mem>>) src(%dma_wait3A_41 : memref<32x768xf32, #tpu.memory_space<hbm>>) dst(%arg5 : memref<32x768xf32, #tpu.memory_space<vmem>>)
      tpu.yield
    }) : () -> ()
    %scan3A = arith.constant 0 : i32
    %scan3A_16 = arith.constant 0 : i32
    %scan3A_17 = arith.constant 8 : i32
    %scan3A_18 = arith.addi %scan3A_16, %scan3A_17 : i32
    %scan3A_19 = arith.constant 1 : i32
    scf.for %scan3A_34 = %scan3A_16 to %scan3A_18 step %scan3A_19  : i32 {
      %mul3A_35 = arith.constant 4 : i32
      %mul3A_36 = arith.muli %mul3A_35, %scan3A_34 : i32
      %add3A_37 = arith.constant 0 : i32
      %add3A_38 = arith.addi %mul3A_36, %add3A_37 : i32
      %ge3A = arith.constant 2 : i32
      %ge3A_39 = arith.cmpi sge, %add3A_38, %ge3A : i32
      %convert_element_type3A = arith.extui %ge3A_39 : i1 to i32
      %cond3A = arith.constant 0 : i32
      %cond3A_40 = arith.cmpi ne, %convert_element_type3A, %cond3A : i32
      scf.if %cond3A_40 {
        %sub3A = arith.constant 2 : i32
        %sub3A_154 = arith.subi %add3A_38, %sub3A : i32
        %dma_wait3A_155 = arith.constant 0 : i32
        %dma_wait3A_156 = tpu.memref_slice %arg4[%sub3A_154, %mul3A_2, %dma_wait3A_155] : memref<32x1024x768xf32, #tpu.memory_space<hbm>> -> memref<1x32x768xf32, #tpu.memory_space<hbm>>
        %dma_wait3A_157 = tpu.memref_squeeze %dma_wait3A_156 : memref<1x32x768xf32, #tpu.memory_space<hbm>> -> memref<32x768xf32, #tpu.memory_space<hbm>>
        %dma_wait3A_158 = arith.constant 0 : i32
        %dma_wait3A_159 = tpu.memref_slice %arg4[%sub3A_154, %mul3A_2, %dma_wait3A_158] : memref<32x1024x768xf32, #tpu.memory_space<hbm>> -> memref<1x32x768xf32, #tpu.memory_space<hbm>>
        %dma_wait3A_160 = tpu.memref_squeeze %dma_wait3A_159 : memref<1x32x768xf32, #tpu.memory_space<hbm>> -> memref<32x768xf32, #tpu.memory_space<hbm>>
        tpu.wait_dma2 semaphore(%arg16 : memref<!tpu.dma_semaphore, #tpu.memory_space<semaphore_mem>>) src(%arg8 : memref<32x768xf32, #tpu.memory_space<vmem>>) dst(%dma_wait3A_160 : memref<32x768xf32, #tpu.memory_space<hbm>>)
      } else {
      }
      %add3A_41 = arith.constant 2 : i32
      %add3A_42 = arith.addi %add3A_38, %add3A_41 : i32
      %lt3A = arith.constant 32 : i32
      %lt3A_43 = arith.cmpi slt, %add3A_42, %lt3A : i32
      %convert_element_type3A_44 = arith.extui %lt3A_43 : i1 to i32
      %cond3A_45 = arith.constant 0 : i32
      %cond3A_46 = arith.cmpi ne, %convert_element_type3A_44, %cond3A_45 : i32
      scf.if %cond3A_46 {
        %add3A_154 = arith.constant 2 : i32
        %add3A_155 = arith.addi %add3A_38, %add3A_154 : i32
        %dma_start3A_156 = arith.constant 0 : i32
        %dma_start3A_157 = tpu.memref_slice %arg2[%add3A_155, %mul3A_2, %dma_start3A_156] : memref<32x1024x768xf32, #tpu.memory_space<hbm>> -> memref<1x32x768xf32, #tpu.memory_space<hbm>>
        %dma_start3A_158 = tpu.memref_squeeze %dma_start3A_157 : memref<1x32x768xf32, #tpu.memory_space<hbm>> -> memref<32x768xf32, #tpu.memory_space<hbm>>
        %dma_start3A_159 = arith.constant 0 : i32
        %dma_start3A_160 = tpu.memref_slice %arg2[%add3A_155, %mul3A_2, %dma_start3A_159] : memref<32x1024x768xf32, #tpu.memory_space<hbm>> -> memref<1x32x768xf32, #tpu.memory_space<hbm>>
        %dma_start3A_161 = tpu.memref_squeeze %dma_start3A_160 : memref<1x32x768xf32, #tpu.memory_space<hbm>> -> memref<32x768xf32, #tpu.memory_space<hbm>>
        tpu.enqueue_dma source(%dma_start3A_161 : memref<32x768xf32, #tpu.memory_space<hbm>>) target(%arg8 : memref<32x768xf32, #tpu.memory_space<vmem>>) target_semaphore(%arg12 : memref<!tpu.dma_semaphore, #tpu.memory_space<semaphore_mem>>)
      } else {
      }
      %dma_wait3A_47 = arith.constant 0 : i32
      %dma_wait3A_48 = tpu.memref_slice %arg2[%add3A_38, %mul3A_2, %dma_wait3A_47] : memref<32x1024x768xf32, #tpu.memory_space<hbm>> -> memref<1x32x768xf32, #tpu.memory_space<hbm>>
      %dma_wait3A_49 = tpu.memref_squeeze %dma_wait3A_48 : memref<1x32x768xf32, #tpu.memory_space<hbm>> -> memref<32x768xf32, #tpu.memory_space<hbm>>
      %dma_wait3A_50 = arith.constant 0 : i32
      %dma_wait3A_51 = tpu.memref_slice %arg2[%add3A_38, %mul3A_2, %dma_wait3A_50] : memref<32x1024x768xf32, #tpu.memory_space<hbm>> -> memref<1x32x768xf32, #tpu.memory_space<hbm>>
      %dma_wait3A_52 = tpu.memref_squeeze %dma_wait3A_51 : memref<1x32x768xf32, #tpu.memory_space<hbm>> -> memref<32x768xf32, #tpu.memory_space<hbm>>
      tpu.wait_dma2 semaphore(%arg10 : memref<!tpu.dma_semaphore, #tpu.memory_space<semaphore_mem>>) src(%dma_wait3A_52 : memref<32x768xf32, #tpu.memory_space<hbm>>) dst(%arg6 : memref<32x768xf32, #tpu.memory_space<vmem>>)
      %parallel_loop3A = arith.constant 0 : i32
      %parallel_loop3A_53 = arith.constant 32 : i32
      %parallel_loop3A_54 = arith.constant 1 : i32
      scf.for %parallel_loop3A_154 = %parallel_loop3A to %parallel_loop3A_53 step %parallel_loop3A_54  : i32 {
        %parallel_loop3A_155 = arith.index_cast %parallel_loop3A_154 : i32 to index
        %parallel_loop3A_156 = arith.constant 0 : index
        %parallel_loop3A_157 = tpu.vector_load %arg5[%parallel_loop3A_155, %parallel_loop3A_156] {strides = array<i32>} : memref<32x768xf32, #tpu.memory_space<vmem>>, vector<1x16xf32>,
        %parallel_loop3A_158 = vector.shape_cast %parallel_loop3A_157 : vector<1x16xf32> to vector<16xf32>
        %parallel_loop3A_159 = arith.index_cast %parallel_loop3A_154 : i32 to index
        %parallel_loop3A_160 = arith.constant 0 : index
        %parallel_loop3A_161 = tpu.vector_load %arg6[%parallel_loop3A_159, %parallel_loop3A_160] {strides = array<i32>} : memref<32x768xf32, #tpu.memory_space<vmem>>, vector<1x16xf32>,
        %parallel_loop3A_162 = vector.shape_cast %parallel_loop3A_161 : vector<1x16xf32> to vector<16xf32>
        %parallel_loop3A_163 = vector.shape_cast %parallel_loop3A_158 : vector<16xf32> to vector<1x16xf32>
        tpu.vector_store %arg6[%parallel_loop3A_159, %parallel_loop3A_160], %parallel_loop3A_163 {add = true, strides = array<i32>} : memref<32x768xf32, #tpu.memory_space<vmem>>, vector<1x16xf32>,
        %parallel_loop3A_164 = arith.index_cast %parallel_loop3A_154 : i32 to index
        %parallel_loop3A_165 = arith.constant 16 : index
        %parallel_loop3A_166 = tpu.vector_load %arg5[%parallel_loop3A_164, %parallel_loop3A_165] {strides = array<i32>} : memref<32x768xf32, #tpu.memory_space<vmem>>, vector<1x16xf32>,
        %parallel_loop3A_167 = vector.shape_cast %parallel_loop3A_166 : vector<1x16xf32> to vector<16xf32>
        %parallel_loop3A_168 = arith.index_cast %parallel_loop3A_154 : i32 to index
        %parallel_loop3A_169 = arith.constant 16 : index
        %parallel_loop3A_170 = tpu.vector_load %arg6[%parallel_loop3A_168, %parallel_loop3A_169] {strides = array<i32>} : memref<32x768xf32, #tpu.memory_space<vmem>>, vector<1x16xf32>,
        %parallel_loop3A_171 = vector.shape_cast %parallel_loop3A_170 : vector<1x16xf32> to vector<16xf32>
        %parallel_loop3A_172 = vector.shape_cast %parallel_loop3A_167 : vector<16xf32> to vector<1x16xf32>
        tpu.vector_store %arg6[%parallel_loop3A_168, %parallel_loop3A_169], %parallel_loop3A_172 {add = true, strides = array<i32>} : memref<32x768xf32, #tpu.memory_space<vmem>>, vector<1x16xf32>,
        %parallel_loop3A_173 = arith.index_cast %parallel_loop3A_154 : i32 to index
        %parallel_loop3A_174 = arith.constant 32 : index
        %parallel_loop3A_175 = tpu.vector_load %arg5[%parallel_loop3A_173, %parallel_loop3A_174] {strides = array<i32>} : memref<32x768xf32, #tpu.memory_space<vmem>>, vector<1x16xf32>,
        %parallel_loop3A_176 = vector.shape_cast %parallel_loop3A_175 : vector<1x16xf32> to vector<16xf32>
        %parallel_loop3A_177 = arith.index_cast %parallel_loop3A_154 : i32 to index
        %parallel_loop3A_178 = arith.constant 32 : index
        %parallel_loop3A_179 = tpu.vector_load %arg6[%parallel_loop3A_177, %parallel_loop3A_178] {strides = array<i32>} : memref<32x768xf32, #tpu.memory_space<vmem>>, vector<1x16xf32>,
        %parallel_loop3A_180 = vector.shape_cast %parallel_loop3A_179 : vector<1x16xf32> to vector<16xf32>
        %parallel_loop3A_181 = vector.shape_cast %parallel_loop3A_176 : vector<16xf32> to vector<1x16xf32>
        tpu.vector_store %arg6[%parallel_loop3A_177, %parallel_loop3A_178], %parallel_loop3A_181 {add = true, strides = array<i32>} : memref<32x768xf32, #tpu.memory_space<vmem>>, vector<1x16xf32>,
        %parallel_loop3A_182 = arith.index_cast %parallel_loop3A_154 : i32 to index
        %parallel_loop3A_183 = arith.constant 48 : index
        %parallel_loop3A_184 = tpu.vector_load %arg5[%parallel_loop3A_182, %parallel_loop3A_183] {strides = array<i32>} : memref<32x768xf32, #tpu.memory_space<vmem>>, vector<1x16xf32>,
        %parallel_loop3A_185 = vector.shape_cast %parallel_loop3A_184 : vector<1x16xf32> to vector<16xf32>
        %parallel_loop3A_186 = arith.index_cast %parallel_loop3A_154 : i32 to index
        %parallel_loop3A_187 = arith.constant 48 : index
        %parallel_loop3A_188 = tpu.vector_load %arg6[%parallel_loop3A_186, %parallel_loop3A_187] {strides = array<i32>} : memref<32x768xf32, #tpu.memory_space<vmem>>, vector<1x16xf32>,
        %parallel_loop3A_189 = vector.shape_cast %parallel_loop3A_188 : vector<1x16xf32> to vector<16xf32>
        %parallel_loop3A_190 = vector.shape_cast %parallel_loop3A_185 : vector<16xf32> to vector<1x16xf32>
        tpu.vector_store %arg6[%parallel_loop3A_186, %parallel_loop3A_187], %parallel_loop3A_190 {add = true, strides = array<i32>} : memref<32x768xf32, #tpu.memory_space<vmem>>, vector<1x16xf32>,
        %parallel_loop3A_191 = arith.index_cast %parallel_loop3A_154 : i32 to index
        %parallel_loop3A_192 = arith.constant 64 : index
        %parallel_loop3A_193 = tpu.vector_load %arg5[%parallel_loop3A_191, %parallel_loop3A_192] {strides = array<i32>} : memref<32x768xf32, #tpu.memory_space<vmem>>, vector<1x16xf32>,
        %parallel_loop3A_194 = vector.shape_cast %parallel_loop3A_193 : vector<1x16xf32> to vector<16xf32>
        %parallel_loop3A_195 = arith.index_cast %parallel_loop3A_154 : i32 to index
        %parallel_loop3A_196 = arith.constant 64 : index
        %parallel_loop3A_197 = tpu.vector_load %arg6[%parallel_loop3A_195, %parallel_loop3A_196] {strides = array<i32>} : memref<32x768xf32, #tpu.memory_space<vmem>>, vector<1x16xf32>,
        %parallel_loop3A_198 = vector.shape_cast %parallel_loop3A_197 : vector<1x16xf32> to vector<16xf32>
        %parallel_loop3A_199 = vector.shape_cast %parallel_loop3A_194 : vector<16xf32> to vector<1x16xf32>
        tpu.vector_store %arg6[%parallel_loop3A_195, %parallel_loop3A_196], %parallel_loop3A_199 {add = true, strides = array<i32>} : memref<32x768xf32, #tpu.memory_space<vmem>>, vector<1x16xf32>,
        %parallel_loop3A_200 = arith.index_cast %parallel_loop3A_154 : i32 to index
        %parallel_loop3A_201 = arith.constant 80 : index
        %parallel_loop3A_202 = tpu.vector_load %arg5[%parallel_loop3A_200, %parallel_loop3A_201] {strides = array<i32>} : memref<32x768xf32, #tpu.memory_space<vmem>>, vector<1x16xf32>,
        %parallel_loop3A_203 = vector.shape_cast %parallel_loop3A_202 : vector<1x16xf32> to vector<16xf32>
        %parallel_loop3A_204 = arith.index_cast %parallel_loop3A_154 : i32 to index
        %parallel_loop3A_205 = arith.constant 80 : index
        %parallel_loop3A_206 = tpu.vector_load %arg6[%parallel_loop3A_204, %parallel_loop3A_205] {strides = array<i32>} : memref<32x768xf32, #tpu.memory_space<vmem>>, vector<1x16xf32>,
        %parallel_loop3A_207 = vector.shape_cast %parallel_loop3A_206 : vector<1x16xf32> to vector<16xf32>
        %parallel_loop3A_208 = vector.shape_cast %parallel_loop3A_203 : vector<16xf32> to vector<1x16xf32>
        tpu.vector_store %arg6[%parallel_loop3A_204, %parallel_loop3A_205], %parallel_loop3A_208 {add = true, strides = array<i32>} : memref<32x768xf32, #tpu.memory_space<vmem>>, vector<1x16xf32>,
        %parallel_loop3A_209 = arith.index_cast %parallel_loop3A_154 : i32 to index
        %parallel_loop3A_210 = arith.constant 96 : index
        %parallel_loop3A_211 = tpu.vector_load %arg5[%parallel_loop3A_209, %parallel_loop3A_210] {strides = array<i32>} : memref<32x768xf32, #tpu.memory_space<vmem>>, vector<1x16xf32>,
        %parallel_loop3A_212 = vector.shape_cast %parallel_loop3A_211 : vector<1x16xf32> to vector<16xf32>
        %parallel_loop3A_213 = arith.index_cast %parallel_loop3A_154 : i32 to index
        %parallel_loop3A_214 = arith.constant 96 : index
        %parallel_loop3A_215 = tpu.vector_load %arg6[%parallel_loop3A_213, %parallel_loop3A_214] {strides = array<i32>} : memref<32x768xf32, #tpu.memory_space<vmem>>, vector<1x16xf32>,
        %parallel_loop3A_216 = vector.shape_cast %parallel_loop3A_215 : vector<1x16xf32> to vector<16xf32>
        %parallel_loop3A_217 = vector.shape_cast %parallel_loop3A_212 : vector<16xf32> to vector<1x16xf32>
        tpu.vector_store %arg6[%parallel_loop3A_213, %parallel_loop3A_214], %parallel_loop3A_217 {add = true, strides = array<i32>} : memref<32x768xf32, #tpu.memory_space<vmem>>, vector<1x16xf32>,
        %parallel_loop3A_218 = arith.index_cast %parallel_loop3A_154 : i32 to index
        %parallel_loop3A_219 = arith.constant 112 : index
        %parallel_loop3A_220 = tpu.vector_load %arg5[%parallel_loop3A_218, %parallel_loop3A_219] {strides = array<i32>} : memref<32x768xf32, #tpu.memory_space<vmem>>, vector<1x16xf32>,
        %parallel_loop3A_221 = vector.shape_cast %parallel_loop3A_220 : vector<1x16xf32> to vector<16xf32>
        %parallel_loop3A_222 = arith.index_cast %parallel_loop3A_154 : i32 to index
        %parallel_loop3A_223 = arith.constant 112 : index
        %parallel_loop3A_224 = tpu.vector_load %arg6[%parallel_loop3A_222, %parallel_loop3A_223] {strides = array<i32>} : memref<32x768xf32, #tpu.memory_space<vmem>>, vector<1x16xf32>,
        %parallel_loop3A_225 = vector.shape_cast %parallel_loop3A_224 : vector<1x16xf32> to vector<16xf32>
        %parallel_loop3A_226 = vector.shape_cast %parallel_loop3A_221 : vector<16xf32> to vector<1x16xf32>
        tpu.vector_store %arg6[%parallel_loop3A_222, %parallel_loop3A_223], %parallel_loop3A_226 {add = true, strides = array<i32>} : memref<32x768xf32, #tpu.memory_space<vmem>>, vector<1x16xf32>,
        %parallel_loop3A_227 = arith.index_cast %parallel_loop3A_154 : i32 to index
        %parallel_loop3A_228 = arith.constant 128 : index
        %parallel_loop3A_229 = tpu.vector_load %arg5[%parallel_loop3A_227, %parallel_loop3A_228] {strides = array<i32>} : memref<32x768xf32, #tpu.memory_space<vmem>>, vector<1x16xf32>,
        %parallel_loop3A_230 = vector.shape_cast %parallel_loop3A_229 : vector<1x16xf32> to vector<16xf32>
        %parallel_loop3A_231 = arith.index_cast %parallel_loop3A_154 : i32 to index
        %parallel_loop3A_232 = arith.constant 128 : index
        %parallel_loop3A_233 = tpu.vector_load %arg6[%parallel_loop3A_231, %parallel_loop3A_232] {strides = array<i32>} : memref<32x768xf32, #tpu.memory_space<vmem>>, vector<1x16xf32>,
        %parallel_loop3A_234 = vector.shape_cast %parallel_loop3A_233 : vector<1x16xf32> to vector<16xf32>
        %parallel_loop3A_235 = vector.shape_cast %parallel_loop3A_230 : vector<16xf32> to vector<1x16xf32>
        tpu.vector_store %arg6[%parallel_loop3A_231, %parallel_loop3A_232], %parallel_loop3A_235 {add = true, strides = array<i32>} : memref<32x768xf32, #tpu.memory_space<vmem>>, vector<1x16xf32>,
        %parallel_loop3A_236 = arith.index_cast %parallel_loop3A_154 : i32 to index
        %parallel_loop3A_237 = arith.constant 144 : index
        %parallel_loop3A_238 = tpu.vector_load %arg5[%parallel_loop3A_236, %parallel_loop3A_237] {strides = array<i32>} : memref<32x768xf32, #tpu.memory_space<vmem>>, vector<1x16xf32>,
        %parallel_loop3A_239 = vector.shape_cast %parallel_loop3A_238 : vector<1x16xf32> to vector<16xf32>
        %parallel_loop3A_240 = arith.index_cast %parallel_loop3A_154 : i32 to index
        %parallel_loop3A_241 = arith.constant 144 : index
        %parallel_loop3A_242 = tpu.vector_load %arg6[%parallel_loop3A_240, %parallel_loop3A_241] {strides = array<i32>} : memref<32x768xf32, #tpu.memory_space<vmem>>, vector<1x16xf32>,
        %parallel_loop3A_243 = vector.shape_cast %parallel_loop3A_242 : vector<1x16xf32> to vector<16xf32>
        %parallel_loop3A_244 = vector.shape_cast %parallel_loop3A_239 : vector<16xf32> to vector<1x16xf32>
        tpu.vector_store %arg6[%parallel_loop3A_240, %parallel_loop3A_241], %parallel_loop3A_244 {add = true, strides = array<i32>} : memref<32x768xf32, #tpu.memory_space<vmem>>, vector<1x16xf32>,
        %parallel_loop3A_245 = arith.index_cast %parallel_loop3A_154 : i32 to index
        %parallel_loop3A_246 = arith.constant 160 : index
        %parallel_loop3A_247 = tpu.vector_load %arg5[%parallel_loop3A_245, %parallel_loop3A_246] {strides = array<i32>} : memref<32x768xf32, #tpu.memory_space<vmem>>, vector<1x16xf32>,
        %parallel_loop3A_248 = vector.shape_cast %parallel_loop3A_247 : vector<1x16xf32> to vector<16xf32>
        %parallel_loop3A_249 = arith.index_cast %parallel_loop3A_154 : i32 to index
        %parallel_loop3A_250 = arith.constant 160 : index
        %parallel_loop3A_251 = tpu.vector_load %arg6[%parallel_loop3A_249, %parallel_loop3A_250] {strides = array<i32>} : memref<32x768xf32, #tpu.memory_space<vmem>>, vector<1x16xf32>,
        %parallel_loop3A_252 = vector.shape_cast %parallel_loop3A_251 : vector<1x16xf32> to vector<16xf32>
        %parallel_loop3A_253 = vector.shape_cast %parallel_loop3A_248 : vector<16xf32> to vector<1x16xf32>
        tpu.vector_store %arg6[%parallel_loop3A_249, %parallel_loop3A_250], %parallel_loop3A_253 {add = true, strides = array<i32>} : memref<32x768xf32, #tpu.memory_space<vmem>>, vector<1x16xf32>,
        %parallel_loop3A_254 = arith.index_cast %parallel_loop3A_154 : i32 to index
        %parallel_loop3A_255 = arith.constant 176 : index
        %parallel_loop3A_256 = tpu.vector_load %arg5[%parallel_loop3A_254, %parallel_loop3A_255] {strides = array<i32>} : memref<32x768xf32, #tpu.memory_space<vmem>>, vector<1x16xf32>,
        %parallel_loop3A_257 = vector.shape_cast %parallel_loop3A_256 : vector<1x16xf32> to vector<16xf32>
        %parallel_loop3A_258 = arith.index_cast %parallel_loop3A_154 : i32 to index
        %parallel_loop3A_259 = arith.constant 176 : index
        %parallel_loop3A_260 = tpu.vector_load %arg6[%parallel_loop3A_258, %parallel_loop3A_259] {strides = array<i32>} : memref<32x768xf32, #tpu.memory_space<vmem>>, vector<1x16xf32>,
        %parallel_loop3A_261 = vector.shape_cast %parallel_loop3A_260 : vector<1x16xf32> to vector<16xf32>
        %parallel_loop3A_262 = vector.shape_cast %parallel_loop3A_257 : vector<16xf32> to vector<1x16xf32>
        tpu.vector_store %arg6[%parallel_loop3A_258, %parallel_loop3A_259], %parallel_loop3A_262 {add = true, strides = array<i32>} : memref<32x768xf32, #tpu.memory_space<vmem>>, vector<1x16xf32>,
        %parallel_loop3A_263 = arith.index_cast %parallel_loop3A_154 : i32 to index
        %parallel_loop3A_264 = arith.constant 192 : index
        %parallel_loop3A_265 = tpu.vector_load %arg5[%parallel_loop3A_263, %parallel_loop3A_264] {strides = array<i32>} : memref<32x768xf32, #tpu.memory_space<vmem>>, vector<1x16xf32>,
        %parallel_loop3A_266 = vector.shape_cast %parallel_loop3A_265 : vector<1x16xf32> to vector<16xf32>
        %parallel_loop3A_267 = arith.index_cast %parallel_loop3A_154 : i32 to index
        %parallel_loop3A_268 = arith.constant 192 : index
        %parallel_loop3A_269 = tpu.vector_load %arg6[%parallel_loop3A_267, %parallel_loop3A_268] {strides = array<i32>} : memref<32x768xf32, #tpu.memory_space<vmem>>, vector<1x16xf32>,
        %parallel_loop3A_270 = vector.shape_cast %parallel_loop3A_269 : vector<1x16xf32> to vector<16xf32>
        %parallel_loop3A_271 = vector.shape_cast %parallel_loop3A_266 : vector<16xf32> to vector<1x16xf32>
        tpu.vector_store %arg6[%parallel_loop3A_267, %parallel_loop3A_268], %parallel_loop3A_271 {add = true, strides = array<i32>} : memref<32x768xf32, #tpu.memory_space<vmem>>, vector<1x16xf32>,
        %parallel_loop3A_272 = arith.index_cast %parallel_loop3A_154 : i32 to index
        %parallel_loop3A_273 = arith.constant 208 : index
        %parallel_loop3A_274 = tpu.vector_load %arg5[%parallel_loop3A_272, %parallel_loop3A_273] {strides = array<i32>} : memref<32x768xf32, #tpu.memory_space<vmem>>, vector<1x16xf32>,
        %parallel_loop3A_275 = vector.shape_cast %parallel_loop3A_274 : vector<1x16xf32> to vector<16xf32>
        %parallel_loop3A_276 = arith.index_cast %parallel_loop3A_154 : i32 to index
        %parallel_loop3A_277 = arith.constant 208 : index
        %parallel_loop3A_278 = tpu.vector_load %arg6[%parallel_loop3A_276, %parallel_loop3A_277] {strides = array<i32>} : memref<32x768xf32, #tpu.memory_space<vmem>>, vector<1x16xf32>,
        %parallel_loop3A_279 = vector.shape_cast %parallel_loop3A_278 : vector<1x16xf32> to vector<16xf32>
        %parallel_loop3A_280 = vector.shape_cast %parallel_loop3A_275 : vector<16xf32> to vector<1x16xf32>
        tpu.vector_store %arg6[%parallel_loop3A_276, %parallel_loop3A_277], %parallel_loop3A_280 {add = true, strides = array<i32>} : memref<32x768xf32, #tpu.memory_space<vmem>>, vector<1x16xf32>,
        %parallel_loop3A_281 = arith.index_cast %parallel_loop3A_154 : i32 to index
        %parallel_loop3A_282 = arith.constant 224 : index
        %parallel_loop3A_283 = tpu.vector_load %arg5[%parallel_loop3A_281, %parallel_loop3A_282] {strides = array<i32>} : memref<32x768xf32, #tpu.memory_space<vmem>>, vector<1x16xf32>,
        %parallel_loop3A_284 = vector.shape_cast %parallel_loop3A_283 : vector<1x16xf32> to vector<16xf32>
        %parallel_loop3A_285 = arith.index_cast %parallel_loop3A_154 : i32 to index
        %parallel_loop3A_286 = arith.constant 224 : index
        %parallel_loop3A_287 = tpu.vector_load %arg6[%parallel_loop3A_285, %parallel_loop3A_286] {strides = array<i32>} : memref<32x768xf32, #tpu.memory_space<vmem>>, vector<1x16xf32>,
        %parallel_loop3A_288 = vector.shape_cast %parallel_loop3A_287 : vector<1x16xf32> to vector<16xf32>
        %parallel_loop3A_289 = vector.shape_cast %parallel_loop3A_284 : vector<16xf32> to vector<1x16xf32>
        tpu.vector_store %arg6[%parallel_loop3A_285, %parallel_loop3A_286], %parallel_loop3A_289 {add = true, strides = array<i32>} : memref<32x768xf32, #tpu.memory_space<vmem>>, vector<1x16xf32>,
        %parallel_loop3A_290 = arith.index_cast %parallel_loop3A_154 : i32 to index
        %parallel_loop3A_291 = arith.constant 240 : index
        %parallel_loop3A_292 = tpu.vector_load %arg5[%parallel_loop3A_290, %parallel_loop3A_291] {strides = array<i32>} : memref<32x768xf32, #tpu.memory_space<vmem>>, vector<1x16xf32>,
        %parallel_loop3A_293 = vector.shape_cast %parallel_loop3A_292 : vector<1x16xf32> to vector<16xf32>
        %parallel_loop3A_294 = arith.index_cast %parallel_loop3A_154 : i32 to index
        %parallel_loop3A_295 = arith.constant 240 : index
        %parallel_loop3A_296 = tpu.vector_load %arg6[%parallel_loop3A_294, %parallel_loop3A_295] {strides = array<i32>} : memref<32x768xf32, #tpu.memory_space<vmem>>, vector<1x16xf32>,
        %parallel_loop3A_297 = vector.shape_cast %parallel_loop3A_296 : vector<1x16xf32> to vector<16xf32>
        %parallel_loop3A_298 = vector.shape_cast %parallel_loop3A_293 : vector<16xf32> to vector<1x16xf32>
        tpu.vector_store %arg6[%parallel_loop3A_294, %parallel_loop3A_295], %parallel_loop3A_298 {add = true, strides = array<i32>} : memref<32x768xf32, #tpu.memory_space<vmem>>, vector<1x16xf32>,
        %parallel_loop3A_299 = arith.index_cast %parallel_loop3A_154 : i32 to index
        %parallel_loop3A_300 = arith.constant 256 : index
        %parallel_loop3A_301 = tpu.vector_load %arg5[%parallel_loop3A_299, %parallel_loop3A_300] {strides = array<i32>} : memref<32x768xf32, #tpu.memory_space<vmem>>, vector<1x16xf32>,
        %parallel_loop3A_302 = vector.shape_cast %parallel_loop3A_301 : vector<1x16xf32> to vector<16xf32>
        %parallel_loop3A_303 = arith.index_cast %parallel_loop3A_154 : i32 to index
        %parallel_loop3A_304 = arith.constant 256 : index
        %parallel_loop3A_305 = tpu.vector_load %arg6[%parallel_loop3A_303, %parallel_loop3A_304] {strides = array<i32>} : memref<32x768xf32, #tpu.memory_space<vmem>>, vector<1x16xf32>,
        %parallel_loop3A_306 = vector.shape_cast %parallel_loop3A_305 : vector<1x16xf32> to vector<16xf32>
        %parallel_loop3A_307 = vector.shape_cast %parallel_loop3A_302 : vector<16xf32> to vector<1x16xf32>
        tpu.vector_store %arg6[%parallel_loop3A_303, %parallel_loop3A_304], %parallel_loop3A_307 {add = true, strides = array<i32>} : memref<32x768xf32, #tpu.memory_space<vmem>>, vector<1x16xf32>,
        %parallel_loop3A_308 = arith.index_cast %parallel_loop3A_154 : i32 to index
        %parallel_loop3A_309 = arith.constant 272 : index
        %parallel_loop3A_310 = tpu.vector_load %arg5[%parallel_loop3A_308, %parallel_loop3A_309] {strides = array<i32>} : memref<32x768xf32, #tpu.memory_space<vmem>>, vector<1x16xf32>,
        %parallel_loop3A_311 = vector.shape_cast %parallel_loop3A_310 : vector<1x16xf32> to vector<16xf32>
        %parallel_loop3A_312 = arith.index_cast %parallel_loop3A_154 : i32 to index
        %parallel_loop3A_313 = arith.constant 272 : index
        %parallel_loop3A_314 = tpu.vector_load %arg6[%parallel_loop3A_312, %parallel_loop3A_313] {strides = array<i32>} : memref<32x768xf32, #tpu.memory_space<vmem>>, vector<1x16xf32>,
        %parallel_loop3A_315 = vector.shape_cast %parallel_loop3A_314 : vector<1x16xf32> to vector<16xf32>
        %parallel_loop3A_316 = vector.shape_cast %parallel_loop3A_311 : vector<16xf32> to vector<1x16xf32>
        tpu.vector_store %arg6[%parallel_loop3A_312, %parallel_loop3A_313], %parallel_loop3A_316 {add = true, strides = array<i32>} : memref<32x768xf32, #tpu.memory_space<vmem>>, vector<1x16xf32>,
        %parallel_loop3A_317 = arith.index_cast %parallel_loop3A_154 : i32 to index
        %parallel_loop3A_318 = arith.constant 288 : index
        %parallel_loop3A_319 = tpu.vector_load %arg5[%parallel_loop3A_317, %parallel_loop3A_318] {strides = array<i32>} : memref<32x768xf32, #tpu.memory_space<vmem>>, vector<1x16xf32>,
        %parallel_loop3A_320 = vector.shape_cast %parallel_loop3A_319 : vector<1x16xf32> to vector<16xf32>
        %parallel_loop3A_321 = arith.index_cast %parallel_loop3A_154 : i32 to index
        %parallel_loop3A_322 = arith.constant 288 : index
        %parallel_loop3A_323 = tpu.vector_load %arg6[%parallel_loop3A_321, %parallel_loop3A_322] {strides = array<i32>} : memref<32x768xf32, #tpu.memory_space<vmem>>, vector<1x16xf32>,
        %parallel_loop3A_324 = vector.shape_cast %parallel_loop3A_323 : vector<1x16xf32> to vector<16xf32>
        %parallel_loop3A_325 = vector.shape_cast %parallel_loop3A_320 : vector<16xf32> to vector<1x16xf32>
        tpu.vector_store %arg6[%parallel_loop3A_321, %parallel_loop3A_322], %parallel_loop3A_325 {add = true, strides = array<i32>} : memref<32x768xf32, #tpu.memory_space<vmem>>, vector<1x16xf32>,
        %parallel_loop3A_326 = arith.index_cast %parallel_loop3A_154 : i32 to index
        %parallel_loop3A_327 = arith.constant 304 : index
        %parallel_loop3A_328 = tpu.vector_load %arg5[%parallel_loop3A_326, %parallel_loop3A_327] {strides = array<i32>} : memref<32x768xf32, #tpu.memory_space<vmem>>, vector<1x16xf32>,
        %parallel_loop3A_329 = vector.shape_cast %parallel_loop3A_328 : vector<1x16xf32> to vector<16xf32>
        %parallel_loop3A_330 = arith.index_cast %parallel_loop3A_154 : i32 to index
        %parallel_loop3A_331 = arith.constant 304 : index
        %parallel_loop3A_332 = tpu.vector_load %arg6[%parallel_loop3A_330, %parallel_loop3A_331] {strides = array<i32>} : memref<32x768xf32, #tpu.memory_space<vmem>>, vector<1x16xf32>,
        %parallel_loop3A_333 = vector.shape_cast %parallel_loop3A_332 : vector<1x16xf32> to vector<16xf32>
        %parallel_loop3A_334 = vector.shape_cast %parallel_loop3A_329 : vector<16xf32> to vector<1x16xf32>
        tpu.vector_store %arg6[%parallel_loop3A_330, %parallel_loop3A_331], %parallel_loop3A_334 {add = true, strides = array<i32>} : memref<32x768xf32, #tpu.memory_space<vmem>>, vector<1x16xf32>,
        %parallel_loop3A_335 = arith.index_cast %parallel_loop3A_154 : i32 to index
        %parallel_loop3A_336 = arith.constant 320 : index
        %parallel_loop3A_337 = tpu.vector_load %arg5[%parallel_loop3A_335, %parallel_loop3A_336] {strides = array<i32>} : memref<32x768xf32, #tpu.memory_space<vmem>>, vector<1x16xf32>,
        %parallel_loop3A_338 = vector.shape_cast %parallel_loop3A_337 : vector<1x16xf32> to vector<16xf32>
        %parallel_loop3A_339 = arith.index_cast %parallel_loop3A_154 : i32 to index
        %parallel_loop3A_340 = arith.constant 320 : index
        %parallel_loop3A_341 = tpu.vector_load %arg6[%parallel_loop3A_339, %parallel_loop3A_340] {strides = array<i32>} : memref<32x768xf32, #tpu.memory_space<vmem>>, vector<1x16xf32>,
        %parallel_loop3A_342 = vector.shape_cast %parallel_loop3A_341 : vector<1x16xf32> to vector<16xf32>
        %parallel_loop3A_343 = vector.shape_cast %parallel_loop3A_338 : vector<16xf32> to vector<1x16xf32>
        tpu.vector_store %arg6[%parallel_loop3A_339, %parallel_loop3A_340], %parallel_loop3A_343 {add = true, strides = array<i32>} : memref<32x768xf32, #tpu.memory_space<vmem>>, vector<1x16xf32>,
        %parallel_loop3A_344 = arith.index_cast %parallel_loop3A_154 : i32 to index
        %parallel_loop3A_345 = arith.constant 336 : index
        %parallel_loop3A_346 = tpu.vector_load %arg5[%parallel_loop3A_344, %parallel_loop3A_345] {strides = array<i32>} : memref<32x768xf32, #tpu.memory_space<vmem>>, vector<1x16xf32>,
        %parallel_loop3A_347 = vector.shape_cast %parallel_loop3A_346 : vector<1x16xf32> to vector<16xf32>
        %parallel_loop3A_348 = arith.index_cast %parallel_loop3A_154 : i32 to index
        %parallel_loop3A_349 = arith.constant 336 : index
        %parallel_loop3A_350 = tpu.vector_load %arg6[%parallel_loop3A_348, %parallel_loop3A_349] {strides = array<i32>} : memref<32x768xf32, #tpu.memory_space<vmem>>, vector<1x16xf32>,
        %parallel_loop3A_351 = vector.shape_cast %parallel_loop3A_350 : vector<1x16xf32> to vector<16xf32>
        %parallel_loop3A_352 = vector.shape_cast %parallel_loop3A_347 : vector<16xf32> to vector<1x16xf32>
        tpu.vector_store %arg6[%parallel_loop3A_348, %parallel_loop3A_349], %parallel_loop3A_352 {add = true, strides = array<i32>} : memref<32x768xf32, #tpu.memory_space<vmem>>, vector<1x16xf32>,
        %parallel_loop3A_353 = arith.index_cast %parallel_loop3A_154 : i32 to index
        %parallel_loop3A_354 = arith.constant 352 : index
        %parallel_loop3A_355 = tpu.vector_load %arg5[%parallel_loop3A_353, %parallel_loop3A_354] {strides = array<i32>} : memref<32x768xf32, #tpu.memory_space<vmem>>, vector<1x16xf32>,
        %parallel_loop3A_356 = vector.shape_cast %parallel_loop3A_355 : vector<1x16xf32> to vector<16xf32>
        %parallel_loop3A_357 = arith.index_cast %parallel_loop3A_154 : i32 to index
        %parallel_loop3A_358 = arith.constant 352 : index
        %parallel_loop3A_359 = tpu.vector_load %arg6[%parallel_loop3A_357, %parallel_loop3A_358] {strides = array<i32>} : memref<32x768xf32, #tpu.memory_space<vmem>>, vector<1x16xf32>,
        %parallel_loop3A_360 = vector.shape_cast %parallel_loop3A_359 : vector<1x16xf32> to vector<16xf32>
        %parallel_loop3A_361 = vector.shape_cast %parallel_loop3A_356 : vector<16xf32> to vector<1x16xf32>
        tpu.vector_store %arg6[%parallel_loop3A_357, %parallel_loop3A_358], %parallel_loop3A_361 {add = true, strides = array<i32>} : memref<32x768xf32, #tpu.memory_space<vmem>>, vector<1x16xf32>,
        %parallel_loop3A_362 = arith.index_cast %parallel_loop3A_154 : i32 to index
        %parallel_loop3A_363 = arith.constant 368 : index
        %parallel_loop3A_364 = tpu.vector_load %arg5[%parallel_loop3A_362, %parallel_loop3A_363] {strides = array<i32>} : memref<32x768xf32, #tpu.memory_space<vmem>>, vector<1x16xf32>,
        %parallel_loop3A_365 = vector.shape_cast %parallel_loop3A_364 : vector<1x16xf32> to vector<16xf32>
        %parallel_loop3A_366 = arith.index_cast %parallel_loop3A_154 : i32 to index
        %parallel_loop3A_367 = arith.constant 368 : index
        %parallel_loop3A_368 = tpu.vector_load %arg6[%parallel_loop3A_366, %parallel_loop3A_367] {strides = array<i32>} : memref<32x768xf32, #tpu.memory_space<vmem>>, vector<1x16xf32>,
        %parallel_loop3A_369 = vector.shape_cast %parallel_loop3A_368 : vector<1x16xf32> to vector<16xf32>
        %parallel_loop3A_370 = vector.shape_cast %parallel_loop3A_365 : vector<16xf32> to vector<1x16xf32>
        tpu.vector_store %arg6[%parallel_loop3A_366, %parallel_loop3A_367], %parallel_loop3A_370 {add = true, strides = array<i32>} : memref<32x768xf32, #tpu.memory_space<vmem>>, vector<1x16xf32>,
        %parallel_loop3A_371 = arith.index_cast %parallel_loop3A_154 : i32 to index
        %parallel_loop3A_372 = arith.constant 384 : index
        %parallel_loop3A_373 = tpu.vector_load %arg5[%parallel_loop3A_371, %parallel_loop3A_372] {strides = array<i32>} : memref<32x768xf32, #tpu.memory_space<vmem>>, vector<1x16xf32>,
        %parallel_loop3A_374 = vector.shape_cast %parallel_loop3A_373 : vector<1x16xf32> to vector<16xf32>
        %parallel_loop3A_375 = arith.index_cast %parallel_loop3A_154 : i32 to index
        %parallel_loop3A_376 = arith.constant 384 : index
        %parallel_loop3A_377 = tpu.vector_load %arg6[%parallel_loop3A_375, %parallel_loop3A_376] {strides = array<i32>} : memref<32x768xf32, #tpu.memory_space<vmem>>, vector<1x16xf32>,
        %parallel_loop3A_378 = vector.shape_cast %parallel_loop3A_377 : vector<1x16xf32> to vector<16xf32>
        %parallel_loop3A_379 = vector.shape_cast %parallel_loop3A_374 : vector<16xf32> to vector<1x16xf32>
        tpu.vector_store %arg6[%parallel_loop3A_375, %parallel_loop3A_376], %parallel_loop3A_379 {add = true, strides = array<i32>} : memref<32x768xf32, #tpu.memory_space<vmem>>, vector<1x16xf32>,
        %parallel_loop3A_380 = arith.index_cast %parallel_loop3A_154 : i32 to index
        %parallel_loop3A_381 = arith.constant 400 : index
        %parallel_loop3A_382 = tpu.vector_load %arg5[%parallel_loop3A_380, %parallel_loop3A_381] {strides = array<i32>} : memref<32x768xf32, #tpu.memory_space<vmem>>, vector<1x16xf32>,
        %parallel_loop3A_383 = vector.shape_cast %parallel_loop3A_382 : vector<1x16xf32> to vector<16xf32>
        %parallel_loop3A_384 = arith.index_cast %parallel_loop3A_154 : i32 to index
        %parallel_loop3A_385 = arith.constant 400 : index
        %parallel_loop3A_386 = tpu.vector_load %arg6[%parallel_loop3A_384, %parallel_loop3A_385] {strides = array<i32>} : memref<32x768xf32, #tpu.memory_space<vmem>>, vector<1x16xf32>,
        %parallel_loop3A_387 = vector.shape_cast %parallel_loop3A_386 : vector<1x16xf32> to vector<16xf32>
        %parallel_loop3A_388 = vector.shape_cast %parallel_loop3A_383 : vector<16xf32> to vector<1x16xf32>
        tpu.vector_store %arg6[%parallel_loop3A_384, %parallel_loop3A_385], %parallel_loop3A_388 {add = true, strides = array<i32>} : memref<32x768xf32, #tpu.memory_space<vmem>>, vector<1x16xf32>,
        %parallel_loop3A_389 = arith.index_cast %parallel_loop3A_154 : i32 to index
        %parallel_loop3A_390 = arith.constant 416 : index
        %parallel_loop3A_391 = tpu.vector_load %arg5[%parallel_loop3A_389, %parallel_loop3A_390] {strides = array<i32>} : memref<32x768xf32, #tpu.memory_space<vmem>>, vector<1x16xf32>,
        %parallel_loop3A_392 = vector.shape_cast %parallel_loop3A_391 : vector<1x16xf32> to vector<16xf32>
        %parallel_loop3A_393 = arith.index_cast %parallel_loop3A_154 : i32 to index
        %parallel_loop3A_394 = arith.constant 416 : index
        %parallel_loop3A_395 = tpu.vector_load %arg6[%parallel_loop3A_393, %parallel_loop3A_394] {strides = array<i32>} : memref<32x768xf32, #tpu.memory_space<vmem>>, vector<1x16xf32>,
        %parallel_loop3A_396 = vector.shape_cast %parallel_loop3A_395 : vector<1x16xf32> to vector<16xf32>
        %parallel_loop3A_397 = vector.shape_cast %parallel_loop3A_392 : vector<16xf32> to vector<1x16xf32>
        tpu.vector_store %arg6[%parallel_loop3A_393, %parallel_loop3A_394], %parallel_loop3A_397 {add = true, strides = array<i32>} : memref<32x768xf32, #tpu.memory_space<vmem>>, vector<1x16xf32>,
        %parallel_loop3A_398 = arith.index_cast %parallel_loop3A_154 : i32 to index
        %parallel_loop3A_399 = arith.constant 432 : index
        %parallel_loop3A_400 = tpu.vector_load %arg5[%parallel_loop3A_398, %parallel_loop3A_399] {strides = array<i32>} : memref<32x768xf32, #tpu.memory_space<vmem>>, vector<1x16xf32>,
        %parallel_loop3A_401 = vector.shape_cast %parallel_loop3A_400 : vector<1x16xf32> to vector<16xf32>
        %parallel_loop3A_402 = arith.index_cast %parallel_loop3A_154 : i32 to index
        %parallel_loop3A_403 = arith.constant 432 : index
        %parallel_loop3A_404 = tpu.vector_load %arg6[%parallel_loop3A_402, %parallel_loop3A_403] {strides = array<i32>} : memref<32x768xf32, #tpu.memory_space<vmem>>, vector<1x16xf32>,
        %parallel_loop3A_405 = vector.shape_cast %parallel_loop3A_404 : vector<1x16xf32> to vector<16xf32>
        %parallel_loop3A_406 = vector.shape_cast %parallel_loop3A_401 : vector<16xf32> to vector<1x16xf32>
        tpu.vector_store %arg6[%parallel_loop3A_402, %parallel_loop3A_403], %parallel_loop3A_406 {add = true, strides = array<i32>} : memref<32x768xf32, #tpu.memory_space<vmem>>, vector<1x16xf32>,
        %parallel_loop3A_407 = arith.index_cast %parallel_loop3A_154 : i32 to index
        %parallel_loop3A_408 = arith.constant 448 : index
        %parallel_loop3A_409 = tpu.vector_load %arg5[%parallel_loop3A_407, %parallel_loop3A_408] {strides = array<i32>} : memref<32x768xf32, #tpu.memory_space<vmem>>, vector<1x16xf32>,
        %parallel_loop3A_410 = vector.shape_cast %parallel_loop3A_409 : vector<1x16xf32> to vector<16xf32>
        %parallel_loop3A_411 = arith.index_cast %parallel_loop3A_154 : i32 to index
        %parallel_loop3A_412 = arith.constant 448 : index
        %parallel_loop3A_413 = tpu.vector_load %arg6[%parallel_loop3A_411, %parallel_loop3A_412] {strides = array<i32>} : memref<32x768xf32, #tpu.memory_space<vmem>>, vector<1x16xf32>,
        %parallel_loop3A_414 = vector.shape_cast %parallel_loop3A_413 : vector<1x16xf32> to vector<16xf32>
        %parallel_loop3A_415 = vector.shape_cast %parallel_loop3A_410 : vector<16xf32> to vector<1x16xf32>
        tpu.vector_store %arg6[%parallel_loop3A_411, %parallel_loop3A_412], %parallel_loop3A_415 {add = true, strides = array<i32>} : memref<32x768xf32, #tpu.memory_space<vmem>>, vector<1x16xf32>,
        %parallel_loop3A_416 = arith.index_cast %parallel_loop3A_154 : i32 to index
        %parallel_loop3A_417 = arith.constant 464 : index
        %parallel_loop3A_418 = tpu.vector_load %arg5[%parallel_loop3A_416, %parallel_loop3A_417] {strides = array<i32>} : memref<32x768xf32, #tpu.memory_space<vmem>>, vector<1x16xf32>,
        %parallel_loop3A_419 = vector.shape_cast %parallel_loop3A_418 : vector<1x16xf32> to vector<16xf32>
        %parallel_loop3A_420 = arith.index_cast %parallel_loop3A_154 : i32 to index
        %parallel_loop3A_421 = arith.constant 464 : index
        %parallel_loop3A_422 = tpu.vector_load %arg6[%parallel_loop3A_420, %parallel_loop3A_421] {strides = array<i32>} : memref<32x768xf32, #tpu.memory_space<vmem>>, vector<1x16xf32>,
        %parallel_loop3A_423 = vector.shape_cast %parallel_loop3A_422 : vector<1x16xf32> to vector<16xf32>
        %parallel_loop3A_424 = vector.shape_cast %parallel_loop3A_419 : vector<16xf32> to vector<1x16xf32>
        tpu.vector_store %arg6[%parallel_loop3A_420, %parallel_loop3A_421], %parallel_loop3A_424 {add = true, strides = array<i32>} : memref<32x768xf32, #tpu.memory_space<vmem>>, vector<1x16xf32>,
        %parallel_loop3A_425 = arith.index_cast %parallel_loop3A_154 : i32 to index
        %parallel_loop3A_426 = arith.constant 480 : index
        %parallel_loop3A_427 = tpu.vector_load %arg5[%parallel_loop3A_425, %parallel_loop3A_426] {strides = array<i32>} : memref<32x768xf32, #tpu.memory_space<vmem>>, vector<1x16xf32>,
        %parallel_loop3A_428 = vector.shape_cast %parallel_loop3A_427 : vector<1x16xf32> to vector<16xf32>
        %parallel_loop3A_429 = arith.index_cast %parallel_loop3A_154 : i32 to index
        %parallel_loop3A_430 = arith.constant 480 : index
        %parallel_loop3A_431 = tpu.vector_load %arg6[%parallel_loop3A_429, %parallel_loop3A_430] {strides = array<i32>} : memref<32x768xf32, #tpu.memory_space<vmem>>, vector<1x16xf32>,
        %parallel_loop3A_432 = vector.shape_cast %parallel_loop3A_431 : vector<1x16xf32> to vector<16xf32>
        %parallel_loop3A_433 = vector.shape_cast %parallel_loop3A_428 : vector<16xf32> to vector<1x16xf32>
        tpu.vector_store %arg6[%parallel_loop3A_429, %parallel_loop3A_430], %parallel_loop3A_433 {add = true, strides = array<i32>} : memref<32x768xf32, #tpu.memory_space<vmem>>, vector<1x16xf32>,
        %parallel_loop3A_434 = arith.index_cast %parallel_loop3A_154 : i32 to index
        %parallel_loop3A_435 = arith.constant 496 : index
        %parallel_loop3A_436 = tpu.vector_load %arg5[%parallel_loop3A_434, %parallel_loop3A_435] {strides = array<i32>} : memref<32x768xf32, #tpu.memory_space<vmem>>, vector<1x16xf32>,
        %parallel_loop3A_437 = vector.shape_cast %parallel_loop3A_436 : vector<1x16xf32> to vector<16xf32>
        %parallel_loop3A_438 = arith.index_cast %parallel_loop3A_154 : i32 to index
        %parallel_loop3A_439 = arith.constant 496 : index
        %parallel_loop3A_440 = tpu.vector_load %arg6[%parallel_loop3A_438, %parallel_loop3A_439] {strides = array<i32>} : memref<32x768xf32, #tpu.memory_space<vmem>>, vector<1x16xf32>,
        %parallel_loop3A_441 = vector.shape_cast %parallel_loop3A_440 : vector<1x16xf32> to vector<16xf32>
        %parallel_loop3A_442 = vector.shape_cast %parallel_loop3A_437 : vector<16xf32> to vector<1x16xf32>
        tpu.vector_store %arg6[%parallel_loop3A_438, %parallel_loop3A_439], %parallel_loop3A_442 {add = true, strides = array<i32>} : memref<32x768xf32, #tpu.memory_space<vmem>>, vector<1x16xf32>,
        %parallel_loop3A_443 = arith.index_cast %parallel_loop3A_154 : i32 to index
        %parallel_loop3A_444 = arith.constant 512 : index
        %parallel_loop3A_445 = tpu.vector_load %arg5[%parallel_loop3A_443, %parallel_loop3A_444] {strides = array<i32>} : memref<32x768xf32, #tpu.memory_space<vmem>>, vector<1x16xf32>,
        %parallel_loop3A_446 = vector.shape_cast %parallel_loop3A_445 : vector<1x16xf32> to vector<16xf32>
        %parallel_loop3A_447 = arith.index_cast %parallel_loop3A_154 : i32 to index
        %parallel_loop3A_448 = arith.constant 512 : index
        %parallel_loop3A_449 = tpu.vector_load %arg6[%parallel_loop3A_447, %parallel_loop3A_448] {strides = array<i32>} : memref<32x768xf32, #tpu.memory_space<vmem>>, vector<1x16xf32>,
        %parallel_loop3A_450 = vector.shape_cast %parallel_loop3A_449 : vector<1x16xf32> to vector<16xf32>
        %parallel_loop3A_451 = vector.shape_cast %parallel_loop3A_446 : vector<16xf32> to vector<1x16xf32>
        tpu.vector_store %arg6[%parallel_loop3A_447, %parallel_loop3A_448], %parallel_loop3A_451 {add = true, strides = array<i32>} : memref<32x768xf32, #tpu.memory_space<vmem>>, vector<1x16xf32>,
        %parallel_loop3A_452 = arith.index_cast %parallel_loop3A_154 : i32 to index
        %parallel_loop3A_453 = arith.constant 528 : index
        %parallel_loop3A_454 = tpu.vector_load %arg5[%parallel_loop3A_452, %parallel_loop3A_453] {strides = array<i32>} : memref<32x768xf32, #tpu.memory_space<vmem>>, vector<1x16xf32>,
        %parallel_loop3A_455 = vector.shape_cast %parallel_loop3A_454 : vector<1x16xf32> to vector<16xf32>
        %parallel_loop3A_456 = arith.index_cast %parallel_loop3A_154 : i32 to index
        %parallel_loop3A_457 = arith.constant 528 : index
        %parallel_loop3A_458 = tpu.vector_load %arg6[%parallel_loop3A_456, %parallel_loop3A_457] {strides = array<i32>} : memref<32x768xf32, #tpu.memory_space<vmem>>, vector<1x16xf32>,
        %parallel_loop3A_459 = vector.shape_cast %parallel_loop3A_458 : vector<1x16xf32> to vector<16xf32>
        %parallel_loop3A_460 = vector.shape_cast %parallel_loop3A_455 : vector<16xf32> to vector<1x16xf32>
        tpu.vector_store %arg6[%parallel_loop3A_456, %parallel_loop3A_457], %parallel_loop3A_460 {add = true, strides = array<i32>} : memref<32x768xf32, #tpu.memory_space<vmem>>, vector<1x16xf32>,
        %parallel_loop3A_461 = arith.index_cast %parallel_loop3A_154 : i32 to index
        %parallel_loop3A_462 = arith.constant 544 : index
        %parallel_loop3A_463 = tpu.vector_load %arg5[%parallel_loop3A_461, %parallel_loop3A_462] {strides = array<i32>} : memref<32x768xf32, #tpu.memory_space<vmem>>, vector<1x16xf32>,
        %parallel_loop3A_464 = vector.shape_cast %parallel_loop3A_463 : vector<1x16xf32> to vector<16xf32>
        %parallel_loop3A_465 = arith.index_cast %parallel_loop3A_154 : i32 to index
        %parallel_loop3A_466 = arith.constant 544 : index
        %parallel_loop3A_467 = tpu.vector_load %arg6[%parallel_loop3A_465, %parallel_loop3A_466] {strides = array<i32>} : memref<32x768xf32, #tpu.memory_space<vmem>>, vector<1x16xf32>,
        %parallel_loop3A_468 = vector.shape_cast %parallel_loop3A_467 : vector<1x16xf32> to vector<16xf32>
        %parallel_loop3A_469 = vector.shape_cast %parallel_loop3A_464 : vector<16xf32> to vector<1x16xf32>
        tpu.vector_store %arg6[%parallel_loop3A_465, %parallel_loop3A_466], %parallel_loop3A_469 {add = true, strides = array<i32>} : memref<32x768xf32, #tpu.memory_space<vmem>>, vector<1x16xf32>,
        %parallel_loop3A_470 = arith.index_cast %parallel_loop3A_154 : i32 to index
        %parallel_loop3A_471 = arith.constant 560 : index
        %parallel_loop3A_472 = tpu.vector_load %arg5[%parallel_loop3A_470, %parallel_loop3A_471] {strides = array<i32>} : memref<32x768xf32, #tpu.memory_space<vmem>>, vector<1x16xf32>,
        %parallel_loop3A_473 = vector.shape_cast %parallel_loop3A_472 : vector<1x16xf32> to vector<16xf32>
        %parallel_loop3A_474 = arith.index_cast %parallel_loop3A_154 : i32 to index
        %parallel_loop3A_475 = arith.constant 560 : index
        %parallel_loop3A_476 = tpu.vector_load %arg6[%parallel_loop3A_474, %parallel_loop3A_475] {strides = array<i32>} : memref<32x768xf32, #tpu.memory_space<vmem>>, vector<1x16xf32>,
        %parallel_loop3A_477 = vector.shape_cast %parallel_loop3A_476 : vector<1x16xf32> to vector<16xf32>
        %parallel_loop3A_478 = vector.shape_cast %parallel_loop3A_473 : vector<16xf32> to vector<1x16xf32>
        tpu.vector_store %arg6[%parallel_loop3A_474, %parallel_loop3A_475], %parallel_loop3A_478 {add = true, strides = array<i32>} : memref<32x768xf32, #tpu.memory_space<vmem>>, vector<1x16xf32>,
        %parallel_loop3A_479 = arith.index_cast %parallel_loop3A_154 : i32 to index
        %parallel_loop3A_480 = arith.constant 576 : index
        %parallel_loop3A_481 = tpu.vector_load %arg5[%parallel_loop3A_479, %parallel_loop3A_480] {strides = array<i32>} : memref<32x768xf32, #tpu.memory_space<vmem>>, vector<1x16xf32>,
        %parallel_loop3A_482 = vector.shape_cast %parallel_loop3A_481 : vector<1x16xf32> to vector<16xf32>
        %parallel_loop3A_483 = arith.index_cast %parallel_loop3A_154 : i32 to index
        %parallel_loop3A_484 = arith.constant 576 : index
        %parallel_loop3A_485 = tpu.vector_load %arg6[%parallel_loop3A_483, %parallel_loop3A_484] {strides = array<i32>} : memref<32x768xf32, #tpu.memory_space<vmem>>, vector<1x16xf32>,
        %parallel_loop3A_486 = vector.shape_cast %parallel_loop3A_485 : vector<1x16xf32> to vector<16xf32>
        %parallel_loop3A_487 = vector.shape_cast %parallel_loop3A_482 : vector<16xf32> to vector<1x16xf32>
        tpu.vector_store %arg6[%parallel_loop3A_483, %parallel_loop3A_484], %parallel_loop3A_487 {add = true, strides = array<i32>} : memref<32x768xf32, #tpu.memory_space<vmem>>, vector<1x16xf32>,
        %parallel_loop3A_488 = arith.index_cast %parallel_loop3A_154 : i32 to index
        %parallel_loop3A_489 = arith.constant 592 : index
        %parallel_loop3A_490 = tpu.vector_load %arg5[%parallel_loop3A_488, %parallel_loop3A_489] {strides = array<i32>} : memref<32x768xf32, #tpu.memory_space<vmem>>, vector<1x16xf32>,
        %parallel_loop3A_491 = vector.shape_cast %parallel_loop3A_490 : vector<1x16xf32> to vector<16xf32>
        %parallel_loop3A_492 = arith.index_cast %parallel_loop3A_154 : i32 to index
        %parallel_loop3A_493 = arith.constant 592 : index
        %parallel_loop3A_494 = tpu.vector_load %arg6[%parallel_loop3A_492, %parallel_loop3A_493] {strides = array<i32>} : memref<32x768xf32, #tpu.memory_space<vmem>>, vector<1x16xf32>,
        %parallel_loop3A_495 = vector.shape_cast %parallel_loop3A_494 : vector<1x16xf32> to vector<16xf32>
        %parallel_loop3A_496 = vector.shape_cast %parallel_loop3A_491 : vector<16xf32> to vector<1x16xf32>
        tpu.vector_store %arg6[%parallel_loop3A_492, %parallel_loop3A_493], %parallel_loop3A_496 {add = true, strides = array<i32>} : memref<32x768xf32, #tpu.memory_space<vmem>>, vector<1x16xf32>,
        %parallel_loop3A_497 = arith.index_cast %parallel_loop3A_154 : i32 to index
        %parallel_loop3A_498 = arith.constant 608 : index
        %parallel_loop3A_499 = tpu.vector_load %arg5[%parallel_loop3A_497, %parallel_loop3A_498] {strides = array<i32>} : memref<32x768xf32, #tpu.memory_space<vmem>>, vector<1x16xf32>,
        %parallel_loop3A_500 = vector.shape_cast %parallel_loop3A_499 : vector<1x16xf32> to vector<16xf32>
        %parallel_loop3A_501 = arith.index_cast %parallel_loop3A_154 : i32 to index
        %parallel_loop3A_502 = arith.constant 608 : index
        %parallel_loop3A_503 = tpu.vector_load %arg6[%parallel_loop3A_501, %parallel_loop3A_502] {strides = array<i32>} : memref<32x768xf32, #tpu.memory_space<vmem>>, vector<1x16xf32>,
        %parallel_loop3A_504 = vector.shape_cast %parallel_loop3A_503 : vector<1x16xf32> to vector<16xf32>
        %parallel_loop3A_505 = vector.shape_cast %parallel_loop3A_500 : vector<16xf32> to vector<1x16xf32>
        tpu.vector_store %arg6[%parallel_loop3A_501, %parallel_loop3A_502], %parallel_loop3A_505 {add = true, strides = array<i32>} : memref<32x768xf32, #tpu.memory_space<vmem>>, vector<1x16xf32>,
        %parallel_loop3A_506 = arith.index_cast %parallel_loop3A_154 : i32 to index
        %parallel_loop3A_507 = arith.constant 624 : index
        %parallel_loop3A_508 = tpu.vector_load %arg5[%parallel_loop3A_506, %parallel_loop3A_507] {strides = array<i32>} : memref<32x768xf32, #tpu.memory_space<vmem>>, vector<1x16xf32>,
        %parallel_loop3A_509 = vector.shape_cast %parallel_loop3A_508 : vector<1x16xf32> to vector<16xf32>
        %parallel_loop3A_510 = arith.index_cast %parallel_loop3A_154 : i32 to index
        %parallel_loop3A_511 = arith.constant 624 : index
        %parallel_loop3A_512 = tpu.vector_load %arg6[%parallel_loop3A_510, %parallel_loop3A_511] {strides = array<i32>} : memref<32x768xf32, #tpu.memory_space<vmem>>, vector<1x16xf32>,
        %parallel_loop3A_513 = vector.shape_cast %parallel_loop3A_512 : vector<1x16xf32> to vector<16xf32>
        %parallel_loop3A_514 = vector.shape_cast %parallel_loop3A_509 : vector<16xf32> to vector<1x16xf32>
        tpu.vector_store %arg6[%parallel_loop3A_510, %parallel_loop3A_511], %parallel_loop3A_514 {add = true, strides = array<i32>} : memref<32x768xf32, #tpu.memory_space<vmem>>, vector<1x16xf32>,
        %parallel_loop3A_515 = arith.index_cast %parallel_loop3A_154 : i32 to index
        %parallel_loop3A_516 = arith.constant 640 : index
        %parallel_loop3A_517 = tpu.vector_load %arg5[%parallel_loop3A_515, %parallel_loop3A_516] {strides = array<i32>} : memref<32x768xf32, #tpu.memory_space<vmem>>, vector<1x16xf32>,
        %parallel_loop3A_518 = vector.shape_cast %parallel_loop3A_517 : vector<1x16xf32> to vector<16xf32>
        %parallel_loop3A_519 = arith.index_cast %parallel_loop3A_154 : i32 to index
        %parallel_loop3A_520 = arith.constant 640 : index
        %parallel_loop3A_521 = tpu.vector_load %arg6[%parallel_loop3A_519, %parallel_loop3A_520] {strides = array<i32>} : memref<32x768xf32, #tpu.memory_space<vmem>>, vector<1x16xf32>,
        %parallel_loop3A_522 = vector.shape_cast %parallel_loop3A_521 : vector<1x16xf32> to vector<16xf32>
        %parallel_loop3A_523 = vector.shape_cast %parallel_loop3A_518 : vector<16xf32> to vector<1x16xf32>
        tpu.vector_store %arg6[%parallel_loop3A_519, %parallel_loop3A_520], %parallel_loop3A_523 {add = true, strides = array<i32>} : memref<32x768xf32, #tpu.memory_space<vmem>>, vector<1x16xf32>,
        %parallel_loop3A_524 = arith.index_cast %parallel_loop3A_154 : i32 to index
        %parallel_loop3A_525 = arith.constant 656 : index
        %parallel_loop3A_526 = tpu.vector_load %arg5[%parallel_loop3A_524, %parallel_loop3A_525] {strides = array<i32>} : memref<32x768xf32, #tpu.memory_space<vmem>>, vector<1x16xf32>,
        %parallel_loop3A_527 = vector.shape_cast %parallel_loop3A_526 : vector<1x16xf32> to vector<16xf32>
        %parallel_loop3A_528 = arith.index_cast %parallel_loop3A_154 : i32 to index
        %parallel_loop3A_529 = arith.constant 656 : index
        %parallel_loop3A_530 = tpu.vector_load %arg6[%parallel_loop3A_528, %parallel_loop3A_529] {strides = array<i32>} : memref<32x768xf32, #tpu.memory_space<vmem>>, vector<1x16xf32>,
        %parallel_loop3A_531 = vector.shape_cast %parallel_loop3A_530 : vector<1x16xf32> to vector<16xf32>
        %parallel_loop3A_532 = vector.shape_cast %parallel_loop3A_527 : vector<16xf32> to vector<1x16xf32>
        tpu.vector_store %arg6[%parallel_loop3A_528, %parallel_loop3A_529], %parallel_loop3A_532 {add = true, strides = array<i32>} : memref<32x768xf32, #tpu.memory_space<vmem>>, vector<1x16xf32>,
        %parallel_loop3A_533 = arith.index_cast %parallel_loop3A_154 : i32 to index
        %parallel_loop3A_534 = arith.constant 672 : index
        %parallel_loop3A_535 = tpu.vector_load %arg5[%parallel_loop3A_533, %parallel_loop3A_534] {strides = array<i32>} : memref<32x768xf32, #tpu.memory_space<vmem>>, vector<1x16xf32>,
        %parallel_loop3A_536 = vector.shape_cast %parallel_loop3A_535 : vector<1x16xf32> to vector<16xf32>
        %parallel_loop3A_537 = arith.index_cast %parallel_loop3A_154 : i32 to index
        %parallel_loop3A_538 = arith.constant 672 : index
        %parallel_loop3A_539 = tpu.vector_load %arg6[%parallel_loop3A_537, %parallel_loop3A_538] {strides = array<i32>} : memref<32x768xf32, #tpu.memory_space<vmem>>, vector<1x16xf32>,
        %parallel_loop3A_540 = vector.shape_cast %parallel_loop3A_539 : vector<1x16xf32> to vector<16xf32>
        %parallel_loop3A_541 = vector.shape_cast %parallel_loop3A_536 : vector<16xf32> to vector<1x16xf32>
        tpu.vector_store %arg6[%parallel_loop3A_537, %parallel_loop3A_538], %parallel_loop3A_541 {add = true, strides = array<i32>} : memref<32x768xf32, #tpu.memory_space<vmem>>, vector<1x16xf32>,
        %parallel_loop3A_542 = arith.index_cast %parallel_loop3A_154 : i32 to index
        %parallel_loop3A_543 = arith.constant 688 : index
        %parallel_loop3A_544 = tpu.vector_load %arg5[%parallel_loop3A_542, %parallel_loop3A_543] {strides = array<i32>} : memref<32x768xf32, #tpu.memory_space<vmem>>, vector<1x16xf32>,
        %parallel_loop3A_545 = vector.shape_cast %parallel_loop3A_544 : vector<1x16xf32> to vector<16xf32>
        %parallel_loop3A_546 = arith.index_cast %parallel_loop3A_154 : i32 to index
        %parallel_loop3A_547 = arith.constant 688 : index
        %parallel_loop3A_548 = tpu.vector_load %arg6[%parallel_loop3A_546, %parallel_loop3A_547] {strides = array<i32>} : memref<32x768xf32, #tpu.memory_space<vmem>>, vector<1x16xf32>,
        %parallel_loop3A_549 = vector.shape_cast %parallel_loop3A_548 : vector<1x16xf32> to vector<16xf32>
        %parallel_loop3A_550 = vector.shape_cast %parallel_loop3A_545 : vector<16xf32> to vector<1x16xf32>
        tpu.vector_store %arg6[%parallel_loop3A_546, %parallel_loop3A_547], %parallel_loop3A_550 {add = true, strides = array<i32>} : memref<32x768xf32, #tpu.memory_space<vmem>>, vector<1x16xf32>,
        %parallel_loop3A_551 = arith.index_cast %parallel_loop3A_154 : i32 to index
        %parallel_loop3A_552 = arith.constant 704 : index
        %parallel_loop3A_553 = tpu.vector_load %arg5[%parallel_loop3A_551, %parallel_loop3A_552] {strides = array<i32>} : memref<32x768xf32, #tpu.memory_space<vmem>>, vector<1x16xf32>,
        %parallel_loop3A_554 = vector.shape_cast %parallel_loop3A_553 : vector<1x16xf32> to vector<16xf32>
        %parallel_loop3A_555 = arith.index_cast %parallel_loop3A_154 : i32 to index
        %parallel_loop3A_556 = arith.constant 704 : index
        %parallel_loop3A_557 = tpu.vector_load %arg6[%parallel_loop3A_555, %parallel_loop3A_556] {strides = array<i32>} : memref<32x768xf32, #tpu.memory_space<vmem>>, vector<1x16xf32>,
        %parallel_loop3A_558 = vector.shape_cast %parallel_loop3A_557 : vector<1x16xf32> to vector<16xf32>
        %parallel_loop3A_559 = vector.shape_cast %parallel_loop3A_554 : vector<16xf32> to vector<1x16xf32>
        tpu.vector_store %arg6[%parallel_loop3A_555, %parallel_loop3A_556], %parallel_loop3A_559 {add = true, strides = array<i32>} : memref<32x768xf32, #tpu.memory_space<vmem>>, vector<1x16xf32>,
        %parallel_loop3A_560 = arith.index_cast %parallel_loop3A_154 : i32 to index
        %parallel_loop3A_561 = arith.constant 720 : index
        %parallel_loop3A_562 = tpu.vector_load %arg5[%parallel_loop3A_560, %parallel_loop3A_561] {strides = array<i32>} : memref<32x768xf32, #tpu.memory_space<vmem>>, vector<1x16xf32>,
        %parallel_loop3A_563 = vector.shape_cast %parallel_loop3A_562 : vector<1x16xf32> to vector<16xf32>
        %parallel_loop3A_564 = arith.index_cast %parallel_loop3A_154 : i32 to index
        %parallel_loop3A_565 = arith.constant 720 : index
        %parallel_loop3A_566 = tpu.vector_load %arg6[%parallel_loop3A_564, %parallel_loop3A_565] {strides = array<i32>} : memref<32x768xf32, #tpu.memory_space<vmem>>, vector<1x16xf32>,
        %parallel_loop3A_567 = vector.shape_cast %parallel_loop3A_566 : vector<1x16xf32> to vector<16xf32>
        %parallel_loop3A_568 = vector.shape_cast %parallel_loop3A_563 : vector<16xf32> to vector<1x16xf32>
        tpu.vector_store %arg6[%parallel_loop3A_564, %parallel_loop3A_565], %parallel_loop3A_568 {add = true, strides = array<i32>} : memref<32x768xf32, #tpu.memory_space<vmem>>, vector<1x16xf32>,
        %parallel_loop3A_569 = arith.index_cast %parallel_loop3A_154 : i32 to index
        %parallel_loop3A_570 = arith.constant 736 : index
        %parallel_loop3A_571 = tpu.vector_load %arg5[%parallel_loop3A_569, %parallel_loop3A_570] {strides = array<i32>} : memref<32x768xf32, #tpu.memory_space<vmem>>, vector<1x16xf32>,
        %parallel_loop3A_572 = vector.shape_cast %parallel_loop3A_571 : vector<1x16xf32> to vector<16xf32>
        %parallel_loop3A_573 = arith.index_cast %parallel_loop3A_154 : i32 to index
        %parallel_loop3A_574 = arith.constant 736 : index
        %parallel_loop3A_575 = tpu.vector_load %arg6[%parallel_loop3A_573, %parallel_loop3A_574] {strides = array<i32>} : memref<32x768xf32, #tpu.memory_space<vmem>>, vector<1x16xf32>,
        %parallel_loop3A_576 = vector.shape_cast %parallel_loop3A_575 : vector<1x16xf32> to vector<16xf32>
        %parallel_loop3A_577 = vector.shape_cast %parallel_loop3A_572 : vector<16xf32> to vector<1x16xf32>
        tpu.vector_store %arg6[%parallel_loop3A_573, %parallel_loop3A_574], %parallel_loop3A_577 {add = true, strides = array<i32>} : memref<32x768xf32, #tpu.memory_space<vmem>>, vector<1x16xf32>,
        %parallel_loop3A_578 = arith.index_cast %parallel_loop3A_154 : i32 to index
        %parallel_loop3A_579 = arith.constant 752 : index
        %parallel_loop3A_580 = tpu.vector_load %arg5[%parallel_loop3A_578, %parallel_loop3A_579] {strides = array<i32>} : memref<32x768xf32, #tpu.memory_space<vmem>>, vector<1x16xf32>,
        %parallel_loop3A_581 = vector.shape_cast %parallel_loop3A_580 : vector<1x16xf32> to vector<16xf32>
        %parallel_loop3A_582 = arith.index_cast %parallel_loop3A_154 : i32 to index
        %parallel_loop3A_583 = arith.constant 752 : index
        %parallel_loop3A_584 = tpu.vector_load %arg6[%parallel_loop3A_582, %parallel_loop3A_583] {strides = array<i32>} : memref<32x768xf32, #tpu.memory_space<vmem>>, vector<1x16xf32>,
        %parallel_loop3A_585 = vector.shape_cast %parallel_loop3A_584 : vector<1x16xf32> to vector<16xf32>
        %parallel_loop3A_586 = vector.shape_cast %parallel_loop3A_581 : vector<16xf32> to vector<1x16xf32>
        tpu.vector_store %arg6[%parallel_loop3A_582, %parallel_loop3A_583], %parallel_loop3A_586 {add = true, strides = array<i32>} : memref<32x768xf32, #tpu.memory_space<vmem>>, vector<1x16xf32>,
      } {sc.loop_unroll_factor = 1 : i64, sc.parallel_access}
      %dma_start3A_55 = arith.constant 0 : i32
      %dma_start3A_56 = tpu.memref_slice %arg4[%add3A_38, %mul3A_2, %dma_start3A_55] : memref<32x1024x768xf32, #tpu.memory_space<hbm>> -> memref<1x32x768xf32, #tpu.memory_space<hbm>>
      %dma_start3A_57 = tpu.memref_squeeze %dma_start3A_56 : memref<1x32x768xf32, #tpu.memory_space<hbm>> -> memref<32x768xf32, #tpu.memory_space<hbm>>
      %dma_start3A_58 = arith.constant 0 : i32
      %dma_start3A_59 = tpu.memref_slice %arg4[%add3A_38, %mul3A_2, %dma_start3A_58] : memref<32x1024x768xf32, #tpu.memory_space<hbm>> -> memref<1x32x768xf32, #tpu.memory_space<hbm>>
      %dma_start3A_60 = tpu.memref_squeeze %dma_start3A_59 : memref<1x32x768xf32, #tpu.memory_space<hbm>> -> memref<32x768xf32, #tpu.memory_space<hbm>>
      tpu.enqueue_dma source(%arg6 : memref<32x768xf32, #tpu.memory_space<vmem>>) target(%dma_start3A_60 : memref<32x768xf32, #tpu.memory_space<hbm>>) target_semaphore(%arg14 : memref<!tpu.dma_semaphore, #tpu.memory_space<semaphore_mem>>)
      %mul3A_61 = arith.constant 4 : i32
      %mul3A_62 = arith.muli %mul3A_61, %scan3A_34 : i32
      %add3A_63 = arith.constant 1 : i32
      %add3A_64 = arith.addi %mul3A_62, %add3A_63 : i32
      %ge3A_65 = arith.constant 2 : i32
      %ge3A_66 = arith.cmpi sge, %add3A_64, %ge3A_65 : i32
      %convert_element_type3A_67 = arith.extui %ge3A_66 : i1 to i32
      %cond3A_68 = arith.constant 0 : i32
      %cond3A_69 = arith.cmpi ne, %convert_element_type3A_67, %cond3A_68 : i32
      scf.if %cond3A_69 {
        %sub3A = arith.constant 2 : i32
        %sub3A_154 = arith.subi %add3A_64, %sub3A : i32
        %dma_wait3A_155 = arith.constant 0 : i32
        %dma_wait3A_156 = tpu.memref_slice %arg4[%sub3A_154, %mul3A_2, %dma_wait3A_155] : memref<32x1024x768xf32, #tpu.memory_space<hbm>> -> memref<1x32x768xf32, #tpu.memory_space<hbm>>
        %dma_wait3A_157 = tpu.memref_squeeze %dma_wait3A_156 : memref<1x32x768xf32, #tpu.memory_space<hbm>> -> memref<32x768xf32, #tpu.memory_space<hbm>>
        %dma_wait3A_158 = arith.constant 0 : i32
        %dma_wait3A_159 = tpu.memref_slice %arg4[%sub3A_154, %mul3A_2, %dma_wait3A_158] : memref<32x1024x768xf32, #tpu.memory_space<hbm>> -> memref<1x32x768xf32, #tpu.memory_space<hbm>>
        %dma_wait3A_160 = tpu.memref_squeeze %dma_wait3A_159 : memref<1x32x768xf32, #tpu.memory_space<hbm>> -> memref<32x768xf32, #tpu.memory_space<hbm>>
        tpu.wait_dma2 semaphore(%arg17 : memref<!tpu.dma_semaphore, #tpu.memory_space<semaphore_mem>>) src(%arg9 : memref<32x768xf32, #tpu.memory_space<vmem>>) dst(%dma_wait3A_160 : memref<32x768xf32, #tpu.memory_space<hbm>>)
      } else {
      }
      %add3A_70 = arith.constant 2 : i32
      %add3A_71 = arith.addi %add3A_64, %add3A_70 : i32
      %lt3A_72 = arith.constant 32 : i32
      %lt3A_73 = arith.cmpi slt, %add3A_71, %lt3A_72 : i32
      %convert_element_type3A_74 = arith.extui %lt3A_73 : i1 to i32
      %cond3A_75 = arith.constant 0 : i32
      %cond3A_76 = arith.cmpi ne, %convert_element_type3A_74, %cond3A_75 : i32
      scf.if %cond3A_76 {
        %add3A_154 = arith.constant 2 : i32
        %add3A_155 = arith.addi %add3A_64, %add3A_154 : i32
        %dma_start3A_156 = arith.constant 0 : i32
        %dma_start3A_157 = tpu.memref_slice %arg2[%add3A_155, %mul3A_2, %dma_start3A_156] : memref<32x1024x768xf32, #tpu.memory_space<hbm>> -> memref<1x32x768xf32, #tpu.memory_space<hbm>>
        %dma_start3A_158 = tpu.memref_squeeze %dma_start3A_157 : memref<1x32x768xf32, #tpu.memory_space<hbm>> -> memref<32x768xf32, #tpu.memory_space<hbm>>
        %dma_start3A_159 = arith.constant 0 : i32
        %dma_start3A_160 = tpu.memref_slice %arg2[%add3A_155, %mul3A_2, %dma_start3A_159] : memref<32x1024x768xf32, #tpu.memory_space<hbm>> -> memref<1x32x768xf32, #tpu.memory_space<hbm>>
        %dma_start3A_161 = tpu.memref_squeeze %dma_start3A_160 : memref<1x32x768xf32, #tpu.memory_space<hbm>> -> memref<32x768xf32, #tpu.memory_space<hbm>>
        tpu.enqueue_dma source(%dma_start3A_161 : memref<32x768xf32, #tpu.memory_space<hbm>>) target(%arg9 : memref<32x768xf32, #tpu.memory_space<vmem>>) target_semaphore(%arg13 : memref<!tpu.dma_semaphore, #tpu.memory_space<semaphore_mem>>)
      } else {
      }
      %dma_wait3A_77 = arith.constant 0 : i32
      %dma_wait3A_78 = tpu.memref_slice %arg2[%add3A_64, %mul3A_2, %dma_wait3A_77] : memref<32x1024x768xf32, #tpu.memory_space<hbm>> -> memref<1x32x768xf32, #tpu.memory_space<hbm>>
      %dma_wait3A_79 = tpu.memref_squeeze %dma_wait3A_78 : memref<1x32x768xf32, #tpu.memory_space<hbm>> -> memref<32x768xf32, #tpu.memory_space<hbm>>
      %dma_wait3A_80 = arith.constant 0 : i32
      %dma_wait3A_81 = tpu.memref_slice %arg2[%add3A_64, %mul3A_2, %dma_wait3A_80] : memref<32x1024x768xf32, #tpu.memory_space<hbm>> -> memref<1x32x768xf32, #tpu.memory_space<hbm>>
      %dma_wait3A_82 = tpu.memref_squeeze %dma_wait3A_81 : memref<1x32x768xf32, #tpu.memory_space<hbm>> -> memref<32x768xf32, #tpu.memory_space<hbm>>
      tpu.wait_dma2 semaphore(%arg11 : memref<!tpu.dma_semaphore, #tpu.memory_space<semaphore_mem>>) src(%dma_wait3A_82 : memref<32x768xf32, #tpu.memory_space<hbm>>) dst(%arg7 : memref<32x768xf32, #tpu.memory_space<vmem>>)
      %parallel_loop3A_83 = arith.constant 0 : i32
      %parallel_loop3A_84 = arith.constant 32 : i32
      %parallel_loop3A_85 = arith.constant 1 : i32
      scf.for %parallel_loop3A_154 = %parallel_loop3A_83 to %parallel_loop3A_84 step %parallel_loop3A_85  : i32 {
        %parallel_loop3A_155 = arith.index_cast %parallel_loop3A_154 : i32 to index
        %parallel_loop3A_156 = arith.constant 0 : index
        %parallel_loop3A_157 = tpu.vector_load %arg5[%parallel_loop3A_155, %parallel_loop3A_156] {strides = array<i32>} : memref<32x768xf32, #tpu.memory_space<vmem>>, vector<1x16xf32>,
        %parallel_loop3A_158 = vector.shape_cast %parallel_loop3A_157 : vector<1x16xf32> to vector<16xf32>
        %parallel_loop3A_159 = arith.index_cast %parallel_loop3A_154 : i32 to index
        %parallel_loop3A_160 = arith.constant 0 : index
        %parallel_loop3A_161 = tpu.vector_load %arg7[%parallel_loop3A_159, %parallel_loop3A_160] {strides = array<i32>} : memref<32x768xf32, #tpu.memory_space<vmem>>, vector<1x16xf32>,
        %parallel_loop3A_162 = vector.shape_cast %parallel_loop3A_161 : vector<1x16xf32> to vector<16xf32>
        %parallel_loop3A_163 = vector.shape_cast %parallel_loop3A_158 : vector<16xf32> to vector<1x16xf32>
        tpu.vector_store %arg7[%parallel_loop3A_159, %parallel_loop3A_160], %parallel_loop3A_163 {add = true, strides = array<i32>} : memref<32x768xf32, #tpu.memory_space<vmem>>, vector<1x16xf32>,
        %parallel_loop3A_164 = arith.index_cast %parallel_loop3A_154 : i32 to index
        %parallel_loop3A_165 = arith.constant 16 : index
        %parallel_loop3A_166 = tpu.vector_load %arg5[%parallel_loop3A_164, %parallel_loop3A_165] {strides = array<i32>} : memref<32x768xf32, #tpu.memory_space<vmem>>, vector<1x16xf32>,
        %parallel_loop3A_167 = vector.shape_cast %parallel_loop3A_166 : vector<1x16xf32> to vector<16xf32>
        %parallel_loop3A_168 = arith.index_cast %parallel_loop3A_154 : i32 to index
        %parallel_loop3A_169 = arith.constant 16 : index
        %parallel_loop3A_170 = tpu.vector_load %arg7[%parallel_loop3A_168, %parallel_loop3A_169] {strides = array<i32>} : memref<32x768xf32, #tpu.memory_space<vmem>>, vector<1x16xf32>,
        %parallel_loop3A_171 = vector.shape_cast %parallel_loop3A_170 : vector<1x16xf32> to vector<16xf32>
        %parallel_loop3A_172 = vector.shape_cast %parallel_loop3A_167 : vector<16xf32> to vector<1x16xf32>
        tpu.vector_store %arg7[%parallel_loop3A_168, %parallel_loop3A_169], %parallel_loop3A_172 {add = true, strides = array<i32>} : memref<32x768xf32, #tpu.memory_space<vmem>>, vector<1x16xf32>,
        %parallel_loop3A_173 = arith.index_cast %parallel_loop3A_154 : i32 to index
        %parallel_loop3A_174 = arith.constant 32 : index
        %parallel_loop3A_175 = tpu.vector_load %arg5[%parallel_loop3A_173, %parallel_loop3A_174] {strides = array<i32>} : memref<32x768xf32, #tpu.memory_space<vmem>>, vector<1x16xf32>,
        %parallel_loop3A_176 = vector.shape_cast %parallel_loop3A_175 : vector<1x16xf32> to vector<16xf32>
        %parallel_loop3A_177 = arith.index_cast %parallel_loop3A_154 : i32 to index
        %parallel_loop3A_178 = arith.constant 32 : index
        %parallel_loop3A_179 = tpu.vector_load %arg7[%parallel_loop3A_177, %parallel_loop3A_178] {strides = array<i32>} : memref<32x768xf32, #tpu.memory_space<vmem>>, vector<1x16xf32>,
        %parallel_loop3A_180 = vector.shape_cast %parallel_loop3A_179 : vector<1x16xf32> to vector<16xf32>
        %parallel_loop3A_181 = vector.shape_cast %parallel_loop3A_176 : vector<16xf32> to vector<1x16xf32>
        tpu.vector_store %arg7[%parallel_loop3A_177, %parallel_loop3A_178], %parallel_loop3A_181 {add = true, strides = array<i32>} : memref<32x768xf32, #tpu.memory_space<vmem>>, vector<1x16xf32>,
        %parallel_loop3A_182 = arith.index_cast %parallel_loop3A_154 : i32 to index
        %parallel_loop3A_183 = arith.constant 48 : index
        %parallel_loop3A_184 = tpu.vector_load %arg5[%parallel_loop3A_182, %parallel_loop3A_183] {strides = array<i32>} : memref<32x768xf32, #tpu.memory_space<vmem>>, vector<1x16xf32>,
        %parallel_loop3A_185 = vector.shape_cast %parallel_loop3A_184 : vector<1x16xf32> to vector<16xf32>
        %parallel_loop3A_186 = arith.index_cast %parallel_loop3A_154 : i32 to index
        %parallel_loop3A_187 = arith.constant 48 : index
        %parallel_loop3A_188 = tpu.vector_load %arg7[%parallel_loop3A_186, %parallel_loop3A_187] {strides = array<i32>} : memref<32x768xf32, #tpu.memory_space<vmem>>, vector<1x16xf32>,
        %parallel_loop3A_189 = vector.shape_cast %parallel_loop3A_188 : vector<1x16xf32> to vector<16xf32>
        %parallel_loop3A_190 = vector.shape_cast %parallel_loop3A_185 : vector<16xf32> to vector<1x16xf32>
        tpu.vector_store %arg7[%parallel_loop3A_186, %parallel_loop3A_187], %parallel_loop3A_190 {add = true, strides = array<i32>} : memref<32x768xf32, #tpu.memory_space<vmem>>, vector<1x16xf32>,
        %parallel_loop3A_191 = arith.index_cast %parallel_loop3A_154 : i32 to index
        %parallel_loop3A_192 = arith.constant 64 : index
        %parallel_loop3A_193 = tpu.vector_load %arg5[%parallel_loop3A_191, %parallel_loop3A_192] {strides = array<i32>} : memref<32x768xf32, #tpu.memory_space<vmem>>, vector<1x16xf32>,
        %parallel_loop3A_194 = vector.shape_cast %parallel_loop3A_193 : vector<1x16xf32> to vector<16xf32>
        %parallel_loop3A_195 = arith.index_cast %parallel_loop3A_154 : i32 to index
        %parallel_loop3A_196 = arith.constant 64 : index
        %parallel_loop3A_197 = tpu.vector_load %arg7[%parallel_loop3A_195, %parallel_loop3A_196] {strides = array<i32>} : memref<32x768xf32, #tpu.memory_space<vmem>>, vector<1x16xf32>,
        %parallel_loop3A_198 = vector.shape_cast %parallel_loop3A_197 : vector<1x16xf32> to vector<16xf32>
        %parallel_loop3A_199 = vector.shape_cast %parallel_loop3A_194 : vector<16xf32> to vector<1x16xf32>
        tpu.vector_store %arg7[%parallel_loop3A_195, %parallel_loop3A_196], %parallel_loop3A_199 {add = true, strides = array<i32>} : memref<32x768xf32, #tpu.memory_space<vmem>>, vector<1x16xf32>,
        %parallel_loop3A_200 = arith.index_cast %parallel_loop3A_154 : i32 to index
        %parallel_loop3A_201 = arith.constant 80 : index
        %parallel_loop3A_202 = tpu.vector_load %arg5[%parallel_loop3A_200, %parallel_loop3A_201] {strides = array<i32>} : memref<32x768xf32, #tpu.memory_space<vmem>>, vector<1x16xf32>,
        %parallel_loop3A_203 = vector.shape_cast %parallel_loop3A_202 : vector<1x16xf32> to vector<16xf32>
        %parallel_loop3A_204 = arith.index_cast %parallel_loop3A_154 : i32 to index
        %parallel_loop3A_205 = arith.constant 80 : index
        %parallel_loop3A_206 = tpu.vector_load %arg7[%parallel_loop3A_204, %parallel_loop3A_205] {strides = array<i32>} : memref<32x768xf32, #tpu.memory_space<vmem>>, vector<1x16xf32>,
        %parallel_loop3A_207 = vector.shape_cast %parallel_loop3A_206 : vector<1x16xf32> to vector<16xf32>
        %parallel_loop3A_208 = vector.shape_cast %parallel_loop3A_203 : vector<16xf32> to vector<1x16xf32>
        tpu.vector_store %arg7[%parallel_loop3A_204, %parallel_loop3A_205], %parallel_loop3A_208 {add = true, strides = array<i32>} : memref<32x768xf32, #tpu.memory_space<vmem>>, vector<1x16xf32>,
        %parallel_loop3A_209 = arith.index_cast %parallel_loop3A_154 : i32 to index
        %parallel_loop3A_210 = arith.constant 96 : index
        %parallel_loop3A_211 = tpu.vector_load %arg5[%parallel_loop3A_209, %parallel_loop3A_210] {strides = array<i32>} : memref<32x768xf32, #tpu.memory_space<vmem>>, vector<1x16xf32>,
        %parallel_loop3A_212 = vector.shape_cast %parallel_loop3A_211 : vector<1x16xf32> to vector<16xf32>
        %parallel_loop3A_213 = arith.index_cast %parallel_loop3A_154 : i32 to index
        %parallel_loop3A_214 = arith.constant 96 : index
        %parallel_loop3A_215 = tpu.vector_load %arg7[%parallel_loop3A_213, %parallel_loop3A_214] {strides = array<i32>} : memref<32x768xf32, #tpu.memory_space<vmem>>, vector<1x16xf32>,
        %parallel_loop3A_216 = vector.shape_cast %parallel_loop3A_215 : vector<1x16xf32> to vector<16xf32>
        %parallel_loop3A_217 = vector.shape_cast %parallel_loop3A_212 : vector<16xf32> to vector<1x16xf32>
        tpu.vector_store %arg7[%parallel_loop3A_213, %parallel_loop3A_214], %parallel_loop3A_217 {add = true, strides = array<i32>} : memref<32x768xf32, #tpu.memory_space<vmem>>, vector<1x16xf32>,
        %parallel_loop3A_218 = arith.index_cast %parallel_loop3A_154 : i32 to index
        %parallel_loop3A_219 = arith.constant 112 : index
        %parallel_loop3A_220 = tpu.vector_load %arg5[%parallel_loop3A_218, %parallel_loop3A_219] {strides = array<i32>} : memref<32x768xf32, #tpu.memory_space<vmem>>, vector<1x16xf32>,
        %parallel_loop3A_221 = vector.shape_cast %parallel_loop3A_220 : vector<1x16xf32> to vector<16xf32>
        %parallel_loop3A_222 = arith.index_cast %parallel_loop3A_154 : i32 to index
        %parallel_loop3A_223 = arith.constant 112 : index
        %parallel_loop3A_224 = tpu.vector_load %arg7[%parallel_loop3A_222, %parallel_loop3A_223] {strides = array<i32>} : memref<32x768xf32, #tpu.memory_space<vmem>>, vector<1x16xf32>,
        %parallel_loop3A_225 = vector.shape_cast %parallel_loop3A_224 : vector<1x16xf32> to vector<16xf32>
        %parallel_loop3A_226 = vector.shape_cast %parallel_loop3A_221 : vector<16xf32> to vector<1x16xf32>
        tpu.vector_store %arg7[%parallel_loop3A_222, %parallel_loop3A_223], %parallel_loop3A_226 {add = true, strides = array<i32>} : memref<32x768xf32, #tpu.memory_space<vmem>>, vector<1x16xf32>,
        %parallel_loop3A_227 = arith.index_cast %parallel_loop3A_154 : i32 to index
        %parallel_loop3A_228 = arith.constant 128 : index
        %parallel_loop3A_229 = tpu.vector_load %arg5[%parallel_loop3A_227, %parallel_loop3A_228] {strides = array<i32>} : memref<32x768xf32, #tpu.memory_space<vmem>>, vector<1x16xf32>,
        %parallel_loop3A_230 = vector.shape_cast %parallel_loop3A_229 : vector<1x16xf32> to vector<16xf32>
        %parallel_loop3A_231 = arith.index_cast %parallel_loop3A_154 : i32 to index
        %parallel_loop3A_232 = arith.constant 128 : index
        %parallel_loop3A_233 = tpu.vector_load %arg7[%parallel_loop3A_231, %parallel_loop3A_232] {strides = array<i32>} : memref<32x768xf32, #tpu.memory_space<vmem>>, vector<1x16xf32>,
        %parallel_loop3A_234 = vector.shape_cast %parallel_loop3A_233 : vector<1x16xf32> to vector<16xf32>
        %parallel_loop3A_235 = vector.shape_cast %parallel_loop3A_230 : vector<16xf32> to vector<1x16xf32>
        tpu.vector_store %arg7[%parallel_loop3A_231, %parallel_loop3A_232], %parallel_loop3A_235 {add = true, strides = array<i32>} : memref<32x768xf32, #tpu.memory_space<vmem>>, vector<1x16xf32>,
        %parallel_loop3A_236 = arith.index_cast %parallel_loop3A_154 : i32 to index
        %parallel_loop3A_237 = arith.constant 144 : index
        %parallel_loop3A_238 = tpu.vector_load %arg5[%parallel_loop3A_236, %parallel_loop3A_237] {strides = array<i32>} : memref<32x768xf32, #tpu.memory_space<vmem>>, vector<1x16xf32>,
        %parallel_loop3A_239 = vector.shape_cast %parallel_loop3A_238 : vector<1x16xf32> to vector<16xf32>
        %parallel_loop3A_240 = arith.index_cast %parallel_loop3A_154 : i32 to index
        %parallel_loop3A_241 = arith.constant 144 : index
        %parallel_loop3A_242 = tpu.vector_load %arg7[%parallel_loop3A_240, %parallel_loop3A_241] {strides = array<i32>} : memref<32x768xf32, #tpu.memory_space<vmem>>, vector<1x16xf32>,
        %parallel_loop3A_243 = vector.shape_cast %parallel_loop3A_242 : vector<1x16xf32> to vector<16xf32>
        %parallel_loop3A_244 = vector.shape_cast %parallel_loop3A_239 : vector<16xf32> to vector<1x16xf32>
        tpu.vector_store %arg7[%parallel_loop3A_240, %parallel_loop3A_241], %parallel_loop3A_244 {add = true, strides = array<i32>} : memref<32x768xf32, #tpu.memory_space<vmem>>, vector<1x16xf32>,
        %parallel_loop3A_245 = arith.index_cast %parallel_loop3A_154 : i32 to index
        %parallel_loop3A_246 = arith.constant 160 : index
        %parallel_loop3A_247 = tpu.vector_load %arg5[%parallel_loop3A_245, %parallel_loop3A_246] {strides = array<i32>} : memref<32x768xf32, #tpu.memory_space<vmem>>, vector<1x16xf32>,
        %parallel_loop3A_248 = vector.shape_cast %parallel_loop3A_247 : vector<1x16xf32> to vector<16xf32>
        %parallel_loop3A_249 = arith.index_cast %parallel_loop3A_154 : i32 to index
        %parallel_loop3A_250 = arith.constant 160 : index
        %parallel_loop3A_251 = tpu.vector_load %arg7[%parallel_loop3A_249, %parallel_loop3A_250] {strides = array<i32>} : memref<32x768xf32, #tpu.memory_space<vmem>>, vector<1x16xf32>,
        %parallel_loop3A_252 = vector.shape_cast %parallel_loop3A_251 : vector<1x16xf32> to vector<16xf32>
        %parallel_loop3A_253 = vector.shape_cast %parallel_loop3A_248 : vector<16xf32> to vector<1x16xf32>
        tpu.vector_store %arg7[%parallel_loop3A_249, %parallel_loop3A_250], %parallel_loop3A_253 {add = true, strides = array<i32>} : memref<32x768xf32, #tpu.memory_space<vmem>>, vector<1x16xf32>,
        %parallel_loop3A_254 = arith.index_cast %parallel_loop3A_154 : i32 to index
        %parallel_loop3A_255 = arith.constant 176 : index
        %parallel_loop3A_256 = tpu.vector_load %arg5[%parallel_loop3A_254, %parallel_loop3A_255] {strides = array<i32>} : memref<32x768xf32, #tpu.memory_space<vmem>>, vector<1x16xf32>,
        %parallel_loop3A_257 = vector.shape_cast %parallel_loop3A_256 : vector<1x16xf32> to vector<16xf32>
        %parallel_loop3A_258 = arith.index_cast %parallel_loop3A_154 : i32 to index
        %parallel_loop3A_259 = arith.constant 176 : index
        %parallel_loop3A_260 = tpu.vector_load %arg7[%parallel_loop3A_258, %parallel_loop3A_259] {strides = array<i32>} : memref<32x768xf32, #tpu.memory_space<vmem>>, vector<1x16xf32>,
        %parallel_loop3A_261 = vector.shape_cast %parallel_loop3A_260 : vector<1x16xf32> to vector<16xf32>
        %parallel_loop3A_262 = vector.shape_cast %parallel_loop3A_257 : vector<16xf32> to vector<1x16xf32>
        tpu.vector_store %arg7[%parallel_loop3A_258, %parallel_loop3A_259], %parallel_loop3A_262 {add = true, strides = array<i32>} : memref<32x768xf32, #tpu.memory_space<vmem>>, vector<1x16xf32>,
        %parallel_loop3A_263 = arith.index_cast %parallel_loop3A_154 : i32 to index
        %parallel_loop3A_264 = arith.constant 192 : index
        %parallel_loop3A_265 = tpu.vector_load %arg5[%parallel_loop3A_263, %parallel_loop3A_264] {strides = array<i32>} : memref<32x768xf32, #tpu.memory_space<vmem>>, vector<1x16xf32>,
        %parallel_loop3A_266 = vector.shape_cast %parallel_loop3A_265 : vector<1x16xf32> to vector<16xf32>
        %parallel_loop3A_267 = arith.index_cast %parallel_loop3A_154 : i32 to index
        %parallel_loop3A_268 = arith.constant 192 : index
        %parallel_loop3A_269 = tpu.vector_load %arg7[%parallel_loop3A_267, %parallel_loop3A_268] {strides = array<i32>} : memref<32x768xf32, #tpu.memory_space<vmem>>, vector<1x16xf32>,
        %parallel_loop3A_270 = vector.shape_cast %parallel_loop3A_269 : vector<1x16xf32> to vector<16xf32>
        %parallel_loop3A_271 = vector.shape_cast %parallel_loop3A_266 : vector<16xf32> to vector<1x16xf32>
        tpu.vector_store %arg7[%parallel_loop3A_267, %parallel_loop3A_268], %parallel_loop3A_271 {add = true, strides = array<i32>} : memref<32x768xf32, #tpu.memory_space<vmem>>, vector<1x16xf32>,
        %parallel_loop3A_272 = arith.index_cast %parallel_loop3A_154 : i32 to index
        %parallel_loop3A_273 = arith.constant 208 : index
        %parallel_loop3A_274 = tpu.vector_load %arg5[%parallel_loop3A_272, %parallel_loop3A_273] {strides = array<i32>} : memref<32x768xf32, #tpu.memory_space<vmem>>, vector<1x16xf32>,
        %parallel_loop3A_275 = vector.shape_cast %parallel_loop3A_274 : vector<1x16xf32> to vector<16xf32>
        %parallel_loop3A_276 = arith.index_cast %parallel_loop3A_154 : i32 to index
        %parallel_loop3A_277 = arith.constant 208 : index
        %parallel_loop3A_278 = tpu.vector_load %arg7[%parallel_loop3A_276, %parallel_loop3A_277] {strides = array<i32>} : memref<32x768xf32, #tpu.memory_space<vmem>>, vector<1x16xf32>,
        %parallel_loop3A_279 = vector.shape_cast %parallel_loop3A_278 : vector<1x16xf32> to vector<16xf32>
        %parallel_loop3A_280 = vector.shape_cast %parallel_loop3A_275 : vector<16xf32> to vector<1x16xf32>
        tpu.vector_store %arg7[%parallel_loop3A_276, %parallel_loop3A_277], %parallel_loop3A_280 {add = true, strides = array<i32>} : memref<32x768xf32, #tpu.memory_space<vmem>>, vector<1x16xf32>,
        %parallel_loop3A_281 = arith.index_cast %parallel_loop3A_154 : i32 to index
        %parallel_loop3A_282 = arith.constant 224 : index
        %parallel_loop3A_283 = tpu.vector_load %arg5[%parallel_loop3A_281, %parallel_loop3A_282] {strides = array<i32>} : memref<32x768xf32, #tpu.memory_space<vmem>>, vector<1x16xf32>,
        %parallel_loop3A_284 = vector.shape_cast %parallel_loop3A_283 : vector<1x16xf32> to vector<16xf32>
        %parallel_loop3A_285 = arith.index_cast %parallel_loop3A_154 : i32 to index
        %parallel_loop3A_286 = arith.constant 224 : index
        %parallel_loop3A_287 = tpu.vector_load %arg7[%parallel_loop3A_285, %parallel_loop3A_286] {strides = array<i32>} : memref<32x768xf32, #tpu.memory_space<vmem>>, vector<1x16xf32>,
        %parallel_loop3A_288 = vector.shape_cast %parallel_loop3A_287 : vector<1x16xf32> to vector<16xf32>
        %parallel_loop3A_289 = vector.shape_cast %parallel_loop3A_284 : vector<16xf32> to vector<1x16xf32>
        tpu.vector_store %arg7[%parallel_loop3A_285, %parallel_loop3A_286], %parallel_loop3A_289 {add = true, strides = array<i32>} : memref<32x768xf32, #tpu.memory_space<vmem>>, vector<1x16xf32>,
        %parallel_loop3A_290 = arith.index_cast %parallel_loop3A_154 : i32 to index
        %parallel_loop3A_291 = arith.constant 240 : index
        %parallel_loop3A_292 = tpu.vector_load %arg5[%parallel_loop3A_290, %parallel_loop3A_291] {strides = array<i32>} : memref<32x768xf32, #tpu.memory_space<vmem>>, vector<1x16xf32>,
        %parallel_loop3A_293 = vector.shape_cast %parallel_loop3A_292 : vector<1x16xf32> to vector<16xf32>
        %parallel_loop3A_294 = arith.index_cast %parallel_loop3A_154 : i32 to index
        %parallel_loop3A_295 = arith.constant 240 : index
        %parallel_loop3A_296 = tpu.vector_load %arg7[%parallel_loop3A_294, %parallel_loop3A_295] {strides = array<i32>} : memref<32x768xf32, #tpu.memory_space<vmem>>, vector<1x16xf32>,
        %parallel_loop3A_297 = vector.shape_cast %parallel_loop3A_296 : vector<1x16xf32> to vector<16xf32>
        %parallel_loop3A_298 = vector.shape_cast %parallel_loop3A_293 : vector<16xf32> to vector<1x16xf32>
        tpu.vector_store %arg7[%parallel_loop3A_294, %parallel_loop3A_295], %parallel_loop3A_298 {add = true, strides = array<i32>} : memref<32x768xf32, #tpu.memory_space<vmem>>, vector<1x16xf32>,
        %parallel_loop3A_299 = arith.index_cast %parallel_loop3A_154 : i32 to index
        %parallel_loop3A_300 = arith.constant 256 : index
        %parallel_loop3A_301 = tpu.vector_load %arg5[%parallel_loop3A_299, %parallel_loop3A_300] {strides = array<i32>} : memref<32x768xf32, #tpu.memory_space<vmem>>, vector<1x16xf32>,
        %parallel_loop3A_302 = vector.shape_cast %parallel_loop3A_301 : vector<1x16xf32> to vector<16xf32>
        %parallel_loop3A_303 = arith.index_cast %parallel_loop3A_154 : i32 to index
        %parallel_loop3A_304 = arith.constant 256 : index
        %parallel_loop3A_305 = tpu.vector_load %arg7[%parallel_loop3A_303, %parallel_loop3A_304] {strides = array<i32>} : memref<32x768xf32, #tpu.memory_space<vmem>>, vector<1x16xf32>,
        %parallel_loop3A_306 = vector.shape_cast %parallel_loop3A_305 : vector<1x16xf32> to vector<16xf32>
        %parallel_loop3A_307 = vector.shape_cast %parallel_loop3A_302 : vector<16xf32> to vector<1x16xf32>
        tpu.vector_store %arg7[%parallel_loop3A_303, %parallel_loop3A_304], %parallel_loop3A_307 {add = true, strides = array<i32>} : memref<32x768xf32, #tpu.memory_space<vmem>>, vector<1x16xf32>,
        %parallel_loop3A_308 = arith.index_cast %parallel_loop3A_154 : i32 to index
        %parallel_loop3A_309 = arith.constant 272 : index
        %parallel_loop3A_310 = tpu.vector_load %arg5[%parallel_loop3A_308, %parallel_loop3A_309] {strides = array<i32>} : memref<32x768xf32, #tpu.memory_space<vmem>>, vector<1x16xf32>,
        %parallel_loop3A_311 = vector.shape_cast %parallel_loop3A_310 : vector<1x16xf32> to vector<16xf32>
        %parallel_loop3A_312 = arith.index_cast %parallel_loop3A_154 : i32 to index
        %parallel_loop3A_313 = arith.constant 272 : index
        %parallel_loop3A_314 = tpu.vector_load %arg7[%parallel_loop3A_312, %parallel_loop3A_313] {strides = array<i32>} : memref<32x768xf32, #tpu.memory_space<vmem>>, vector<1x16xf32>,
        %parallel_loop3A_315 = vector.shape_cast %parallel_loop3A_314 : vector<1x16xf32> to vector<16xf32>
        %parallel_loop3A_316 = vector.shape_cast %parallel_loop3A_311 : vector<16xf32> to vector<1x16xf32>
        tpu.vector_store %arg7[%parallel_loop3A_312, %parallel_loop3A_313], %parallel_loop3A_316 {add = true, strides = array<i32>} : memref<32x768xf32, #tpu.memory_space<vmem>>, vector<1x16xf32>,
        %parallel_loop3A_317 = arith.index_cast %parallel_loop3A_154 : i32 to index
        %parallel_loop3A_318 = arith.constant 288 : index
        %parallel_loop3A_319 = tpu.vector_load %arg5[%parallel_loop3A_317, %parallel_loop3A_318] {strides = array<i32>} : memref<32x768xf32, #tpu.memory_space<vmem>>, vector<1x16xf32>,
        %parallel_loop3A_320 = vector.shape_cast %parallel_loop3A_319 : vector<1x16xf32> to vector<16xf32>
        %parallel_loop3A_321 = arith.index_cast %parallel_loop3A_154 : i32 to index
        %parallel_loop3A_322 = arith.constant 288 : index
        %parallel_loop3A_323 = tpu.vector_load %arg7[%parallel_loop3A_321, %parallel_loop3A_322] {strides = array<i32>} : memref<32x768xf32, #tpu.memory_space<vmem>>, vector<1x16xf32>,
        %parallel_loop3A_324 = vector.shape_cast %parallel_loop3A_323 : vector<1x16xf32> to vector<16xf32>
        %parallel_loop3A_325 = vector.shape_cast %parallel_loop3A_320 : vector<16xf32> to vector<1x16xf32>
        tpu.vector_store %arg7[%parallel_loop3A_321, %parallel_loop3A_322], %parallel_loop3A_325 {add = true, strides = array<i32>} : memref<32x768xf32, #tpu.memory_space<vmem>>, vector<1x16xf32>,
        %parallel_loop3A_326 = arith.index_cast %parallel_loop3A_154 : i32 to index
        %parallel_loop3A_327 = arith.constant 304 : index
        %parallel_loop3A_328 = tpu.vector_load %arg5[%parallel_loop3A_326, %parallel_loop3A_327] {strides = array<i32>} : memref<32x768xf32, #tpu.memory_space<vmem>>, vector<1x16xf32>,
        %parallel_loop3A_329 = vector.shape_cast %parallel_loop3A_328 : vector<1x16xf32> to vector<16xf32>
        %parallel_loop3A_330 = arith.index_cast %parallel_loop3A_154 : i32 to index
        %parallel_loop3A_331 = arith.constant 304 : index
        %parallel_loop3A_332 = tpu.vector_load %arg7[%parallel_loop3A_330, %parallel_loop3A_331] {strides = array<i32>} : memref<32x768xf32, #tpu.memory_space<vmem>>, vector<1x16xf32>,
        %parallel_loop3A_333 = vector.shape_cast %parallel_loop3A_332 : vector<1x16xf32> to vector<16xf32>
        %parallel_loop3A_334 = vector.shape_cast %parallel_loop3A_329 : vector<16xf32> to vector<1x16xf32>
        tpu.vector_store %arg7[%parallel_loop3A_330, %parallel_loop3A_331], %parallel_loop3A_334 {add = true, strides = array<i32>} : memref<32x768xf32, #tpu.memory_space<vmem>>, vector<1x16xf32>,
        %parallel_loop3A_335 = arith.index_cast %parallel_loop3A_154 : i32 to index
        %parallel_loop3A_336 = arith.constant 320 : index
        %parallel_loop3A_337 = tpu.vector_load %arg5[%parallel_loop3A_335, %parallel_loop3A_336] {strides = array<i32>} : memref<32x768xf32, #tpu.memory_space<vmem>>, vector<1x16xf32>,
        %parallel_loop3A_338 = vector.shape_cast %parallel_loop3A_337 : vector<1x16xf32> to vector<16xf32>
        %parallel_loop3A_339 = arith.index_cast %parallel_loop3A_154 : i32 to index
        %parallel_loop3A_340 = arith.constant 320 : index
        %parallel_loop3A_341 = tpu.vector_load %arg7[%parallel_loop3A_339, %parallel_loop3A_340] {strides = array<i32>} : memref<32x768xf32, #tpu.memory_space<vmem>>, vector<1x16xf32>,
        %parallel_loop3A_342 = vector.shape_cast %parallel_loop3A_341 : vector<1x16xf32> to vector<16xf32>
        %parallel_loop3A_343 = vector.shape_cast %parallel_loop3A_338 : vector<16xf32> to vector<1x16xf32>
        tpu.vector_store %arg7[%parallel_loop3A_339, %parallel_loop3A_340], %parallel_loop3A_343 {add = true, strides = array<i32>} : memref<32x768xf32, #tpu.memory_space<vmem>>, vector<1x16xf32>,
        %parallel_loop3A_344 = arith.index_cast %parallel_loop3A_154 : i32 to index
        %parallel_loop3A_345 = arith.constant 336 : index
        %parallel_loop3A_346 = tpu.vector_load %arg5[%parallel_loop3A_344, %parallel_loop3A_345] {strides = array<i32>} : memref<32x768xf32, #tpu.memory_space<vmem>>, vector<1x16xf32>,
        %parallel_loop3A_347 = vector.shape_cast %parallel_loop3A_346 : vector<1x16xf32> to vector<16xf32>
        %parallel_loop3A_348 = arith.index_cast %parallel_loop3A_154 : i32 to index
        %parallel_loop3A_349 = arith.constant 336 : index
        %parallel_loop3A_350 = tpu.vector_load %arg7[%parallel_loop3A_348, %parallel_loop3A_349] {strides = array<i32>} : memref<32x768xf32, #tpu.memory_space<vmem>>, vector<1x16xf32>,
        %parallel_loop3A_351 = vector.shape_cast %parallel_loop3A_350 : vector<1x16xf32> to vector<16xf32>
        %parallel_loop3A_352 = vector.shape_cast %parallel_loop3A_347 : vector<16xf32> to vector<1x16xf32>
        tpu.vector_store %arg7[%parallel_loop3A_348, %parallel_loop3A_349], %parallel_loop3A_352 {add = true, strides = array<i32>} : memref<32x768xf32, #tpu.memory_space<vmem>>, vector<1x16xf32>,
        %parallel_loop3A_353 = arith.index_cast %parallel_loop3A_154 : i32 to index
        %parallel_loop3A_354 = arith.constant 352 : index
        %parallel_loop3A_355 = tpu.vector_load %arg5[%parallel_loop3A_353, %parallel_loop3A_354] {strides = array<i32>} : memref<32x768xf32, #tpu.memory_space<vmem>>, vector<1x16xf32>,
        %parallel_loop3A_356 = vector.shape_cast %parallel_loop3A_355 : vector<1x16xf32> to vector<16xf32>
        %parallel_loop3A_357 = arith.index_cast %parallel_loop3A_154 : i32 to index
        %parallel_loop3A_358 = arith.constant 352 : index
        %parallel_loop3A_359 = tpu.vector_load %arg7[%parallel_loop3A_357, %parallel_loop3A_358] {strides = array<i32>} : memref<32x768xf32, #tpu.memory_space<vmem>>, vector<1x16xf32>,
        %parallel_loop3A_360 = vector.shape_cast %parallel_loop3A_359 : vector<1x16xf32> to vector<16xf32>
        %parallel_loop3A_361 = vector.shape_cast %parallel_loop3A_356 : vector<16xf32> to vector<1x16xf32>
        tpu.vector_store %arg7[%parallel_loop3A_357, %parallel_loop3A_358], %parallel_loop3A_361 {add = true, strides = array<i32>} : memref<32x768xf32, #tpu.memory_space<vmem>>, vector<1x16xf32>,
        %parallel_loop3A_362 = arith.index_cast %parallel_loop3A_154 : i32 to index
        %parallel_loop3A_363 = arith.constant 368 : index
        %parallel_loop3A_364 = tpu.vector_load %arg5[%parallel_loop3A_362, %parallel_loop3A_363] {strides = array<i32>} : memref<32x768xf32, #tpu.memory_space<vmem>>, vector<1x16xf32>,
        %parallel_loop3A_365 = vector.shape_cast %parallel_loop3A_364 : vector<1x16xf32> to vector<16xf32>
        %parallel_loop3A_366 = arith.index_cast %parallel_loop3A_154 : i32 to index
        %parallel_loop3A_367 = arith.constant 368 : index
        %parallel_loop3A_368 = tpu.vector_load %arg7[%parallel_loop3A_366, %parallel_loop3A_367] {strides = array<i32>} : memref<32x768xf32, #tpu.memory_space<vmem>>, vector<1x16xf32>,
        %parallel_loop3A_369 = vector.shape_cast %parallel_loop3A_368 : vector<1x16xf32> to vector<16xf32>
        %parallel_loop3A_370 = vector.shape_cast %parallel_loop3A_365 : vector<16xf32> to vector<1x16xf32>
        tpu.vector_store %arg7[%parallel_loop3A_366, %parallel_loop3A_367], %parallel_loop3A_370 {add = true, strides = array<i32>} : memref<32x768xf32, #tpu.memory_space<vmem>>, vector<1x16xf32>,
        %parallel_loop3A_371 = arith.index_cast %parallel_loop3A_154 : i32 to index
        %parallel_loop3A_372 = arith.constant 384 : index
        %parallel_loop3A_373 = tpu.vector_load %arg5[%parallel_loop3A_371, %parallel_loop3A_372] {strides = array<i32>} : memref<32x768xf32, #tpu.memory_space<vmem>>, vector<1x16xf32>,
        %parallel_loop3A_374 = vector.shape_cast %parallel_loop3A_373 : vector<1x16xf32> to vector<16xf32>
        %parallel_loop3A_375 = arith.index_cast %parallel_loop3A_154 : i32 to index
        %parallel_loop3A_376 = arith.constant 384 : index
        %parallel_loop3A_377 = tpu.vector_load %arg7[%parallel_loop3A_375, %parallel_loop3A_376] {strides = array<i32>} : memref<32x768xf32, #tpu.memory_space<vmem>>, vector<1x16xf32>,
        %parallel_loop3A_378 = vector.shape_cast %parallel_loop3A_377 : vector<1x16xf32> to vector<16xf32>
        %parallel_loop3A_379 = vector.shape_cast %parallel_loop3A_374 : vector<16xf32> to vector<1x16xf32>
        tpu.vector_store %arg7[%parallel_loop3A_375, %parallel_loop3A_376], %parallel_loop3A_379 {add = true, strides = array<i32>} : memref<32x768xf32, #tpu.memory_space<vmem>>, vector<1x16xf32>,
        %parallel_loop3A_380 = arith.index_cast %parallel_loop3A_154 : i32 to index
        %parallel_loop3A_381 = arith.constant 400 : index
        %parallel_loop3A_382 = tpu.vector_load %arg5[%parallel_loop3A_380, %parallel_loop3A_381] {strides = array<i32>} : memref<32x768xf32, #tpu.memory_space<vmem>>, vector<1x16xf32>,
        %parallel_loop3A_383 = vector.shape_cast %parallel_loop3A_382 : vector<1x16xf32> to vector<16xf32>
        %parallel_loop3A_384 = arith.index_cast %parallel_loop3A_154 : i32 to index
        %parallel_loop3A_385 = arith.constant 400 : index
        %parallel_loop3A_386 = tpu.vector_load %arg7[%parallel_loop3A_384, %parallel_loop3A_385] {strides = array<i32>} : memref<32x768xf32, #tpu.memory_space<vmem>>, vector<1x16xf32>,
        %parallel_loop3A_387 = vector.shape_cast %parallel_loop3A_386 : vector<1x16xf32> to vector<16xf32>
        %parallel_loop3A_388 = vector.shape_cast %parallel_loop3A_383 : vector<16xf32> to vector<1x16xf32>
        tpu.vector_store %arg7[%parallel_loop3A_384, %parallel_loop3A_385], %parallel_loop3A_388 {add = true, strides = array<i32>} : memref<32x768xf32, #tpu.memory_space<vmem>>, vector<1x16xf32>,
        %parallel_loop3A_389 = arith.index_cast %parallel_loop3A_154 : i32 to index
        %parallel_loop3A_390 = arith.constant 416 : index
        %parallel_loop3A_391 = tpu.vector_load %arg5[%parallel_loop3A_389, %parallel_loop3A_390] {strides = array<i32>} : memref<32x768xf32, #tpu.memory_space<vmem>>, vector<1x16xf32>,
        %parallel_loop3A_392 = vector.shape_cast %parallel_loop3A_391 : vector<1x16xf32> to vector<16xf32>
        %parallel_loop3A_393 = arith.index_cast %parallel_loop3A_154 : i32 to index
        %parallel_loop3A_394 = arith.constant 416 : index
        %parallel_loop3A_395 = tpu.vector_load %arg7[%parallel_loop3A_393, %parallel_loop3A_394] {strides = array<i32>} : memref<32x768xf32, #tpu.memory_space<vmem>>, vector<1x16xf32>,
        %parallel_loop3A_396 = vector.shape_cast %parallel_loop3A_395 : vector<1x16xf32> to vector<16xf32>
        %parallel_loop3A_397 = vector.shape_cast %parallel_loop3A_392 : vector<16xf32> to vector<1x16xf32>
        tpu.vector_store %arg7[%parallel_loop3A_393, %parallel_loop3A_394], %parallel_loop3A_397 {add = true, strides = array<i32>} : memref<32x768xf32, #tpu.memory_space<vmem>>, vector<1x16xf32>,
        %parallel_loop3A_398 = arith.index_cast %parallel_loop3A_154 : i32 to index
        %parallel_loop3A_399 = arith.constant 432 : index
        %parallel_loop3A_400 = tpu.vector_load %arg5[%parallel_loop3A_398, %parallel_loop3A_399] {strides = array<i32>} : memref<32x768xf32, #tpu.memory_space<vmem>>, vector<1x16xf32>,
        %parallel_loop3A_401 = vector.shape_cast %parallel_loop3A_400 : vector<1x16xf32> to vector<16xf32>
        %parallel_loop3A_402 = arith.index_cast %parallel_loop3A_154 : i32 to index
        %parallel_loop3A_403 = arith.constant 432 : index
        %parallel_loop3A_404 = tpu.vector_load %arg7[%parallel_loop3A_402, %parallel_loop3A_403] {strides = array<i32>} : memref<32x768xf32, #tpu.memory_space<vmem>>, vector<1x16xf32>,
        %parallel_loop3A_405 = vector.shape_cast %parallel_loop3A_404 : vector<1x16xf32> to vector<16xf32>
        %parallel_loop3A_406 = vector.shape_cast %parallel_loop3A_401 : vector<16xf32> to vector<1x16xf32>
        tpu.vector_store %arg7[%parallel_loop3A_402, %parallel_loop3A_403], %parallel_loop3A_406 {add = true, strides = array<i32>} : memref<32x768xf32, #tpu.memory_space<vmem>>, vector<1x16xf32>,
        %parallel_loop3A_407 = arith.index_cast %parallel_loop3A_154 : i32 to index
        %parallel_loop3A_408 = arith.constant 448 : index
        %parallel_loop3A_409 = tpu.vector_load %arg5[%parallel_loop3A_407, %parallel_loop3A_408] {strides = array<i32>} : memref<32x768xf32, #tpu.memory_space<vmem>>, vector<1x16xf32>,
        %parallel_loop3A_410 = vector.shape_cast %parallel_loop3A_409 : vector<1x16xf32> to vector<16xf32>
        %parallel_loop3A_411 = arith.index_cast %parallel_loop3A_154 : i32 to index
        %parallel_loop3A_412 = arith.constant 448 : index
        %parallel_loop3A_413 = tpu.vector_load %arg7[%parallel_loop3A_411, %parallel_loop3A_412] {strides = array<i32>} : memref<32x768xf32, #tpu.memory_space<vmem>>, vector<1x16xf32>,
        %parallel_loop3A_414 = vector.shape_cast %parallel_loop3A_413 : vector<1x16xf32> to vector<16xf32>
        %parallel_loop3A_415 = vector.shape_cast %parallel_loop3A_410 : vector<16xf32> to vector<1x16xf32>
        tpu.vector_store %arg7[%parallel_loop3A_411, %parallel_loop3A_412], %parallel_loop3A_415 {add = true, strides = array<i32>} : memref<32x768xf32, #tpu.memory_space<vmem>>, vector<1x16xf32>,
        %parallel_loop3A_416 = arith.index_cast %parallel_loop3A_154 : i32 to index
        %parallel_loop3A_417 = arith.constant 464 : index
        %parallel_loop3A_418 = tpu.vector_load %arg5[%parallel_loop3A_416, %parallel_loop3A_417] {strides = array<i32>} : memref<32x768xf32, #tpu.memory_space<vmem>>, vector<1x16xf32>,
        %parallel_loop3A_419 = vector.shape_cast %parallel_loop3A_418 : vector<1x16xf32> to vector<16xf32>
        %parallel_loop3A_420 = arith.index_cast %parallel_loop3A_154 : i32 to index
        %parallel_loop3A_421 = arith.constant 464 : index
        %parallel_loop3A_422 = tpu.vector_load %arg7[%parallel_loop3A_420, %parallel_loop3A_421] {strides = array<i32>} : memref<32x768xf32, #tpu.memory_space<vmem>>, vector<1x16xf32>,
        %parallel_loop3A_423 = vector.shape_cast %parallel_loop3A_422 : vector<1x16xf32> to vector<16xf32>
        %parallel_loop3A_424 = vector.shape_cast %parallel_loop3A_419 : vector<16xf32> to vector<1x16xf32>
        tpu.vector_store %arg7[%parallel_loop3A_420, %parallel_loop3A_421], %parallel_loop3A_424 {add = true, strides = array<i32>} : memref<32x768xf32, #tpu.memory_space<vmem>>, vector<1x16xf32>,
        %parallel_loop3A_425 = arith.index_cast %parallel_loop3A_154 : i32 to index
        %parallel_loop3A_426 = arith.constant 480 : index
        %parallel_loop3A_427 = tpu.vector_load %arg5[%parallel_loop3A_425, %parallel_loop3A_426] {strides = array<i32>} : memref<32x768xf32, #tpu.memory_space<vmem>>, vector<1x16xf32>,
        %parallel_loop3A_428 = vector.shape_cast %parallel_loop3A_427 : vector<1x16xf32> to vector<16xf32>
        %parallel_loop3A_429 = arith.index_cast %parallel_loop3A_154 : i32 to index
        %parallel_loop3A_430 = arith.constant 480 : index
        %parallel_loop3A_431 = tpu.vector_load %arg7[%parallel_loop3A_429, %parallel_loop3A_430] {strides = array<i32>} : memref<32x768xf32, #tpu.memory_space<vmem>>, vector<1x16xf32>,
        %parallel_loop3A_432 = vector.shape_cast %parallel_loop3A_431 : vector<1x16xf32> to vector<16xf32>
        %parallel_loop3A_433 = vector.shape_cast %parallel_loop3A_428 : vector<16xf32> to vector<1x16xf32>
        tpu.vector_store %arg7[%parallel_loop3A_429, %parallel_loop3A_430], %parallel_loop3A_433 {add = true, strides = array<i32>} : memref<32x768xf32, #tpu.memory_space<vmem>>, vector<1x16xf32>,
        %parallel_loop3A_434 = arith.index_cast %parallel_loop3A_154 : i32 to index
        %parallel_loop3A_435 = arith.constant 496 : index
        %parallel_loop3A_436 = tpu.vector_load %arg5[%parallel_loop3A_434, %parallel_loop3A_435] {strides = array<i32>} : memref<32x768xf32, #tpu.memory_space<vmem>>, vector<1x16xf32>,
        %parallel_loop3A_437 = vector.shape_cast %parallel_loop3A_436 : vector<1x16xf32> to vector<16xf32>
        %parallel_loop3A_438 = arith.index_cast %parallel_loop3A_154 : i32 to index
        %parallel_loop3A_439 = arith.constant 496 : index
        %parallel_loop3A_440 = tpu.vector_load %arg7[%parallel_loop3A_438, %parallel_loop3A_439] {strides = array<i32>} : memref<32x768xf32, #tpu.memory_space<vmem>>, vector<1x16xf32>,
        %parallel_loop3A_441 = vector.shape_cast %parallel_loop3A_440 : vector<1x16xf32> to vector<16xf32>
        %parallel_loop3A_442 = vector.shape_cast %parallel_loop3A_437 : vector<16xf32> to vector<1x16xf32>
        tpu.vector_store %arg7[%parallel_loop3A_438, %parallel_loop3A_439], %parallel_loop3A_442 {add = true, strides = array<i32>} : memref<32x768xf32, #tpu.memory_space<vmem>>, vector<1x16xf32>,
        %parallel_loop3A_443 = arith.index_cast %parallel_loop3A_154 : i32 to index
        %parallel_loop3A_444 = arith.constant 512 : index
        %parallel_loop3A_445 = tpu.vector_load %arg5[%parallel_loop3A_443, %parallel_loop3A_444] {strides = array<i32>} : memref<32x768xf32, #tpu.memory_space<vmem>>, vector<1x16xf32>,
        %parallel_loop3A_446 = vector.shape_cast %parallel_loop3A_445 : vector<1x16xf32> to vector<16xf32>
        %parallel_loop3A_447 = arith.index_cast %parallel_loop3A_154 : i32 to index
        %parallel_loop3A_448 = arith.constant 512 : index
        %parallel_loop3A_449 = tpu.vector_load %arg7[%parallel_loop3A_447, %parallel_loop3A_448] {strides = array<i32>} : memref<32x768xf32, #tpu.memory_space<vmem>>, vector<1x16xf32>,
        %parallel_loop3A_450 = vector.shape_cast %parallel_loop3A_449 : vector<1x16xf32> to vector<16xf32>
        %parallel_loop3A_451 = vector.shape_cast %parallel_loop3A_446 : vector<16xf32> to vector<1x16xf32>
        tpu.vector_store %arg7[%parallel_loop3A_447, %parallel_loop3A_448], %parallel_loop3A_451 {add = true, strides = array<i32>} : memref<32x768xf32, #tpu.memory_space<vmem>>, vector<1x16xf32>,
        %parallel_loop3A_452 = arith.index_cast %parallel_loop3A_154 : i32 to index
        %parallel_loop3A_453 = arith.constant 528 : index
        %parallel_loop3A_454 = tpu.vector_load %arg5[%parallel_loop3A_452, %parallel_loop3A_453] {strides = array<i32>} : memref<32x768xf32, #tpu.memory_space<vmem>>, vector<1x16xf32>,
        %parallel_loop3A_455 = vector.shape_cast %parallel_loop3A_454 : vector<1x16xf32> to vector<16xf32>
        %parallel_loop3A_456 = arith.index_cast %parallel_loop3A_154 : i32 to index
        %parallel_loop3A_457 = arith.constant 528 : index
        %parallel_loop3A_458 = tpu.vector_load %arg7[%parallel_loop3A_456, %parallel_loop3A_457] {strides = array<i32>} : memref<32x768xf32, #tpu.memory_space<vmem>>, vector<1x16xf32>,
        %parallel_loop3A_459 = vector.shape_cast %parallel_loop3A_458 : vector<1x16xf32> to vector<16xf32>
        %parallel_loop3A_460 = vector.shape_cast %parallel_loop3A_455 : vector<16xf32> to vector<1x16xf32>
        tpu.vector_store %arg7[%parallel_loop3A_456, %parallel_loop3A_457], %parallel_loop3A_460 {add = true, strides = array<i32>} : memref<32x768xf32, #tpu.memory_space<vmem>>, vector<1x16xf32>,
        %parallel_loop3A_461 = arith.index_cast %parallel_loop3A_154 : i32 to index
        %parallel_loop3A_462 = arith.constant 544 : index
        %parallel_loop3A_463 = tpu.vector_load %arg5[%parallel_loop3A_461, %parallel_loop3A_462] {strides = array<i32>} : memref<32x768xf32, #tpu.memory_space<vmem>>, vector<1x16xf32>,
        %parallel_loop3A_464 = vector.shape_cast %parallel_loop3A_463 : vector<1x16xf32> to vector<16xf32>
        %parallel_loop3A_465 = arith.index_cast %parallel_loop3A_154 : i32 to index
        %parallel_loop3A_466 = arith.constant 544 : index
        %parallel_loop3A_467 = tpu.vector_load %arg7[%parallel_loop3A_465, %parallel_loop3A_466] {strides = array<i32>} : memref<32x768xf32, #tpu.memory_space<vmem>>, vector<1x16xf32>,
        %parallel_loop3A_468 = vector.shape_cast %parallel_loop3A_467 : vector<1x16xf32> to vector<16xf32>
        %parallel_loop3A_469 = vector.shape_cast %parallel_loop3A_464 : vector<16xf32> to vector<1x16xf32>
        tpu.vector_store %arg7[%parallel_loop3A_465, %parallel_loop3A_466], %parallel_loop3A_469 {add = true, strides = array<i32>} : memref<32x768xf32, #tpu.memory_space<vmem>>, vector<1x16xf32>,
        %parallel_loop3A_470 = arith.index_cast %parallel_loop3A_154 : i32 to index
        %parallel_loop3A_471 = arith.constant 560 : index
        %parallel_loop3A_472 = tpu.vector_load %arg5[%parallel_loop3A_470, %parallel_loop3A_471] {strides = array<i32>} : memref<32x768xf32, #tpu.memory_space<vmem>>, vector<1x16xf32>,
        %parallel_loop3A_473 = vector.shape_cast %parallel_loop3A_472 : vector<1x16xf32> to vector<16xf32>
        %parallel_loop3A_474 = arith.index_cast %parallel_loop3A_154 : i32 to index
        %parallel_loop3A_475 = arith.constant 560 : index
        %parallel_loop3A_476 = tpu.vector_load %arg7[%parallel_loop3A_474, %parallel_loop3A_475] {strides = array<i32>} : memref<32x768xf32, #tpu.memory_space<vmem>>, vector<1x16xf32>,
        %parallel_loop3A_477 = vector.shape_cast %parallel_loop3A_476 : vector<1x16xf32> to vector<16xf32>
        %parallel_loop3A_478 = vector.shape_cast %parallel_loop3A_473 : vector<16xf32> to vector<1x16xf32>
        tpu.vector_store %arg7[%parallel_loop3A_474, %parallel_loop3A_475], %parallel_loop3A_478 {add = true, strides = array<i32>} : memref<32x768xf32, #tpu.memory_space<vmem>>, vector<1x16xf32>,
        %parallel_loop3A_479 = arith.index_cast %parallel_loop3A_154 : i32 to index
        %parallel_loop3A_480 = arith.constant 576 : index
        %parallel_loop3A_481 = tpu.vector_load %arg5[%parallel_loop3A_479, %parallel_loop3A_480] {strides = array<i32>} : memref<32x768xf32, #tpu.memory_space<vmem>>, vector<1x16xf32>,
        %parallel_loop3A_482 = vector.shape_cast %parallel_loop3A_481 : vector<1x16xf32> to vector<16xf32>
        %parallel_loop3A_483 = arith.index_cast %parallel_loop3A_154 : i32 to index
        %parallel_loop3A_484 = arith.constant 576 : index
        %parallel_loop3A_485 = tpu.vector_load %arg7[%parallel_loop3A_483, %parallel_loop3A_484] {strides = array<i32>} : memref<32x768xf32, #tpu.memory_space<vmem>>, vector<1x16xf32>,
        %parallel_loop3A_486 = vector.shape_cast %parallel_loop3A_485 : vector<1x16xf32> to vector<16xf32>
        %parallel_loop3A_487 = vector.shape_cast %parallel_loop3A_482 : vector<16xf32> to vector<1x16xf32>
        tpu.vector_store %arg7[%parallel_loop3A_483, %parallel_loop3A_484], %parallel_loop3A_487 {add = true, strides = array<i32>} : memref<32x768xf32, #tpu.memory_space<vmem>>, vector<1x16xf32>,
        %parallel_loop3A_488 = arith.index_cast %parallel_loop3A_154 : i32 to index
        %parallel_loop3A_489 = arith.constant 592 : index
        %parallel_loop3A_490 = tpu.vector_load %arg5[%parallel_loop3A_488, %parallel_loop3A_489] {strides = array<i32>} : memref<32x768xf32, #tpu.memory_space<vmem>>, vector<1x16xf32>,
        %parallel_loop3A_491 = vector.shape_cast %parallel_loop3A_490 : vector<1x16xf32> to vector<16xf32>
        %parallel_loop3A_492 = arith.index_cast %parallel_loop3A_154 : i32 to index
        %parallel_loop3A_493 = arith.constant 592 : index
        %parallel_loop3A_494 = tpu.vector_load %arg7[%parallel_loop3A_492, %parallel_loop3A_493] {strides = array<i32>} : memref<32x768xf32, #tpu.memory_space<vmem>>, vector<1x16xf32>,
        %parallel_loop3A_495 = vector.shape_cast %parallel_loop3A_494 : vector<1x16xf32> to vector<16xf32>
        %parallel_loop3A_496 = vector.shape_cast %parallel_loop3A_491 : vector<16xf32> to vector<1x16xf32>
        tpu.vector_store %arg7[%parallel_loop3A_492, %parallel_loop3A_493], %parallel_loop3A_496 {add = true, strides = array<i32>} : memref<32x768xf32, #tpu.memory_space<vmem>>, vector<1x16xf32>,
        %parallel_loop3A_497 = arith.index_cast %parallel_loop3A_154 : i32 to index
        %parallel_loop3A_498 = arith.constant 608 : index
        %parallel_loop3A_499 = tpu.vector_load %arg5[%parallel_loop3A_497, %parallel_loop3A_498] {strides = array<i32>} : memref<32x768xf32, #tpu.memory_space<vmem>>, vector<1x16xf32>,
        %parallel_loop3A_500 = vector.shape_cast %parallel_loop3A_499 : vector<1x16xf32> to vector<16xf32>
        %parallel_loop3A_501 = arith.index_cast %parallel_loop3A_154 : i32 to index
        %parallel_loop3A_502 = arith.constant 608 : index
        %parallel_loop3A_503 = tpu.vector_load %arg7[%parallel_loop3A_501, %parallel_loop3A_502] {strides = array<i32>} : memref<32x768xf32, #tpu.memory_space<vmem>>, vector<1x16xf32>,
        %parallel_loop3A_504 = vector.shape_cast %parallel_loop3A_503 : vector<1x16xf32> to vector<16xf32>
        %parallel_loop3A_505 = vector.shape_cast %parallel_loop3A_500 : vector<16xf32> to vector<1x16xf32>
        tpu.vector_store %arg7[%parallel_loop3A_501, %parallel_loop3A_502], %parallel_loop3A_505 {add = true, strides = array<i32>} : memref<32x768xf32, #tpu.memory_space<vmem>>, vector<1x16xf32>,
        %parallel_loop3A_506 = arith.index_cast %parallel_loop3A_154 : i32 to index
        %parallel_loop3A_507 = arith.constant 624 : index
        %parallel_loop3A_508 = tpu.vector_load %arg5[%parallel_loop3A_506, %parallel_loop3A_507] {strides = array<i32>} : memref<32x768xf32, #tpu.memory_space<vmem>>, vector<1x16xf32>,
        %parallel_loop3A_509 = vector.shape_cast %parallel_loop3A_508 : vector<1x16xf32> to vector<16xf32>
        %parallel_loop3A_510 = arith.index_cast %parallel_loop3A_154 : i32 to index
        %parallel_loop3A_511 = arith.constant 624 : index
        %parallel_loop3A_512 = tpu.vector_load %arg7[%parallel_loop3A_510, %parallel_loop3A_511] {strides = array<i32>} : memref<32x768xf32, #tpu.memory_space<vmem>>, vector<1x16xf32>,
        %parallel_loop3A_513 = vector.shape_cast %parallel_loop3A_512 : vector<1x16xf32> to vector<16xf32>
        %parallel_loop3A_514 = vector.shape_cast %parallel_loop3A_509 : vector<16xf32> to vector<1x16xf32>
        tpu.vector_store %arg7[%parallel_loop3A_510, %parallel_loop3A_511], %parallel_loop3A_514 {add = true, strides = array<i32>} : memref<32x768xf32, #tpu.memory_space<vmem>>, vector<1x16xf32>,
        %parallel_loop3A_515 = arith.index_cast %parallel_loop3A_154 : i32 to index
        %parallel_loop3A_516 = arith.constant 640 : index
        %parallel_loop3A_517 = tpu.vector_load %arg5[%parallel_loop3A_515, %parallel_loop3A_516] {strides = array<i32>} : memref<32x768xf32, #tpu.memory_space<vmem>>, vector<1x16xf32>,
        %parallel_loop3A_518 = vector.shape_cast %parallel_loop3A_517 : vector<1x16xf32> to vector<16xf32>
        %parallel_loop3A_519 = arith.index_cast %parallel_loop3A_154 : i32 to index
        %parallel_loop3A_520 = arith.constant 640 : index
        %parallel_loop3A_521 = tpu.vector_load %arg7[%parallel_loop3A_519, %parallel_loop3A_520] {strides = array<i32>} : memref<32x768xf32, #tpu.memory_space<vmem>>, vector<1x16xf32>,
        %parallel_loop3A_522 = vector.shape_cast %parallel_loop3A_521 : vector<1x16xf32> to vector<16xf32>
        %parallel_loop3A_523 = vector.shape_cast %parallel_loop3A_518 : vector<16xf32> to vector<1x16xf32>
        tpu.vector_store %arg7[%parallel_loop3A_519, %parallel_loop3A_520], %parallel_loop3A_523 {add = true, strides = array<i32>} : memref<32x768xf32, #tpu.memory_space<vmem>>, vector<1x16xf32>,
        %parallel_loop3A_524 = arith.index_cast %parallel_loop3A_154 : i32 to index
        %parallel_loop3A_525 = arith.constant 656 : index
        %parallel_loop3A_526 = tpu.vector_load %arg5[%parallel_loop3A_524, %parallel_loop3A_525] {strides = array<i32>} : memref<32x768xf32, #tpu.memory_space<vmem>>, vector<1x16xf32>,
        %parallel_loop3A_527 = vector.shape_cast %parallel_loop3A_526 : vector<1x16xf32> to vector<16xf32>
        %parallel_loop3A_528 = arith.index_cast %parallel_loop3A_154 : i32 to index
        %parallel_loop3A_529 = arith.constant 656 : index
        %parallel_loop3A_530 = tpu.vector_load %arg7[%parallel_loop3A_528, %parallel_loop3A_529] {strides = array<i32>} : memref<32x768xf32, #tpu.memory_space<vmem>>, vector<1x16xf32>,
        %parallel_loop3A_531 = vector.shape_cast %parallel_loop3A_530 : vector<1x16xf32> to vector<16xf32>
        %parallel_loop3A_532 = vector.shape_cast %parallel_loop3A_527 : vector<16xf32> to vector<1x16xf32>
        tpu.vector_store %arg7[%parallel_loop3A_528, %parallel_loop3A_529], %parallel_loop3A_532 {add = true, strides = array<i32>} : memref<32x768xf32, #tpu.memory_space<vmem>>, vector<1x16xf32>,
        %parallel_loop3A_533 = arith.index_cast %parallel_loop3A_154 : i32 to index
        %parallel_loop3A_534 = arith.constant 672 : index
        %parallel_loop3A_535 = tpu.vector_load %arg5[%parallel_loop3A_533, %parallel_loop3A_534] {strides = array<i32>} : memref<32x768xf32, #tpu.memory_space<vmem>>, vector<1x16xf32>,
        %parallel_loop3A_536 = vector.shape_cast %parallel_loop3A_535 : vector<1x16xf32> to vector<16xf32>
        %parallel_loop3A_537 = arith.index_cast %parallel_loop3A_154 : i32 to index
        %parallel_loop3A_538 = arith.constant 672 : index
        %parallel_loop3A_539 = tpu.vector_load %arg7[%parallel_loop3A_537, %parallel_loop3A_538] {strides = array<i32>} : memref<32x768xf32, #tpu.memory_space<vmem>>, vector<1x16xf32>,
        %parallel_loop3A_540 = vector.shape_cast %parallel_loop3A_539 : vector<1x16xf32> to vector<16xf32>
        %parallel_loop3A_541 = vector.shape_cast %parallel_loop3A_536 : vector<16xf32> to vector<1x16xf32>
        tpu.vector_store %arg7[%parallel_loop3A_537, %parallel_loop3A_538], %parallel_loop3A_541 {add = true, strides = array<i32>} : memref<32x768xf32, #tpu.memory_space<vmem>>, vector<1x16xf32>,
        %parallel_loop3A_542 = arith.index_cast %parallel_loop3A_154 : i32 to index
        %parallel_loop3A_543 = arith.constant 688 : index
        %parallel_loop3A_544 = tpu.vector_load %arg5[%parallel_loop3A_542, %parallel_loop3A_543] {strides = array<i32>} : memref<32x768xf32, #tpu.memory_space<vmem>>, vector<1x16xf32>,
        %parallel_loop3A_545 = vector.shape_cast %parallel_loop3A_544 : vector<1x16xf32> to vector<16xf32>
        %parallel_loop3A_546 = arith.index_cast %parallel_loop3A_154 : i32 to index
        %parallel_loop3A_547 = arith.constant 688 : index
        %parallel_loop3A_548 = tpu.vector_load %arg7[%parallel_loop3A_546, %parallel_loop3A_547] {strides = array<i32>} : memref<32x768xf32, #tpu.memory_space<vmem>>, vector<1x16xf32>,
        %parallel_loop3A_549 = vector.shape_cast %parallel_loop3A_548 : vector<1x16xf32> to vector<16xf32>
        %parallel_loop3A_550 = vector.shape_cast %parallel_loop3A_545 : vector<16xf32> to vector<1x16xf32>
        tpu.vector_store %arg7[%parallel_loop3A_546, %parallel_loop3A_547], %parallel_loop3A_550 {add = true, strides = array<i32>} : memref<32x768xf32, #tpu.memory_space<vmem>>, vector<1x16xf32>,
        %parallel_loop3A_551 = arith.index_cast %parallel_loop3A_154 : i32 to index
        %parallel_loop3A_552 = arith.constant 704 : index
        %parallel_loop3A_553 = tpu.vector_load %arg5[%parallel_loop3A_551, %parallel_loop3A_552] {strides = array<i32>} : memref<32x768xf32, #tpu.memory_space<vmem>>, vector<1x16xf32>,
        %parallel_loop3A_554 = vector.shape_cast %parallel_loop3A_553 : vector<1x16xf32> to vector<16xf32>
        %parallel_loop3A_555 = arith.index_cast %parallel_loop3A_154 : i32 to index
        %parallel_loop3A_556 = arith.constant 704 : index
        %parallel_loop3A_557 = tpu.vector_load %arg7[%parallel_loop3A_555, %parallel_loop3A_556] {strides = array<i32>} : memref<32x768xf32, #tpu.memory_space<vmem>>, vector<1x16xf32>,
        %parallel_loop3A_558 = vector.shape_cast %parallel_loop3A_557 : vector<1x16xf32> to vector<16xf32>
        %parallel_loop3A_559 = vector.shape_cast %parallel_loop3A_554 : vector<16xf32> to vector<1x16xf32>
        tpu.vector_store %arg7[%parallel_loop3A_555, %parallel_loop3A_556], %parallel_loop3A_559 {add = true, strides = array<i32>} : memref<32x768xf32, #tpu.memory_space<vmem>>, vector<1x16xf32>,
        %parallel_loop3A_560 = arith.index_cast %parallel_loop3A_154 : i32 to index
        %parallel_loop3A_561 = arith.constant 720 : index
        %parallel_loop3A_562 = tpu.vector_load %arg5[%parallel_loop3A_560, %parallel_loop3A_561] {strides = array<i32>} : memref<32x768xf32, #tpu.memory_space<vmem>>, vector<1x16xf32>,
        %parallel_loop3A_563 = vector.shape_cast %parallel_loop3A_562 : vector<1x16xf32> to vector<16xf32>
        %parallel_loop3A_564 = arith.index_cast %parallel_loop3A_154 : i32 to index
        %parallel_loop3A_565 = arith.constant 720 : index
        %parallel_loop3A_566 = tpu.vector_load %arg7[%parallel_loop3A_564, %parallel_loop3A_565] {strides = array<i32>} : memref<32x768xf32, #tpu.memory_space<vmem>>, vector<1x16xf32>,
        %parallel_loop3A_567 = vector.shape_cast %parallel_loop3A_566 : vector<1x16xf32> to vector<16xf32>
        %parallel_loop3A_568 = vector.shape_cast %parallel_loop3A_563 : vector<16xf32> to vector<1x16xf32>
        tpu.vector_store %arg7[%parallel_loop3A_564, %parallel_loop3A_565], %parallel_loop3A_568 {add = true, strides = array<i32>} : memref<32x768xf32, #tpu.memory_space<vmem>>, vector<1x16xf32>,
        %parallel_loop3A_569 = arith.index_cast %parallel_loop3A_154 : i32 to index
        %parallel_loop3A_570 = arith.constant 736 : index
        %parallel_loop3A_571 = tpu.vector_load %arg5[%parallel_loop3A_569, %parallel_loop3A_570] {strides = array<i32>} : memref<32x768xf32, #tpu.memory_space<vmem>>, vector<1x16xf32>,
        %parallel_loop3A_572 = vector.shape_cast %parallel_loop3A_571 : vector<1x16xf32> to vector<16xf32>
        %parallel_loop3A_573 = arith.index_cast %parallel_loop3A_154 : i32 to index
        %parallel_loop3A_574 = arith.constant 736 : index
        %parallel_loop3A_575 = tpu.vector_load %arg7[%parallel_loop3A_573, %parallel_loop3A_574] {strides = array<i32>} : memref<32x768xf32, #tpu.memory_space<vmem>>, vector<1x16xf32>,
        %parallel_loop3A_576 = vector.shape_cast %parallel_loop3A_575 : vector<1x16xf32> to vector<16xf32>
        %parallel_loop3A_577 = vector.shape_cast %parallel_loop3A_572 : vector<16xf32> to vector<1x16xf32>
        tpu.vector_store %arg7[%parallel_loop3A_573, %parallel_loop3A_574], %parallel_loop3A_577 {add = true, strides = array<i32>} : memref<32x768xf32, #tpu.memory_space<vmem>>, vector<1x16xf32>,
        %parallel_loop3A_578 = arith.index_cast %parallel_loop3A_154 : i32 to index
        %parallel_loop3A_579 = arith.constant 752 : index
        %parallel_loop3A_580 = tpu.vector_load %arg5[%parallel_loop3A_578, %parallel_loop3A_579] {strides = array<i32>} : memref<32x768xf32, #tpu.memory_space<vmem>>, vector<1x16xf32>,
        %parallel_loop3A_581 = vector.shape_cast %parallel_loop3A_580 : vector<1x16xf32> to vector<16xf32>
        %parallel_loop3A_582 = arith.index_cast %parallel_loop3A_154 : i32 to index
        %parallel_loop3A_583 = arith.constant 752 : index
        %parallel_loop3A_584 = tpu.vector_load %arg7[%parallel_loop3A_582, %parallel_loop3A_583] {strides = array<i32>} : memref<32x768xf32, #tpu.memory_space<vmem>>, vector<1x16xf32>,
        %parallel_loop3A_585 = vector.shape_cast %parallel_loop3A_584 : vector<1x16xf32> to vector<16xf32>
        %parallel_loop3A_586 = vector.shape_cast %parallel_loop3A_581 : vector<16xf32> to vector<1x16xf32>
        tpu.vector_store %arg7[%parallel_loop3A_582, %parallel_loop3A_583], %parallel_loop3A_586 {add = true, strides = array<i32>} : memref<32x768xf32, #tpu.memory_space<vmem>>, vector<1x16xf32>,
      } {sc.loop_unroll_factor = 1 : i64, sc.parallel_access}
      %dma_start3A_86 = arith.constant 0 : i32
      %dma_start3A_87 = tpu.memref_slice %arg4[%add3A_64, %mul3A_2, %dma_start3A_86] : memref<32x1024x768xf32, #tpu.memory_space<hbm>> -> memref<1x32x768xf32, #tpu.memory_space<hbm>>
      %dma_start3A_88 = tpu.memref_squeeze %dma_start3A_87 : memref<1x32x768xf32, #tpu.memory_space<hbm>> -> memref<32x768xf32, #tpu.memory_space<hbm>>
      %dma_start3A_89 = arith.constant 0 : i32
      %dma_start3A_90 = tpu.memref_slice %arg4[%add3A_64, %mul3A_2, %dma_start3A_89] : memref<32x1024x768xf32, #tpu.memory_space<hbm>> -> memref<1x32x768xf32, #tpu.memory_space<hbm>>
      %dma_start3A_91 = tpu.memref_squeeze %dma_start3A_90 : memref<1x32x768xf32, #tpu.memory_space<hbm>> -> memref<32x768xf32, #tpu.memory_space<hbm>>
      tpu.enqueue_dma source(%arg7 : memref<32x768xf32, #tpu.memory_space<vmem>>) target(%dma_start3A_91 : memref<32x768xf32, #tpu.memory_space<hbm>>) target_semaphore(%arg15 : memref<!tpu.dma_semaphore, #tpu.memory_space<semaphore_mem>>)
      %mul3A_92 = arith.constant 4 : i32
      %mul3A_93 = arith.muli %mul3A_92, %scan3A_34 : i32
      %add3A_94 = arith.constant 2 : i32
      %add3A_95 = arith.addi %mul3A_93, %add3A_94 : i32
      %ge3A_96 = arith.constant 2 : i32
      %ge3A_97 = arith.cmpi sge, %add3A_95, %ge3A_96 : i32
      %convert_element_type3A_98 = arith.extui %ge3A_97 : i1 to i32
      %cond3A_99 = arith.constant 0 : i32
      %cond3A_100 = arith.cmpi ne, %convert_element_type3A_98, %cond3A_99 : i32
      scf.if %cond3A_100 {
        %sub3A = arith.constant 2 : i32
        %sub3A_154 = arith.subi %add3A_95, %sub3A : i32
        %dma_wait3A_155 = arith.constant 0 : i32
        %dma_wait3A_156 = tpu.memref_slice %arg4[%sub3A_154, %mul3A_2, %dma_wait3A_155] : memref<32x1024x768xf32, #tpu.memory_space<hbm>> -> memref<1x32x768xf32, #tpu.memory_space<hbm>>
        %dma_wait3A_157 = tpu.memref_squeeze %dma_wait3A_156 : memref<1x32x768xf32, #tpu.memory_space<hbm>> -> memref<32x768xf32, #tpu.memory_space<hbm>>
        %dma_wait3A_158 = arith.constant 0 : i32
        %dma_wait3A_159 = tpu.memref_slice %arg4[%sub3A_154, %mul3A_2, %dma_wait3A_158] : memref<32x1024x768xf32, #tpu.memory_space<hbm>> -> memref<1x32x768xf32, #tpu.memory_space<hbm>>
        %dma_wait3A_160 = tpu.memref_squeeze %dma_wait3A_159 : memref<1x32x768xf32, #tpu.memory_space<hbm>> -> memref<32x768xf32, #tpu.memory_space<hbm>>
        tpu.wait_dma2 semaphore(%arg14 : memref<!tpu.dma_semaphore, #tpu.memory_space<semaphore_mem>>) src(%arg6 : memref<32x768xf32, #tpu.memory_space<vmem>>) dst(%dma_wait3A_160 : memref<32x768xf32, #tpu.memory_space<hbm>>)
      } else {
      }
      %add3A_101 = arith.constant 2 : i32
      %add3A_102 = arith.addi %add3A_95, %add3A_101 : i32
      %lt3A_103 = arith.constant 32 : i32
      %lt3A_104 = arith.cmpi slt, %add3A_102, %lt3A_103 : i32
      %convert_element_type3A_105 = arith.extui %lt3A_104 : i1 to i32
      %cond3A_106 = arith.constant 0 : i32
      %cond3A_107 = arith.cmpi ne, %convert_element_type3A_105, %cond3A_106 : i32
      scf.if %cond3A_107 {
        %add3A_154 = arith.constant 2 : i32
        %add3A_155 = arith.addi %add3A_95, %add3A_154 : i32
        %dma_start3A_156 = arith.constant 0 : i32
        %dma_start3A_157 = tpu.memref_slice %arg2[%add3A_155, %mul3A_2, %dma_start3A_156] : memref<32x1024x768xf32, #tpu.memory_space<hbm>> -> memref<1x32x768xf32, #tpu.memory_space<hbm>>
        %dma_start3A_158 = tpu.memref_squeeze %dma_start3A_157 : memref<1x32x768xf32, #tpu.memory_space<hbm>> -> memref<32x768xf32, #tpu.memory_space<hbm>>
        %dma_start3A_159 = arith.constant 0 : i32
        %dma_start3A_160 = tpu.memref_slice %arg2[%add3A_155, %mul3A_2, %dma_start3A_159] : memref<32x1024x768xf32, #tpu.memory_space<hbm>> -> memref<1x32x768xf32, #tpu.memory_space<hbm>>
        %dma_start3A_161 = tpu.memref_squeeze %dma_start3A_160 : memref<1x32x768xf32, #tpu.memory_space<hbm>> -> memref<32x768xf32, #tpu.memory_space<hbm>>
        tpu.enqueue_dma source(%dma_start3A_161 : memref<32x768xf32, #tpu.memory_space<hbm>>) target(%arg6 : memref<32x768xf32, #tpu.memory_space<vmem>>) target_semaphore(%arg10 : memref<!tpu.dma_semaphore, #tpu.memory_space<semaphore_mem>>)
      } else {
      }
      %dma_wait3A_108 = arith.constant 0 : i32
      %dma_wait3A_109 = tpu.memref_slice %arg2[%add3A_95, %mul3A_2, %dma_wait3A_108] : memref<32x1024x768xf32, #tpu.memory_space<hbm>> -> memref<1x32x768xf32, #tpu.memory_space<hbm>>
      %dma_wait3A_110 = tpu.memref_squeeze %dma_wait3A_109 : memref<1x32x768xf32, #tpu.memory_space<hbm>> -> memref<32x768xf32, #tpu.memory_space<hbm>>
      %dma_wait3A_111 = arith.constant 0 : i32
      %dma_wait3A_112 = tpu.memref_slice %arg2[%add3A_95, %mul3A_2, %dma_wait3A_111] : memref<32x1024x768xf32, #tpu.memory_space<hbm>> -> memref<1x32x768xf32, #tpu.memory_space<hbm>>
      %dma_wait3A_113 = tpu.memref_squeeze %dma_wait3A_112 : memref<1x32x768xf32, #tpu.memory_space<hbm>> -> memref<32x768xf32, #tpu.memory_space<hbm>>
      tpu.wait_dma2 semaphore(%arg12 : memref<!tpu.dma_semaphore, #tpu.memory_space<semaphore_mem>>) src(%dma_wait3A_113 : memref<32x768xf32, #tpu.memory_space<hbm>>) dst(%arg8 : memref<32x768xf32, #tpu.memory_space<vmem>>)
      %parallel_loop3A_114 = arith.constant 0 : i32
      %parallel_loop3A_115 = arith.constant 32 : i32
      %parallel_loop3A_116 = arith.constant 1 : i32
      scf.for %parallel_loop3A_154 = %parallel_loop3A_114 to %parallel_loop3A_115 step %parallel_loop3A_116  : i32 {
        %parallel_loop3A_155 = arith.index_cast %parallel_loop3A_154 : i32 to index
        %parallel_loop3A_156 = arith.constant 0 : index
        %parallel_loop3A_157 = tpu.vector_load %arg5[%parallel_loop3A_155, %parallel_loop3A_156] {strides = array<i32>} : memref<32x768xf32, #tpu.memory_space<vmem>>, vector<1x16xf32>,
        %parallel_loop3A_158 = vector.shape_cast %parallel_loop3A_157 : vector<1x16xf32> to vector<16xf32>
        %parallel_loop3A_159 = arith.index_cast %parallel_loop3A_154 : i32 to index
        %parallel_loop3A_160 = arith.constant 0 : index
        %parallel_loop3A_161 = tpu.vector_load %arg8[%parallel_loop3A_159, %parallel_loop3A_160] {strides = array<i32>} : memref<32x768xf32, #tpu.memory_space<vmem>>, vector<1x16xf32>,
        %parallel_loop3A_162 = vector.shape_cast %parallel_loop3A_161 : vector<1x16xf32> to vector<16xf32>
        %parallel_loop3A_163 = vector.shape_cast %parallel_loop3A_158 : vector<16xf32> to vector<1x16xf32>
        tpu.vector_store %arg8[%parallel_loop3A_159, %parallel_loop3A_160], %parallel_loop3A_163 {add = true, strides = array<i32>} : memref<32x768xf32, #tpu.memory_space<vmem>>, vector<1x16xf32>,
        %parallel_loop3A_164 = arith.index_cast %parallel_loop3A_154 : i32 to index
        %parallel_loop3A_165 = arith.constant 16 : index
        %parallel_loop3A_166 = tpu.vector_load %arg5[%parallel_loop3A_164, %parallel_loop3A_165] {strides = array<i32>} : memref<32x768xf32, #tpu.memory_space<vmem>>, vector<1x16xf32>,
        %parallel_loop3A_167 = vector.shape_cast %parallel_loop3A_166 : vector<1x16xf32> to vector<16xf32>
        %parallel_loop3A_168 = arith.index_cast %parallel_loop3A_154 : i32 to index
        %parallel_loop3A_169 = arith.constant 16 : index
        %parallel_loop3A_170 = tpu.vector_load %arg8[%parallel_loop3A_168, %parallel_loop3A_169] {strides = array<i32>} : memref<32x768xf32, #tpu.memory_space<vmem>>, vector<1x16xf32>,
        %parallel_loop3A_171 = vector.shape_cast %parallel_loop3A_170 : vector<1x16xf32> to vector<16xf32>
        %parallel_loop3A_172 = vector.shape_cast %parallel_loop3A_167 : vector<16xf32> to vector<1x16xf32>
        tpu.vector_store %arg8[%parallel_loop3A_168, %parallel_loop3A_169], %parallel_loop3A_172 {add = true, strides = array<i32>} : memref<32x768xf32, #tpu.memory_space<vmem>>, vector<1x16xf32>,
        %parallel_loop3A_173 = arith.index_cast %parallel_loop3A_154 : i32 to index
        %parallel_loop3A_174 = arith.constant 32 : index
        %parallel_loop3A_175 = tpu.vector_load %arg5[%parallel_loop3A_173, %parallel_loop3A_174] {strides = array<i32>} : memref<32x768xf32, #tpu.memory_space<vmem>>, vector<1x16xf32>,
        %parallel_loop3A_176 = vector.shape_cast %parallel_loop3A_175 : vector<1x16xf32> to vector<16xf32>
        %parallel_loop3A_177 = arith.index_cast %parallel_loop3A_154 : i32 to index
        %parallel_loop3A_178 = arith.constant 32 : index
        %parallel_loop3A_179 = tpu.vector_load %arg8[%parallel_loop3A_177, %parallel_loop3A_178] {strides = array<i32>} : memref<32x768xf32, #tpu.memory_space<vmem>>, vector<1x16xf32>,
        %parallel_loop3A_180 = vector.shape_cast %parallel_loop3A_179 : vector<1x16xf32> to vector<16xf32>
        %parallel_loop3A_181 = vector.shape_cast %parallel_loop3A_176 : vector<16xf32> to vector<1x16xf32>
        tpu.vector_store %arg8[%parallel_loop3A_177, %parallel_loop3A_178], %parallel_loop3A_181 {add = true, strides = array<i32>} : memref<32x768xf32, #tpu.memory_space<vmem>>, vector<1x16xf32>,
        %parallel_loop3A_182 = arith.index_cast %parallel_loop3A_154 : i32 to index
        %parallel_loop3A_183 = arith.constant 48 : index
        %parallel_loop3A_184 = tpu.vector_load %arg5[%parallel_loop3A_182, %parallel_loop3A_183] {strides = array<i32>} : memref<32x768xf32, #tpu.memory_space<vmem>>, vector<1x16xf32>,
        %parallel_loop3A_185 = vector.shape_cast %parallel_loop3A_184 : vector<1x16xf32> to vector<16xf32>
        %parallel_loop3A_186 = arith.index_cast %parallel_loop3A_154 : i32 to index
        %parallel_loop3A_187 = arith.constant 48 : index
        %parallel_loop3A_188 = tpu.vector_load %arg8[%parallel_loop3A_186, %parallel_loop3A_187] {strides = array<i32>} : memref<32x768xf32, #tpu.memory_space<vmem>>, vector<1x16xf32>,
        %parallel_loop3A_189 = vector.shape_cast %parallel_loop3A_188 : vector<1x16xf32> to vector<16xf32>
        %parallel_loop3A_190 = vector.shape_cast %parallel_loop3A_185 : vector<16xf32> to vector<1x16xf32>
        tpu.vector_store %arg8[%parallel_loop3A_186, %parallel_loop3A_187], %parallel_loop3A_190 {add = true, strides = array<i32>} : memref<32x768xf32, #tpu.memory_space<vmem>>, vector<1x16xf32>,
        %parallel_loop3A_191 = arith.index_cast %parallel_loop3A_154 : i32 to index
        %parallel_loop3A_192 = arith.constant 64 : index
        %parallel_loop3A_193 = tpu.vector_load %arg5[%parallel_loop3A_191, %parallel_loop3A_192] {strides = array<i32>} : memref<32x768xf32, #tpu.memory_space<vmem>>, vector<1x16xf32>,
        %parallel_loop3A_194 = vector.shape_cast %parallel_loop3A_193 : vector<1x16xf32> to vector<16xf32>
        %parallel_loop3A_195 = arith.index_cast %parallel_loop3A_154 : i32 to index
        %parallel_loop3A_196 = arith.constant 64 : index
        %parallel_loop3A_197 = tpu.vector_load %arg8[%parallel_loop3A_195, %parallel_loop3A_196] {strides = array<i32>} : memref<32x768xf32, #tpu.memory_space<vmem>>, vector<1x16xf32>,
        %parallel_loop3A_198 = vector.shape_cast %parallel_loop3A_197 : vector<1x16xf32> to vector<16xf32>
        %parallel_loop3A_199 = vector.shape_cast %parallel_loop3A_194 : vector<16xf32> to vector<1x16xf32>
        tpu.vector_store %arg8[%parallel_loop3A_195, %parallel_loop3A_196], %parallel_loop3A_199 {add = true, strides = array<i32>} : memref<32x768xf32, #tpu.memory_space<vmem>>, vector<1x16xf32>,
        %parallel_loop3A_200 = arith.index_cast %parallel_loop3A_154 : i32 to index
        %parallel_loop3A_201 = arith.constant 80 : index
        %parallel_loop3A_202 = tpu.vector_load %arg5[%parallel_loop3A_200, %parallel_loop3A_201] {strides = array<i32>} : memref<32x768xf32, #tpu.memory_space<vmem>>, vector<1x16xf32>,
        %parallel_loop3A_203 = vector.shape_cast %parallel_loop3A_202 : vector<1x16xf32> to vector<16xf32>
        %parallel_loop3A_204 = arith.index_cast %parallel_loop3A_154 : i32 to index
        %parallel_loop3A_205 = arith.constant 80 : index
        %parallel_loop3A_206 = tpu.vector_load %arg8[%parallel_loop3A_204, %parallel_loop3A_205] {strides = array<i32>} : memref<32x768xf32, #tpu.memory_space<vmem>>, vector<1x16xf32>,
        %parallel_loop3A_207 = vector.shape_cast %parallel_loop3A_206 : vector<1x16xf32> to vector<16xf32>
        %parallel_loop3A_208 = vector.shape_cast %parallel_loop3A_203 : vector<16xf32> to vector<1x16xf32>
        tpu.vector_store %arg8[%parallel_loop3A_204, %parallel_loop3A_205], %parallel_loop3A_208 {add = true, strides = array<i32>} : memref<32x768xf32, #tpu.memory_space<vmem>>, vector<1x16xf32>,
        %parallel_loop3A_209 = arith.index_cast %parallel_loop3A_154 : i32 to index
        %parallel_loop3A_210 = arith.constant 96 : index
        %parallel_loop3A_211 = tpu.vector_load %arg5[%parallel_loop3A_209, %parallel_loop3A_210] {strides = array<i32>} : memref<32x768xf32, #tpu.memory_space<vmem>>, vector<1x16xf32>,
        %parallel_loop3A_212 = vector.shape_cast %parallel_loop3A_211 : vector<1x16xf32> to vector<16xf32>
        %parallel_loop3A_213 = arith.index_cast %parallel_loop3A_154 : i32 to index
        %parallel_loop3A_214 = arith.constant 96 : index
        %parallel_loop3A_215 = tpu.vector_load %arg8[%parallel_loop3A_213, %parallel_loop3A_214] {strides = array<i32>} : memref<32x768xf32, #tpu.memory_space<vmem>>, vector<1x16xf32>,
        %parallel_loop3A_216 = vector.shape_cast %parallel_loop3A_215 : vector<1x16xf32> to vector<16xf32>
        %parallel_loop3A_217 = vector.shape_cast %parallel_loop3A_212 : vector<16xf32> to vector<1x16xf32>
        tpu.vector_store %arg8[%parallel_loop3A_213, %parallel_loop3A_214], %parallel_loop3A_217 {add = true, strides = array<i32>} : memref<32x768xf32, #tpu.memory_space<vmem>>, vector<1x16xf32>,
        %parallel_loop3A_218 = arith.index_cast %parallel_loop3A_154 : i32 to index
        %parallel_loop3A_219 = arith.constant 112 : index
        %parallel_loop3A_220 = tpu.vector_load %arg5[%parallel_loop3A_218, %parallel_loop3A_219] {strides = array<i32>} : memref<32x768xf32, #tpu.memory_space<vmem>>, vector<1x16xf32>,
        %parallel_loop3A_221 = vector.shape_cast %parallel_loop3A_220 : vector<1x16xf32> to vector<16xf32>
        %parallel_loop3A_222 = arith.index_cast %parallel_loop3A_154 : i32 to index
        %parallel_loop3A_223 = arith.constant 112 : index
        %parallel_loop3A_224 = tpu.vector_load %arg8[%parallel_loop3A_222, %parallel_loop3A_223] {strides = array<i32>} : memref<32x768xf32, #tpu.memory_space<vmem>>, vector<1x16xf32>,
        %parallel_loop3A_225 = vector.shape_cast %parallel_loop3A_224 : vector<1x16xf32> to vector<16xf32>
        %parallel_loop3A_226 = vector.shape_cast %parallel_loop3A_221 : vector<16xf32> to vector<1x16xf32>
        tpu.vector_store %arg8[%parallel_loop3A_222, %parallel_loop3A_223], %parallel_loop3A_226 {add = true, strides = array<i32>} : memref<32x768xf32, #tpu.memory_space<vmem>>, vector<1x16xf32>,
        %parallel_loop3A_227 = arith.index_cast %parallel_loop3A_154 : i32 to index
        %parallel_loop3A_228 = arith.constant 128 : index
        %parallel_loop3A_229 = tpu.vector_load %arg5[%parallel_loop3A_227, %parallel_loop3A_228] {strides = array<i32>} : memref<32x768xf32, #tpu.memory_space<vmem>>, vector<1x16xf32>,
        %parallel_loop3A_230 = vector.shape_cast %parallel_loop3A_229 : vector<1x16xf32> to vector<16xf32>
        %parallel_loop3A_231 = arith.index_cast %parallel_loop3A_154 : i32 to index
        %parallel_loop3A_232 = arith.constant 128 : index
        %parallel_loop3A_233 = tpu.vector_load %arg8[%parallel_loop3A_231, %parallel_loop3A_232] {strides = array<i32>} : memref<32x768xf32, #tpu.memory_space<vmem>>, vector<1x16xf32>,
        %parallel_loop3A_234 = vector.shape_cast %parallel_loop3A_233 : vector<1x16xf32> to vector<16xf32>
        %parallel_loop3A_235 = vector.shape_cast %parallel_loop3A_230 : vector<16xf32> to vector<1x16xf32>
        tpu.vector_store %arg8[%parallel_loop3A_231, %parallel_loop3A_232], %parallel_loop3A_235 {add = true, strides = array<i32>} : memref<32x768xf32, #tpu.memory_space<vmem>>, vector<1x16xf32>,
        %parallel_loop3A_236 = arith.index_cast %parallel_loop3A_154 : i32 to index
        %parallel_loop3A_237 = arith.constant 144 : index
        %parallel_loop3A_238 = tpu.vector_load %arg5[%parallel_loop3A_236, %parallel_loop3A_237] {strides = array<i32>} : memref<32x768xf32, #tpu.memory_space<vmem>>, vector<1x16xf32>,
        %parallel_loop3A_239 = vector.shape_cast %parallel_loop3A_238 : vector<1x16xf32> to vector<16xf32>
        %parallel_loop3A_240 = arith.index_cast %parallel_loop3A_154 : i32 to index
        %parallel_loop3A_241 = arith.constant 144 : index
        %parallel_loop3A_242 = tpu.vector_load %arg8[%parallel_loop3A_240, %parallel_loop3A_241] {strides = array<i32>} : memref<32x768xf32, #tpu.memory_space<vmem>>, vector<1x16xf32>,
        %parallel_loop3A_243 = vector.shape_cast %parallel_loop3A_242 : vector<1x16xf32> to vector<16xf32>
        %parallel_loop3A_244 = vector.shape_cast %parallel_loop3A_239 : vector<16xf32> to vector<1x16xf32>
        tpu.vector_store %arg8[%parallel_loop3A_240, %parallel_loop3A_241], %parallel_loop3A_244 {add = true, strides = array<i32>} : memref<32x768xf32, #tpu.memory_space<vmem>>, vector<1x16xf32>,
        %parallel_loop3A_245 = arith.index_cast %parallel_loop3A_154 : i32 to index
        %parallel_loop3A_246 = arith.constant 160 : index
        %parallel_loop3A_247 = tpu.vector_load %arg5[%parallel_loop3A_245, %parallel_loop3A_246] {strides = array<i32>} : memref<32x768xf32, #tpu.memory_space<vmem>>, vector<1x16xf32>,
        %parallel_loop3A_248 = vector.shape_cast %parallel_loop3A_247 : vector<1x16xf32> to vector<16xf32>
        %parallel_loop3A_249 = arith.index_cast %parallel_loop3A_154 : i32 to index
        %parallel_loop3A_250 = arith.constant 160 : index
        %parallel_loop3A_251 = tpu.vector_load %arg8[%parallel_loop3A_249, %parallel_loop3A_250] {strides = array<i32>} : memref<32x768xf32, #tpu.memory_space<vmem>>, vector<1x16xf32>,
        %parallel_loop3A_252 = vector.shape_cast %parallel_loop3A_251 : vector<1x16xf32> to vector<16xf32>
        %parallel_loop3A_253 = vector.shape_cast %parallel_loop3A_248 : vector<16xf32> to vector<1x16xf32>
        tpu.vector_store %arg8[%parallel_loop3A_249, %parallel_loop3A_250], %parallel_loop3A_253 {add = true, strides = array<i32>} : memref<32x768xf32, #tpu.memory_space<vmem>>, vector<1x16xf32>,
        %parallel_loop3A_254 = arith.index_cast %parallel_loop3A_154 : i32 to index
        %parallel_loop3A_255 = arith.constant 176 : index
        %parallel_loop3A_256 = tpu.vector_load %arg5[%parallel_loop3A_254, %parallel_loop3A_255] {strides = array<i32>} : memref<32x768xf32, #tpu.memory_space<vmem>>, vector<1x16xf32>,
        %parallel_loop3A_257 = vector.shape_cast %parallel_loop3A_256 : vector<1x16xf32> to vector<16xf32>
        %parallel_loop3A_258 = arith.index_cast %parallel_loop3A_154 : i32 to index
        %parallel_loop3A_259 = arith.constant 176 : index
        %parallel_loop3A_260 = tpu.vector_load %arg8[%parallel_loop3A_258, %parallel_loop3A_259] {strides = array<i32>} : memref<32x768xf32, #tpu.memory_space<vmem>>, vector<1x16xf32>,
        %parallel_loop3A_261 = vector.shape_cast %parallel_loop3A_260 : vector<1x16xf32> to vector<16xf32>
        %parallel_loop3A_262 = vector.shape_cast %parallel_loop3A_257 : vector<16xf32> to vector<1x16xf32>
        tpu.vector_store %arg8[%parallel_loop3A_258, %parallel_loop3A_259], %parallel_loop3A_262 {add = true, strides = array<i32>} : memref<32x768xf32, #tpu.memory_space<vmem>>, vector<1x16xf32>,
        %parallel_loop3A_263 = arith.index_cast %parallel_loop3A_154 : i32 to index
        %parallel_loop3A_264 = arith.constant 192 : index
        %parallel_loop3A_265 = tpu.vector_load %arg5[%parallel_loop3A_263, %parallel_loop3A_264] {strides = array<i32>} : memref<32x768xf32, #tpu.memory_space<vmem>>, vector<1x16xf32>,
        %parallel_loop3A_266 = vector.shape_cast %parallel_loop3A_265 : vector<1x16xf32> to vector<16xf32>
        %parallel_loop3A_267 = arith.index_cast %parallel_loop3A_154 : i32 to index
        %parallel_loop3A_268 = arith.constant 192 : index
        %parallel_loop3A_269 = tpu.vector_load %arg8[%parallel_loop3A_267, %parallel_loop3A_268] {strides = array<i32>} : memref<32x768xf32, #tpu.memory_space<vmem>>, vector<1x16xf32>,
        %parallel_loop3A_270 = vector.shape_cast %parallel_loop3A_269 : vector<1x16xf32> to vector<16xf32>
        %parallel_loop3A_271 = vector.shape_cast %parallel_loop3A_266 : vector<16xf32> to vector<1x16xf32>
        tpu.vector_store %arg8[%parallel_loop3A_267, %parallel_loop3A_268], %parallel_loop3A_271 {add = true, strides = array<i32>} : memref<32x768xf32, #tpu.memory_space<vmem>>, vector<1x16xf32>,
        %parallel_loop3A_272 = arith.index_cast %parallel_loop3A_154 : i32 to index
        %parallel_loop3A_273 = arith.constant 208 : index
        %parallel_loop3A_274 = tpu.vector_load %arg5[%parallel_loop3A_272, %parallel_loop3A_273] {strides = array<i32>} : memref<32x768xf32, #tpu.memory_space<vmem>>, vector<1x16xf32>,
        %parallel_loop3A_275 = vector.shape_cast %parallel_loop3A_274 : vector<1x16xf32> to vector<16xf32>
        %parallel_loop3A_276 = arith.index_cast %parallel_loop3A_154 : i32 to index
        %parallel_loop3A_277 = arith.constant 208 : index
        %parallel_loop3A_278 = tpu.vector_load %arg8[%parallel_loop3A_276, %parallel_loop3A_277] {strides = array<i32>} : memref<32x768xf32, #tpu.memory_space<vmem>>, vector<1x16xf32>,
        %parallel_loop3A_279 = vector.shape_cast %parallel_loop3A_278 : vector<1x16xf32> to vector<16xf32>
        %parallel_loop3A_280 = vector.shape_cast %parallel_loop3A_275 : vector<16xf32> to vector<1x16xf32>
        tpu.vector_store %arg8[%parallel_loop3A_276, %parallel_loop3A_277], %parallel_loop3A_280 {add = true, strides = array<i32>} : memref<32x768xf32, #tpu.memory_space<vmem>>, vector<1x16xf32>,
        %parallel_loop3A_281 = arith.index_cast %parallel_loop3A_154 : i32 to index
        %parallel_loop3A_282 = arith.constant 224 : index
        %parallel_loop3A_283 = tpu.vector_load %arg5[%parallel_loop3A_281, %parallel_loop3A_282] {strides = array<i32>} : memref<32x768xf32, #tpu.memory_space<vmem>>, vector<1x16xf32>,
        %parallel_loop3A_284 = vector.shape_cast %parallel_loop3A_283 : vector<1x16xf32> to vector<16xf32>
        %parallel_loop3A_285 = arith.index_cast %parallel_loop3A_154 : i32 to index
        %parallel_loop3A_286 = arith.constant 224 : index
        %parallel_loop3A_287 = tpu.vector_load %arg8[%parallel_loop3A_285, %parallel_loop3A_286] {strides = array<i32>} : memref<32x768xf32, #tpu.memory_space<vmem>>, vector<1x16xf32>,
        %parallel_loop3A_288 = vector.shape_cast %parallel_loop3A_287 : vector<1x16xf32> to vector<16xf32>
        %parallel_loop3A_289 = vector.shape_cast %parallel_loop3A_284 : vector<16xf32> to vector<1x16xf32>
        tpu.vector_store %arg8[%parallel_loop3A_285, %parallel_loop3A_286], %parallel_loop3A_289 {add = true, strides = array<i32>} : memref<32x768xf32, #tpu.memory_space<vmem>>, vector<1x16xf32>,
        %parallel_loop3A_290 = arith.index_cast %parallel_loop3A_154 : i32 to index
        %parallel_loop3A_291 = arith.constant 240 : index
        %parallel_loop3A_292 = tpu.vector_load %arg5[%parallel_loop3A_290, %parallel_loop3A_291] {strides = array<i32>} : memref<32x768xf32, #tpu.memory_space<vmem>>, vector<1x16xf32>,
        %parallel_loop3A_293 = vector.shape_cast %parallel_loop3A_292 : vector<1x16xf32> to vector<16xf32>
        %parallel_loop3A_294 = arith.index_cast %parallel_loop3A_154 : i32 to index
        %parallel_loop3A_295 = arith.constant 240 : index
        %parallel_loop3A_296 = tpu.vector_load %arg8[%parallel_loop3A_294, %parallel_loop3A_295] {strides = array<i32>} : memref<32x768xf32, #tpu.memory_space<vmem>>, vector<1x16xf32>,
        %parallel_loop3A_297 = vector.shape_cast %parallel_loop3A_296 : vector<1x16xf32> to vector<16xf32>
        %parallel_loop3A_298 = vector.shape_cast %parallel_loop3A_293 : vector<16xf32> to vector<1x16xf32>
        tpu.vector_store %arg8[%parallel_loop3A_294, %parallel_loop3A_295], %parallel_loop3A_298 {add = true, strides = array<i32>} : memref<32x768xf32, #tpu.memory_space<vmem>>, vector<1x16xf32>,
        %parallel_loop3A_299 = arith.index_cast %parallel_loop3A_154 : i32 to index
        %parallel_loop3A_300 = arith.constant 256 : index
        %parallel_loop3A_301 = tpu.vector_load %arg5[%parallel_loop3A_299, %parallel_loop3A_300] {strides = array<i32>} : memref<32x768xf32, #tpu.memory_space<vmem>>, vector<1x16xf32>,
        %parallel_loop3A_302 = vector.shape_cast %parallel_loop3A_301 : vector<1x16xf32> to vector<16xf32>
        %parallel_loop3A_303 = arith.index_cast %parallel_loop3A_154 : i32 to index
        %parallel_loop3A_304 = arith.constant 256 : index
        %parallel_loop3A_305 = tpu.vector_load %arg8[%parallel_loop3A_303, %parallel_loop3A_304] {strides = array<i32>} : memref<32x768xf32, #tpu.memory_space<vmem>>, vector<1x16xf32>,
        %parallel_loop3A_306 = vector.shape_cast %parallel_loop3A_305 : vector<1x16xf32> to vector<16xf32>
        %parallel_loop3A_307 = vector.shape_cast %parallel_loop3A_302 : vector<16xf32> to vector<1x16xf32>
        tpu.vector_store %arg8[%parallel_loop3A_303, %parallel_loop3A_304], %parallel_loop3A_307 {add = true, strides = array<i32>} : memref<32x768xf32, #tpu.memory_space<vmem>>, vector<1x16xf32>,
        %parallel_loop3A_308 = arith.index_cast %parallel_loop3A_154 : i32 to index
        %parallel_loop3A_309 = arith.constant 272 : index
        %parallel_loop3A_310 = tpu.vector_load %arg5[%parallel_loop3A_308, %parallel_loop3A_309] {strides = array<i32>} : memref<32x768xf32, #tpu.memory_space<vmem>>, vector<1x16xf32>,
        %parallel_loop3A_311 = vector.shape_cast %parallel_loop3A_310 : vector<1x16xf32> to vector<16xf32>
        %parallel_loop3A_312 = arith.index_cast %parallel_loop3A_154 : i32 to index
        %parallel_loop3A_313 = arith.constant 272 : index
        %parallel_loop3A_314 = tpu.vector_load %arg8[%parallel_loop3A_312, %parallel_loop3A_313] {strides = array<i32>} : memref<32x768xf32, #tpu.memory_space<vmem>>, vector<1x16xf32>,
        %parallel_loop3A_315 = vector.shape_cast %parallel_loop3A_314 : vector<1x16xf32> to vector<16xf32>
        %parallel_loop3A_316 = vector.shape_cast %parallel_loop3A_311 : vector<16xf32> to vector<1x16xf32>
        tpu.vector_store %arg8[%parallel_loop3A_312, %parallel_loop3A_313], %parallel_loop3A_316 {add = true, strides = array<i32>} : memref<32x768xf32, #tpu.memory_space<vmem>>, vector<1x16xf32>,
        %parallel_loop3A_317 = arith.index_cast %parallel_loop3A_154 : i32 to index
        %parallel_loop3A_318 = arith.constant 288 : index
        %parallel_loop3A_319 = tpu.vector_load %arg5[%parallel_loop3A_317, %parallel_loop3A_318] {strides = array<i32>} : memref<32x768xf32, #tpu.memory_space<vmem>>, vector<1x16xf32>,
        %parallel_loop3A_320 = vector.shape_cast %parallel_loop3A_319 : vector<1x16xf32> to vector<16xf32>
        %parallel_loop3A_321 = arith.index_cast %parallel_loop3A_154 : i32 to index
        %parallel_loop3A_322 = arith.constant 288 : index
        %parallel_loop3A_323 = tpu.vector_load %arg8[%parallel_loop3A_321, %parallel_loop3A_322] {strides = array<i32>} : memref<32x768xf32, #tpu.memory_space<vmem>>, vector<1x16xf32>,
        %parallel_loop3A_324 = vector.shape_cast %parallel_loop3A_323 : vector<1x16xf32> to vector<16xf32>
        %parallel_loop3A_325 = vector.shape_cast %parallel_loop3A_320 : vector<16xf32> to vector<1x16xf32>
        tpu.vector_store %arg8[%parallel_loop3A_321, %parallel_loop3A_322], %parallel_loop3A_325 {add = true, strides = array<i32>} : memref<32x768xf32, #tpu.memory_space<vmem>>, vector<1x16xf32>,
        %parallel_loop3A_326 = arith.index_cast %parallel_loop3A_154 : i32 to index
        %parallel_loop3A_327 = arith.constant 304 : index
        %parallel_loop3A_328 = tpu.vector_load %arg5[%parallel_loop3A_326, %parallel_loop3A_327] {strides = array<i32>} : memref<32x768xf32, #tpu.memory_space<vmem>>, vector<1x16xf32>,
        %parallel_loop3A_329 = vector.shape_cast %parallel_loop3A_328 : vector<1x16xf32> to vector<16xf32>
        %parallel_loop3A_330 = arith.index_cast %parallel_loop3A_154 : i32 to index
        %parallel_loop3A_331 = arith.constant 304 : index
        %parallel_loop3A_332 = tpu.vector_load %arg8[%parallel_loop3A_330, %parallel_loop3A_331] {strides = array<i32>} : memref<32x768xf32, #tpu.memory_space<vmem>>, vector<1x16xf32>,
        %parallel_loop3A_333 = vector.shape_cast %parallel_loop3A_332 : vector<1x16xf32> to vector<16xf32>
        %parallel_loop3A_334 = vector.shape_cast %parallel_loop3A_329 : vector<16xf32> to vector<1x16xf32>
        tpu.vector_store %arg8[%parallel_loop3A_330, %parallel_loop3A_331], %parallel_loop3A_334 {add = true, strides = array<i32>} : memref<32x768xf32, #tpu.memory_space<vmem>>, vector<1x16xf32>,
        %parallel_loop3A_335 = arith.index_cast %parallel_loop3A_154 : i32 to index
        %parallel_loop3A_336 = arith.constant 320 : index
        %parallel_loop3A_337 = tpu.vector_load %arg5[%parallel_loop3A_335, %parallel_loop3A_336] {strides = array<i32>} : memref<32x768xf32, #tpu.memory_space<vmem>>, vector<1x16xf32>,
        %parallel_loop3A_338 = vector.shape_cast %parallel_loop3A_337 : vector<1x16xf32> to vector<16xf32>
        %parallel_loop3A_339 = arith.index_cast %parallel_loop3A_154 : i32 to index
        %parallel_loop3A_340 = arith.constant 320 : index
        %parallel_loop3A_341 = tpu.vector_load %arg8[%parallel_loop3A_339, %parallel_loop3A_340] {strides = array<i32>} : memref<32x768xf32, #tpu.memory_space<vmem>>, vector<1x16xf32>,
        %parallel_loop3A_342 = vector.shape_cast %parallel_loop3A_341 : vector<1x16xf32> to vector<16xf32>
        %parallel_loop3A_343 = vector.shape_cast %parallel_loop3A_338 : vector<16xf32> to vector<1x16xf32>
        tpu.vector_store %arg8[%parallel_loop3A_339, %parallel_loop3A_340], %parallel_loop3A_343 {add = true, strides = array<i32>} : memref<32x768xf32, #tpu.memory_space<vmem>>, vector<1x16xf32>,
        %parallel_loop3A_344 = arith.index_cast %parallel_loop3A_154 : i32 to index
        %parallel_loop3A_345 = arith.constant 336 : index
        %parallel_loop3A_346 = tpu.vector_load %arg5[%parallel_loop3A_344, %parallel_loop3A_345] {strides = array<i32>} : memref<32x768xf32, #tpu.memory_space<vmem>>, vector<1x16xf32>,
        %parallel_loop3A_347 = vector.shape_cast %parallel_loop3A_346 : vector<1x16xf32> to vector<16xf32>
        %parallel_loop3A_348 = arith.index_cast %parallel_loop3A_154 : i32 to index
        %parallel_loop3A_349 = arith.constant 336 : index
        %parallel_loop3A_350 = tpu.vector_load %arg8[%parallel_loop3A_348, %parallel_loop3A_349] {strides = array<i32>} : memref<32x768xf32, #tpu.memory_space<vmem>>, vector<1x16xf32>,
        %parallel_loop3A_351 = vector.shape_cast %parallel_loop3A_350 : vector<1x16xf32> to vector<16xf32>
        %parallel_loop3A_352 = vector.shape_cast %parallel_loop3A_347 : vector<16xf32> to vector<1x16xf32>
        tpu.vector_store %arg8[%parallel_loop3A_348, %parallel_loop3A_349], %parallel_loop3A_352 {add = true, strides = array<i32>} : memref<32x768xf32, #tpu.memory_space<vmem>>, vector<1x16xf32>,
        %parallel_loop3A_353 = arith.index_cast %parallel_loop3A_154 : i32 to index
        %parallel_loop3A_354 = arith.constant 352 : index
        %parallel_loop3A_355 = tpu.vector_load %arg5[%parallel_loop3A_353, %parallel_loop3A_354] {strides = array<i32>} : memref<32x768xf32, #tpu.memory_space<vmem>>, vector<1x16xf32>,
        %parallel_loop3A_356 = vector.shape_cast %parallel_loop3A_355 : vector<1x16xf32> to vector<16xf32>
        %parallel_loop3A_357 = arith.index_cast %parallel_loop3A_154 : i32 to index
        %parallel_loop3A_358 = arith.constant 352 : index
        %parallel_loop3A_359 = tpu.vector_load %arg8[%parallel_loop3A_357, %parallel_loop3A_358] {strides = array<i32>} : memref<32x768xf32, #tpu.memory_space<vmem>>, vector<1x16xf32>,
        %parallel_loop3A_360 = vector.shape_cast %parallel_loop3A_359 : vector<1x16xf32> to vector<16xf32>
        %parallel_loop3A_361 = vector.shape_cast %parallel_loop3A_356 : vector<16xf32> to vector<1x16xf32>
        tpu.vector_store %arg8[%parallel_loop3A_357, %parallel_loop3A_358], %parallel_loop3A_361 {add = true, strides = array<i32>} : memref<32x768xf32, #tpu.memory_space<vmem>>, vector<1x16xf32>,
        %parallel_loop3A_362 = arith.index_cast %parallel_loop3A_154 : i32 to index
        %parallel_loop3A_363 = arith.constant 368 : index
        %parallel_loop3A_364 = tpu.vector_load %arg5[%parallel_loop3A_362, %parallel_loop3A_363] {strides = array<i32>} : memref<32x768xf32, #tpu.memory_space<vmem>>, vector<1x16xf32>,
        %parallel_loop3A_365 = vector.shape_cast %parallel_loop3A_364 : vector<1x16xf32> to vector<16xf32>
        %parallel_loop3A_366 = arith.index_cast %parallel_loop3A_154 : i32 to index
        %parallel_loop3A_367 = arith.constant 368 : index
        %parallel_loop3A_368 = tpu.vector_load %arg8[%parallel_loop3A_366, %parallel_loop3A_367] {strides = array<i32>} : memref<32x768xf32, #tpu.memory_space<vmem>>, vector<1x16xf32>,
        %parallel_loop3A_369 = vector.shape_cast %parallel_loop3A_368 : vector<1x16xf32> to vector<16xf32>
        %parallel_loop3A_370 = vector.shape_cast %parallel_loop3A_365 : vector<16xf32> to vector<1x16xf32>
        tpu.vector_store %arg8[%parallel_loop3A_366, %parallel_loop3A_367], %parallel_loop3A_370 {add = true, strides = array<i32>} : memref<32x768xf32, #tpu.memory_space<vmem>>, vector<1x16xf32>,
        %parallel_loop3A_371 = arith.index_cast %parallel_loop3A_154 : i32 to index
        %parallel_loop3A_372 = arith.constant 384 : index
        %parallel_loop3A_373 = tpu.vector_load %arg5[%parallel_loop3A_371, %parallel_loop3A_372] {strides = array<i32>} : memref<32x768xf32, #tpu.memory_space<vmem>>, vector<1x16xf32>,
        %parallel_loop3A_374 = vector.shape_cast %parallel_loop3A_373 : vector<1x16xf32> to vector<16xf32>
        %parallel_loop3A_375 = arith.index_cast %parallel_loop3A_154 : i32 to index
        %parallel_loop3A_376 = arith.constant 384 : index
        %parallel_loop3A_377 = tpu.vector_load %arg8[%parallel_loop3A_375, %parallel_loop3A_376] {strides = array<i32>} : memref<32x768xf32, #tpu.memory_space<vmem>>, vector<1x16xf32>,
        %parallel_loop3A_378 = vector.shape_cast %parallel_loop3A_377 : vector<1x16xf32> to vector<16xf32>
        %parallel_loop3A_379 = vector.shape_cast %parallel_loop3A_374 : vector<16xf32> to vector<1x16xf32>
        tpu.vector_store %arg8[%parallel_loop3A_375, %parallel_loop3A_376], %parallel_loop3A_379 {add = true, strides = array<i32>} : memref<32x768xf32, #tpu.memory_space<vmem>>, vector<1x16xf32>,
        %parallel_loop3A_380 = arith.index_cast %parallel_loop3A_154 : i32 to index
        %parallel_loop3A_381 = arith.constant 400 : index
        %parallel_loop3A_382 = tpu.vector_load %arg5[%parallel_loop3A_380, %parallel_loop3A_381] {strides = array<i32>} : memref<32x768xf32, #tpu.memory_space<vmem>>, vector<1x16xf32>,
        %parallel_loop3A_383 = vector.shape_cast %parallel_loop3A_382 : vector<1x16xf32> to vector<16xf32>
        %parallel_loop3A_384 = arith.index_cast %parallel_loop3A_154 : i32 to index
        %parallel_loop3A_385 = arith.constant 400 : index
        %parallel_loop3A_386 = tpu.vector_load %arg8[%parallel_loop3A_384, %parallel_loop3A_385] {strides = array<i32>} : memref<32x768xf32, #tpu.memory_space<vmem>>, vector<1x16xf32>,
        %parallel_loop3A_387 = vector.shape_cast %parallel_loop3A_386 : vector<1x16xf32> to vector<16xf32>
        %parallel_loop3A_388 = vector.shape_cast %parallel_loop3A_383 : vector<16xf32> to vector<1x16xf32>
        tpu.vector_store %arg8[%parallel_loop3A_384, %parallel_loop3A_385], %parallel_loop3A_388 {add = true, strides = array<i32>} : memref<32x768xf32, #tpu.memory_space<vmem>>, vector<1x16xf32>,
        %parallel_loop3A_389 = arith.index_cast %parallel_loop3A_154 : i32 to index
        %parallel_loop3A_390 = arith.constant 416 : index
        %parallel_loop3A_391 = tpu.vector_load %arg5[%parallel_loop3A_389, %parallel_loop3A_390] {strides = array<i32>} : memref<32x768xf32, #tpu.memory_space<vmem>>, vector<1x16xf32>,
        %parallel_loop3A_392 = vector.shape_cast %parallel_loop3A_391 : vector<1x16xf32> to vector<16xf32>
        %parallel_loop3A_393 = arith.index_cast %parallel_loop3A_154 : i32 to index
        %parallel_loop3A_394 = arith.constant 416 : index
        %parallel_loop3A_395 = tpu.vector_load %arg8[%parallel_loop3A_393, %parallel_loop3A_394] {strides = array<i32>} : memref<32x768xf32, #tpu.memory_space<vmem>>, vector<1x16xf32>,
        %parallel_loop3A_396 = vector.shape_cast %parallel_loop3A_395 : vector<1x16xf32> to vector<16xf32>
        %parallel_loop3A_397 = vector.shape_cast %parallel_loop3A_392 : vector<16xf32> to vector<1x16xf32>
        tpu.vector_store %arg8[%parallel_loop3A_393, %parallel_loop3A_394], %parallel_loop3A_397 {add = true, strides = array<i32>} : memref<32x768xf32, #tpu.memory_space<vmem>>, vector<1x16xf32>,
        %parallel_loop3A_398 = arith.index_cast %parallel_loop3A_154 : i32 to index
        %parallel_loop3A_399 = arith.constant 432 : index
        %parallel_loop3A_400 = tpu.vector_load %arg5[%parallel_loop3A_398, %parallel_loop3A_399] {strides = array<i32>} : memref<32x768xf32, #tpu.memory_space<vmem>>, vector<1x16xf32>,
        %parallel_loop3A_401 = vector.shape_cast %parallel_loop3A_400 : vector<1x16xf32> to vector<16xf32>
        %parallel_loop3A_402 = arith.index_cast %parallel_loop3A_154 : i32 to index
        %parallel_loop3A_403 = arith.constant 432 : index
        %parallel_loop3A_404 = tpu.vector_load %arg8[%parallel_loop3A_402, %parallel_loop3A_403] {strides = array<i32>} : memref<32x768xf32, #tpu.memory_space<vmem>>, vector<1x16xf32>,
        %parallel_loop3A_405 = vector.shape_cast %parallel_loop3A_404 : vector<1x16xf32> to vector<16xf32>
        %parallel_loop3A_406 = vector.shape_cast %parallel_loop3A_401 : vector<16xf32> to vector<1x16xf32>
        tpu.vector_store %arg8[%parallel_loop3A_402, %parallel_loop3A_403], %parallel_loop3A_406 {add = true, strides = array<i32>} : memref<32x768xf32, #tpu.memory_space<vmem>>, vector<1x16xf32>,
        %parallel_loop3A_407 = arith.index_cast %parallel_loop3A_154 : i32 to index
        %parallel_loop3A_408 = arith.constant 448 : index
        %parallel_loop3A_409 = tpu.vector_load %arg5[%parallel_loop3A_407, %parallel_loop3A_408] {strides = array<i32>} : memref<32x768xf32, #tpu.memory_space<vmem>>, vector<1x16xf32>,
        %parallel_loop3A_410 = vector.shape_cast %parallel_loop3A_409 : vector<1x16xf32> to vector<16xf32>
        %parallel_loop3A_411 = arith.index_cast %parallel_loop3A_154 : i32 to index
        %parallel_loop3A_412 = arith.constant 448 : index
        %parallel_loop3A_413 = tpu.vector_load %arg8[%parallel_loop3A_411, %parallel_loop3A_412] {strides = array<i32>} : memref<32x768xf32, #tpu.memory_space<vmem>>, vector<1x16xf32>,
        %parallel_loop3A_414 = vector.shape_cast %parallel_loop3A_413 : vector<1x16xf32> to vector<16xf32>
        %parallel_loop3A_415 = vector.shape_cast %parallel_loop3A_410 : vector<16xf32> to vector<1x16xf32>
        tpu.vector_store %arg8[%parallel_loop3A_411, %parallel_loop3A_412], %parallel_loop3A_415 {add = true, strides = array<i32>} : memref<32x768xf32, #tpu.memory_space<vmem>>, vector<1x16xf32>,
        %parallel_loop3A_416 = arith.index_cast %parallel_loop3A_154 : i32 to index
        %parallel_loop3A_417 = arith.constant 464 : index
        %parallel_loop3A_418 = tpu.vector_load %arg5[%parallel_loop3A_416, %parallel_loop3A_417] {strides = array<i32>} : memref<32x768xf32, #tpu.memory_space<vmem>>, vector<1x16xf32>,
        %parallel_loop3A_419 = vector.shape_cast %parallel_loop3A_418 : vector<1x16xf32> to vector<16xf32>
        %parallel_loop3A_420 = arith.index_cast %parallel_loop3A_154 : i32 to index
        %parallel_loop3A_421 = arith.constant 464 : index
        %parallel_loop3A_422 = tpu.vector_load %arg8[%parallel_loop3A_420, %parallel_loop3A_421] {strides = array<i32>} : memref<32x768xf32, #tpu.memory_space<vmem>>, vector<1x16xf32>,
        %parallel_loop3A_423 = vector.shape_cast %parallel_loop3A_422 : vector<1x16xf32> to vector<16xf32>
        %parallel_loop3A_424 = vector.shape_cast %parallel_loop3A_419 : vector<16xf32> to vector<1x16xf32>
        tpu.vector_store %arg8[%parallel_loop3A_420, %parallel_loop3A_421], %parallel_loop3A_424 {add = true, strides = array<i32>} : memref<32x768xf32, #tpu.memory_space<vmem>>, vector<1x16xf32>,
        %parallel_loop3A_425 = arith.index_cast %parallel_loop3A_154 : i32 to index
        %parallel_loop3A_426 = arith.constant 480 : index
        %parallel_loop3A_427 = tpu.vector_load %arg5[%parallel_loop3A_425, %parallel_loop3A_426] {strides = array<i32>} : memref<32x768xf32, #tpu.memory_space<vmem>>, vector<1x16xf32>,
        %parallel_loop3A_428 = vector.shape_cast %parallel_loop3A_427 : vector<1x16xf32> to vector<16xf32>
        %parallel_loop3A_429 = arith.index_cast %parallel_loop3A_154 : i32 to index
        %parallel_loop3A_430 = arith.constant 480 : index
        %parallel_loop3A_431 = tpu.vector_load %arg8[%parallel_loop3A_429, %parallel_loop3A_430] {strides = array<i32>} : memref<32x768xf32, #tpu.memory_space<vmem>>, vector<1x16xf32>,
        %parallel_loop3A_432 = vector.shape_cast %parallel_loop3A_431 : vector<1x16xf32> to vector<16xf32>
        %parallel_loop3A_433 = vector.shape_cast %parallel_loop3A_428 : vector<16xf32> to vector<1x16xf32>
        tpu.vector_store %arg8[%parallel_loop3A_429, %parallel_loop3A_430], %parallel_loop3A_433 {add = true, strides = array<i32>} : memref<32x768xf32, #tpu.memory_space<vmem>>, vector<1x16xf32>,
        %parallel_loop3A_434 = arith.index_cast %parallel_loop3A_154 : i32 to index
        %parallel_loop3A_435 = arith.constant 496 : index
        %parallel_loop3A_436 = tpu.vector_load %arg5[%parallel_loop3A_434, %parallel_loop3A_435] {strides = array<i32>} : memref<32x768xf32, #tpu.memory_space<vmem>>, vector<1x16xf32>,
        %parallel_loop3A_437 = vector.shape_cast %parallel_loop3A_436 : vector<1x16xf32> to vector<16xf32>
        %parallel_loop3A_438 = arith.index_cast %parallel_loop3A_154 : i32 to index
        %parallel_loop3A_439 = arith.constant 496 : index
        %parallel_loop3A_440 = tpu.vector_load %arg8[%parallel_loop3A_438, %parallel_loop3A_439] {strides = array<i32>} : memref<32x768xf32, #tpu.memory_space<vmem>>, vector<1x16xf32>,
        %parallel_loop3A_441 = vector.shape_cast %parallel_loop3A_440 : vector<1x16xf32> to vector<16xf32>
        %parallel_loop3A_442 = vector.shape_cast %parallel_loop3A_437 : vector<16xf32> to vector<1x16xf32>
        tpu.vector_store %arg8[%parallel_loop3A_438, %parallel_loop3A_439], %parallel_loop3A_442 {add = true, strides = array<i32>} : memref<32x768xf32, #tpu.memory_space<vmem>>, vector<1x16xf32>,
        %parallel_loop3A_443 = arith.index_cast %parallel_loop3A_154 : i32 to index
        %parallel_loop3A_444 = arith.constant 512 : index
        %parallel_loop3A_445 = tpu.vector_load %arg5[%parallel_loop3A_443, %parallel_loop3A_444] {strides = array<i32>} : memref<32x768xf32, #tpu.memory_space<vmem>>, vector<1x16xf32>,
        %parallel_loop3A_446 = vector.shape_cast %parallel_loop3A_445 : vector<1x16xf32> to vector<16xf32>
        %parallel_loop3A_447 = arith.index_cast %parallel_loop3A_154 : i32 to index
        %parallel_loop3A_448 = arith.constant 512 : index
        %parallel_loop3A_449 = tpu.vector_load %arg8[%parallel_loop3A_447, %parallel_loop3A_448] {strides = array<i32>} : memref<32x768xf32, #tpu.memory_space<vmem>>, vector<1x16xf32>,
        %parallel_loop3A_450 = vector.shape_cast %parallel_loop3A_449 : vector<1x16xf32> to vector<16xf32>
        %parallel_loop3A_451 = vector.shape_cast %parallel_loop3A_446 : vector<16xf32> to vector<1x16xf32>
        tpu.vector_store %arg8[%parallel_loop3A_447, %parallel_loop3A_448], %parallel_loop3A_451 {add = true, strides = array<i32>} : memref<32x768xf32, #tpu.memory_space<vmem>>, vector<1x16xf32>,
        %parallel_loop3A_452 = arith.index_cast %parallel_loop3A_154 : i32 to index
        %parallel_loop3A_453 = arith.constant 528 : index
        %parallel_loop3A_454 = tpu.vector_load %arg5[%parallel_loop3A_452, %parallel_loop3A_453] {strides = array<i32>} : memref<32x768xf32, #tpu.memory_space<vmem>>, vector<1x16xf32>,
        %parallel_loop3A_455 = vector.shape_cast %parallel_loop3A_454 : vector<1x16xf32> to vector<16xf32>
        %parallel_loop3A_456 = arith.index_cast %parallel_loop3A_154 : i32 to index
        %parallel_loop3A_457 = arith.constant 528 : index
        %parallel_loop3A_458 = tpu.vector_load %arg8[%parallel_loop3A_456, %parallel_loop3A_457] {strides = array<i32>} : memref<32x768xf32, #tpu.memory_space<vmem>>, vector<1x16xf32>,
        %parallel_loop3A_459 = vector.shape_cast %parallel_loop3A_458 : vector<1x16xf32> to vector<16xf32>
        %parallel_loop3A_460 = vector.shape_cast %parallel_loop3A_455 : vector<16xf32> to vector<1x16xf32>
        tpu.vector_store %arg8[%parallel_loop3A_456, %parallel_loop3A_457], %parallel_loop3A_460 {add = true, strides = array<i32>} : memref<32x768xf32, #tpu.memory_space<vmem>>, vector<1x16xf32>,
        %parallel_loop3A_461 = arith.index_cast %parallel_loop3A_154 : i32 to index
        %parallel_loop3A_462 = arith.constant 544 : index
        %parallel_loop3A_463 = tpu.vector_load %arg5[%parallel_loop3A_461, %parallel_loop3A_462] {strides = array<i32>} : memref<32x768xf32, #tpu.memory_space<vmem>>, vector<1x16xf32>,
        %parallel_loop3A_464 = vector.shape_cast %parallel_loop3A_463 : vector<1x16xf32> to vector<16xf32>
        %parallel_loop3A_465 = arith.index_cast %parallel_loop3A_154 : i32 to index
        %parallel_loop3A_466 = arith.constant 544 : index
        %parallel_loop3A_467 = tpu.vector_load %arg8[%parallel_loop3A_465, %parallel_loop3A_466] {strides = array<i32>} : memref<32x768xf32, #tpu.memory_space<vmem>>, vector<1x16xf32>,
        %parallel_loop3A_468 = vector.shape_cast %parallel_loop3A_467 : vector<1x16xf32> to vector<16xf32>
        %parallel_loop3A_469 = vector.shape_cast %parallel_loop3A_464 : vector<16xf32> to vector<1x16xf32>
        tpu.vector_store %arg8[%parallel_loop3A_465, %parallel_loop3A_466], %parallel_loop3A_469 {add = true, strides = array<i32>} : memref<32x768xf32, #tpu.memory_space<vmem>>, vector<1x16xf32>,
        %parallel_loop3A_470 = arith.index_cast %parallel_loop3A_154 : i32 to index
        %parallel_loop3A_471 = arith.constant 560 : index
        %parallel_loop3A_472 = tpu.vector_load %arg5[%parallel_loop3A_470, %parallel_loop3A_471] {strides = array<i32>} : memref<32x768xf32, #tpu.memory_space<vmem>>, vector<1x16xf32>,
        %parallel_loop3A_473 = vector.shape_cast %parallel_loop3A_472 : vector<1x16xf32> to vector<16xf32>
        %parallel_loop3A_474 = arith.index_cast %parallel_loop3A_154 : i32 to index
        %parallel_loop3A_475 = arith.constant 560 : index
        %parallel_loop3A_476 = tpu.vector_load %arg8[%parallel_loop3A_474, %parallel_loop3A_475] {strides = array<i32>} : memref<32x768xf32, #tpu.memory_space<vmem>>, vector<1x16xf32>,
        %parallel_loop3A_477 = vector.shape_cast %parallel_loop3A_476 : vector<1x16xf32> to vector<16xf32>
        %parallel_loop3A_478 = vector.shape_cast %parallel_loop3A_473 : vector<16xf32> to vector<1x16xf32>
        tpu.vector_store %arg8[%parallel_loop3A_474, %parallel_loop3A_475], %parallel_loop3A_478 {add = true, strides = array<i32>} : memref<32x768xf32, #tpu.memory_space<vmem>>, vector<1x16xf32>,
        %parallel_loop3A_479 = arith.index_cast %parallel_loop3A_154 : i32 to index
        %parallel_loop3A_480 = arith.constant 576 : index
        %parallel_loop3A_481 = tpu.vector_load %arg5[%parallel_loop3A_479, %parallel_loop3A_480] {strides = array<i32>} : memref<32x768xf32, #tpu.memory_space<vmem>>, vector<1x16xf32>,
        %parallel_loop3A_482 = vector.shape_cast %parallel_loop3A_481 : vector<1x16xf32> to vector<16xf32>
        %parallel_loop3A_483 = arith.index_cast %parallel_loop3A_154 : i32 to index
        %parallel_loop3A_484 = arith.constant 576 : index
        %parallel_loop3A_485 = tpu.vector_load %arg8[%parallel_loop3A_483, %parallel_loop3A_484] {strides = array<i32>} : memref<32x768xf32, #tpu.memory_space<vmem>>, vector<1x16xf32>,
        %parallel_loop3A_486 = vector.shape_cast %parallel_loop3A_485 : vector<1x16xf32> to vector<16xf32>
        %parallel_loop3A_487 = vector.shape_cast %parallel_loop3A_482 : vector<16xf32> to vector<1x16xf32>
        tpu.vector_store %arg8[%parallel_loop3A_483, %parallel_loop3A_484], %parallel_loop3A_487 {add = true, strides = array<i32>} : memref<32x768xf32, #tpu.memory_space<vmem>>, vector<1x16xf32>,
        %parallel_loop3A_488 = arith.index_cast %parallel_loop3A_154 : i32 to index
        %parallel_loop3A_489 = arith.constant 592 : index
        %parallel_loop3A_490 = tpu.vector_load %arg5[%parallel_loop3A_488, %parallel_loop3A_489] {strides = array<i32>} : memref<32x768xf32, #tpu.memory_space<vmem>>, vector<1x16xf32>,
        %parallel_loop3A_491 = vector.shape_cast %parallel_loop3A_490 : vector<1x16xf32> to vector<16xf32>
        %parallel_loop3A_492 = arith.index_cast %parallel_loop3A_154 : i32 to index
        %parallel_loop3A_493 = arith.constant 592 : index
        %parallel_loop3A_494 = tpu.vector_load %arg8[%parallel_loop3A_492, %parallel_loop3A_493] {strides = array<i32>} : memref<32x768xf32, #tpu.memory_space<vmem>>, vector<1x16xf32>,
        %parallel_loop3A_495 = vector.shape_cast %parallel_loop3A_494 : vector<1x16xf32> to vector<16xf32>
        %parallel_loop3A_496 = vector.shape_cast %parallel_loop3A_491 : vector<16xf32> to vector<1x16xf32>
        tpu.vector_store %arg8[%parallel_loop3A_492, %parallel_loop3A_493], %parallel_loop3A_496 {add = true, strides = array<i32>} : memref<32x768xf32, #tpu.memory_space<vmem>>, vector<1x16xf32>,
        %parallel_loop3A_497 = arith.index_cast %parallel_loop3A_154 : i32 to index
        %parallel_loop3A_498 = arith.constant 608 : index
        %parallel_loop3A_499 = tpu.vector_load %arg5[%parallel_loop3A_497, %parallel_loop3A_498] {strides = array<i32>} : memref<32x768xf32, #tpu.memory_space<vmem>>, vector<1x16xf32>,
        %parallel_loop3A_500 = vector.shape_cast %parallel_loop3A_499 : vector<1x16xf32> to vector<16xf32>
        %parallel_loop3A_501 = arith.index_cast %parallel_loop3A_154 : i32 to index
        %parallel_loop3A_502 = arith.constant 608 : index
        %parallel_loop3A_503 = tpu.vector_load %arg8[%parallel_loop3A_501, %parallel_loop3A_502] {strides = array<i32>} : memref<32x768xf32, #tpu.memory_space<vmem>>, vector<1x16xf32>,
        %parallel_loop3A_504 = vector.shape_cast %parallel_loop3A_503 : vector<1x16xf32> to vector<16xf32>
        %parallel_loop3A_505 = vector.shape_cast %parallel_loop3A_500 : vector<16xf32> to vector<1x16xf32>
        tpu.vector_store %arg8[%parallel_loop3A_501, %parallel_loop3A_502], %parallel_loop3A_505 {add = true, strides = array<i32>} : memref<32x768xf32, #tpu.memory_space<vmem>>, vector<1x16xf32>,
        %parallel_loop3A_506 = arith.index_cast %parallel_loop3A_154 : i32 to index
        %parallel_loop3A_507 = arith.constant 624 : index
        %parallel_loop3A_508 = tpu.vector_load %arg5[%parallel_loop3A_506, %parallel_loop3A_507] {strides = array<i32>} : memref<32x768xf32, #tpu.memory_space<vmem>>, vector<1x16xf32>,
        %parallel_loop3A_509 = vector.shape_cast %parallel_loop3A_508 : vector<1x16xf32> to vector<16xf32>
        %parallel_loop3A_510 = arith.index_cast %parallel_loop3A_154 : i32 to index
        %parallel_loop3A_511 = arith.constant 624 : index
        %parallel_loop3A_512 = tpu.vector_load %arg8[%parallel_loop3A_510, %parallel_loop3A_511] {strides = array<i32>} : memref<32x768xf32, #tpu.memory_space<vmem>>, vector<1x16xf32>,
        %parallel_loop3A_513 = vector.shape_cast %parallel_loop3A_512 : vector<1x16xf32> to vector<16xf32>
        %parallel_loop3A_514 = vector.shape_cast %parallel_loop3A_509 : vector<16xf32> to vector<1x16xf32>
        tpu.vector_store %arg8[%parallel_loop3A_510, %parallel_loop3A_511], %parallel_loop3A_514 {add = true, strides = array<i32>} : memref<32x768xf32, #tpu.memory_space<vmem>>, vector<1x16xf32>,
        %parallel_loop3A_515 = arith.index_cast %parallel_loop3A_154 : i32 to index
        %parallel_loop3A_516 = arith.constant 640 : index
        %parallel_loop3A_517 = tpu.vector_load %arg5[%parallel_loop3A_515, %parallel_loop3A_516] {strides = array<i32>} : memref<32x768xf32, #tpu.memory_space<vmem>>, vector<1x16xf32>,
        %parallel_loop3A_518 = vector.shape_cast %parallel_loop3A_517 : vector<1x16xf32> to vector<16xf32>
        %parallel_loop3A_519 = arith.index_cast %parallel_loop3A_154 : i32 to index
        %parallel_loop3A_520 = arith.constant 640 : index
        %parallel_loop3A_521 = tpu.vector_load %arg8[%parallel_loop3A_519, %parallel_loop3A_520] {strides = array<i32>} : memref<32x768xf32, #tpu.memory_space<vmem>>, vector<1x16xf32>,
        %parallel_loop3A_522 = vector.shape_cast %parallel_loop3A_521 : vector<1x16xf32> to vector<16xf32>
        %parallel_loop3A_523 = vector.shape_cast %parallel_loop3A_518 : vector<16xf32> to vector<1x16xf32>
        tpu.vector_store %arg8[%parallel_loop3A_519, %parallel_loop3A_520], %parallel_loop3A_523 {add = true, strides = array<i32>} : memref<32x768xf32, #tpu.memory_space<vmem>>, vector<1x16xf32>,
        %parallel_loop3A_524 = arith.index_cast %parallel_loop3A_154 : i32 to index
        %parallel_loop3A_525 = arith.constant 656 : index
        %parallel_loop3A_526 = tpu.vector_load %arg5[%parallel_loop3A_524, %parallel_loop3A_525] {strides = array<i32>} : memref<32x768xf32, #tpu.memory_space<vmem>>, vector<1x16xf32>,
        %parallel_loop3A_527 = vector.shape_cast %parallel_loop3A_526 : vector<1x16xf32> to vector<16xf32>
        %parallel_loop3A_528 = arith.index_cast %parallel_loop3A_154 : i32 to index
        %parallel_loop3A_529 = arith.constant 656 : index
        %parallel_loop3A_530 = tpu.vector_load %arg8[%parallel_loop3A_528, %parallel_loop3A_529] {strides = array<i32>} : memref<32x768xf32, #tpu.memory_space<vmem>>, vector<1x16xf32>,
        %parallel_loop3A_531 = vector.shape_cast %parallel_loop3A_530 : vector<1x16xf32> to vector<16xf32>
        %parallel_loop3A_532 = vector.shape_cast %parallel_loop3A_527 : vector<16xf32> to vector<1x16xf32>
        tpu.vector_store %arg8[%parallel_loop3A_528, %parallel_loop3A_529], %parallel_loop3A_532 {add = true, strides = array<i32>} : memref<32x768xf32, #tpu.memory_space<vmem>>, vector<1x16xf32>,
        %parallel_loop3A_533 = arith.index_cast %parallel_loop3A_154 : i32 to index
        %parallel_loop3A_534 = arith.constant 672 : index
        %parallel_loop3A_535 = tpu.vector_load %arg5[%parallel_loop3A_533, %parallel_loop3A_534] {strides = array<i32>} : memref<32x768xf32, #tpu.memory_space<vmem>>, vector<1x16xf32>,
        %parallel_loop3A_536 = vector.shape_cast %parallel_loop3A_535 : vector<1x16xf32> to vector<16xf32>
        %parallel_loop3A_537 = arith.index_cast %parallel_loop3A_154 : i32 to index
        %parallel_loop3A_538 = arith.constant 672 : index
        %parallel_loop3A_539 = tpu.vector_load %arg8[%parallel_loop3A_537, %parallel_loop3A_538] {strides = array<i32>} : memref<32x768xf32, #tpu.memory_space<vmem>>, vector<1x16xf32>,
        %parallel_loop3A_540 = vector.shape_cast %parallel_loop3A_539 : vector<1x16xf32> to vector<16xf32>
        %parallel_loop3A_541 = vector.shape_cast %parallel_loop3A_536 : vector<16xf32> to vector<1x16xf32>
        tpu.vector_store %arg8[%parallel_loop3A_537, %parallel_loop3A_538], %parallel_loop3A_541 {add = true, strides = array<i32>} : memref<32x768xf32, #tpu.memory_space<vmem>>, vector<1x16xf32>,
        %parallel_loop3A_542 = arith.index_cast %parallel_loop3A_154 : i32 to index
        %parallel_loop3A_543 = arith.constant 688 : index
        %parallel_loop3A_544 = tpu.vector_load %arg5[%parallel_loop3A_542, %parallel_loop3A_543] {strides = array<i32>} : memref<32x768xf32, #tpu.memory_space<vmem>>, vector<1x16xf32>,
        %parallel_loop3A_545 = vector.shape_cast %parallel_loop3A_544 : vector<1x16xf32> to vector<16xf32>
        %parallel_loop3A_546 = arith.index_cast %parallel_loop3A_154 : i32 to index
        %parallel_loop3A_547 = arith.constant 688 : index
        %parallel_loop3A_548 = tpu.vector_load %arg8[%parallel_loop3A_546, %parallel_loop3A_547] {strides = array<i32>} : memref<32x768xf32, #tpu.memory_space<vmem>>, vector<1x16xf32>,
        %parallel_loop3A_549 = vector.shape_cast %parallel_loop3A_548 : vector<1x16xf32> to vector<16xf32>
        %parallel_loop3A_550 = vector.shape_cast %parallel_loop3A_545 : vector<16xf32> to vector<1x16xf32>
        tpu.vector_store %arg8[%parallel_loop3A_546, %parallel_loop3A_547], %parallel_loop3A_550 {add = true, strides = array<i32>} : memref<32x768xf32, #tpu.memory_space<vmem>>, vector<1x16xf32>,
        %parallel_loop3A_551 = arith.index_cast %parallel_loop3A_154 : i32 to index
        %parallel_loop3A_552 = arith.constant 704 : index
        %parallel_loop3A_553 = tpu.vector_load %arg5[%parallel_loop3A_551, %parallel_loop3A_552] {strides = array<i32>} : memref<32x768xf32, #tpu.memory_space<vmem>>, vector<1x16xf32>,
        %parallel_loop3A_554 = vector.shape_cast %parallel_loop3A_553 : vector<1x16xf32> to vector<16xf32>
        %parallel_loop3A_555 = arith.index_cast %parallel_loop3A_154 : i32 to index
        %parallel_loop3A_556 = arith.constant 704 : index
        %parallel_loop3A_557 = tpu.vector_load %arg8[%parallel_loop3A_555, %parallel_loop3A_556] {strides = array<i32>} : memref<32x768xf32, #tpu.memory_space<vmem>>, vector<1x16xf32>,
        %parallel_loop3A_558 = vector.shape_cast %parallel_loop3A_557 : vector<1x16xf32> to vector<16xf32>
        %parallel_loop3A_559 = vector.shape_cast %parallel_loop3A_554 : vector<16xf32> to vector<1x16xf32>
        tpu.vector_store %arg8[%parallel_loop3A_555, %parallel_loop3A_556], %parallel_loop3A_559 {add = true, strides = array<i32>} : memref<32x768xf32, #tpu.memory_space<vmem>>, vector<1x16xf32>,
        %parallel_loop3A_560 = arith.index_cast %parallel_loop3A_154 : i32 to index
        %parallel_loop3A_561 = arith.constant 720 : index
        %parallel_loop3A_562 = tpu.vector_load %arg5[%parallel_loop3A_560, %parallel_loop3A_561] {strides = array<i32>} : memref<32x768xf32, #tpu.memory_space<vmem>>, vector<1x16xf32>,
        %parallel_loop3A_563 = vector.shape_cast %parallel_loop3A_562 : vector<1x16xf32> to vector<16xf32>
        %parallel_loop3A_564 = arith.index_cast %parallel_loop3A_154 : i32 to index
        %parallel_loop3A_565 = arith.constant 720 : index
        %parallel_loop3A_566 = tpu.vector_load %arg8[%parallel_loop3A_564, %parallel_loop3A_565] {strides = array<i32>} : memref<32x768xf32, #tpu.memory_space<vmem>>, vector<1x16xf32>,
        %parallel_loop3A_567 = vector.shape_cast %parallel_loop3A_566 : vector<1x16xf32> to vector<16xf32>
        %parallel_loop3A_568 = vector.shape_cast %parallel_loop3A_563 : vector<16xf32> to vector<1x16xf32>
        tpu.vector_store %arg8[%parallel_loop3A_564, %parallel_loop3A_565], %parallel_loop3A_568 {add = true, strides = array<i32>} : memref<32x768xf32, #tpu.memory_space<vmem>>, vector<1x16xf32>,
        %parallel_loop3A_569 = arith.index_cast %parallel_loop3A_154 : i32 to index
        %parallel_loop3A_570 = arith.constant 736 : index
        %parallel_loop3A_571 = tpu.vector_load %arg5[%parallel_loop3A_569, %parallel_loop3A_570] {strides = array<i32>} : memref<32x768xf32, #tpu.memory_space<vmem>>, vector<1x16xf32>,
        %parallel_loop3A_572 = vector.shape_cast %parallel_loop3A_571 : vector<1x16xf32> to vector<16xf32>
        %parallel_loop3A_573 = arith.index_cast %parallel_loop3A_154 : i32 to index
        %parallel_loop3A_574 = arith.constant 736 : index
        %parallel_loop3A_575 = tpu.vector_load %arg8[%parallel_loop3A_573, %parallel_loop3A_574] {strides = array<i32>} : memref<32x768xf32, #tpu.memory_space<vmem>>, vector<1x16xf32>,
        %parallel_loop3A_576 = vector.shape_cast %parallel_loop3A_575 : vector<1x16xf32> to vector<16xf32>
        %parallel_loop3A_577 = vector.shape_cast %parallel_loop3A_572 : vector<16xf32> to vector<1x16xf32>
        tpu.vector_store %arg8[%parallel_loop3A_573, %parallel_loop3A_574], %parallel_loop3A_577 {add = true, strides = array<i32>} : memref<32x768xf32, #tpu.memory_space<vmem>>, vector<1x16xf32>,
        %parallel_loop3A_578 = arith.index_cast %parallel_loop3A_154 : i32 to index
        %parallel_loop3A_579 = arith.constant 752 : index
        %parallel_loop3A_580 = tpu.vector_load %arg5[%parallel_loop3A_578, %parallel_loop3A_579] {strides = array<i32>} : memref<32x768xf32, #tpu.memory_space<vmem>>, vector<1x16xf32>,
        %parallel_loop3A_581 = vector.shape_cast %parallel_loop3A_580 : vector<1x16xf32> to vector<16xf32>
        %parallel_loop3A_582 = arith.index_cast %parallel_loop3A_154 : i32 to index
        %parallel_loop3A_583 = arith.constant 752 : index
        %parallel_loop3A_584 = tpu.vector_load %arg8[%parallel_loop3A_582, %parallel_loop3A_583] {strides = array<i32>} : memref<32x768xf32, #tpu.memory_space<vmem>>, vector<1x16xf32>,
        %parallel_loop3A_585 = vector.shape_cast %parallel_loop3A_584 : vector<1x16xf32> to vector<16xf32>
        %parallel_loop3A_586 = vector.shape_cast %parallel_loop3A_581 : vector<16xf32> to vector<1x16xf32>
        tpu.vector_store %arg8[%parallel_loop3A_582, %parallel_loop3A_583], %parallel_loop3A_586 {add = true, strides = array<i32>} : memref<32x768xf32, #tpu.memory_space<vmem>>, vector<1x16xf32>,
      } {sc.loop_unroll_factor = 1 : i64, sc.parallel_access}
      %dma_start3A_117 = arith.constant 0 : i32
      %dma_start3A_118 = tpu.memref_slice %arg4[%add3A_95, %mul3A_2, %dma_start3A_117] : memref<32x1024x768xf32, #tpu.memory_space<hbm>> -> memref<1x32x768xf32, #tpu.memory_space<hbm>>
      %dma_start3A_119 = tpu.memref_squeeze %dma_start3A_118 : memref<1x32x768xf32, #tpu.memory_space<hbm>> -> memref<32x768xf32, #tpu.memory_space<hbm>>
      %dma_start3A_120 = arith.constant 0 : i32
      %dma_start3A_121 = tpu.memref_slice %arg4[%add3A_95, %mul3A_2, %dma_start3A_120] : memref<32x1024x768xf32, #tpu.memory_space<hbm>> -> memref<1x32x768xf32, #tpu.memory_space<hbm>>
      %dma_start3A_122 = tpu.memref_squeeze %dma_start3A_121 : memref<1x32x768xf32, #tpu.memory_space<hbm>> -> memref<32x768xf32, #tpu.memory_space<hbm>>
      tpu.enqueue_dma source(%arg8 : memref<32x768xf32, #tpu.memory_space<vmem>>) target(%dma_start3A_122 : memref<32x768xf32, #tpu.memory_space<hbm>>) target_semaphore(%arg16 : memref<!tpu.dma_semaphore, #tpu.memory_space<semaphore_mem>>)
      %mul3A_123 = arith.constant 4 : i32
      %mul3A_124 = arith.muli %mul3A_123, %scan3A_34 : i32
      %add3A_125 = arith.constant 3 : i32
      %add3A_126 = arith.addi %mul3A_124, %add3A_125 : i32
      %ge3A_127 = arith.constant 2 : i32
      %ge3A_128 = arith.cmpi sge, %add3A_126, %ge3A_127 : i32
      %convert_element_type3A_129 = arith.extui %ge3A_128 : i1 to i32
      %cond3A_130 = arith.constant 0 : i32
      %cond3A_131 = arith.cmpi ne, %convert_element_type3A_129, %cond3A_130 : i32
      scf.if %cond3A_131 {
        %sub3A = arith.constant 2 : i32
        %sub3A_154 = arith.subi %add3A_126, %sub3A : i32
        %dma_wait3A_155 = arith.constant 0 : i32
        %dma_wait3A_156 = tpu.memref_slice %arg4[%sub3A_154, %mul3A_2, %dma_wait3A_155] : memref<32x1024x768xf32, #tpu.memory_space<hbm>> -> memref<1x32x768xf32, #tpu.memory_space<hbm>>
        %dma_wait3A_157 = tpu.memref_squeeze %dma_wait3A_156 : memref<1x32x768xf32, #tpu.memory_space<hbm>> -> memref<32x768xf32, #tpu.memory_space<hbm>>
        %dma_wait3A_158 = arith.constant 0 : i32
        %dma_wait3A_159 = tpu.memref_slice %arg4[%sub3A_154, %mul3A_2, %dma_wait3A_158] : memref<32x1024x768xf32, #tpu.memory_space<hbm>> -> memref<1x32x768xf32, #tpu.memory_space<hbm>>
        %dma_wait3A_160 = tpu.memref_squeeze %dma_wait3A_159 : memref<1x32x768xf32, #tpu.memory_space<hbm>> -> memref<32x768xf32, #tpu.memory_space<hbm>>
        tpu.wait_dma2 semaphore(%arg15 : memref<!tpu.dma_semaphore, #tpu.memory_space<semaphore_mem>>) src(%arg7 : memref<32x768xf32, #tpu.memory_space<vmem>>) dst(%dma_wait3A_160 : memref<32x768xf32, #tpu.memory_space<hbm>>)
      } else {
      }
      %add3A_132 = arith.constant 2 : i32
      %add3A_133 = arith.addi %add3A_126, %add3A_132 : i32
      %lt3A_134 = arith.constant 32 : i32
      %lt3A_135 = arith.cmpi slt, %add3A_133, %lt3A_134 : i32
      %convert_element_type3A_136 = arith.extui %lt3A_135 : i1 to i32
      %cond3A_137 = arith.constant 0 : i32
      %cond3A_138 = arith.cmpi ne, %convert_element_type3A_136, %cond3A_137 : i32
      scf.if %cond3A_138 {
        %add3A_154 = arith.constant 2 : i32
        %add3A_155 = arith.addi %add3A_126, %add3A_154 : i32
        %dma_start3A_156 = arith.constant 0 : i32
        %dma_start3A_157 = tpu.memref_slice %arg2[%add3A_155, %mul3A_2, %dma_start3A_156] : memref<32x1024x768xf32, #tpu.memory_space<hbm>> -> memref<1x32x768xf32, #tpu.memory_space<hbm>>
        %dma_start3A_158 = tpu.memref_squeeze %dma_start3A_157 : memref<1x32x768xf32, #tpu.memory_space<hbm>> -> memref<32x768xf32, #tpu.memory_space<hbm>>
        %dma_start3A_159 = arith.constant 0 : i32
        %dma_start3A_160 = tpu.memref_slice %arg2[%add3A_155, %mul3A_2, %dma_start3A_159] : memref<32x1024x768xf32, #tpu.memory_space<hbm>> -> memref<1x32x768xf32, #tpu.memory_space<hbm>>
        %dma_start3A_161 = tpu.memref_squeeze %dma_start3A_160 : memref<1x32x768xf32, #tpu.memory_space<hbm>> -> memref<32x768xf32, #tpu.memory_space<hbm>>
        tpu.enqueue_dma source(%dma_start3A_161 : memref<32x768xf32, #tpu.memory_space<hbm>>) target(%arg7 : memref<32x768xf32, #tpu.memory_space<vmem>>) target_semaphore(%arg11 : memref<!tpu.dma_semaphore, #tpu.memory_space<semaphore_mem>>)
      } else {
      }
      %dma_wait3A_139 = arith.constant 0 : i32
      %dma_wait3A_140 = tpu.memref_slice %arg2[%add3A_126, %mul3A_2, %dma_wait3A_139] : memref<32x1024x768xf32, #tpu.memory_space<hbm>> -> memref<1x32x768xf32, #tpu.memory_space<hbm>>
      %dma_wait3A_141 = tpu.memref_squeeze %dma_wait3A_140 : memref<1x32x768xf32, #tpu.memory_space<hbm>> -> memref<32x768xf32, #tpu.memory_space<hbm>>
      %dma_wait3A_142 = arith.constant 0 : i32
      %dma_wait3A_143 = tpu.memref_slice %arg2[%add3A_126, %mul3A_2, %dma_wait3A_142] : memref<32x1024x768xf32, #tpu.memory_space<hbm>> -> memref<1x32x768xf32, #tpu.memory_space<hbm>>
      %dma_wait3A_144 = tpu.memref_squeeze %dma_wait3A_143 : memref<1x32x768xf32, #tpu.memory_space<hbm>> -> memref<32x768xf32, #tpu.memory_space<hbm>>
      tpu.wait_dma2 semaphore(%arg13 : memref<!tpu.dma_semaphore, #tpu.memory_space<semaphore_mem>>) src(%dma_wait3A_144 : memref<32x768xf32, #tpu.memory_space<hbm>>) dst(%arg9 : memref<32x768xf32, #tpu.memory_space<vmem>>)
      %parallel_loop3A_145 = arith.constant 0 : i32
      %parallel_loop3A_146 = arith.constant 32 : i32
      %parallel_loop3A_147 = arith.constant 1 : i32
      scf.for %parallel_loop3A_154 = %parallel_loop3A_145 to %parallel_loop3A_146 step %parallel_loop3A_147  : i32 {
        %parallel_loop3A_155 = arith.index_cast %parallel_loop3A_154 : i32 to index
        %parallel_loop3A_156 = arith.constant 0 : index
        %parallel_loop3A_157 = tpu.vector_load %arg5[%parallel_loop3A_155, %parallel_loop3A_156] {strides = array<i32>} : memref<32x768xf32, #tpu.memory_space<vmem>>, vector<1x16xf32>,
        %parallel_loop3A_158 = vector.shape_cast %parallel_loop3A_157 : vector<1x16xf32> to vector<16xf32>
        %parallel_loop3A_159 = arith.index_cast %parallel_loop3A_154 : i32 to index
        %parallel_loop3A_160 = arith.constant 0 : index
        %parallel_loop3A_161 = tpu.vector_load %arg9[%parallel_loop3A_159, %parallel_loop3A_160] {strides = array<i32>} : memref<32x768xf32, #tpu.memory_space<vmem>>, vector<1x16xf32>,
        %parallel_loop3A_162 = vector.shape_cast %parallel_loop3A_161 : vector<1x16xf32> to vector<16xf32>
        %parallel_loop3A_163 = vector.shape_cast %parallel_loop3A_158 : vector<16xf32> to vector<1x16xf32>
        tpu.vector_store %arg9[%parallel_loop3A_159, %parallel_loop3A_160], %parallel_loop3A_163 {add = true, strides = array<i32>} : memref<32x768xf32, #tpu.memory_space<vmem>>, vector<1x16xf32>,
        %parallel_loop3A_164 = arith.index_cast %parallel_loop3A_154 : i32 to index
        %parallel_loop3A_165 = arith.constant 16 : index
        %parallel_loop3A_166 = tpu.vector_load %arg5[%parallel_loop3A_164, %parallel_loop3A_165] {strides = array<i32>} : memref<32x768xf32, #tpu.memory_space<vmem>>, vector<1x16xf32>,
        %parallel_loop3A_167 = vector.shape_cast %parallel_loop3A_166 : vector<1x16xf32> to vector<16xf32>
        %parallel_loop3A_168 = arith.index_cast %parallel_loop3A_154 : i32 to index
        %parallel_loop3A_169 = arith.constant 16 : index
        %parallel_loop3A_170 = tpu.vector_load %arg9[%parallel_loop3A_168, %parallel_loop3A_169] {strides = array<i32>} : memref<32x768xf32, #tpu.memory_space<vmem>>, vector<1x16xf32>,
        %parallel_loop3A_171 = vector.shape_cast %parallel_loop3A_170 : vector<1x16xf32> to vector<16xf32>
        %parallel_loop3A_172 = vector.shape_cast %parallel_loop3A_167 : vector<16xf32> to vector<1x16xf32>
        tpu.vector_store %arg9[%parallel_loop3A_168, %parallel_loop3A_169], %parallel_loop3A_172 {add = true, strides = array<i32>} : memref<32x768xf32, #tpu.memory_space<vmem>>, vector<1x16xf32>,
        %parallel_loop3A_173 = arith.index_cast %parallel_loop3A_154 : i32 to index
        %parallel_loop3A_174 = arith.constant 32 : index
        %parallel_loop3A_175 = tpu.vector_load %arg5[%parallel_loop3A_173, %parallel_loop3A_174] {strides = array<i32>} : memref<32x768xf32, #tpu.memory_space<vmem>>, vector<1x16xf32>,
        %parallel_loop3A_176 = vector.shape_cast %parallel_loop3A_175 : vector<1x16xf32> to vector<16xf32>
        %parallel_loop3A_177 = arith.index_cast %parallel_loop3A_154 : i32 to index
        %parallel_loop3A_178 = arith.constant 32 : index
        %parallel_loop3A_179 = tpu.vector_load %arg9[%parallel_loop3A_177, %parallel_loop3A_178] {strides = array<i32>} : memref<32x768xf32, #tpu.memory_space<vmem>>, vector<1x16xf32>,
        %parallel_loop3A_180 = vector.shape_cast %parallel_loop3A_179 : vector<1x16xf32> to vector<16xf32>
        %parallel_loop3A_181 = vector.shape_cast %parallel_loop3A_176 : vector<16xf32> to vector<1x16xf32>
        tpu.vector_store %arg9[%parallel_loop3A_177, %parallel_loop3A_178], %parallel_loop3A_181 {add = true, strides = array<i32>} : memref<32x768xf32, #tpu.memory_space<vmem>>, vector<1x16xf32>,
        %parallel_loop3A_182 = arith.index_cast %parallel_loop3A_154 : i32 to index
        %parallel_loop3A_183 = arith.constant 48 : index
        %parallel_loop3A_184 = tpu.vector_load %arg5[%parallel_loop3A_182, %parallel_loop3A_183] {strides = array<i32>} : memref<32x768xf32, #tpu.memory_space<vmem>>, vector<1x16xf32>,
        %parallel_loop3A_185 = vector.shape_cast %parallel_loop3A_184 : vector<1x16xf32> to vector<16xf32>
        %parallel_loop3A_186 = arith.index_cast %parallel_loop3A_154 : i32 to index
        %parallel_loop3A_187 = arith.constant 48 : index
        %parallel_loop3A_188 = tpu.vector_load %arg9[%parallel_loop3A_186, %parallel_loop3A_187] {strides = array<i32>} : memref<32x768xf32, #tpu.memory_space<vmem>>, vector<1x16xf32>,
        %parallel_loop3A_189 = vector.shape_cast %parallel_loop3A_188 : vector<1x16xf32> to vector<16xf32>
        %parallel_loop3A_190 = vector.shape_cast %parallel_loop3A_185 : vector<16xf32> to vector<1x16xf32>
        tpu.vector_store %arg9[%parallel_loop3A_186, %parallel_loop3A_187], %parallel_loop3A_190 {add = true, strides = array<i32>} : memref<32x768xf32, #tpu.memory_space<vmem>>, vector<1x16xf32>,
        %parallel_loop3A_191 = arith.index_cast %parallel_loop3A_154 : i32 to index
        %parallel_loop3A_192 = arith.constant 64 : index
        %parallel_loop3A_193 = tpu.vector_load %arg5[%parallel_loop3A_191, %parallel_loop3A_192] {strides = array<i32>} : memref<32x768xf32, #tpu.memory_space<vmem>>, vector<1x16xf32>,
        %parallel_loop3A_194 = vector.shape_cast %parallel_loop3A_193 : vector<1x16xf32> to vector<16xf32>
        %parallel_loop3A_195 = arith.index_cast %parallel_loop3A_154 : i32 to index
        %parallel_loop3A_196 = arith.constant 64 : index
        %parallel_loop3A_197 = tpu.vector_load %arg9[%parallel_loop3A_195, %parallel_loop3A_196] {strides = array<i32>} : memref<32x768xf32, #tpu.memory_space<vmem>>, vector<1x16xf32>,
        %parallel_loop3A_198 = vector.shape_cast %parallel_loop3A_197 : vector<1x16xf32> to vector<16xf32>
        %parallel_loop3A_199 = vector.shape_cast %parallel_loop3A_194 : vector<16xf32> to vector<1x16xf32>
        tpu.vector_store %arg9[%parallel_loop3A_195, %parallel_loop3A_196], %parallel_loop3A_199 {add = true, strides = array<i32>} : memref<32x768xf32, #tpu.memory_space<vmem>>, vector<1x16xf32>,
        %parallel_loop3A_200 = arith.index_cast %parallel_loop3A_154 : i32 to index
        %parallel_loop3A_201 = arith.constant 80 : index
        %parallel_loop3A_202 = tpu.vector_load %arg5[%parallel_loop3A_200, %parallel_loop3A_201] {strides = array<i32>} : memref<32x768xf32, #tpu.memory_space<vmem>>, vector<1x16xf32>,
        %parallel_loop3A_203 = vector.shape_cast %parallel_loop3A_202 : vector<1x16xf32> to vector<16xf32>
        %parallel_loop3A_204 = arith.index_cast %parallel_loop3A_154 : i32 to index
        %parallel_loop3A_205 = arith.constant 80 : index
        %parallel_loop3A_206 = tpu.vector_load %arg9[%parallel_loop3A_204, %parallel_loop3A_205] {strides = array<i32>} : memref<32x768xf32, #tpu.memory_space<vmem>>, vector<1x16xf32>,
        %parallel_loop3A_207 = vector.shape_cast %parallel_loop3A_206 : vector<1x16xf32> to vector<16xf32>
        %parallel_loop3A_208 = vector.shape_cast %parallel_loop3A_203 : vector<16xf32> to vector<1x16xf32>
        tpu.vector_store %arg9[%parallel_loop3A_204, %parallel_loop3A_205], %parallel_loop3A_208 {add = true, strides = array<i32>} : memref<32x768xf32, #tpu.memory_space<vmem>>, vector<1x16xf32>,
        %parallel_loop3A_209 = arith.index_cast %parallel_loop3A_154 : i32 to index
        %parallel_loop3A_210 = arith.constant 96 : index
        %parallel_loop3A_211 = tpu.vector_load %arg5[%parallel_loop3A_209, %parallel_loop3A_210] {strides = array<i32>} : memref<32x768xf32, #tpu.memory_space<vmem>>, vector<1x16xf32>,
        %parallel_loop3A_212 = vector.shape_cast %parallel_loop3A_211 : vector<1x16xf32> to vector<16xf32>
        %parallel_loop3A_213 = arith.index_cast %parallel_loop3A_154 : i32 to index
        %parallel_loop3A_214 = arith.constant 96 : index
        %parallel_loop3A_215 = tpu.vector_load %arg9[%parallel_loop3A_213, %parallel_loop3A_214] {strides = array<i32>} : memref<32x768xf32, #tpu.memory_space<vmem>>, vector<1x16xf32>,
        %parallel_loop3A_216 = vector.shape_cast %parallel_loop3A_215 : vector<1x16xf32> to vector<16xf32>
        %parallel_loop3A_217 = vector.shape_cast %parallel_loop3A_212 : vector<16xf32> to vector<1x16xf32>
        tpu.vector_store %arg9[%parallel_loop3A_213, %parallel_loop3A_214], %parallel_loop3A_217 {add = true, strides = array<i32>} : memref<32x768xf32, #tpu.memory_space<vmem>>, vector<1x16xf32>,
        %parallel_loop3A_218 = arith.index_cast %parallel_loop3A_154 : i32 to index
        %parallel_loop3A_219 = arith.constant 112 : index
        %parallel_loop3A_220 = tpu.vector_load %arg5[%parallel_loop3A_218, %parallel_loop3A_219] {strides = array<i32>} : memref<32x768xf32, #tpu.memory_space<vmem>>, vector<1x16xf32>,
        %parallel_loop3A_221 = vector.shape_cast %parallel_loop3A_220 : vector<1x16xf32> to vector<16xf32>
        %parallel_loop3A_222 = arith.index_cast %parallel_loop3A_154 : i32 to index
        %parallel_loop3A_223 = arith.constant 112 : index
        %parallel_loop3A_224 = tpu.vector_load %arg9[%parallel_loop3A_222, %parallel_loop3A_223] {strides = array<i32>} : memref<32x768xf32, #tpu.memory_space<vmem>>, vector<1x16xf32>,
        %parallel_loop3A_225 = vector.shape_cast %parallel_loop3A_224 : vector<1x16xf32> to vector<16xf32>
        %parallel_loop3A_226 = vector.shape_cast %parallel_loop3A_221 : vector<16xf32> to vector<1x16xf32>
        tpu.vector_store %arg9[%parallel_loop3A_222, %parallel_loop3A_223], %parallel_loop3A_226 {add = true, strides = array<i32>} : memref<32x768xf32, #tpu.memory_space<vmem>>, vector<1x16xf32>,
        %parallel_loop3A_227 = arith.index_cast %parallel_loop3A_154 : i32 to index
        %parallel_loop3A_228 = arith.constant 128 : index
        %parallel_loop3A_229 = tpu.vector_load %arg5[%parallel_loop3A_227, %parallel_loop3A_228] {strides = array<i32>} : memref<32x768xf32, #tpu.memory_space<vmem>>, vector<1x16xf32>,
        %parallel_loop3A_230 = vector.shape_cast %parallel_loop3A_229 : vector<1x16xf32> to vector<16xf32>
        %parallel_loop3A_231 = arith.index_cast %parallel_loop3A_154 : i32 to index
        %parallel_loop3A_232 = arith.constant 128 : index
        %parallel_loop3A_233 = tpu.vector_load %arg9[%parallel_loop3A_231, %parallel_loop3A_232] {strides = array<i32>} : memref<32x768xf32, #tpu.memory_space<vmem>>, vector<1x16xf32>,
        %parallel_loop3A_234 = vector.shape_cast %parallel_loop3A_233 : vector<1x16xf32> to vector<16xf32>
        %parallel_loop3A_235 = vector.shape_cast %parallel_loop3A_230 : vector<16xf32> to vector<1x16xf32>
        tpu.vector_store %arg9[%parallel_loop3A_231, %parallel_loop3A_232], %parallel_loop3A_235 {add = true, strides = array<i32>} : memref<32x768xf32, #tpu.memory_space<vmem>>, vector<1x16xf32>,
        %parallel_loop3A_236 = arith.index_cast %parallel_loop3A_154 : i32 to index
        %parallel_loop3A_237 = arith.constant 144 : index
        %parallel_loop3A_238 = tpu.vector_load %arg5[%parallel_loop3A_236, %parallel_loop3A_237] {strides = array<i32>} : memref<32x768xf32, #tpu.memory_space<vmem>>, vector<1x16xf32>,
        %parallel_loop3A_239 = vector.shape_cast %parallel_loop3A_238 : vector<1x16xf32> to vector<16xf32>
        %parallel_loop3A_240 = arith.index_cast %parallel_loop3A_154 : i32 to index
        %parallel_loop3A_241 = arith.constant 144 : index
        %parallel_loop3A_242 = tpu.vector_load %arg9[%parallel_loop3A_240, %parallel_loop3A_241] {strides = array<i32>} : memref<32x768xf32, #tpu.memory_space<vmem>>, vector<1x16xf32>,
        %parallel_loop3A_243 = vector.shape_cast %parallel_loop3A_242 : vector<1x16xf32> to vector<16xf32>
        %parallel_loop3A_244 = vector.shape_cast %parallel_loop3A_239 : vector<16xf32> to vector<1x16xf32>
        tpu.vector_store %arg9[%parallel_loop3A_240, %parallel_loop3A_241], %parallel_loop3A_244 {add = true, strides = array<i32>} : memref<32x768xf32, #tpu.memory_space<vmem>>, vector<1x16xf32>,
        %parallel_loop3A_245 = arith.index_cast %parallel_loop3A_154 : i32 to index
        %parallel_loop3A_246 = arith.constant 160 : index
        %parallel_loop3A_247 = tpu.vector_load %arg5[%parallel_loop3A_245, %parallel_loop3A_246] {strides = array<i32>} : memref<32x768xf32, #tpu.memory_space<vmem>>, vector<1x16xf32>,
        %parallel_loop3A_248 = vector.shape_cast %parallel_loop3A_247 : vector<1x16xf32> to vector<16xf32>
        %parallel_loop3A_249 = arith.index_cast %parallel_loop3A_154 : i32 to index
        %parallel_loop3A_250 = arith.constant 160 : index
        %parallel_loop3A_251 = tpu.vector_load %arg9[%parallel_loop3A_249, %parallel_loop3A_250] {strides = array<i32>} : memref<32x768xf32, #tpu.memory_space<vmem>>, vector<1x16xf32>,
        %parallel_loop3A_252 = vector.shape_cast %parallel_loop3A_251 : vector<1x16xf32> to vector<16xf32>
        %parallel_loop3A_253 = vector.shape_cast %parallel_loop3A_248 : vector<16xf32> to vector<1x16xf32>
        tpu.vector_store %arg9[%parallel_loop3A_249, %parallel_loop3A_250], %parallel_loop3A_253 {add = true, strides = array<i32>} : memref<32x768xf32, #tpu.memory_space<vmem>>, vector<1x16xf32>,
        %parallel_loop3A_254 = arith.index_cast %parallel_loop3A_154 : i32 to index
        %parallel_loop3A_255 = arith.constant 176 : index
        %parallel_loop3A_256 = tpu.vector_load %arg5[%parallel_loop3A_254, %parallel_loop3A_255] {strides = array<i32>} : memref<32x768xf32, #tpu.memory_space<vmem>>, vector<1x16xf32>,
        %parallel_loop3A_257 = vector.shape_cast %parallel_loop3A_256 : vector<1x16xf32> to vector<16xf32>
        %parallel_loop3A_258 = arith.index_cast %parallel_loop3A_154 : i32 to index
        %parallel_loop3A_259 = arith.constant 176 : index
        %parallel_loop3A_260 = tpu.vector_load %arg9[%parallel_loop3A_258, %parallel_loop3A_259] {strides = array<i32>} : memref<32x768xf32, #tpu.memory_space<vmem>>, vector<1x16xf32>,
        %parallel_loop3A_261 = vector.shape_cast %parallel_loop3A_260 : vector<1x16xf32> to vector<16xf32>
        %parallel_loop3A_262 = vector.shape_cast %parallel_loop3A_257 : vector<16xf32> to vector<1x16xf32>
        tpu.vector_store %arg9[%parallel_loop3A_258, %parallel_loop3A_259], %parallel_loop3A_262 {add = true, strides = array<i32>} : memref<32x768xf32, #tpu.memory_space<vmem>>, vector<1x16xf32>,
        %parallel_loop3A_263 = arith.index_cast %parallel_loop3A_154 : i32 to index
        %parallel_loop3A_264 = arith.constant 192 : index
        %parallel_loop3A_265 = tpu.vector_load %arg5[%parallel_loop3A_263, %parallel_loop3A_264] {strides = array<i32>} : memref<32x768xf32, #tpu.memory_space<vmem>>, vector<1x16xf32>,
        %parallel_loop3A_266 = vector.shape_cast %parallel_loop3A_265 : vector<1x16xf32> to vector<16xf32>
        %parallel_loop3A_267 = arith.index_cast %parallel_loop3A_154 : i32 to index
        %parallel_loop3A_268 = arith.constant 192 : index
        %parallel_loop3A_269 = tpu.vector_load %arg9[%parallel_loop3A_267, %parallel_loop3A_268] {strides = array<i32>} : memref<32x768xf32, #tpu.memory_space<vmem>>, vector<1x16xf32>,
        %parallel_loop3A_270 = vector.shape_cast %parallel_loop3A_269 : vector<1x16xf32> to vector<16xf32>
        %parallel_loop3A_271 = vector.shape_cast %parallel_loop3A_266 : vector<16xf32> to vector<1x16xf32>
        tpu.vector_store %arg9[%parallel_loop3A_267, %parallel_loop3A_268], %parallel_loop3A_271 {add = true, strides = array<i32>} : memref<32x768xf32, #tpu.memory_space<vmem>>, vector<1x16xf32>,
        %parallel_loop3A_272 = arith.index_cast %parallel_loop3A_154 : i32 to index
        %parallel_loop3A_273 = arith.constant 208 : index
        %parallel_loop3A_274 = tpu.vector_load %arg5[%parallel_loop3A_272, %parallel_loop3A_273] {strides = array<i32>} : memref<32x768xf32, #tpu.memory_space<vmem>>, vector<1x16xf32>,
        %parallel_loop3A_275 = vector.shape_cast %parallel_loop3A_274 : vector<1x16xf32> to vector<16xf32>
        %parallel_loop3A_276 = arith.index_cast %parallel_loop3A_154 : i32 to index
        %parallel_loop3A_277 = arith.constant 208 : index
        %parallel_loop3A_278 = tpu.vector_load %arg9[%parallel_loop3A_276, %parallel_loop3A_277] {strides = array<i32>} : memref<32x768xf32, #tpu.memory_space<vmem>>, vector<1x16xf32>,
        %parallel_loop3A_279 = vector.shape_cast %parallel_loop3A_278 : vector<1x16xf32> to vector<16xf32>
        %parallel_loop3A_280 = vector.shape_cast %parallel_loop3A_275 : vector<16xf32> to vector<1x16xf32>
        tpu.vector_store %arg9[%parallel_loop3A_276, %parallel_loop3A_277], %parallel_loop3A_280 {add = true, strides = array<i32>} : memref<32x768xf32, #tpu.memory_space<vmem>>, vector<1x16xf32>,
        %parallel_loop3A_281 = arith.index_cast %parallel_loop3A_154 : i32 to index
        %parallel_loop3A_282 = arith.constant 224 : index
        %parallel_loop3A_283 = tpu.vector_load %arg5[%parallel_loop3A_281, %parallel_loop3A_282] {strides = array<i32>} : memref<32x768xf32, #tpu.memory_space<vmem>>, vector<1x16xf32>,
        %parallel_loop3A_284 = vector.shape_cast %parallel_loop3A_283 : vector<1x16xf32> to vector<16xf32>
        %parallel_loop3A_285 = arith.index_cast %parallel_loop3A_154 : i32 to index
        %parallel_loop3A_286 = arith.constant 224 : index
        %parallel_loop3A_287 = tpu.vector_load %arg9[%parallel_loop3A_285, %parallel_loop3A_286] {strides = array<i32>} : memref<32x768xf32, #tpu.memory_space<vmem>>, vector<1x16xf32>,
        %parallel_loop3A_288 = vector.shape_cast %parallel_loop3A_287 : vector<1x16xf32> to vector<16xf32>
        %parallel_loop3A_289 = vector.shape_cast %parallel_loop3A_284 : vector<16xf32> to vector<1x16xf32>
        tpu.vector_store %arg9[%parallel_loop3A_285, %parallel_loop3A_286], %parallel_loop3A_289 {add = true, strides = array<i32>} : memref<32x768xf32, #tpu.memory_space<vmem>>, vector<1x16xf32>,
        %parallel_loop3A_290 = arith.index_cast %parallel_loop3A_154 : i32 to index
        %parallel_loop3A_291 = arith.constant 240 : index
        %parallel_loop3A_292 = tpu.vector_load %arg5[%parallel_loop3A_290, %parallel_loop3A_291] {strides = array<i32>} : memref<32x768xf32, #tpu.memory_space<vmem>>, vector<1x16xf32>,
        %parallel_loop3A_293 = vector.shape_cast %parallel_loop3A_292 : vector<1x16xf32> to vector<16xf32>
        %parallel_loop3A_294 = arith.index_cast %parallel_loop3A_154 : i32 to index
        %parallel_loop3A_295 = arith.constant 240 : index
        %parallel_loop3A_296 = tpu.vector_load %arg9[%parallel_loop3A_294, %parallel_loop3A_295] {strides = array<i32>} : memref<32x768xf32, #tpu.memory_space<vmem>>, vector<1x16xf32>,
        %parallel_loop3A_297 = vector.shape_cast %parallel_loop3A_296 : vector<1x16xf32> to vector<16xf32>
        %parallel_loop3A_298 = vector.shape_cast %parallel_loop3A_293 : vector<16xf32> to vector<1x16xf32>
        tpu.vector_store %arg9[%parallel_loop3A_294, %parallel_loop3A_295], %parallel_loop3A_298 {add = true, strides = array<i32>} : memref<32x768xf32, #tpu.memory_space<vmem>>, vector<1x16xf32>,
        %parallel_loop3A_299 = arith.index_cast %parallel_loop3A_154 : i32 to index
        %parallel_loop3A_300 = arith.constant 256 : index
        %parallel_loop3A_301 = tpu.vector_load %arg5[%parallel_loop3A_299, %parallel_loop3A_300] {strides = array<i32>} : memref<32x768xf32, #tpu.memory_space<vmem>>, vector<1x16xf32>,
        %parallel_loop3A_302 = vector.shape_cast %parallel_loop3A_301 : vector<1x16xf32> to vector<16xf32>
        %parallel_loop3A_303 = arith.index_cast %parallel_loop3A_154 : i32 to index
        %parallel_loop3A_304 = arith.constant 256 : index
        %parallel_loop3A_305 = tpu.vector_load %arg9[%parallel_loop3A_303, %parallel_loop3A_304] {strides = array<i32>} : memref<32x768xf32, #tpu.memory_space<vmem>>, vector<1x16xf32>,
        %parallel_loop3A_306 = vector.shape_cast %parallel_loop3A_305 : vector<1x16xf32> to vector<16xf32>
        %parallel_loop3A_307 = vector.shape_cast %parallel_loop3A_302 : vector<16xf32> to vector<1x16xf32>
        tpu.vector_store %arg9[%parallel_loop3A_303, %parallel_loop3A_304], %parallel_loop3A_307 {add = true, strides = array<i32>} : memref<32x768xf32, #tpu.memory_space<vmem>>, vector<1x16xf32>,
        %parallel_loop3A_308 = arith.index_cast %parallel_loop3A_154 : i32 to index
        %parallel_loop3A_309 = arith.constant 272 : index
        %parallel_loop3A_310 = tpu.vector_load %arg5[%parallel_loop3A_308, %parallel_loop3A_309] {strides = array<i32>} : memref<32x768xf32, #tpu.memory_space<vmem>>, vector<1x16xf32>,
        %parallel_loop3A_311 = vector.shape_cast %parallel_loop3A_310 : vector<1x16xf32> to vector<16xf32>
        %parallel_loop3A_312 = arith.index_cast %parallel_loop3A_154 : i32 to index
        %parallel_loop3A_313 = arith.constant 272 : index
        %parallel_loop3A_314 = tpu.vector_load %arg9[%parallel_loop3A_312, %parallel_loop3A_313] {strides = array<i32>} : memref<32x768xf32, #tpu.memory_space<vmem>>, vector<1x16xf32>,
        %parallel_loop3A_315 = vector.shape_cast %parallel_loop3A_314 : vector<1x16xf32> to vector<16xf32>
        %parallel_loop3A_316 = vector.shape_cast %parallel_loop3A_311 : vector<16xf32> to vector<1x16xf32>
        tpu.vector_store %arg9[%parallel_loop3A_312, %parallel_loop3A_313], %parallel_loop3A_316 {add = true, strides = array<i32>} : memref<32x768xf32, #tpu.memory_space<vmem>>, vector<1x16xf32>,
        %parallel_loop3A_317 = arith.index_cast %parallel_loop3A_154 : i32 to index
        %parallel_loop3A_318 = arith.constant 288 : index
        %parallel_loop3A_319 = tpu.vector_load %arg5[%parallel_loop3A_317, %parallel_loop3A_318] {strides = array<i32>} : memref<32x768xf32, #tpu.memory_space<vmem>>, vector<1x16xf32>,
        %parallel_loop3A_320 = vector.shape_cast %parallel_loop3A_319 : vector<1x16xf32> to vector<16xf32>
        %parallel_loop3A_321 = arith.index_cast %parallel_loop3A_154 : i32 to index
        %parallel_loop3A_322 = arith.constant 288 : index
        %parallel_loop3A_323 = tpu.vector_load %arg9[%parallel_loop3A_321, %parallel_loop3A_322] {strides = array<i32>} : memref<32x768xf32, #tpu.memory_space<vmem>>, vector<1x16xf32>,
        %parallel_loop3A_324 = vector.shape_cast %parallel_loop3A_323 : vector<1x16xf32> to vector<16xf32>
        %parallel_loop3A_325 = vector.shape_cast %parallel_loop3A_320 : vector<16xf32> to vector<1x16xf32>
        tpu.vector_store %arg9[%parallel_loop3A_321, %parallel_loop3A_322], %parallel_loop3A_325 {add = true, strides = array<i32>} : memref<32x768xf32, #tpu.memory_space<vmem>>, vector<1x16xf32>,
        %parallel_loop3A_326 = arith.index_cast %parallel_loop3A_154 : i32 to index
        %parallel_loop3A_327 = arith.constant 304 : index
        %parallel_loop3A_328 = tpu.vector_load %arg5[%parallel_loop3A_326, %parallel_loop3A_327] {strides = array<i32>} : memref<32x768xf32, #tpu.memory_space<vmem>>, vector<1x16xf32>,
        %parallel_loop3A_329 = vector.shape_cast %parallel_loop3A_328 : vector<1x16xf32> to vector<16xf32>
        %parallel_loop3A_330 = arith.index_cast %parallel_loop3A_154 : i32 to index
        %parallel_loop3A_331 = arith.constant 304 : index
        %parallel_loop3A_332 = tpu.vector_load %arg9[%parallel_loop3A_330, %parallel_loop3A_331] {strides = array<i32>} : memref<32x768xf32, #tpu.memory_space<vmem>>, vector<1x16xf32>,
        %parallel_loop3A_333 = vector.shape_cast %parallel_loop3A_332 : vector<1x16xf32> to vector<16xf32>
        %parallel_loop3A_334 = vector.shape_cast %parallel_loop3A_329 : vector<16xf32> to vector<1x16xf32>
        tpu.vector_store %arg9[%parallel_loop3A_330, %parallel_loop3A_331], %parallel_loop3A_334 {add = true, strides = array<i32>} : memref<32x768xf32, #tpu.memory_space<vmem>>, vector<1x16xf32>,
        %parallel_loop3A_335 = arith.index_cast %parallel_loop3A_154 : i32 to index
        %parallel_loop3A_336 = arith.constant 320 : index
        %parallel_loop3A_337 = tpu.vector_load %arg5[%parallel_loop3A_335, %parallel_loop3A_336] {strides = array<i32>} : memref<32x768xf32, #tpu.memory_space<vmem>>, vector<1x16xf32>,
        %parallel_loop3A_338 = vector.shape_cast %parallel_loop3A_337 : vector<1x16xf32> to vector<16xf32>
        %parallel_loop3A_339 = arith.index_cast %parallel_loop3A_154 : i32 to index
        %parallel_loop3A_340 = arith.constant 320 : index
        %parallel_loop3A_341 = tpu.vector_load %arg9[%parallel_loop3A_339, %parallel_loop3A_340] {strides = array<i32>} : memref<32x768xf32, #tpu.memory_space<vmem>>, vector<1x16xf32>,
        %parallel_loop3A_342 = vector.shape_cast %parallel_loop3A_341 : vector<1x16xf32> to vector<16xf32>
        %parallel_loop3A_343 = vector.shape_cast %parallel_loop3A_338 : vector<16xf32> to vector<1x16xf32>
        tpu.vector_store %arg9[%parallel_loop3A_339, %parallel_loop3A_340], %parallel_loop3A_343 {add = true, strides = array<i32>} : memref<32x768xf32, #tpu.memory_space<vmem>>, vector<1x16xf32>,
        %parallel_loop3A_344 = arith.index_cast %parallel_loop3A_154 : i32 to index
        %parallel_loop3A_345 = arith.constant 336 : index
        %parallel_loop3A_346 = tpu.vector_load %arg5[%parallel_loop3A_344, %parallel_loop3A_345] {strides = array<i32>} : memref<32x768xf32, #tpu.memory_space<vmem>>, vector<1x16xf32>,
        %parallel_loop3A_347 = vector.shape_cast %parallel_loop3A_346 : vector<1x16xf32> to vector<16xf32>
        %parallel_loop3A_348 = arith.index_cast %parallel_loop3A_154 : i32 to index
        %parallel_loop3A_349 = arith.constant 336 : index
        %parallel_loop3A_350 = tpu.vector_load %arg9[%parallel_loop3A_348, %parallel_loop3A_349] {strides = array<i32>} : memref<32x768xf32, #tpu.memory_space<vmem>>, vector<1x16xf32>,
        %parallel_loop3A_351 = vector.shape_cast %parallel_loop3A_350 : vector<1x16xf32> to vector<16xf32>
        %parallel_loop3A_352 = vector.shape_cast %parallel_loop3A_347 : vector<16xf32> to vector<1x16xf32>
        tpu.vector_store %arg9[%parallel_loop3A_348, %parallel_loop3A_349], %parallel_loop3A_352 {add = true, strides = array<i32>} : memref<32x768xf32, #tpu.memory_space<vmem>>, vector<1x16xf32>,
        %parallel_loop3A_353 = arith.index_cast %parallel_loop3A_154 : i32 to index
        %parallel_loop3A_354 = arith.constant 352 : index
        %parallel_loop3A_355 = tpu.vector_load %arg5[%parallel_loop3A_353, %parallel_loop3A_354] {strides = array<i32>} : memref<32x768xf32, #tpu.memory_space<vmem>>, vector<1x16xf32>,
        %parallel_loop3A_356 = vector.shape_cast %parallel_loop3A_355 : vector<1x16xf32> to vector<16xf32>
        %parallel_loop3A_357 = arith.index_cast %parallel_loop3A_154 : i32 to index
        %parallel_loop3A_358 = arith.constant 352 : index
        %parallel_loop3A_359 = tpu.vector_load %arg9[%parallel_loop3A_357, %parallel_loop3A_358] {strides = array<i32>} : memref<32x768xf32, #tpu.memory_space<vmem>>, vector<1x16xf32>,
        %parallel_loop3A_360 = vector.shape_cast %parallel_loop3A_359 : vector<1x16xf32> to vector<16xf32>
        %parallel_loop3A_361 = vector.shape_cast %parallel_loop3A_356 : vector<16xf32> to vector<1x16xf32>
        tpu.vector_store %arg9[%parallel_loop3A_357, %parallel_loop3A_358], %parallel_loop3A_361 {add = true, strides = array<i32>} : memref<32x768xf32, #tpu.memory_space<vmem>>, vector<1x16xf32>,
        %parallel_loop3A_362 = arith.index_cast %parallel_loop3A_154 : i32 to index
        %parallel_loop3A_363 = arith.constant 368 : index
        %parallel_loop3A_364 = tpu.vector_load %arg5[%parallel_loop3A_362, %parallel_loop3A_363] {strides = array<i32>} : memref<32x768xf32, #tpu.memory_space<vmem>>, vector<1x16xf32>,
        %parallel_loop3A_365 = vector.shape_cast %parallel_loop3A_364 : vector<1x16xf32> to vector<16xf32>
        %parallel_loop3A_366 = arith.index_cast %parallel_loop3A_154 : i32 to index
        %parallel_loop3A_367 = arith.constant 368 : index
        %parallel_loop3A_368 = tpu.vector_load %arg9[%parallel_loop3A_366, %parallel_loop3A_367] {strides = array<i32>} : memref<32x768xf32, #tpu.memory_space<vmem>>, vector<1x16xf32>,
        %parallel_loop3A_369 = vector.shape_cast %parallel_loop3A_368 : vector<1x16xf32> to vector<16xf32>
        %parallel_loop3A_370 = vector.shape_cast %parallel_loop3A_365 : vector<16xf32> to vector<1x16xf32>
        tpu.vector_store %arg9[%parallel_loop3A_366, %parallel_loop3A_367], %parallel_loop3A_370 {add = true, strides = array<i32>} : memref<32x768xf32, #tpu.memory_space<vmem>>, vector<1x16xf32>,
        %parallel_loop3A_371 = arith.index_cast %parallel_loop3A_154 : i32 to index
        %parallel_loop3A_372 = arith.constant 384 : index
        %parallel_loop3A_373 = tpu.vector_load %arg5[%parallel_loop3A_371, %parallel_loop3A_372] {strides = array<i32>} : memref<32x768xf32, #tpu.memory_space<vmem>>, vector<1x16xf32>,
        %parallel_loop3A_374 = vector.shape_cast %parallel_loop3A_373 : vector<1x16xf32> to vector<16xf32>
        %parallel_loop3A_375 = arith.index_cast %parallel_loop3A_154 : i32 to index
        %parallel_loop3A_376 = arith.constant 384 : index
        %parallel_loop3A_377 = tpu.vector_load %arg9[%parallel_loop3A_375, %parallel_loop3A_376] {strides = array<i32>} : memref<32x768xf32, #tpu.memory_space<vmem>>, vector<1x16xf32>,
        %parallel_loop3A_378 = vector.shape_cast %parallel_loop3A_377 : vector<1x16xf32> to vector<16xf32>
        %parallel_loop3A_379 = vector.shape_cast %parallel_loop3A_374 : vector<16xf32> to vector<1x16xf32>
        tpu.vector_store %arg9[%parallel_loop3A_375, %parallel_loop3A_376], %parallel_loop3A_379 {add = true, strides = array<i32>} : memref<32x768xf32, #tpu.memory_space<vmem>>, vector<1x16xf32>,
        %parallel_loop3A_380 = arith.index_cast %parallel_loop3A_154 : i32 to index
        %parallel_loop3A_381 = arith.constant 400 : index
        %parallel_loop3A_382 = tpu.vector_load %arg5[%parallel_loop3A_380, %parallel_loop3A_381] {strides = array<i32>} : memref<32x768xf32, #tpu.memory_space<vmem>>, vector<1x16xf32>,
        %parallel_loop3A_383 = vector.shape_cast %parallel_loop3A_382 : vector<1x16xf32> to vector<16xf32>
        %parallel_loop3A_384 = arith.index_cast %parallel_loop3A_154 : i32 to index
        %parallel_loop3A_385 = arith.constant 400 : index
        %parallel_loop3A_386 = tpu.vector_load %arg9[%parallel_loop3A_384, %parallel_loop3A_385] {strides = array<i32>} : memref<32x768xf32, #tpu.memory_space<vmem>>, vector<1x16xf32>,
        %parallel_loop3A_387 = vector.shape_cast %parallel_loop3A_386 : vector<1x16xf32> to vector<16xf32>
        %parallel_loop3A_388 = vector.shape_cast %parallel_loop3A_383 : vector<16xf32> to vector<1x16xf32>
        tpu.vector_store %arg9[%parallel_loop3A_384, %parallel_loop3A_385], %parallel_loop3A_388 {add = true, strides = array<i32>} : memref<32x768xf32, #tpu.memory_space<vmem>>, vector<1x16xf32>,
        %parallel_loop3A_389 = arith.index_cast %parallel_loop3A_154 : i32 to index
        %parallel_loop3A_390 = arith.constant 416 : index
        %parallel_loop3A_391 = tpu.vector_load %arg5[%parallel_loop3A_389, %parallel_loop3A_390] {strides = array<i32>} : memref<32x768xf32, #tpu.memory_space<vmem>>, vector<1x16xf32>,
        %parallel_loop3A_392 = vector.shape_cast %parallel_loop3A_391 : vector<1x16xf32> to vector<16xf32>
        %parallel_loop3A_393 = arith.index_cast %parallel_loop3A_154 : i32 to index
        %parallel_loop3A_394 = arith.constant 416 : index
        %parallel_loop3A_395 = tpu.vector_load %arg9[%parallel_loop3A_393, %parallel_loop3A_394] {strides = array<i32>} : memref<32x768xf32, #tpu.memory_space<vmem>>, vector<1x16xf32>,
        %parallel_loop3A_396 = vector.shape_cast %parallel_loop3A_395 : vector<1x16xf32> to vector<16xf32>
        %parallel_loop3A_397 = vector.shape_cast %parallel_loop3A_392 : vector<16xf32> to vector<1x16xf32>
        tpu.vector_store %arg9[%parallel_loop3A_393, %parallel_loop3A_394], %parallel_loop3A_397 {add = true, strides = array<i32>} : memref<32x768xf32, #tpu.memory_space<vmem>>, vector<1x16xf32>,
        %parallel_loop3A_398 = arith.index_cast %parallel_loop3A_154 : i32 to index
        %parallel_loop3A_399 = arith.constant 432 : index
        %parallel_loop3A_400 = tpu.vector_load %arg5[%parallel_loop3A_398, %parallel_loop3A_399] {strides = array<i32>} : memref<32x768xf32, #tpu.memory_space<vmem>>, vector<1x16xf32>,
        %parallel_loop3A_401 = vector.shape_cast %parallel_loop3A_400 : vector<1x16xf32> to vector<16xf32>
        %parallel_loop3A_402 = arith.index_cast %parallel_loop3A_154 : i32 to index
        %parallel_loop3A_403 = arith.constant 432 : index
        %parallel_loop3A_404 = tpu.vector_load %arg9[%parallel_loop3A_402, %parallel_loop3A_403] {strides = array<i32>} : memref<32x768xf32, #tpu.memory_space<vmem>>, vector<1x16xf32>,
        %parallel_loop3A_405 = vector.shape_cast %parallel_loop3A_404 : vector<1x16xf32> to vector<16xf32>
        %parallel_loop3A_406 = vector.shape_cast %parallel_loop3A_401 : vector<16xf32> to vector<1x16xf32>
        tpu.vector_store %arg9[%parallel_loop3A_402, %parallel_loop3A_403], %parallel_loop3A_406 {add = true, strides = array<i32>} : memref<32x768xf32, #tpu.memory_space<vmem>>, vector<1x16xf32>,
        %parallel_loop3A_407 = arith.index_cast %parallel_loop3A_154 : i32 to index
        %parallel_loop3A_408 = arith.constant 448 : index
        %parallel_loop3A_409 = tpu.vector_load %arg5[%parallel_loop3A_407, %parallel_loop3A_408] {strides = array<i32>} : memref<32x768xf32, #tpu.memory_space<vmem>>, vector<1x16xf32>,
        %parallel_loop3A_410 = vector.shape_cast %parallel_loop3A_409 : vector<1x16xf32> to vector<16xf32>
        %parallel_loop3A_411 = arith.index_cast %parallel_loop3A_154 : i32 to index
        %parallel_loop3A_412 = arith.constant 448 : index
        %parallel_loop3A_413 = tpu.vector_load %arg9[%parallel_loop3A_411, %parallel_loop3A_412] {strides = array<i32>} : memref<32x768xf32, #tpu.memory_space<vmem>>, vector<1x16xf32>,
        %parallel_loop3A_414 = vector.shape_cast %parallel_loop3A_413 : vector<1x16xf32> to vector<16xf32>
        %parallel_loop3A_415 = vector.shape_cast %parallel_loop3A_410 : vector<16xf32> to vector<1x16xf32>
        tpu.vector_store %arg9[%parallel_loop3A_411, %parallel_loop3A_412], %parallel_loop3A_415 {add = true, strides = array<i32>} : memref<32x768xf32, #tpu.memory_space<vmem>>, vector<1x16xf32>,
        %parallel_loop3A_416 = arith.index_cast %parallel_loop3A_154 : i32 to index
        %parallel_loop3A_417 = arith.constant 464 : index
        %parallel_loop3A_418 = tpu.vector_load %arg5[%parallel_loop3A_416, %parallel_loop3A_417] {strides = array<i32>} : memref<32x768xf32, #tpu.memory_space<vmem>>, vector<1x16xf32>,
        %parallel_loop3A_419 = vector.shape_cast %parallel_loop3A_418 : vector<1x16xf32> to vector<16xf32>
        %parallel_loop3A_420 = arith.index_cast %parallel_loop3A_154 : i32 to index
        %parallel_loop3A_421 = arith.constant 464 : index
        %parallel_loop3A_422 = tpu.vector_load %arg9[%parallel_loop3A_420, %parallel_loop3A_421] {strides = array<i32>} : memref<32x768xf32, #tpu.memory_space<vmem>>, vector<1x16xf32>,
        %parallel_loop3A_423 = vector.shape_cast %parallel_loop3A_422 : vector<1x16xf32> to vector<16xf32>
        %parallel_loop3A_424 = vector.shape_cast %parallel_loop3A_419 : vector<16xf32> to vector<1x16xf32>
        tpu.vector_store %arg9[%parallel_loop3A_420, %parallel_loop3A_421], %parallel_loop3A_424 {add = true, strides = array<i32>} : memref<32x768xf32, #tpu.memory_space<vmem>>, vector<1x16xf32>,
        %parallel_loop3A_425 = arith.index_cast %parallel_loop3A_154 : i32 to index
        %parallel_loop3A_426 = arith.constant 480 : index
        %parallel_loop3A_427 = tpu.vector_load %arg5[%parallel_loop3A_425, %parallel_loop3A_426] {strides = array<i32>} : memref<32x768xf32, #tpu.memory_space<vmem>>, vector<1x16xf32>,
        %parallel_loop3A_428 = vector.shape_cast %parallel_loop3A_427 : vector<1x16xf32> to vector<16xf32>
        %parallel_loop3A_429 = arith.index_cast %parallel_loop3A_154 : i32 to index
        %parallel_loop3A_430 = arith.constant 480 : index
        %parallel_loop3A_431 = tpu.vector_load %arg9[%parallel_loop3A_429, %parallel_loop3A_430] {strides = array<i32>} : memref<32x768xf32, #tpu.memory_space<vmem>>, vector<1x16xf32>,
        %parallel_loop3A_432 = vector.shape_cast %parallel_loop3A_431 : vector<1x16xf32> to vector<16xf32>
        %parallel_loop3A_433 = vector.shape_cast %parallel_loop3A_428 : vector<16xf32> to vector<1x16xf32>
        tpu.vector_store %arg9[%parallel_loop3A_429, %parallel_loop3A_430], %parallel_loop3A_433 {add = true, strides = array<i32>} : memref<32x768xf32, #tpu.memory_space<vmem>>, vector<1x16xf32>,
        %parallel_loop3A_434 = arith.index_cast %parallel_loop3A_154 : i32 to index
        %parallel_loop3A_435 = arith.constant 496 : index
        %parallel_loop3A_436 = tpu.vector_load %arg5[%parallel_loop3A_434, %parallel_loop3A_435] {strides = array<i32>} : memref<32x768xf32, #tpu.memory_space<vmem>>, vector<1x16xf32>,
        %parallel_loop3A_437 = vector.shape_cast %parallel_loop3A_436 : vector<1x16xf32> to vector<16xf32>
        %parallel_loop3A_438 = arith.index_cast %parallel_loop3A_154 : i32 to index
        %parallel_loop3A_439 = arith.constant 496 : index
        %parallel_loop3A_440 = tpu.vector_load %arg9[%parallel_loop3A_438, %parallel_loop3A_439] {strides = array<i32>} : memref<32x768xf32, #tpu.memory_space<vmem>>, vector<1x16xf32>,
        %parallel_loop3A_441 = vector.shape_cast %parallel_loop3A_440 : vector<1x16xf32> to vector<16xf32>
        %parallel_loop3A_442 = vector.shape_cast %parallel_loop3A_437 : vector<16xf32> to vector<1x16xf32>
        tpu.vector_store %arg9[%parallel_loop3A_438, %parallel_loop3A_439], %parallel_loop3A_442 {add = true, strides = array<i32>} : memref<32x768xf32, #tpu.memory_space<vmem>>, vector<1x16xf32>,
        %parallel_loop3A_443 = arith.index_cast %parallel_loop3A_154 : i32 to index
        %parallel_loop3A_444 = arith.constant 512 : index
        %parallel_loop3A_445 = tpu.vector_load %arg5[%parallel_loop3A_443, %parallel_loop3A_444] {strides = array<i32>} : memref<32x768xf32, #tpu.memory_space<vmem>>, vector<1x16xf32>,
        %parallel_loop3A_446 = vector.shape_cast %parallel_loop3A_445 : vector<1x16xf32> to vector<16xf32>
        %parallel_loop3A_447 = arith.index_cast %parallel_loop3A_154 : i32 to index
        %parallel_loop3A_448 = arith.constant 512 : index
        %parallel_loop3A_449 = tpu.vector_load %arg9[%parallel_loop3A_447, %parallel_loop3A_448] {strides = array<i32>} : memref<32x768xf32, #tpu.memory_space<vmem>>, vector<1x16xf32>,
        %parallel_loop3A_450 = vector.shape_cast %parallel_loop3A_449 : vector<1x16xf32> to vector<16xf32>
        %parallel_loop3A_451 = vector.shape_cast %parallel_loop3A_446 : vector<16xf32> to vector<1x16xf32>
        tpu.vector_store %arg9[%parallel_loop3A_447, %parallel_loop3A_448], %parallel_loop3A_451 {add = true, strides = array<i32>} : memref<32x768xf32, #tpu.memory_space<vmem>>, vector<1x16xf32>,
        %parallel_loop3A_452 = arith.index_cast %parallel_loop3A_154 : i32 to index
        %parallel_loop3A_453 = arith.constant 528 : index
        %parallel_loop3A_454 = tpu.vector_load %arg5[%parallel_loop3A_452, %parallel_loop3A_453] {strides = array<i32>} : memref<32x768xf32, #tpu.memory_space<vmem>>, vector<1x16xf32>,
        %parallel_loop3A_455 = vector.shape_cast %parallel_loop3A_454 : vector<1x16xf32> to vector<16xf32>
        %parallel_loop3A_456 = arith.index_cast %parallel_loop3A_154 : i32 to index
        %parallel_loop3A_457 = arith.constant 528 : index
        %parallel_loop3A_458 = tpu.vector_load %arg9[%parallel_loop3A_456, %parallel_loop3A_457] {strides = array<i32>} : memref<32x768xf32, #tpu.memory_space<vmem>>, vector<1x16xf32>,
        %parallel_loop3A_459 = vector.shape_cast %parallel_loop3A_458 : vector<1x16xf32> to vector<16xf32>
        %parallel_loop3A_460 = vector.shape_cast %parallel_loop3A_455 : vector<16xf32> to vector<1x16xf32>
        tpu.vector_store %arg9[%parallel_loop3A_456, %parallel_loop3A_457], %parallel_loop3A_460 {add = true, strides = array<i32>} : memref<32x768xf32, #tpu.memory_space<vmem>>, vector<1x16xf32>,
        %parallel_loop3A_461 = arith.index_cast %parallel_loop3A_154 : i32 to index
        %parallel_loop3A_462 = arith.constant 544 : index
        %parallel_loop3A_463 = tpu.vector_load %arg5[%parallel_loop3A_461, %parallel_loop3A_462] {strides = array<i32>} : memref<32x768xf32, #tpu.memory_space<vmem>>, vector<1x16xf32>,
        %parallel_loop3A_464 = vector.shape_cast %parallel_loop3A_463 : vector<1x16xf32> to vector<16xf32>
        %parallel_loop3A_465 = arith.index_cast %parallel_loop3A_154 : i32 to index
        %parallel_loop3A_466 = arith.constant 544 : index
        %parallel_loop3A_467 = tpu.vector_load %arg9[%parallel_loop3A_465, %parallel_loop3A_466] {strides = array<i32>} : memref<32x768xf32, #tpu.memory_space<vmem>>, vector<1x16xf32>,
        %parallel_loop3A_468 = vector.shape_cast %parallel_loop3A_467 : vector<1x16xf32> to vector<16xf32>
        %parallel_loop3A_469 = vector.shape_cast %parallel_loop3A_464 : vector<16xf32> to vector<1x16xf32>
        tpu.vector_store %arg9[%parallel_loop3A_465, %parallel_loop3A_466], %parallel_loop3A_469 {add = true, strides = array<i32>} : memref<32x768xf32, #tpu.memory_space<vmem>>, vector<1x16xf32>,
        %parallel_loop3A_470 = arith.index_cast %parallel_loop3A_154 : i32 to index
        %parallel_loop3A_471 = arith.constant 560 : index
        %parallel_loop3A_472 = tpu.vector_load %arg5[%parallel_loop3A_470, %parallel_loop3A_471] {strides = array<i32>} : memref<32x768xf32, #tpu.memory_space<vmem>>, vector<1x16xf32>,
        %parallel_loop3A_473 = vector.shape_cast %parallel_loop3A_472 : vector<1x16xf32> to vector<16xf32>
        %parallel_loop3A_474 = arith.index_cast %parallel_loop3A_154 : i32 to index
        %parallel_loop3A_475 = arith.constant 560 : index
        %parallel_loop3A_476 = tpu.vector_load %arg9[%parallel_loop3A_474, %parallel_loop3A_475] {strides = array<i32>} : memref<32x768xf32, #tpu.memory_space<vmem>>, vector<1x16xf32>,
        %parallel_loop3A_477 = vector.shape_cast %parallel_loop3A_476 : vector<1x16xf32> to vector<16xf32>
        %parallel_loop3A_478 = vector.shape_cast %parallel_loop3A_473 : vector<16xf32> to vector<1x16xf32>
        tpu.vector_store %arg9[%parallel_loop3A_474, %parallel_loop3A_475], %parallel_loop3A_478 {add = true, strides = array<i32>} : memref<32x768xf32, #tpu.memory_space<vmem>>, vector<1x16xf32>,
        %parallel_loop3A_479 = arith.index_cast %parallel_loop3A_154 : i32 to index
        %parallel_loop3A_480 = arith.constant 576 : index
        %parallel_loop3A_481 = tpu.vector_load %arg5[%parallel_loop3A_479, %parallel_loop3A_480] {strides = array<i32>} : memref<32x768xf32, #tpu.memory_space<vmem>>, vector<1x16xf32>,
        %parallel_loop3A_482 = vector.shape_cast %parallel_loop3A_481 : vector<1x16xf32> to vector<16xf32>
        %parallel_loop3A_483 = arith.index_cast %parallel_loop3A_154 : i32 to index
        %parallel_loop3A_484 = arith.constant 576 : index
        %parallel_loop3A_485 = tpu.vector_load %arg9[%parallel_loop3A_483, %parallel_loop3A_484] {strides = array<i32>} : memref<32x768xf32, #tpu.memory_space<vmem>>, vector<1x16xf32>,
        %parallel_loop3A_486 = vector.shape_cast %parallel_loop3A_485 : vector<1x16xf32> to vector<16xf32>
        %parallel_loop3A_487 = vector.shape_cast %parallel_loop3A_482 : vector<16xf32> to vector<1x16xf32>
        tpu.vector_store %arg9[%parallel_loop3A_483, %parallel_loop3A_484], %parallel_loop3A_487 {add = true, strides = array<i32>} : memref<32x768xf32, #tpu.memory_space<vmem>>, vector<1x16xf32>,
        %parallel_loop3A_488 = arith.index_cast %parallel_loop3A_154 : i32 to index
        %parallel_loop3A_489 = arith.constant 592 : index
        %parallel_loop3A_490 = tpu.vector_load %arg5[%parallel_loop3A_488, %parallel_loop3A_489] {strides = array<i32>} : memref<32x768xf32, #tpu.memory_space<vmem>>, vector<1x16xf32>,
        %parallel_loop3A_491 = vector.shape_cast %parallel_loop3A_490 : vector<1x16xf32> to vector<16xf32>
        %parallel_loop3A_492 = arith.index_cast %parallel_loop3A_154 : i32 to index
        %parallel_loop3A_493 = arith.constant 592 : index
        %parallel_loop3A_494 = tpu.vector_load %arg9[%parallel_loop3A_492, %parallel_loop3A_493] {strides = array<i32>} : memref<32x768xf32, #tpu.memory_space<vmem>>, vector<1x16xf32>,
        %parallel_loop3A_495 = vector.shape_cast %parallel_loop3A_494 : vector<1x16xf32> to vector<16xf32>
        %parallel_loop3A_496 = vector.shape_cast %parallel_loop3A_491 : vector<16xf32> to vector<1x16xf32>
        tpu.vector_store %arg9[%parallel_loop3A_492, %parallel_loop3A_493], %parallel_loop3A_496 {add = true, strides = array<i32>} : memref<32x768xf32, #tpu.memory_space<vmem>>, vector<1x16xf32>,
        %parallel_loop3A_497 = arith.index_cast %parallel_loop3A_154 : i32 to index
        %parallel_loop3A_498 = arith.constant 608 : index
        %parallel_loop3A_499 = tpu.vector_load %arg5[%parallel_loop3A_497, %parallel_loop3A_498] {strides = array<i32>} : memref<32x768xf32, #tpu.memory_space<vmem>>, vector<1x16xf32>,
        %parallel_loop3A_500 = vector.shape_cast %parallel_loop3A_499 : vector<1x16xf32> to vector<16xf32>
        %parallel_loop3A_501 = arith.index_cast %parallel_loop3A_154 : i32 to index
        %parallel_loop3A_502 = arith.constant 608 : index
        %parallel_loop3A_503 = tpu.vector_load %arg9[%parallel_loop3A_501, %parallel_loop3A_502] {strides = array<i32>} : memref<32x768xf32, #tpu.memory_space<vmem>>, vector<1x16xf32>,
        %parallel_loop3A_504 = vector.shape_cast %parallel_loop3A_503 : vector<1x16xf32> to vector<16xf32>
        %parallel_loop3A_505 = vector.shape_cast %parallel_loop3A_500 : vector<16xf32> to vector<1x16xf32>
        tpu.vector_store %arg9[%parallel_loop3A_501, %parallel_loop3A_502], %parallel_loop3A_505 {add = true, strides = array<i32>} : memref<32x768xf32, #tpu.memory_space<vmem>>, vector<1x16xf32>,
        %parallel_loop3A_506 = arith.index_cast %parallel_loop3A_154 : i32 to index
        %parallel_loop3A_507 = arith.constant 624 : index
        %parallel_loop3A_508 = tpu.vector_load %arg5[%parallel_loop3A_506, %parallel_loop3A_507] {strides = array<i32>} : memref<32x768xf32, #tpu.memory_space<vmem>>, vector<1x16xf32>,
        %parallel_loop3A_509 = vector.shape_cast %parallel_loop3A_508 : vector<1x16xf32> to vector<16xf32>
        %parallel_loop3A_510 = arith.index_cast %parallel_loop3A_154 : i32 to index
        %parallel_loop3A_511 = arith.constant 624 : index
        %parallel_loop3A_512 = tpu.vector_load %arg9[%parallel_loop3A_510, %parallel_loop3A_511] {strides = array<i32>} : memref<32x768xf32, #tpu.memory_space<vmem>>, vector<1x16xf32>,
        %parallel_loop3A_513 = vector.shape_cast %parallel_loop3A_512 : vector<1x16xf32> to vector<16xf32>
        %parallel_loop3A_514 = vector.shape_cast %parallel_loop3A_509 : vector<16xf32> to vector<1x16xf32>
        tpu.vector_store %arg9[%parallel_loop3A_510, %parallel_loop3A_511], %parallel_loop3A_514 {add = true, strides = array<i32>} : memref<32x768xf32, #tpu.memory_space<vmem>>, vector<1x16xf32>,
        %parallel_loop3A_515 = arith.index_cast %parallel_loop3A_154 : i32 to index
        %parallel_loop3A_516 = arith.constant 640 : index
        %parallel_loop3A_517 = tpu.vector_load %arg5[%parallel_loop3A_515, %parallel_loop3A_516] {strides = array<i32>} : memref<32x768xf32, #tpu.memory_space<vmem>>, vector<1x16xf32>,
        %parallel_loop3A_518 = vector.shape_cast %parallel_loop3A_517 : vector<1x16xf32> to vector<16xf32>
        %parallel_loop3A_519 = arith.index_cast %parallel_loop3A_154 : i32 to index
        %parallel_loop3A_520 = arith.constant 640 : index
        %parallel_loop3A_521 = tpu.vector_load %arg9[%parallel_loop3A_519, %parallel_loop3A_520] {strides = array<i32>} : memref<32x768xf32, #tpu.memory_space<vmem>>, vector<1x16xf32>,
        %parallel_loop3A_522 = vector.shape_cast %parallel_loop3A_521 : vector<1x16xf32> to vector<16xf32>
        %parallel_loop3A_523 = vector.shape_cast %parallel_loop3A_518 : vector<16xf32> to vector<1x16xf32>
        tpu.vector_store %arg9[%parallel_loop3A_519, %parallel_loop3A_520], %parallel_loop3A_523 {add = true, strides = array<i32>} : memref<32x768xf32, #tpu.memory_space<vmem>>, vector<1x16xf32>,
        %parallel_loop3A_524 = arith.index_cast %parallel_loop3A_154 : i32 to index
        %parallel_loop3A_525 = arith.constant 656 : index
        %parallel_loop3A_526 = tpu.vector_load %arg5[%parallel_loop3A_524, %parallel_loop3A_525] {strides = array<i32>} : memref<32x768xf32, #tpu.memory_space<vmem>>, vector<1x16xf32>,
        %parallel_loop3A_527 = vector.shape_cast %parallel_loop3A_526 : vector<1x16xf32> to vector<16xf32>
        %parallel_loop3A_528 = arith.index_cast %parallel_loop3A_154 : i32 to index
        %parallel_loop3A_529 = arith.constant 656 : index
        %parallel_loop3A_530 = tpu.vector_load %arg9[%parallel_loop3A_528, %parallel_loop3A_529] {strides = array<i32>} : memref<32x768xf32, #tpu.memory_space<vmem>>, vector<1x16xf32>,
        %parallel_loop3A_531 = vector.shape_cast %parallel_loop3A_530 : vector<1x16xf32> to vector<16xf32>
        %parallel_loop3A_532 = vector.shape_cast %parallel_loop3A_527 : vector<16xf32> to vector<1x16xf32>
        tpu.vector_store %arg9[%parallel_loop3A_528, %parallel_loop3A_529], %parallel_loop3A_532 {add = true, strides = array<i32>} : memref<32x768xf32, #tpu.memory_space<vmem>>, vector<1x16xf32>,
        %parallel_loop3A_533 = arith.index_cast %parallel_loop3A_154 : i32 to index
        %parallel_loop3A_534 = arith.constant 672 : index
        %parallel_loop3A_535 = tpu.vector_load %arg5[%parallel_loop3A_533, %parallel_loop3A_534] {strides = array<i32>} : memref<32x768xf32, #tpu.memory_space<vmem>>, vector<1x16xf32>,
        %parallel_loop3A_536 = vector.shape_cast %parallel_loop3A_535 : vector<1x16xf32> to vector<16xf32>
        %parallel_loop3A_537 = arith.index_cast %parallel_loop3A_154 : i32 to index
        %parallel_loop3A_538 = arith.constant 672 : index
        %parallel_loop3A_539 = tpu.vector_load %arg9[%parallel_loop3A_537, %parallel_loop3A_538] {strides = array<i32>} : memref<32x768xf32, #tpu.memory_space<vmem>>, vector<1x16xf32>,
        %parallel_loop3A_540 = vector.shape_cast %parallel_loop3A_539 : vector<1x16xf32> to vector<16xf32>
        %parallel_loop3A_541 = vector.shape_cast %parallel_loop3A_536 : vector<16xf32> to vector<1x16xf32>
        tpu.vector_store %arg9[%parallel_loop3A_537, %parallel_loop3A_538], %parallel_loop3A_541 {add = true, strides = array<i32>} : memref<32x768xf32, #tpu.memory_space<vmem>>, vector<1x16xf32>,
        %parallel_loop3A_542 = arith.index_cast %parallel_loop3A_154 : i32 to index
        %parallel_loop3A_543 = arith.constant 688 : index
        %parallel_loop3A_544 = tpu.vector_load %arg5[%parallel_loop3A_542, %parallel_loop3A_543] {strides = array<i32>} : memref<32x768xf32, #tpu.memory_space<vmem>>, vector<1x16xf32>,
        %parallel_loop3A_545 = vector.shape_cast %parallel_loop3A_544 : vector<1x16xf32> to vector<16xf32>
        %parallel_loop3A_546 = arith.index_cast %parallel_loop3A_154 : i32 to index
        %parallel_loop3A_547 = arith.constant 688 : index
        %parallel_loop3A_548 = tpu.vector_load %arg9[%parallel_loop3A_546, %parallel_loop3A_547] {strides = array<i32>} : memref<32x768xf32, #tpu.memory_space<vmem>>, vector<1x16xf32>,
        %parallel_loop3A_549 = vector.shape_cast %parallel_loop3A_548 : vector<1x16xf32> to vector<16xf32>
        %parallel_loop3A_550 = vector.shape_cast %parallel_loop3A_545 : vector<16xf32> to vector<1x16xf32>
        tpu.vector_store %arg9[%parallel_loop3A_546, %parallel_loop3A_547], %parallel_loop3A_550 {add = true, strides = array<i32>} : memref<32x768xf32, #tpu.memory_space<vmem>>, vector<1x16xf32>,
        %parallel_loop3A_551 = arith.index_cast %parallel_loop3A_154 : i32 to index
        %parallel_loop3A_552 = arith.constant 704 : index
        %parallel_loop3A_553 = tpu.vector_load %arg5[%parallel_loop3A_551, %parallel_loop3A_552] {strides = array<i32>} : memref<32x768xf32, #tpu.memory_space<vmem>>, vector<1x16xf32>,
        %parallel_loop3A_554 = vector.shape_cast %parallel_loop3A_553 : vector<1x16xf32> to vector<16xf32>
        %parallel_loop3A_555 = arith.index_cast %parallel_loop3A_154 : i32 to index
        %parallel_loop3A_556 = arith.constant 704 : index
        %parallel_loop3A_557 = tpu.vector_load %arg9[%parallel_loop3A_555, %parallel_loop3A_556] {strides = array<i32>} : memref<32x768xf32, #tpu.memory_space<vmem>>, vector<1x16xf32>,
        %parallel_loop3A_558 = vector.shape_cast %parallel_loop3A_557 : vector<1x16xf32> to vector<16xf32>
        %parallel_loop3A_559 = vector.shape_cast %parallel_loop3A_554 : vector<16xf32> to vector<1x16xf32>
        tpu.vector_store %arg9[%parallel_loop3A_555, %parallel_loop3A_556], %parallel_loop3A_559 {add = true, strides = array<i32>} : memref<32x768xf32, #tpu.memory_space<vmem>>, vector<1x16xf32>,
        %parallel_loop3A_560 = arith.index_cast %parallel_loop3A_154 : i32 to index
        %parallel_loop3A_561 = arith.constant 720 : index
        %parallel_loop3A_562 = tpu.vector_load %arg5[%parallel_loop3A_560, %parallel_loop3A_561] {strides = array<i32>} : memref<32x768xf32, #tpu.memory_space<vmem>>, vector<1x16xf32>,
        %parallel_loop3A_563 = vector.shape_cast %parallel_loop3A_562 : vector<1x16xf32> to vector<16xf32>
        %parallel_loop3A_564 = arith.index_cast %parallel_loop3A_154 : i32 to index
        %parallel_loop3A_565 = arith.constant 720 : index
        %parallel_loop3A_566 = tpu.vector_load %arg9[%parallel_loop3A_564, %parallel_loop3A_565] {strides = array<i32>} : memref<32x768xf32, #tpu.memory_space<vmem>>, vector<1x16xf32>,
        %parallel_loop3A_567 = vector.shape_cast %parallel_loop3A_566 : vector<1x16xf32> to vector<16xf32>
        %parallel_loop3A_568 = vector.shape_cast %parallel_loop3A_563 : vector<16xf32> to vector<1x16xf32>
        tpu.vector_store %arg9[%parallel_loop3A_564, %parallel_loop3A_565], %parallel_loop3A_568 {add = true, strides = array<i32>} : memref<32x768xf32, #tpu.memory_space<vmem>>, vector<1x16xf32>,
        %parallel_loop3A_569 = arith.index_cast %parallel_loop3A_154 : i32 to index
        %parallel_loop3A_570 = arith.constant 736 : index
        %parallel_loop3A_571 = tpu.vector_load %arg5[%parallel_loop3A_569, %parallel_loop3A_570] {strides = array<i32>} : memref<32x768xf32, #tpu.memory_space<vmem>>, vector<1x16xf32>,
        %parallel_loop3A_572 = vector.shape_cast %parallel_loop3A_571 : vector<1x16xf32> to vector<16xf32>
        %parallel_loop3A_573 = arith.index_cast %parallel_loop3A_154 : i32 to index
        %parallel_loop3A_574 = arith.constant 736 : index
        %parallel_loop3A_575 = tpu.vector_load %arg9[%parallel_loop3A_573, %parallel_loop3A_574] {strides = array<i32>} : memref<32x768xf32, #tpu.memory_space<vmem>>, vector<1x16xf32>,
        %parallel_loop3A_576 = vector.shape_cast %parallel_loop3A_575 : vector<1x16xf32> to vector<16xf32>
        %parallel_loop3A_577 = vector.shape_cast %parallel_loop3A_572 : vector<16xf32> to vector<1x16xf32>
        tpu.vector_store %arg9[%parallel_loop3A_573, %parallel_loop3A_574], %parallel_loop3A_577 {add = true, strides = array<i32>} : memref<32x768xf32, #tpu.memory_space<vmem>>, vector<1x16xf32>,
        %parallel_loop3A_578 = arith.index_cast %parallel_loop3A_154 : i32 to index
        %parallel_loop3A_579 = arith.constant 752 : index
        %parallel_loop3A_580 = tpu.vector_load %arg5[%parallel_loop3A_578, %parallel_loop3A_579] {strides = array<i32>} : memref<32x768xf32, #tpu.memory_space<vmem>>, vector<1x16xf32>,
        %parallel_loop3A_581 = vector.shape_cast %parallel_loop3A_580 : vector<1x16xf32> to vector<16xf32>
        %parallel_loop3A_582 = arith.index_cast %parallel_loop3A_154 : i32 to index
        %parallel_loop3A_583 = arith.constant 752 : index
        %parallel_loop3A_584 = tpu.vector_load %arg9[%parallel_loop3A_582, %parallel_loop3A_583] {strides = array<i32>} : memref<32x768xf32, #tpu.memory_space<vmem>>, vector<1x16xf32>,
        %parallel_loop3A_585 = vector.shape_cast %parallel_loop3A_584 : vector<1x16xf32> to vector<16xf32>
        %parallel_loop3A_586 = vector.shape_cast %parallel_loop3A_581 : vector<16xf32> to vector<1x16xf32>
        tpu.vector_store %arg9[%parallel_loop3A_582, %parallel_loop3A_583], %parallel_loop3A_586 {add = true, strides = array<i32>} : memref<32x768xf32, #tpu.memory_space<vmem>>, vector<1x16xf32>,
      } {sc.loop_unroll_factor = 1 : i64, sc.parallel_access}
      %dma_start3A_148 = arith.constant 0 : i32
      %dma_start3A_149 = tpu.memref_slice %arg4[%add3A_126, %mul3A_2, %dma_start3A_148] : memref<32x1024x768xf32, #tpu.memory_space<hbm>> -> memref<1x32x768xf32, #tpu.memory_space<hbm>>
      %dma_start3A_150 = tpu.memref_squeeze %dma_start3A_149 : memref<1x32x768xf32, #tpu.memory_space<hbm>> -> memref<32x768xf32, #tpu.memory_space<hbm>>
      %dma_start3A_151 = arith.constant 0 : i32
      %dma_start3A_152 = tpu.memref_slice %arg4[%add3A_126, %mul3A_2, %dma_start3A_151] : memref<32x1024x768xf32, #tpu.memory_space<hbm>> -> memref<1x32x768xf32, #tpu.memory_space<hbm>>
      %dma_start3A_153 = tpu.memref_squeeze %dma_start3A_152 : memref<1x32x768xf32, #tpu.memory_space<hbm>> -> memref<32x768xf32, #tpu.memory_space<hbm>>
      tpu.enqueue_dma source(%arg9 : memref<32x768xf32, #tpu.memory_space<vmem>>) target(%dma_start3A_153 : memref<32x768xf32, #tpu.memory_space<hbm>>) target_semaphore(%arg17 : memref<!tpu.dma_semaphore, #tpu.memory_space<semaphore_mem>>)
    }
    %scan3A_20 = arith.constant 8 : i32
    %dma_wait3A = arith.constant 30 : i32
    %dma_wait3A_21 = arith.constant 0 : i32
    %dma_wait3A_22 = tpu.memref_slice %arg4[%dma_wait3A, %mul3A_2, %dma_wait3A_21] : memref<32x1024x768xf32, #tpu.memory_space<hbm>> -> memref<1x32x768xf32, #tpu.memory_space<hbm>>
    %dma_wait3A_23 = tpu.memref_squeeze %dma_wait3A_22 : memref<1x32x768xf32, #tpu.memory_space<hbm>> -> memref<32x768xf32, #tpu.memory_space<hbm>>
    %dma_wait3A_24 = arith.constant 0 : i32
    %dma_wait3A_25 = tpu.memref_slice %arg4[%dma_wait3A, %mul3A_2, %dma_wait3A_24] : memref<32x1024x768xf32, #tpu.memory_space<hbm>> -> memref<1x32x768xf32, #tpu.memory_space<hbm>>
    %dma_wait3A_26 = tpu.memref_squeeze %dma_wait3A_25 : memref<1x32x768xf32, #tpu.memory_space<hbm>> -> memref<32x768xf32, #tpu.memory_space<hbm>>
    tpu.wait_dma2 semaphore(%arg16 : memref<!tpu.dma_semaphore, #tpu.memory_space<semaphore_mem>>) src(%arg8 : memref<32x768xf32, #tpu.memory_space<vmem>>) dst(%dma_wait3A_26 : memref<32x768xf32, #tpu.memory_space<hbm>>)
    %dma_wait3A_27 = arith.constant 31 : i32
    %dma_wait3A_28 = arith.constant 0 : i32
    %dma_wait3A_29 = tpu.memref_slice %arg4[%dma_wait3A_27, %mul3A_2, %dma_wait3A_28] : memref<32x1024x768xf32, #tpu.memory_space<hbm>> -> memref<1x32x768xf32, #tpu.memory_space<hbm>>
    %dma_wait3A_30 = tpu.memref_squeeze %dma_wait3A_29 : memref<1x32x768xf32, #tpu.memory_space<hbm>> -> memref<32x768xf32, #tpu.memory_space<hbm>>
    %dma_wait3A_31 = arith.constant 0 : i32
    %dma_wait3A_32 = tpu.memref_slice %arg4[%dma_wait3A_27, %mul3A_2, %dma_wait3A_31] : memref<32x1024x768xf32, #tpu.memory_space<hbm>> -> memref<1x32x768xf32, #tpu.memory_space<hbm>>
    %dma_wait3A_33 = tpu.memref_squeeze %dma_wait3A_32 : memref<1x32x768xf32, #tpu.memory_space<hbm>> -> memref<32x768xf32, #tpu.memory_space<hbm>>
    tpu.wait_dma2 semaphore(%arg17 : memref<!tpu.dma_semaphore, #tpu.memory_space<semaphore_mem>>) src(%arg9 : memref<32x768xf32, #tpu.memory_space<vmem>>) dst(%dma_wait3A_33 : memref<32x768xf32, #tpu.memory_space<hbm>>)
    return
  }
}

</mosaic_0001>

<sc_bundles>
// kernel: kernel.3.cloned.1.call-start
scs
__scs_entry_jumppad:
0x0: {  	(pc) =	sbr.rel $0x88, $3  }
0x1: {  	(tag) =	ssettag $0x0;
	lr =	simm.s32 $0x1  }
0x2: {  	[smem:$0x3F9F] =	sst lr;
	_ =	strace $0xD0000000  }
0x3: {  	_ = 	snop  }
0x4: {  	_ = 	snop  }
0x5: {  	_ = 	snop  }
0x6: {  	_ = 	snop  }
0x7: {  	_ = 	snop  }
__scs_overlays_trampoline_lowered:
0x8: {  	[smem:$0x3FAE] =	sst s0  }
0x9: {  	[smem:$0x3FAF] =	sst s1  }
0xa: {  	[smem:$0x3FB0] =	sst s2  }
0xb: {  	[smem:$0x3FB1] =	sst s3  }
0xc: {  	[smem:$0x3FB2] =	sst s4  }
0xd: {  	[smem:$0x3FB3] =	sst s5  }
0xe: {  	[smem:$0x3FB4] =	sst s6  }
0xf: {  	[smem:$0x3FB5] =	sst s7  }
0x10: {  	[smem:$0x3FB6] =	sst s8  }
0x11: {  	[smem:$0x3FB7] =	sst s9;
	s0 =	simm.s32 @!p0 $0x0  }
0x12: {  	s1 =	sld [smem:$0x3F9D];
	s0 =	simm.s32 @p0 $0x1  }
0x13: {  	[smem:$0x3FB8] =	sst s0;
	s0 =	simm.s32 @!p1 $0x0  }
0x14: {  	s2 =	sld [smem:$0x3F9C];
	s0 =	simm.s32 @p1 $0x1  }
0x15: {  	[smem:$0x3FB9] =	sst s0;
	s0 =	simm.s32 @!p2 $0x0  }
0x16: {  	s3 =	sld [smem:$0x3FDB];
	s0 =	simm.s32 @p2 $0x1  }
0x17: {  	s4 =	simm.s32 $0x1BF5;
	[smem:$0x3FBB] =	sst s0  }
0x18: {  	s0 =	sld [smem:$0x3F9E];
	_ =	swait.ge [sflag:s4], $0x0  }
0x19: {  	s7 =	sld [smem:$0x3F9F]  }
0x1a: {  	s8 =	sadd.s32 $0xFFFFE003, lr  }
0x1b: {  	s9 =	sadd.s32 $0xFFFFFEF7, lr;
	s5 =	simm.s32 $0xFFFFFFFF;
	p2 =	slt.u32 s8, $0xFFFFF086  }
0x1c: {  	p1 =	slt.u32 s9, $0xF7A;
	s5 =	simm.s32 @!p2 $0x0  }
0x1d: {  	s5 =	simm.s32 @p1 $0x1;
	p0 =	seq.s32 s7, s2  }
0x1e: {  	s7 =	smul.u32 @!p0 $0xF7A, s2;
	p2 =	seq.s32 @!p0 s5, $0x0  }
0x1f: {  	s9 =	smul.u32 $0xF7A, s1;
	s8 =	simm.s32 @!p0 $0x1BF5;
	p2 =	por !p2, p0  }
0x20: {  	[sflag:s8] =	ssyncset.s32 @!p0 $0xFFFFF086;
	s6 =	sadd.s32 @!p0 s3, s7;
	s7 =	simm.s32 @!p0 $0x108  }
0x21: {  	s3 =	sadd.s32 s3, s9;
	s6 =	sadd.s32 @!p0 $0x88, s6;
	s7 =	simm.s32 @p2 $0x1082  }
0x22: {  	[simem:s7], [sflag:s8] =	dma.local @!p0 [hbm:s6], $0xF7A  }
0x23: {  	s9 =	sor.u32 $0xD0000000, s2;
	s6 =	simm.s32 $0x108;
	_ =	swait.ge @!p0 [sflag:s8], $0x0  }
0x24: {  	s3 =	sadd.s32 $0x88, s3;
	s6 =	simm.s32 @!p1 $0x1082;
	[sflag:s4] =	ssyncset.s32 $0xFFFFF086  }
0x25: {  	[simem:s6], [sflag:s4] =	dma.local [hbm:s3], $0xF7A  }
0x26: {  	[smem:$0x3F9F] =	sst s1;
	(tag) =	ssettag s2;
	_ =	strace s9  }
0x27: {  	s1 =	sld [smem:$0x3FAF]  }
0x28: {  	s2 =	sld [smem:$0x3FB0]  }
0x29: {  	s4 =	sld [smem:$0x3FB2]  }
0x2a: {  	p0 =	seq.s32 s5, $0x0;
	s5 =	sld [smem:$0x3FB3]  }
0x2b: {  	s6 =	sld [smem:$0x3FB4]  }
0x2c: {  	s7 =	sld [smem:$0x3FB5]  }
0x2d: {  	s3 =	simm.s32 $0x108;
	s8 =	sld [smem:$0x3FB6]  }
0x2e: {  	s3 =	simm.s32 @!p0 $0x1082;
	s9 =	sld [smem:$0x3FB7]  }
0x2f: {  	lr =	sadd.s32 s0, s3;
	s0 =	sld [smem:$0x3FAE]  }
0x30: {  	s3 =	sld [smem:$0x3FB1]  }
0x31: {  	[smem:$0x3FBA] =	sst s10  }
0x32: {  	s10 =	sld [smem:$0x3FB8];
	_ =	sdelay $0x3  }
0x33: {  	p0 =	seq.s32 s10, $0x1;
	s10 =	sld [smem:$0x3FBA];
	_ =	sdelay $0x3  }
0x34: {  	[smem:$0x3FBA] =	sst s10  }
0x35: {  	s10 =	sld [smem:$0x3FB9];
	_ =	sdelay $0x3  }
0x36: {  	p1 =	seq.s32 s10, $0x1;
	s10 =	sld [smem:$0x3FBA];
	_ =	sdelay $0x3  }
0x37: {  	[smem:$0x3FBA] =	sst s10  }
0x38: {  	s10 =	sld [smem:$0x3FBB]  }
0x39: {  	_ = 	snop;
	(pc) =	sbr.ind lr, $3  }
0x3a: {  	_ = 	snop  }
0x3b: {  	_ = 	snop  }
0x3c: {  	p2 =	seq.s32 s10, $0x1;
	s10 =	sld [smem:$0x3FBA]  }
0x3d: {  	_ =	shalt  }
0x3e: {  	_ =	shalt  }
0x3f: {  	_ =	shalt  }
0x40: {  	_ =	shalt  }
0x41: {  	_ =	shalt  }
0x42: {  	_ =	shalt  }
0x43: {  	_ =	shalt  }
0x44: {  	_ =	shalt  }
0x45: {  	_ =	shalt  }
0x46: {  	_ =	shalt  }
0x47: {  	_ =	shalt  }
0x48: {  	_ =	shalt  }
0x49: {  	_ =	shalt  }
0x4a: {  	_ =	shalt  }
0x4b: {  	_ =	shalt  }
0x4c: {  	_ =	shalt  }
0x4d: {  	_ =	shalt  }
0x4e: {  	_ =	shalt  }
0x4f: {  	_ =	shalt  }
0x50: {  	_ =	shalt  }
0x51: {  	_ =	shalt  }
0x52: {  	_ =	shalt  }
0x53: {  	_ =	shalt  }
0x54: {  	_ =	shalt  }
0x55: {  	_ =	shalt  }
0x56: {  	_ =	shalt  }
0x57: {  	_ =	shalt  }
0x58: {  	_ =	shalt  }
0x59: {  	_ =	shalt  }
0x5a: {  	_ =	shalt  }
0x5b: {  	_ =	shalt  }
0x5c: {  	_ =	shalt  }
0x5d: {  	_ =	shalt  }
0x5e: {  	_ =	shalt  }
0x5f: {  	_ =	shalt  }
0x60: {  	_ =	shalt  }
0x61: {  	_ =	shalt  }
0x62: {  	_ =	shalt  }
0x63: {  	_ =	shalt  }
0x64: {  	_ =	shalt  }
0x65: {  	_ =	shalt  }
0x66: {  	_ =	shalt  }
0x67: {  	_ =	shalt  }
0x68: {  	_ =	shalt  }
0x69: {  	_ =	shalt  }
0x6a: {  	_ =	shalt  }
0x6b: {  	_ =	shalt  }
0x6c: {  	_ =	shalt  }
0x6d: {  	_ =	shalt  }
0x6e: {  	_ =	shalt  }
0x6f: {  	_ =	shalt  }
0x70: {  	_ =	shalt  }
0x71: {  	_ =	shalt  }
0x72: {  	_ =	shalt  }
0x73: {  	_ =	shalt  }
0x74: {  	_ =	shalt  }
0x75: {  	_ =	shalt  }
0x76: {  	_ =	shalt  }
0x77: {  	_ =	shalt  }
0x78: {  	_ =	shalt  }
0x79: {  	_ =	shalt  }
0x7a: {  	_ =	shalt  }
0x7b: {  	_ =	shalt  }
0x7c: {  	_ =	shalt  }
0x7d: {  	_ =	shalt  }
0x7e: {  	_ =	shalt  }
0x7f: {  	_ =	shalt  }
0x80: {  	_ =	shalt  }
0x81: {  	_ =	shalt  }
0x82: {  	_ =	shalt  }
0x83: {  	_ =	shalt  }
0x84: {  	_ =	shalt  }
0x85: {  	_ =	shalt  }
0x86: {  	_ =	shalt  }
0x87: {  	_ =	shalt  }
.Lfunc_end0:
.L_simem_size_0:
called_computation_lowered:
.L_overlay_start_0:
0x88: {  	s2 =	sld [smem:$0x3FD9]  }
0x89: {  	s3 =	sld [smem:$0x3FFE];
	_ =	sdelay $0x1  }
0x8a: {  	s1 =	srdreg.scid  }
0x8b: {  	s0 =	sand.u32 $0x1, s1  }
0x8c: {  	s18 =	sshll.u32 s0, $0xA;
	s2 =	sadd.s32 s3, s2  }
0x8d: {  	s2 =	sadd.s32 s2, s18  }
0x8e: {  	[smem:$0x3FC6] =	sst s2  }
0x8f: {  	_ = 	snop  }
0x90: {  	s2 =	sld [smem:$0x3FC9]  }
0x91: {  	s19 =	sld [smem:$0x3FC8]  }
0x92: {  	s4 =	sld [smem:$0x3FD0];
	(tm) =	ssettm $0x1  }
0x93: {  	s5 =	sld [smem:$0x3FFB];
	_ =	sdelay $0x3  }
0x94: {  	_ =	strace s5  }
0x95: {  	s5 =	sld [smem:$0x3FFC];
	_ =	sdelay $0x3  }
0x96: {  	_ =	strace s5  }
0x97: {  	s5 =	sld [smem:$0x3FFD];
	_ =	sdelay $0x3  }
0x98: {  	_ =	strace s5  }
0x99: {  	_ =	strace $0x8FFFFFFF  }
0x9a: {  	s20 =	sld [smem:$0x3FDB];
	_ =	sdelay $0x1  }
0x9b: {  	s6 =	simm.s32 $_scs_section_size  }
0x9c: {  	s7 =	simm.s32 $_size__tile_overlayer_lowered;
	s8 =	simm.s32 $_tile_overlayer_lowered  }
0x9d: {  	s23 =	simm.s32 $0x1BFF;
	s22 =	sshll.u32 s8, $0x1;
	s5 =	sadd.s32 s6, s20  }
0x9e: {  	s9 =	simm.s32 $0x0;
	s21 =	sshll.u32 s7, $0x1;
	s7 =	sadd.s32 s22, s5  }
0x9f: {  	[timem:s9], [sflag:s23] =	dma.local [hbm:s7], s21  }
0xa0: {  	_ =	swait.ge [sflag:s23], s21  }
0xa1: {  	s6 =	ssub.s32 $0x0, s21;
	[sflag:s23] =	ssyncset.done $0x0  }
0xa2: {  	[sflag:s23] =	ssyncadd.s32 s6;
	_ =	sdelay $0x1  }
0xa3: {  	s24 =	simm.s32 $0x1B8B  }
0xa4: {  	_ =	swait.ge [sflag:s24], $0x1  }
0xa5: {  	[sflag:s24] =	ssyncset.done $0x0  }
0xa6: {  	s25 =	simm.s32 $0x1B8E;
	[sflag:s24] =	ssyncadd.s32 $0xFFFFFFFF  }
0xa7: {  	s26 =	simm.s32 $execute0_lowered;
	[smem:$0x3FD2] =	sst s25  }
0xa8: {  	s6 =	sshll.u32 s26, $0x1;
	_ =	strace $0x80000046;
	[dreg:$0x1] =	wrdreg $0xFFFFFFFF  }
0xa9: {  	s28 =	simm.s32 $_size_execute0_lowered;
	s5 =	sadd.s32 s5, s6;
	[dreg:$0x0] =	wrdreg $0x0  }
0xaa: {  	s6 =	sshll.u32 s28, $0x1;
	[dreg:$0x2] =	wrdreg s5  }
0xab: {  	[dreg:$0x3] =	wrdreg s6  }
0xac: {  	[dreg:$0x4] =	wrdreg $0xC0  }
0xad: {  	_ =	task [dreg:s9], $0x5FFFF  }
0xae: {  	[dreg:$0x1] =	wrdreg $0xFFFFFFFF  }
0xaf: {  	[dreg:$0x0] =	wrdreg $0x60  }
0xb0: {  	[dreg:$0x2] =	wrdreg s2  }
0xb1: {  	[dreg:$0x3] =	wrdreg s19  }
0xb2: {  	[dreg:$0x4] =	wrdreg s4  }
0xb3: {  	[dreg:$0x5] =	wrdreg $0x9  }
0xb4: {  	_ =	task.clear_ibuf [dreg:s9], $0x6FFFF;
	_ =	strace $0x90000046  }
0xb5: {  	s29 =	simm.s32 $0x9;
	_ =	strace $0x80000048  }
0xb6: {  	_ =	swait.ge [sflag:s29], $0x1  }
0xb7: {  	[sflag:s29] =	ssyncadd.s32 $0xFFFFFFFF  }
0xb8: {  	_ =	strace $0x90000048  }
0xb9: {  	_ =	sfence  }
0xba: {  	s30 =	sld [smem:$0x0];
	_ =	sdelay $0x2  }
0xbb: {  	s31 =	sshll.u32 s1, $0xD;
	s1 =	sshrl.u32 s1, $0x2  }
0xbc: {  	s3 =	sand.u32 $0x4000, s31;
	s1 =	sadd.s32 s1, s30  }
0xbd: {  	s0 =	sor.u32 s3, s0;
	s1 =	sshll.u32 s1, $0x11  }
0xbe: {  	s0 =	sor.u32 s1, s0  }
0xbf: {  	s0 =	sadd.s32 $0x8F2B, s0  }
0xc0: {  	[sflag:s0] =	ssyncadd.remote.s32 $0x1  }
0xc1: {  	_ =	sfence.sel $0xFFFF  }
0xc2: {  	[dreg:$0x0] =	wrdreg $0xFFFFFFFF;
	(pc) =	sbr.abs _section_cstart, $3  }
0xc3: {  	[dreg:$0x1] =	wrdreg $0xFFFFFFFF  }
0xc4: {  	_ =	task.clear_ibuf [dreg:s9], $0x2FFFF;
	_ =	strace $0x9FFFFFFF  }
0xc5: {  	(tm) =	ssettm $0x7FFFFFFF  }
tec
execute0_lowered:
.L_overlay_start_1:
0x0: {  	(tag) =	ssettag $0x1  }
0x1: {  	s1 =	rddreg [dreg:$0x0]  }
0x2: {  	s0 =	srdreg.scid;
	s2 =	rddreg [dreg:$0x1]  }
0x3: {  	s4 =	stileid.u32;
	s3 =	rddreg [dreg:$0x2]  }
0x4: {  	s15 =	simm.s32 $0x6000;
	s16 =	simm.s32 $0xC000;
	s18 =	simm.s32 $0x12000  }
0x5: {  	s19 =	simm.s32 $0x1;
	s20 =	simm.s32 $0x18000;
	s21 =	simm.s32 $0x2  }
0x6: {  	s22 =	simm.s32 $0x5;
	s23 =	simm.s32 $0x3;
	s24 =	simm.s32 $0x6  }
0x7: {  	s25 =	simm.s32 $0x4;
	s26 =	simm.s32 $0x7;
	s0 =	sand.u32 $0x1, s0  }
0x8: {  	s28 =	simm.s32 $0x8;
	s5 =	sshll.u32 s4, $0x3;
	s6 =	sshll.u32 s0, $0x2  }
0x9: {  	s4 =	simm.s32 $0x0;
	s0 =	ssub.s32 $0x2, s0;
	s5 =	sor.u32 s6, s5  }
0xa: {  	[smem:$0x7FF] =	sst s4;
	s7 =	sshrl.u32 s0, $0x1;
	s5 =	smul.u32 $0x1800, s5  }
0xb: {  	s29 =	simm.s32 $0x0;
	_ =	strace $0x80000047;
	s0 =	ssub.s32 s0, s7  }
0xc: {  	s0 =	smax.u32 s0, $0x1;
	s8 =	sshrl.u32 s5, $0x3;
	s6 =	sadd.s32 $0xC0000, s5  }
0xd: {  	s10 =	sor.u32 $0x300000, s5;
	[dreg:$0x7] =	wrdreg s0;
	s30 =	sadd.s32 s1, s8  }
0xe: {  	s31 =	sshrl.u32 s6, $0x3;
	s2 =	sadd.s32 s2, s8;
	[dreg:$0x4] =	wrdreg s30  }
0xf: {  	s11 =	sadd.s32 $0x180000, s5;
	s7 =	sadd.s32 s1, s31;
	[dreg:$0x6] =	wrdreg s2  }
0x10: {  	s12 =	sadd.s32 $0x240000, s5;
	s13 =	sadd.s32 $0x3C0000, s5;
	[dreg:$0x5] =	wrdreg s7  }
.LBB2_1:
0x11: {  	s0 =	rddreg [dreg:$0x4]  }
0x12: {  	[tilespmem:s15], [sflag:$0x1] =	stream.linear.gather [hbm4b:s0+s4], $0x6000, $0x38;
	[tilespmem:$0x1E000] =	vst v63  }
0x13: {  	s14 =	rddreg [dreg:$0x5]  }
0x14: {  	[tilespmem:s16], [sflag:$0x2] =	stream.linear.gather [hbm4b:s14+s4], $0x6000, $0x38;
	[tilespmem:$0x1E000] =	vst v63  }
0x15: {  	s17 =	rddreg [dreg:$0x6];
	s31 =	simm.s32 $0x9  }
0x16: {  	[tilespmem:s4], [sflag:$0x9] =	stream.linear.gather [hbm4b:s17+s4], $0x6000, $0x38;
	[tilespmem:$0x1E000] =	vst v63  }
0x17: {  	_ =	swait.ge [sflag:s31], $0x6000  }
0x18: {  	[sflag:s31] =	ssyncset.done $0x0  }
0x19: {  	s30 =	simm.s32 $0x0;
	[sflag:s31] =	ssyncadd.s32 $0xFFFFA000  }
.LBB2_2:
0x1a: {  	p0 =	seq.s32 s30, $0x0;
	s31 =	smul.u32 $0x300000, s30  }
0x1b: {  	s0 =	simm.s32 @!p0 $0x7  }
0x1c: {  	_ =	swait.ge @!p0 [sflag:s0], $0x6000;
	s2 =	sadd.s32 s31, s11  }
0x1d: {  	s17 =	simm.s32 $0x0;
	[sflag:s0] =	ssyncset.done @!p0 $0x0;
	s2 =	sshrl.u32 s2, $0x3  }
0x1e: {  	[sflag:s0] =	ssyncadd.s32 @!p0 $0xFFFFA000;
	s7 =	sadd.s32 s1, s2;
	s0 =	simm.s32 $0x0  }
0x1f: {  	[tilespmem:s18], [sflag:$0x3] =	stream.linear.gather [hbm4b:s7+s0], $0x6000, $0x38;
	[tilespmem:$0x1E000] =	vst v63  }
0x20: {  	s7 =	smul.u32 $0x1800, s17;
	_ =	swait.ge [sflag:s19], $0x6000  }
0x21: {  	s8 =	sand.u32 $0x380, s0;
	[sflag:s19] =	ssyncset.done $0x0  }
0x22: {  	s7 =	sor.u32 s8, s7;
	[sflag:s19] =	ssyncadd.s32 $0xFFFFA000  }
0x23: {  	v0 =	vld [tilespmem:s7+$0x1470]  }
0x24: {  	v3 =	vld [tilespmem:s7+$0x0]  }
0x25: {  	v4 =	vld [tilespmem:s7+$0x10]  }
0x26: {  	v5 =	vld [tilespmem:s7+$0x20]  }
0x27: {  	v6 =	vld [tilespmem:s7+$0x30]  }
0x28: {  	v7 =	vld [tilespmem:s7+$0x40]  }
0x29: {  	v8 =	vld [tilespmem:s7+$0x50]  }
0x2a: {  	v9 =	vld [tilespmem:s7+$0x60]  }
0x2b: {  	v10 =	vld [tilespmem:s7+$0x70]  }
0x2c: {  	v11 =	vld [tilespmem:s7+$0x400]  }
0x2d: {  	v12 =	vld [tilespmem:s7+$0x410]  }
0x2e: {  	v13 =	vld [tilespmem:s7+$0x420]  }
0x2f: {  	v14 =	vld [tilespmem:s7+$0x430]  }
0x30: {  	v15 =	vld [tilespmem:s7+$0x440]  }
0x31: {  	v16 =	vld [tilespmem:s7+$0x450]  }
0x32: {  	v17 =	vld [tilespmem:s7+$0x460]  }
0x33: {  	v18 =	vld [tilespmem:s7+$0x470]  }
0x34: {  	v19 =	vld [tilespmem:s7+$0x800]  }
0x35: {  	v20 =	vld [tilespmem:s7+$0x810]  }
0x36: {  	v21 =	vld [tilespmem:s7+$0x820]  }
0x37: {  	v22 =	vld [tilespmem:s7+$0x830]  }
0x38: {  	v23 =	vld [tilespmem:s7+$0x840]  }
0x39: {  	v24 =	vld [tilespmem:s7+$0x850]  }
0x3a: {  	v25 =	vld [tilespmem:s7+$0x860]  }
0x3b: {  	v26 =	vld [tilespmem:s7+$0x870]  }
0x3c: {  	v27 =	vld [tilespmem:s7+$0xC00]  }
0x3d: {  	v28 =	vld [tilespmem:s7+$0xC10]  }
0x3e: {  	v29 =	vld [tilespmem:s7+$0xC20]  }
0x3f: {  	v30 =	vld [tilespmem:s7+$0xC30]  }
0x40: {  	v31 =	vld [tilespmem:s7+$0xC40]  }
0x41: {  	v32 =	vld [tilespmem:s7+$0xC50]  }
0x42: {  	v33 =	vld [tilespmem:s7+$0xC60]  }
0x43: {  	v34 =	vld [tilespmem:s7+$0xC70]  }
0x44: {  	v35 =	vld [tilespmem:s7+$0x1000]  }
0x45: {  	v36 =	vld [tilespmem:s7+$0x1010]  }
0x46: {  	v37 =	vld [tilespmem:s7+$0x1020]  }
0x47: {  	v38 =	vld [tilespmem:s7+$0x1030]  }
0x48: {  	v39 =	vld [tilespmem:s7+$0x1040]  }
0x49: {  	v40 =	vld [tilespmem:s7+$0x1050]  }
0x4a: {  	v41 =	vld [tilespmem:s7+$0x1060]  }
0x4b: {  	v42 =	vld [tilespmem:s7+$0x1070]  }
0x4c: {  	v43 =	vld [tilespmem:s7+$0x1400]  }
0x4d: {  	v44 =	vld [tilespmem:s7+$0x1410]  }
0x4e: {  	v45 =	vld [tilespmem:s7+$0x1420]  }
0x4f: {  	v46 =	vld [tilespmem:s7+$0x1430]  }
0x50: {  	v2 =	vld [tilespmem:s7+$0x1440]  }
0x51: {  	v1 =	vld [tilespmem:s7+$0x1450]  }
0x52: {  	[tilespmem:s7+$0x7470] =	vst.add.f32.msk $0xffff, v0  }
0x53: {  	v0 =	vld [tilespmem:s7+$0x1460]  }
0x54: {  	[tilespmem:s7+$0x6000] =	vst.add.f32.msk $0xffff, v3  }
0x55: {  	[tilespmem:s7+$0x6010] =	vst.add.f32.msk $0xffff, v4  }
0x56: {  	[tilespmem:s7+$0x6020] =	vst.add.f32.msk $0xffff, v5  }
0x57: {  	[tilespmem:s7+$0x6030] =	vst.add.f32.msk $0xffff, v6  }
0x58: {  	[tilespmem:s7+$0x6040] =	vst.add.f32.msk $0xffff, v7  }
0x59: {  	[tilespmem:s7+$0x6050] =	vst.add.f32.msk $0xffff, v8  }
0x5a: {  	[tilespmem:s7+$0x6060] =	vst.add.f32.msk $0xffff, v9  }
0x5b: {  	[tilespmem:s7+$0x6070] =	vst.add.f32.msk $0xffff, v10  }
0x5c: {  	[tilespmem:s7+$0x6400] =	vst.add.f32.msk $0xffff, v11  }
0x5d: {  	[tilespmem:s7+$0x6410] =	vst.add.f32.msk $0xffff, v12  }
0x5e: {  	[tilespmem:s7+$0x6420] =	vst.add.f32.msk $0xffff, v13  }
0x5f: {  	[tilespmem:s7+$0x6430] =	vst.add.f32.msk $0xffff, v14  }
0x60: {  	[tilespmem:s7+$0x6440] =	vst.add.f32.msk $0xffff, v15  }
0x61: {  	[tilespmem:s7+$0x6450] =	vst.add.f32.msk $0xffff, v16  }
0x62: {  	[tilespmem:s7+$0x6460] =	vst.add.f32.msk $0xffff, v17  }
0x63: {  	[tilespmem:s7+$0x6470] =	vst.add.f32.msk $0xffff, v18  }
0x64: {  	[tilespmem:s7+$0x6800] =	vst.add.f32.msk $0xffff, v19  }
0x65: {  	[tilespmem:s7+$0x6810] =	vst.add.f32.msk $0xffff, v20  }
0x66: {  	[tilespmem:s7+$0x6820] =	vst.add.f32.msk $0xffff, v21  }
0x67: {  	[tilespmem:s7+$0x6830] =	vst.add.f32.msk $0xffff, v22  }
0x68: {  	[tilespmem:s7+$0x6840] =	vst.add.f32.msk $0xffff, v23  }
0x69: {  	[tilespmem:s7+$0x6850] =	vst.add.f32.msk $0xffff, v24  }
0x6a: {  	[tilespmem:s7+$0x6860] =	vst.add.f32.msk $0xffff, v25  }
0x6b: {  	[tilespmem:s7+$0x6870] =	vst.add.f32.msk $0xffff, v26  }
0x6c: {  	[tilespmem:s7+$0x6C00] =	vst.add.f32.msk $0xffff, v27  }
0x6d: {  	[tilespmem:s7+$0x6C10] =	vst.add.f32.msk $0xffff, v28  }
0x6e: {  	[tilespmem:s7+$0x6C20] =	vst.add.f32.msk $0xffff, v29  }
0x6f: {  	[tilespmem:s7+$0x6C30] =	vst.add.f32.msk $0xffff, v30  }
0x70: {  	[tilespmem:s7+$0x6C40] =	vst.add.f32.msk $0xffff, v31  }
0x71: {  	[tilespmem:s7+$0x6C50] =	vst.add.f32.msk $0xffff, v32  }
0x72: {  	[tilespmem:s7+$0x6C60] =	vst.add.f32.msk $0xffff, v33  }
0x73: {  	[tilespmem:s7+$0x6C70] =	vst.add.f32.msk $0xffff, v34  }
0x74: {  	[tilespmem:s7+$0x7000] =	vst.add.f32.msk $0xffff, v35  }
0x75: {  	[tilespmem:s7+$0x7010] =	vst.add.f32.msk $0xffff, v36  }
0x76: {  	[tilespmem:s7+$0x7020] =	vst.add.f32.msk $0xffff, v37  }
0x77: {  	[tilespmem:s7+$0x7030] =	vst.add.f32.msk $0xffff, v38  }
0x78: {  	[tilespmem:s7+$0x7040] =	vst.add.f32.msk $0xffff, v39  }
0x79: {  	[tilespmem:s7+$0x7050] =	vst.add.f32.msk $0xffff, v40  }
0x7a: {  	[tilespmem:s7+$0x7060] =	vst.add.f32.msk $0xffff, v41  }
0x7b: {  	[tilespmem:s7+$0x7070] =	vst.add.f32.msk $0xffff, v42  }
0x7c: {  	[tilespmem:s7+$0x7400] =	vst.add.f32.msk $0xffff, v43  }
0x7d: {  	[tilespmem:s7+$0x7410] =	vst.add.f32.msk $0xffff, v44  }
0x7e: {  	[tilespmem:s7+$0x7420] =	vst.add.f32.msk $0xffff, v45  }
0x7f: {  	s9 =	simm.s32 $0x0;
	s8 =	simm.s32 $0x2;
	[tilespmem:s7+$0x7430] =	vst.add.f32.msk $0xffff, v46  }
.LBB2_3:
0x80: {  	p1 =	sne.s32 s8, $0x1F;
	s9 =	smul.u32 $0x1800, s9;
	[tilespmem:s7+$0x7440] =	vst.add.f32.msk $0xffff, v2;
	s0 =	sadd.s32 $0x80, s0  }
0x81: {  	s14 =	sand.u32 $0x380, s0;
	[tilespmem:s7+$0x7450] =	vst.add.f32.msk $0xffff, v1  }
0x82: {  	[tilespmem:s7+$0x7460] =	vst.add.f32.msk $0xffff, v0;
	s7 =	sor.u32 s14, s9  }
0x83: {  	v0 =	vld [tilespmem:s7+$0x1470]  }
0x84: {  	v3 =	vld [tilespmem:s7+$0x0]  }
0x85: {  	v4 =	vld [tilespmem:s7+$0x10]  }
0x86: {  	v5 =	vld [tilespmem:s7+$0x20]  }
0x87: {  	v6 =	vld [tilespmem:s7+$0x30]  }
0x88: {  	[tilespmem:s7+$0x7470] =	vst.add.f32.msk $0xffff, v0  }
0x89: {  	v7 =	vld [tilespmem:s7+$0x40]  }
0x8a: {  	v8 =	vld [tilespmem:s7+$0x50]  }
0x8b: {  	v9 =	vld [tilespmem:s7+$0x60]  }
0x8c: {  	v10 =	vld [tilespmem:s7+$0x70]  }
0x8d: {  	v11 =	vld [tilespmem:s7+$0x400]  }
0x8e: {  	v12 =	vld [tilespmem:s7+$0x410]  }
0x8f: {  	v13 =	vld [tilespmem:s7+$0x420]  }
0x90: {  	v14 =	vld [tilespmem:s7+$0x430]  }
0x91: {  	v15 =	vld [tilespmem:s7+$0x440]  }
0x92: {  	v16 =	vld [tilespmem:s7+$0x450]  }
0x93: {  	v17 =	vld [tilespmem:s7+$0x460]  }
0x94: {  	v18 =	vld [tilespmem:s7+$0x470]  }
0x95: {  	v19 =	vld [tilespmem:s7+$0x800]  }
0x96: {  	v20 =	vld [tilespmem:s7+$0x810]  }
0x97: {  	v21 =	vld [tilespmem:s7+$0x820]  }
0x98: {  	v22 =	vld [tilespmem:s7+$0x830]  }
0x99: {  	v23 =	vld [tilespmem:s7+$0x840]  }
0x9a: {  	v24 =	vld [tilespmem:s7+$0x850]  }
0x9b: {  	v25 =	vld [tilespmem:s7+$0x860]  }
0x9c: {  	v26 =	vld [tilespmem:s7+$0x870]  }
0x9d: {  	v27 =	vld [tilespmem:s7+$0xC00]  }
0x9e: {  	v28 =	vld [tilespmem:s7+$0xC10]  }
0x9f: {  	v29 =	vld [tilespmem:s7+$0xC20]  }
0xa0: {  	v30 =	vld [tilespmem:s7+$0xC30]  }
0xa1: {  	v31 =	vld [tilespmem:s7+$0xC40]  }
0xa2: {  	v32 =	vld [tilespmem:s7+$0xC50]  }
0xa3: {  	v33 =	vld [tilespmem:s7+$0xC60]  }
0xa4: {  	v34 =	vld [tilespmem:s7+$0xC70]  }
0xa5: {  	v35 =	vld [tilespmem:s7+$0x1000]  }
0xa6: {  	v36 =	vld [tilespmem:s7+$0x1010]  }
0xa7: {  	v37 =	vld [tilespmem:s7+$0x1020]  }
0xa8: {  	v38 =	vld [tilespmem:s7+$0x1030]  }
0xa9: {  	v39 =	vld [tilespmem:s7+$0x1040]  }
0xaa: {  	v40 =	vld [tilespmem:s7+$0x1050]  }
0xab: {  	v41 =	vld [tilespmem:s7+$0x1060]  }
0xac: {  	v42 =	vld [tilespmem:s7+$0x1070]  }
0xad: {  	v43 =	vld [tilespmem:s7+$0x1400]  }
0xae: {  	v44 =	vld [tilespmem:s7+$0x1410]  }
0xaf: {  	v45 =	vld [tilespmem:s7+$0x1420]  }
0xb0: {  	v46 =	vld [tilespmem:s7+$0x1430]  }
0xb1: {  	v2 =	vld [tilespmem:s7+$0x1440]  }
0xb2: {  	v1 =	vld [tilespmem:s7+$0x1450]  }
0xb3: {  	v0 =	vld [tilespmem:s7+$0x1460]  }
0xb4: {  	[tilespmem:s7+$0x6000] =	vst.add.f32.msk $0xffff, v3  }
0xb5: {  	[tilespmem:s7+$0x6010] =	vst.add.f32.msk $0xffff, v4  }
0xb6: {  	[tilespmem:s7+$0x6020] =	vst.add.f32.msk $0xffff, v5  }
0xb7: {  	[tilespmem:s7+$0x6030] =	vst.add.f32.msk $0xffff, v6  }
0xb8: {  	[tilespmem:s7+$0x6040] =	vst.add.f32.msk $0xffff, v7  }
0xb9: {  	[tilespmem:s7+$0x6050] =	vst.add.f32.msk $0xffff, v8  }
0xba: {  	[tilespmem:s7+$0x6060] =	vst.add.f32.msk $0xffff, v9  }
0xbb: {  	[tilespmem:s7+$0x6070] =	vst.add.f32.msk $0xffff, v10  }
0xbc: {  	[tilespmem:s7+$0x6400] =	vst.add.f32.msk $0xffff, v11  }
0xbd: {  	[tilespmem:s7+$0x6410] =	vst.add.f32.msk $0xffff, v12  }
0xbe: {  	[tilespmem:s7+$0x6420] =	vst.add.f32.msk $0xffff, v13  }
0xbf: {  	[tilespmem:s7+$0x6430] =	vst.add.f32.msk $0xffff, v14  }
0xc0: {  	[tilespmem:s7+$0x6440] =	vst.add.f32.msk $0xffff, v15  }
0xc1: {  	[tilespmem:s7+$0x6450] =	vst.add.f32.msk $0xffff, v16  }
0xc2: {  	[tilespmem:s7+$0x6460] =	vst.add.f32.msk $0xffff, v17  }
0xc3: {  	[tilespmem:s7+$0x6470] =	vst.add.f32.msk $0xffff, v18  }
0xc4: {  	[tilespmem:s7+$0x6800] =	vst.add.f32.msk $0xffff, v19  }
0xc5: {  	[tilespmem:s7+$0x6810] =	vst.add.f32.msk $0xffff, v20  }
0xc6: {  	[tilespmem:s7+$0x6820] =	vst.add.f32.msk $0xffff, v21  }
0xc7: {  	[tilespmem:s7+$0x6830] =	vst.add.f32.msk $0xffff, v22  }
0xc8: {  	[tilespmem:s7+$0x6840] =	vst.add.f32.msk $0xffff, v23  }
0xc9: {  	[tilespmem:s7+$0x6850] =	vst.add.f32.msk $0xffff, v24  }
0xca: {  	[tilespmem:s7+$0x6860] =	vst.add.f32.msk $0xffff, v25  }
0xcb: {  	[tilespmem:s7+$0x6870] =	vst.add.f32.msk $0xffff, v26  }
0xcc: {  	[tilespmem:s7+$0x6C00] =	vst.add.f32.msk $0xffff, v27  }
0xcd: {  	[tilespmem:s7+$0x6C10] =	vst.add.f32.msk $0xffff, v28  }
0xce: {  	[tilespmem:s7+$0x6C20] =	vst.add.f32.msk $0xffff, v29  }
0xcf: {  	[tilespmem:s7+$0x6C30] =	vst.add.f32.msk $0xffff, v30  }
0xd0: {  	[tilespmem:s7+$0x6C40] =	vst.add.f32.msk $0xffff, v31  }
0xd1: {  	[tilespmem:s7+$0x6C50] =	vst.add.f32.msk $0xffff, v32  }
0xd2: {  	[tilespmem:s7+$0x6C60] =	vst.add.f32.msk $0xffff, v33  }
0xd3: {  	[tilespmem:s7+$0x6C70] =	vst.add.f32.msk $0xffff, v34  }
0xd4: {  	[tilespmem:s7+$0x7000] =	vst.add.f32.msk $0xffff, v35  }
0xd5: {  	[tilespmem:s7+$0x7010] =	vst.add.f32.msk $0xffff, v36  }
0xd6: {  	[tilespmem:s7+$0x7020] =	vst.add.f32.msk $0xffff, v37  }
0xd7: {  	[tilespmem:s7+$0x7030] =	vst.add.f32.msk $0xffff, v38  }
0xd8: {  	[tilespmem:s7+$0x7040] =	vst.add.f32.msk $0xffff, v39  }
0xd9: {  	[tilespmem:s7+$0x7050] =	vst.add.f32.msk $0xffff, v40  }
0xda: {  	[tilespmem:s7+$0x7060] =	vst.add.f32.msk $0xffff, v41  }
.Ltmp0:
0xdb: {  	[tilespmem:s7+$0x7070] =	vst.add.f32.msk $0xffff, v42;
	(pc) =	sbr.rel @p1 .LBB2_3-.Ltmp0, $4  }
0xdc: {  	[tilespmem:s7+$0x7400] =	vst.add.f32.msk $0xffff, v43  }
0xdd: {  	[tilespmem:s7+$0x7410] =	vst.add.f32.msk $0xffff, v44  }
0xde: {  	[tilespmem:s7+$0x7420] =	vst.add.f32.msk $0xffff, v45  }
0xdf: {  	s9 =	sshrl.u32 s8, $0x3;
	s8 =	sadd.s32 $0x1, s8;
	[tilespmem:s7+$0x7430] =	vst.add.f32.msk $0xffff, v46  }
0xe0: {  	s8 =	smul.u32 $0x1800, s9;
	[tilespmem:s7+$0x7440] =	vst.add.f32.msk $0xffff, v2;
	s0 =	sadd.s32 $0x80, s0  }
0xe1: {  	[tilespmem:s7+$0x7450] =	vst.add.f32.msk $0xffff, v1;
	s0 =	sand.u32 $0x380, s0  }
0xe2: {  	[tilespmem:s7+$0x7460] =	vst.add.f32.msk $0xffff, v0;
	s0 =	sor.u32 s0, s8  }
0xe3: {  	v0 =	vld [tilespmem:s0+$0x1470]  }
0xe4: {  	v1 =	vld [tilespmem:s0+$0x0]  }
0xe5: {  	v2 =	vld [tilespmem:s0+$0x10]  }
0xe6: {  	v3 =	vld [tilespmem:s0+$0x20]  }
0xe7: {  	v4 =	vld [tilespmem:s0+$0x30]  }
0xe8: {  	v5 =	vld [tilespmem:s0+$0x50]  }
0xe9: {  	v6 =	vld [tilespmem:s0+$0x60]  }
0xea: {  	v7 =	vld [tilespmem:s0+$0x70]  }
0xeb: {  	v8 =	vld [tilespmem:s0+$0x400]  }
0xec: {  	v9 =	vld [tilespmem:s0+$0x410]  }
0xed: {  	v10 =	vld [tilespmem:s0+$0x420]  }
0xee: {  	v11 =	vld [tilespmem:s0+$0x430]  }
0xef: {  	v12 =	vld [tilespmem:s0+$0x440]  }
0xf0: {  	v13 =	vld [tilespmem:s0+$0x450]  }
0xf1: {  	v14 =	vld [tilespmem:s0+$0x460]  }
0xf2: {  	v15 =	vld [tilespmem:s0+$0x470]  }
0xf3: {  	v16 =	vld [tilespmem:s0+$0x800]  }
0xf4: {  	v17 =	vld [tilespmem:s0+$0x810]  }
0xf5: {  	v18 =	vld [tilespmem:s0+$0x820]  }
0xf6: {  	v19 =	vld [tilespmem:s0+$0x830]  }
0xf7: {  	v20 =	vld [tilespmem:s0+$0x840]  }
0xf8: {  	v21 =	vld [tilespmem:s0+$0x850]  }
0xf9: {  	v22 =	vld [tilespmem:s0+$0x860]  }
0xfa: {  	v23 =	vld [tilespmem:s0+$0x870]  }
0xfb: {  	v24 =	vld [tilespmem:s0+$0xC00]  }
0xfc: {  	v25 =	vld [tilespmem:s0+$0xC10]  }
0xfd: {  	v26 =	vld [tilespmem:s0+$0xC20]  }
0xfe: {  	v27 =	vld [tilespmem:s0+$0xC30]  }
0xff: {  	v28 =	vld [tilespmem:s0+$0xC40]  }
0x100: {  	v29 =	vld [tilespmem:s0+$0xC50]  }
0x101: {  	v30 =	vld [tilespmem:s0+$0xC60]  }
0x102: {  	v31 =	vld [tilespmem:s0+$0xC70]  }
0x103: {  	v32 =	vld [tilespmem:s0+$0x1000]  }
0x104: {  	v33 =	vld [tilespmem:s0+$0x1010]  }
0x105: {  	v34 =	vld [tilespmem:s0+$0x1020]  }
0x106: {  	v35 =	vld [tilespmem:s0+$0x1030]  }
0x107: {  	v36 =	vld [tilespmem:s0+$0x1040]  }
0x108: {  	v37 =	vld [tilespmem:s0+$0x1050]  }
0x109: {  	v38 =	vld [tilespmem:s0+$0x1060]  }
0x10a: {  	v39 =	vld [tilespmem:s0+$0x1070]  }
0x10b: {  	v40 =	vld [tilespmem:s0+$0x1400]  }
0x10c: {  	v41 =	vld [tilespmem:s0+$0x1410]  }
0x10d: {  	v42 =	vld [tilespmem:s0+$0x1420]  }
0x10e: {  	v43 =	vld [tilespmem:s0+$0x1430]  }
0x10f: {  	v44 =	vld [tilespmem:s0+$0x1440]  }
0x110: {  	v45 =	vld [tilespmem:s0+$0x1450]  }
0x111: {  	v46 =	vld [tilespmem:s0+$0x1460]  }
0x112: {  	[tilespmem:s0+$0x7470] =	vst.add.f32.msk $0xffff, v0  }
0x113: {  	v0 =	vld [tilespmem:s0+$0x40]  }
0x114: {  	[tilespmem:s0+$0x6000] =	vst.add.f32.msk $0xffff, v1  }
0x115: {  	[tilespmem:s0+$0x6010] =	vst.add.f32.msk $0xffff, v2  }
0x116: {  	[tilespmem:s0+$0x6020] =	vst.add.f32.msk $0xffff, v3  }
0x117: {  	[tilespmem:s0+$0x6030] =	vst.add.f32.msk $0xffff, v4  }
0x118: {  	[tilespmem:s0+$0x6050] =	vst.add.f32.msk $0xffff, v5  }
0x119: {  	[tilespmem:s0+$0x6060] =	vst.add.f32.msk $0xffff, v6  }
0x11a: {  	[tilespmem:s0+$0x6070] =	vst.add.f32.msk $0xffff, v7  }
0x11b: {  	[tilespmem:s0+$0x6400] =	vst.add.f32.msk $0xffff, v8  }
0x11c: {  	[tilespmem:s0+$0x6410] =	vst.add.f32.msk $0xffff, v9  }
0x11d: {  	[tilespmem:s0+$0x6420] =	vst.add.f32.msk $0xffff, v10  }
0x11e: {  	[tilespmem:s0+$0x6430] =	vst.add.f32.msk $0xffff, v11  }
0x11f: {  	[tilespmem:s0+$0x6440] =	vst.add.f32.msk $0xffff, v12  }
0x120: {  	[tilespmem:s0+$0x6450] =	vst.add.f32.msk $0xffff, v13  }
0x121: {  	[tilespmem:s0+$0x6460] =	vst.add.f32.msk $0xffff, v14  }
0x122: {  	[tilespmem:s0+$0x6470] =	vst.add.f32.msk $0xffff, v15  }
0x123: {  	[tilespmem:s0+$0x6800] =	vst.add.f32.msk $0xffff, v16  }
0x124: {  	[tilespmem:s0+$0x6810] =	vst.add.f32.msk $0xffff, v17  }
0x125: {  	[tilespmem:s0+$0x6820] =	vst.add.f32.msk $0xffff, v18  }
0x126: {  	[tilespmem:s0+$0x6830] =	vst.add.f32.msk $0xffff, v19  }
0x127: {  	[tilespmem:s0+$0x6840] =	vst.add.f32.msk $0xffff, v20  }
0x128: {  	[tilespmem:s0+$0x6850] =	vst.add.f32.msk $0xffff, v21  }
0x129: {  	[tilespmem:s0+$0x6860] =	vst.add.f32.msk $0xffff, v22  }
0x12a: {  	[tilespmem:s0+$0x6870] =	vst.add.f32.msk $0xffff, v23  }
0x12b: {  	[tilespmem:s0+$0x6C00] =	vst.add.f32.msk $0xffff, v24  }
0x12c: {  	[tilespmem:s0+$0x6C10] =	vst.add.f32.msk $0xffff, v25  }
0x12d: {  	[tilespmem:s0+$0x6C20] =	vst.add.f32.msk $0xffff, v26  }
0x12e: {  	[tilespmem:s0+$0x6C30] =	vst.add.f32.msk $0xffff, v27  }
0x12f: {  	[tilespmem:s0+$0x6C40] =	vst.add.f32.msk $0xffff, v28  }
0x130: {  	[tilespmem:s0+$0x6C50] =	vst.add.f32.msk $0xffff, v29  }
0x131: {  	[tilespmem:s0+$0x6C60] =	vst.add.f32.msk $0xffff, v30  }
0x132: {  	[tilespmem:s0+$0x6C70] =	vst.add.f32.msk $0xffff, v31  }
0x133: {  	[tilespmem:s0+$0x7000] =	vst.add.f32.msk $0xffff, v32  }
0x134: {  	[tilespmem:s0+$0x7010] =	vst.add.f32.msk $0xffff, v33  }
0x135: {  	[tilespmem:s0+$0x7020] =	vst.add.f32.msk $0xffff, v34  }
0x136: {  	[tilespmem:s0+$0x7030] =	vst.add.f32.msk $0xffff, v35  }
0x137: {  	[tilespmem:s0+$0x7040] =	vst.add.f32.msk $0xffff, v36  }
0x138: {  	[tilespmem:s0+$0x7050] =	vst.add.f32.msk $0xffff, v37  }
0x139: {  	[tilespmem:s0+$0x7060] =	vst.add.f32.msk $0xffff, v38  }
0x13a: {  	[tilespmem:s0+$0x7070] =	vst.add.f32.msk $0xffff, v39  }
0x13b: {  	[tilespmem:s0+$0x7400] =	vst.add.f32.msk $0xffff, v40  }
0x13c: {  	[tilespmem:s0+$0x7410] =	vst.add.f32.msk $0xffff, v41  }
0x13d: {  	[tilespmem:s0+$0x7420] =	vst.add.f32.msk $0xffff, v42  }
0x13e: {  	[tilespmem:s0+$0x7430] =	vst.add.f32.msk $0xffff, v43  }
0x13f: {  	[tilespmem:s0+$0x7440] =	vst.add.f32.msk $0xffff, v44  }
0x140: {  	s17 =	sor.u32 s5, s31;
	[tilespmem:s0+$0x7450] =	vst.add.f32.msk $0xffff, v45  }
0x141: {  	s7 =	sshrl.u32 s17, $0x3;
	[tilespmem:s0+$0x7460] =	vst.add.f32.msk $0xffff, v46  }
0x142: {  	s7 =	sadd.s32 s3, s7;
	[tilespmem:s0+$0x6040] =	vst.add.f32.msk $0xffff, v0  }
0x143: {  	[hbm4b:s7+s4] =	stream.linear.scatter [tilespmem:s15], [sflag:$0x5], $0x6000, $0x38;
	[tilespmem:$0x1E000] =	vst v63  }
0x144: {  	s7 =	simm.s32 @!p0 $0x8  }
0x145: {  	s8 =	sadd.s32 s31, s12;
	_ =	swait.ge @!p0 [sflag:s7], $0x6000  }
0x146: {  	s14 =	simm.s32 $0x0;
	s0 =	sshrl.u32 s8, $0x3;
	[sflag:s7] =	ssyncset.done @!p0 $0x0  }
0x147: {  	s9 =	sadd.s32 s1, s0;
	[sflag:s7] =	ssyncadd.s32 @!p0 $0xFFFFA000;
	s7 =	simm.s32 $0x0  }
0x148: {  	[tilespmem:s20], [sflag:$0x4] =	stream.linear.gather [hbm4b:s9+s7], $0x6000, $0x38;
	[tilespmem:$0x1E000] =	vst v63  }
0x149: {  	s8 =	smul.u32 $0x1800, s14;
	_ =	swait.ge [sflag:s21], $0x6000  }
0x14a: {  	s17 =	sand.u32 $0x380, s7;
	[sflag:s21] =	ssyncset.done $0x0  }
0x14b: {  	s8 =	sor.u32 s17, s8;
	[sflag:s21] =	ssyncadd.s32 $0xFFFFA000  }
0x14c: {  	v0 =	vld [tilespmem:s8+$0x1470]  }
0x14d: {  	v3 =	vld [tilespmem:s8+$0x0]  }
0x14e: {  	v4 =	vld [tilespmem:s8+$0x10]  }
0x14f: {  	v5 =	vld [tilespmem:s8+$0x20]  }
0x150: {  	v6 =	vld [tilespmem:s8+$0x30]  }
0x151: {  	v7 =	vld [tilespmem:s8+$0x40]  }
0x152: {  	v8 =	vld [tilespmem:s8+$0x50]  }
0x153: {  	v9 =	vld [tilespmem:s8+$0x60]  }
0x154: {  	v10 =	vld [tilespmem:s8+$0x70]  }
0x155: {  	v11 =	vld [tilespmem:s8+$0x400]  }
0x156: {  	v12 =	vld [tilespmem:s8+$0x410]  }
0x157: {  	v13 =	vld [tilespmem:s8+$0x420]  }
0x158: {  	v14 =	vld [tilespmem:s8+$0x430]  }
0x159: {  	v15 =	vld [tilespmem:s8+$0x440]  }
0x15a: {  	v16 =	vld [tilespmem:s8+$0x450]  }
0x15b: {  	v17 =	vld [tilespmem:s8+$0x460]  }
0x15c: {  	v18 =	vld [tilespmem:s8+$0x470]  }
0x15d: {  	v19 =	vld [tilespmem:s8+$0x800]  }
0x15e: {  	v20 =	vld [tilespmem:s8+$0x810]  }
0x15f: {  	v21 =	vld [tilespmem:s8+$0x820]  }
0x160: {  	v22 =	vld [tilespmem:s8+$0x830]  }
0x161: {  	v23 =	vld [tilespmem:s8+$0x840]  }
0x162: {  	v24 =	vld [tilespmem:s8+$0x850]  }
0x163: {  	v25 =	vld [tilespmem:s8+$0x860]  }
0x164: {  	v26 =	vld [tilespmem:s8+$0x870]  }
0x165: {  	v27 =	vld [tilespmem:s8+$0xC00]  }
0x166: {  	v28 =	vld [tilespmem:s8+$0xC10]  }
0x167: {  	v29 =	vld [tilespmem:s8+$0xC20]  }
0x168: {  	v30 =	vld [tilespmem:s8+$0xC30]  }
0x169: {  	v48 =	vld [tilespmem:s8+$0xC40]  }
0x16a: {  	v49 =	vld [tilespmem:s8+$0xC50]  }
0x16b: {  	v50 =	vld [tilespmem:s8+$0xC60]  }
0x16c: {  	v51 =	vld [tilespmem:s8+$0xC70]  }
0x16d: {  	v52 =	vld [tilespmem:s8+$0x1000]  }
0x16e: {  	v53 =	vld [tilespmem:s8+$0x1010]  }
0x16f: {  	v54 =	vld [tilespmem:s8+$0x1020]  }
0x170: {  	v55 =	vld [tilespmem:s8+$0x1030]  }
0x171: {  	v56 =	vld [tilespmem:s8+$0x1040]  }
0x172: {  	v57 =	vld [tilespmem:s8+$0x1050]  }
0x173: {  	v58 =	vld [tilespmem:s8+$0x1060]  }
0x174: {  	v59 =	vld [tilespmem:s8+$0x1070]  }
0x175: {  	v60 =	vld [tilespmem:s8+$0x1400]  }
0x176: {  	v61 =	vld [tilespmem:s8+$0x1410]  }
0x177: {  	v62 =	vld [tilespmem:s8+$0x1420]  }
0x178: {  	v63 =	vld [tilespmem:s8+$0x1430]  }
0x179: {  	v2 =	vld [tilespmem:s8+$0x1440]  }
0x17a: {  	v1 =	vld [tilespmem:s8+$0x1450]  }
0x17b: {  	[tilespmem:s8+$0xD470] =	vst.add.f32.msk $0xffff, v0  }
0x17c: {  	v0 =	vld [tilespmem:s8+$0x1460]  }
0x17d: {  	[tilespmem:s8+$0xC000] =	vst.add.f32.msk $0xffff, v3  }
0x17e: {  	[tilespmem:s8+$0xC010] =	vst.add.f32.msk $0xffff, v4  }
0x17f: {  	[tilespmem:s8+$0xC020] =	vst.add.f32.msk $0xffff, v5  }
0x180: {  	[tilespmem:s8+$0xC030] =	vst.add.f32.msk $0xffff, v6  }
0x181: {  	[tilespmem:s8+$0xC040] =	vst.add.f32.msk $0xffff, v7  }
0x182: {  	[tilespmem:s8+$0xC050] =	vst.add.f32.msk $0xffff, v8  }
0x183: {  	[tilespmem:s8+$0xC060] =	vst.add.f32.msk $0xffff, v9  }
0x184: {  	[tilespmem:s8+$0xC070] =	vst.add.f32.msk $0xffff, v10  }
0x185: {  	[tilespmem:s8+$0xC400] =	vst.add.f32.msk $0xffff, v11  }
0x186: {  	[tilespmem:s8+$0xC410] =	vst.add.f32.msk $0xffff, v12  }
0x187: {  	[tilespmem:s8+$0xC420] =	vst.add.f32.msk $0xffff, v13  }
0x188: {  	[tilespmem:s8+$0xC430] =	vst.add.f32.msk $0xffff, v14  }
0x189: {  	[tilespmem:s8+$0xC440] =	vst.add.f32.msk $0xffff, v15  }
0x18a: {  	[tilespmem:s8+$0xC450] =	vst.add.f32.msk $0xffff, v16  }
0x18b: {  	[tilespmem:s8+$0xC460] =	vst.add.f32.msk $0xffff, v17  }
0x18c: {  	[tilespmem:s8+$0xC470] =	vst.add.f32.msk $0xffff, v18  }
0x18d: {  	[tilespmem:s8+$0xC800] =	vst.add.f32.msk $0xffff, v19  }
0x18e: {  	[tilespmem:s8+$0xC810] =	vst.add.f32.msk $0xffff, v20  }
0x18f: {  	[tilespmem:s8+$0xC820] =	vst.add.f32.msk $0xffff, v21  }
0x190: {  	[tilespmem:s8+$0xC830] =	vst.add.f32.msk $0xffff, v22  }
0x191: {  	[tilespmem:s8+$0xC840] =	vst.add.f32.msk $0xffff, v23  }
0x192: {  	[tilespmem:s8+$0xC850] =	vst.add.f32.msk $0xffff, v24  }
0x193: {  	[tilespmem:s8+$0xC860] =	vst.add.f32.msk $0xffff, v25  }
0x194: {  	[tilespmem:s8+$0xC870] =	vst.add.f32.msk $0xffff, v26  }
0x195: {  	[tilespmem:s8+$0xCC00] =	vst.add.f32.msk $0xffff, v27  }
0x196: {  	[tilespmem:s8+$0xCC10] =	vst.add.f32.msk $0xffff, v28  }
0x197: {  	[tilespmem:s8+$0xCC20] =	vst.add.f32.msk $0xffff, v29  }
0x198: {  	[tilespmem:s8+$0xCC30] =	vst.add.f32.msk $0xffff, v30  }
0x199: {  	[tilespmem:s8+$0xCC40] =	vst.add.f32.msk $0xffff, v48  }
0x19a: {  	[tilespmem:s8+$0xCC50] =	vst.add.f32.msk $0xffff, v49  }
0x19b: {  	[tilespmem:s8+$0xCC60] =	vst.add.f32.msk $0xffff, v50  }
0x19c: {  	[tilespmem:s8+$0xCC70] =	vst.add.f32.msk $0xffff, v51  }
0x19d: {  	[tilespmem:s8+$0xD000] =	vst.add.f32.msk $0xffff, v52  }
0x19e: {  	[tilespmem:s8+$0xD010] =	vst.add.f32.msk $0xffff, v53  }
0x19f: {  	[tilespmem:s8+$0xD020] =	vst.add.f32.msk $0xffff, v54  }
0x1a0: {  	[tilespmem:s8+$0xD030] =	vst.add.f32.msk $0xffff, v55  }
0x1a1: {  	[tilespmem:s8+$0xD040] =	vst.add.f32.msk $0xffff, v56  }
0x1a2: {  	[tilespmem:s8+$0xD050] =	vst.add.f32.msk $0xffff, v57  }
0x1a3: {  	[tilespmem:s8+$0xD060] =	vst.add.f32.msk $0xffff, v58  }
0x1a4: {  	[tilespmem:s8+$0xD070] =	vst.add.f32.msk $0xffff, v59  }
0x1a5: {  	[tilespmem:s8+$0xD400] =	vst.add.f32.msk $0xffff, v60  }
0x1a6: {  	[tilespmem:s8+$0xD410] =	vst.add.f32.msk $0xffff, v61  }
0x1a7: {  	[tilespmem:s8+$0xD420] =	vst.add.f32.msk $0xffff, v62  }
0x1a8: {  	s14 =	simm.s32 $0x0;
	s9 =	simm.s32 $0x2;
	[tilespmem:s8+$0xD430] =	vst.add.f32.msk $0xffff, v63  }
.LBB2_5:
0x1a9: {  	p0 =	sne.s32 s9, $0x1F;
	s14 =	smul.u32 $0x1800, s14;
	[tilespmem:s8+$0xD440] =	vst.add.f32.msk $0xffff, v2;
	s7 =	sadd.s32 $0x80, s7  }
0x1aa: {  	s17 =	sand.u32 $0x380, s7;
	[tilespmem:s8+$0xD450] =	vst.add.f32.msk $0xffff, v1  }
0x1ab: {  	[tilespmem:s8+$0xD460] =	vst.add.f32.msk $0xffff, v0;
	s8 =	sor.u32 s17, s14  }
0x1ac: {  	v0 =	vld [tilespmem:s8+$0x1470]  }
0x1ad: {  	v3 =	vld [tilespmem:s8+$0x0]  }
0x1ae: {  	v4 =	vld [tilespmem:s8+$0x10]  }
0x1af: {  	v5 =	vld [tilespmem:s8+$0x20]  }
0x1b0: {  	v6 =	vld [tilespmem:s8+$0x30]  }
0x1b1: {  	[tilespmem:s8+$0xD470] =	vst.add.f32.msk $0xffff, v0  }
0x1b2: {  	v7 =	vld [tilespmem:s8+$0x40]  }
0x1b3: {  	v8 =	vld [tilespmem:s8+$0x50]  }
0x1b4: {  	v9 =	vld [tilespmem:s8+$0x60]  }
0x1b5: {  	v10 =	vld [tilespmem:s8+$0x70]  }
0x1b6: {  	v11 =	vld [tilespmem:s8+$0x400]  }
0x1b7: {  	v12 =	vld [tilespmem:s8+$0x410]  }
0x1b8: {  	v13 =	vld [tilespmem:s8+$0x420]  }
0x1b9: {  	v14 =	vld [tilespmem:s8+$0x430]  }
0x1ba: {  	v15 =	vld [tilespmem:s8+$0x440]  }
0x1bb: {  	v16 =	vld [tilespmem:s8+$0x450]  }
0x1bc: {  	v17 =	vld [tilespmem:s8+$0x460]  }
0x1bd: {  	v18 =	vld [tilespmem:s8+$0x470]  }
0x1be: {  	v19 =	vld [tilespmem:s8+$0x800]  }
0x1bf: {  	v20 =	vld [tilespmem:s8+$0x810]  }
0x1c0: {  	v21 =	vld [tilespmem:s8+$0x820]  }
0x1c1: {  	v22 =	vld [tilespmem:s8+$0x830]  }
0x1c2: {  	v23 =	vld [tilespmem:s8+$0x840]  }
0x1c3: {  	v24 =	vld [tilespmem:s8+$0x850]  }
0x1c4: {  	v25 =	vld [tilespmem:s8+$0x860]  }
0x1c5: {  	v26 =	vld [tilespmem:s8+$0x870]  }
0x1c6: {  	v27 =	vld [tilespmem:s8+$0xC00]  }
0x1c7: {  	v28 =	vld [tilespmem:s8+$0xC10]  }
0x1c8: {  	v29 =	vld [tilespmem:s8+$0xC20]  }
0x1c9: {  	v30 =	vld [tilespmem:s8+$0xC30]  }
0x1ca: {  	v31 =	vld [tilespmem:s8+$0xC40]  }
0x1cb: {  	v32 =	vld [tilespmem:s8+$0xC50]  }
0x1cc: {  	v33 =	vld [tilespmem:s8+$0xC60]  }
0x1cd: {  	v34 =	vld [tilespmem:s8+$0xC70]  }
0x1ce: {  	v35 =	vld [tilespmem:s8+$0x1000]  }
0x1cf: {  	v36 =	vld [tilespmem:s8+$0x1010]  }
0x1d0: {  	v37 =	vld [tilespmem:s8+$0x1020]  }
0x1d1: {  	v38 =	vld [tilespmem:s8+$0x1030]  }
0x1d2: {  	v39 =	vld [tilespmem:s8+$0x1040]  }
0x1d3: {  	v40 =	vld [tilespmem:s8+$0x1050]  }
0x1d4: {  	v41 =	vld [tilespmem:s8+$0x1060]  }
0x1d5: {  	v42 =	vld [tilespmem:s8+$0x1070]  }
0x1d6: {  	v43 =	vld [tilespmem:s8+$0x1400]  }
0x1d7: {  	v44 =	vld [tilespmem:s8+$0x1410]  }
0x1d8: {  	v45 =	vld [tilespmem:s8+$0x1420]  }
0x1d9: {  	v46 =	vld [tilespmem:s8+$0x1430]  }
0x1da: {  	v2 =	vld [tilespmem:s8+$0x1440]  }
0x1db: {  	v1 =	vld [tilespmem:s8+$0x1450]  }
0x1dc: {  	v0 =	vld [tilespmem:s8+$0x1460]  }
0x1dd: {  	[tilespmem:s8+$0xC000] =	vst.add.f32.msk $0xffff, v3  }
0x1de: {  	[tilespmem:s8+$0xC010] =	vst.add.f32.msk $0xffff, v4  }
0x1df: {  	[tilespmem:s8+$0xC020] =	vst.add.f32.msk $0xffff, v5  }
0x1e0: {  	[tilespmem:s8+$0xC030] =	vst.add.f32.msk $0xffff, v6  }
0x1e1: {  	[tilespmem:s8+$0xC040] =	vst.add.f32.msk $0xffff, v7  }
0x1e2: {  	[tilespmem:s8+$0xC050] =	vst.add.f32.msk $0xffff, v8  }
0x1e3: {  	[tilespmem:s8+$0xC060] =	vst.add.f32.msk $0xffff, v9  }
0x1e4: {  	[tilespmem:s8+$0xC070] =	vst.add.f32.msk $0xffff, v10  }
0x1e5: {  	[tilespmem:s8+$0xC400] =	vst.add.f32.msk $0xffff, v11  }
0x1e6: {  	[tilespmem:s8+$0xC410] =	vst.add.f32.msk $0xffff, v12  }
0x1e7: {  	[tilespmem:s8+$0xC420] =	vst.add.f32.msk $0xffff, v13  }
0x1e8: {  	[tilespmem:s8+$0xC430] =	vst.add.f32.msk $0xffff, v14  }
0x1e9: {  	[tilespmem:s8+$0xC440] =	vst.add.f32.msk $0xffff, v15  }
0x1ea: {  	[tilespmem:s8+$0xC450] =	vst.add.f32.msk $0xffff, v16  }
0x1eb: {  	[tilespmem:s8+$0xC460] =	vst.add.f32.msk $0xffff, v17  }
0x1ec: {  	[tilespmem:s8+$0xC470] =	vst.add.f32.msk $0xffff, v18  }
0x1ed: {  	[tilespmem:s8+$0xC800] =	vst.add.f32.msk $0xffff, v19  }
0x1ee: {  	[tilespmem:s8+$0xC810] =	vst.add.f32.msk $0xffff, v20  }
0x1ef: {  	[tilespmem:s8+$0xC820] =	vst.add.f32.msk $0xffff, v21  }
0x1f0: {  	[tilespmem:s8+$0xC830] =	vst.add.f32.msk $0xffff, v22  }
0x1f1: {  	[tilespmem:s8+$0xC840] =	vst.add.f32.msk $0xffff, v23  }
0x1f2: {  	[tilespmem:s8+$0xC850] =	vst.add.f32.msk $0xffff, v24  }
0x1f3: {  	[tilespmem:s8+$0xC860] =	vst.add.f32.msk $0xffff, v25  }
0x1f4: {  	[tilespmem:s8+$0xC870] =	vst.add.f32.msk $0xffff, v26  }
0x1f5: {  	[tilespmem:s8+$0xCC00] =	vst.add.f32.msk $0xffff, v27  }
0x1f6: {  	[tilespmem:s8+$0xCC10] =	vst.add.f32.msk $0xffff, v28  }
0x1f7: {  	[tilespmem:s8+$0xCC20] =	vst.add.f32.msk $0xffff, v29  }
0x1f8: {  	[tilespmem:s8+$0xCC30] =	vst.add.f32.msk $0xffff, v30  }
0x1f9: {  	[tilespmem:s8+$0xCC40] =	vst.add.f32.msk $0xffff, v31  }
0x1fa: {  	[tilespmem:s8+$0xCC50] =	vst.add.f32.msk $0xffff, v32  }
0x1fb: {  	[tilespmem:s8+$0xCC60] =	vst.add.f32.msk $0xffff, v33  }
0x1fc: {  	[tilespmem:s8+$0xCC70] =	vst.add.f32.msk $0xffff, v34  }
0x1fd: {  	[tilespmem:s8+$0xD000] =	vst.add.f32.msk $0xffff, v35  }
0x1fe: {  	[tilespmem:s8+$0xD010] =	vst.add.f32.msk $0xffff, v36  }
0x1ff: {  	[tilespmem:s8+$0xD020] =	vst.add.f32.msk $0xffff, v37  }
0x200: {  	[tilespmem:s8+$0xD030] =	vst.add.f32.msk $0xffff, v38  }
0x201: {  	[tilespmem:s8+$0xD040] =	vst.add.f32.msk $0xffff, v39  }
0x202: {  	[tilespmem:s8+$0xD050] =	vst.add.f32.msk $0xffff, v40  }
0x203: {  	[tilespmem:s8+$0xD060] =	vst.add.f32.msk $0xffff, v41  }
.Ltmp1:
0x204: {  	[tilespmem:s8+$0xD070] =	vst.add.f32.msk $0xffff, v42;
	(pc) =	sbr.rel @p0 .LBB2_5-.Ltmp1, $4  }
0x205: {  	[tilespmem:s8+$0xD400] =	vst.add.f32.msk $0xffff, v43  }
0x206: {  	[tilespmem:s8+$0xD410] =	vst.add.f32.msk $0xffff, v44  }
0x207: {  	[tilespmem:s8+$0xD420] =	vst.add.f32.msk $0xffff, v45  }
0x208: {  	s14 =	sshrl.u32 s9, $0x3;
	s9 =	sadd.s32 $0x1, s9;
	[tilespmem:s8+$0xD430] =	vst.add.f32.msk $0xffff, v46  }
0x209: {  	s9 =	smul.u32 $0x1800, s14;
	[tilespmem:s8+$0xD440] =	vst.add.f32.msk $0xffff, v2;
	s7 =	sadd.s32 $0x80, s7  }
0x20a: {  	[tilespmem:s8+$0xD450] =	vst.add.f32.msk $0xffff, v1;
	s7 =	sand.u32 $0x380, s7  }
0x20b: {  	[tilespmem:s8+$0xD460] =	vst.add.f32.msk $0xffff, v0;
	s7 =	sor.u32 s7, s9  }
0x20c: {  	v0 =	vld [tilespmem:s7+$0x1470]  }
0x20d: {  	v1 =	vld [tilespmem:s7+$0x0]  }
0x20e: {  	v2 =	vld [tilespmem:s7+$0x10]  }
0x20f: {  	v3 =	vld [tilespmem:s7+$0x20]  }
0x210: {  	v4 =	vld [tilespmem:s7+$0x30]  }
0x211: {  	v5 =	vld [tilespmem:s7+$0x50]  }
0x212: {  	v6 =	vld [tilespmem:s7+$0x60]  }
0x213: {  	v7 =	vld [tilespmem:s7+$0x70]  }
0x214: {  	v8 =	vld [tilespmem:s7+$0x400]  }
0x215: {  	v9 =	vld [tilespmem:s7+$0x410]  }
0x216: {  	v10 =	vld [tilespmem:s7+$0x420]  }
0x217: {  	v11 =	vld [tilespmem:s7+$0x430]  }
0x218: {  	v12 =	vld [tilespmem:s7+$0x440]  }
0x219: {  	v13 =	vld [tilespmem:s7+$0x450]  }
0x21a: {  	v14 =	vld [tilespmem:s7+$0x460]  }
0x21b: {  	v15 =	vld [tilespmem:s7+$0x470]  }
0x21c: {  	v16 =	vld [tilespmem:s7+$0x800]  }
0x21d: {  	v17 =	vld [tilespmem:s7+$0x810]  }
0x21e: {  	v18 =	vld [tilespmem:s7+$0x820]  }
0x21f: {  	v19 =	vld [tilespmem:s7+$0x830]  }
0x220: {  	v20 =	vld [tilespmem:s7+$0x840]  }
0x221: {  	v21 =	vld [tilespmem:s7+$0x850]  }
0x222: {  	v22 =	vld [tilespmem:s7+$0x860]  }
0x223: {  	v23 =	vld [tilespmem:s7+$0x870]  }
0x224: {  	v24 =	vld [tilespmem:s7+$0xC00]  }
0x225: {  	v25 =	vld [tilespmem:s7+$0xC10]  }
0x226: {  	v26 =	vld [tilespmem:s7+$0xC20]  }
0x227: {  	v27 =	vld [tilespmem:s7+$0xC30]  }
0x228: {  	v28 =	vld [tilespmem:s7+$0xC40]  }
0x229: {  	v29 =	vld [tilespmem:s7+$0xC50]  }
0x22a: {  	v30 =	vld [tilespmem:s7+$0xC60]  }
0x22b: {  	v31 =	vld [tilespmem:s7+$0xC70]  }
0x22c: {  	v32 =	vld [tilespmem:s7+$0x1000]  }
0x22d: {  	v33 =	vld [tilespmem:s7+$0x1010]  }
0x22e: {  	v34 =	vld [tilespmem:s7+$0x1020]  }
0x22f: {  	v35 =	vld [tilespmem:s7+$0x1030]  }
0x230: {  	v36 =	vld [tilespmem:s7+$0x1040]  }
0x231: {  	v37 =	vld [tilespmem:s7+$0x1050]  }
0x232: {  	v38 =	vld [tilespmem:s7+$0x1060]  }
0x233: {  	v39 =	vld [tilespmem:s7+$0x1070]  }
0x234: {  	v40 =	vld [tilespmem:s7+$0x1400]  }
0x235: {  	v41 =	vld [tilespmem:s7+$0x1410]  }
0x236: {  	v42 =	vld [tilespmem:s7+$0x1420]  }
0x237: {  	v43 =	vld [tilespmem:s7+$0x1430]  }
0x238: {  	v44 =	vld [tilespmem:s7+$0x1440]  }
0x239: {  	v45 =	vld [tilespmem:s7+$0x1450]  }
0x23a: {  	v46 =	vld [tilespmem:s7+$0x1460]  }
0x23b: {  	[tilespmem:s7+$0xD470] =	vst.add.f32.msk $0xffff, v0  }
0x23c: {  	v0 =	vld [tilespmem:s7+$0x40]  }
0x23d: {  	[tilespmem:s7+$0xC000] =	vst.add.f32.msk $0xffff, v1  }
0x23e: {  	[tilespmem:s7+$0xC010] =	vst.add.f32.msk $0xffff, v2  }
0x23f: {  	[tilespmem:s7+$0xC020] =	vst.add.f32.msk $0xffff, v3  }
0x240: {  	[tilespmem:s7+$0xC030] =	vst.add.f32.msk $0xffff, v4  }
0x241: {  	[tilespmem:s7+$0xC050] =	vst.add.f32.msk $0xffff, v5  }
0x242: {  	[tilespmem:s7+$0xC060] =	vst.add.f32.msk $0xffff, v6  }
0x243: {  	[tilespmem:s7+$0xC070] =	vst.add.f32.msk $0xffff, v7  }
0x244: {  	[tilespmem:s7+$0xC400] =	vst.add.f32.msk $0xffff, v8  }
0x245: {  	[tilespmem:s7+$0xC410] =	vst.add.f32.msk $0xffff, v9  }
0x246: {  	[tilespmem:s7+$0xC420] =	vst.add.f32.msk $0xffff, v10  }
0x247: {  	[tilespmem:s7+$0xC430] =	vst.add.f32.msk $0xffff, v11  }
0x248: {  	[tilespmem:s7+$0xC440] =	vst.add.f32.msk $0xffff, v12  }
0x249: {  	[tilespmem:s7+$0xC450] =	vst.add.f32.msk $0xffff, v13  }
0x24a: {  	[tilespmem:s7+$0xC460] =	vst.add.f32.msk $0xffff, v14  }
0x24b: {  	[tilespmem:s7+$0xC470] =	vst.add.f32.msk $0xffff, v15  }
0x24c: {  	[tilespmem:s7+$0xC800] =	vst.add.f32.msk $0xffff, v16  }
0x24d: {  	[tilespmem:s7+$0xC810] =	vst.add.f32.msk $0xffff, v17  }
0x24e: {  	[tilespmem:s7+$0xC820] =	vst.add.f32.msk $0xffff, v18  }
0x24f: {  	[tilespmem:s7+$0xC830] =	vst.add.f32.msk $0xffff, v19  }
0x250: {  	[tilespmem:s7+$0xC840] =	vst.add.f32.msk $0xffff, v20  }
0x251: {  	[tilespmem:s7+$0xC850] =	vst.add.f32.msk $0xffff, v21  }
0x252: {  	[tilespmem:s7+$0xC860] =	vst.add.f32.msk $0xffff, v22  }
0x253: {  	[tilespmem:s7+$0xC870] =	vst.add.f32.msk $0xffff, v23  }
0x254: {  	[tilespmem:s7+$0xCC00] =	vst.add.f32.msk $0xffff, v24  }
0x255: {  	[tilespmem:s7+$0xCC10] =	vst.add.f32.msk $0xffff, v25  }
0x256: {  	[tilespmem:s7+$0xCC20] =	vst.add.f32.msk $0xffff, v26  }
0x257: {  	[tilespmem:s7+$0xCC30] =	vst.add.f32.msk $0xffff, v27  }
0x258: {  	[tilespmem:s7+$0xCC40] =	vst.add.f32.msk $0xffff, v28  }
0x259: {  	[tilespmem:s7+$0xCC50] =	vst.add.f32.msk $0xffff, v29  }
0x25a: {  	[tilespmem:s7+$0xCC60] =	vst.add.f32.msk $0xffff, v30  }
0x25b: {  	[tilespmem:s7+$0xCC70] =	vst.add.f32.msk $0xffff, v31  }
0x25c: {  	[tilespmem:s7+$0xD000] =	vst.add.f32.msk $0xffff, v32  }
0x25d: {  	[tilespmem:s7+$0xD010] =	vst.add.f32.msk $0xffff, v33  }
0x25e: {  	[tilespmem:s7+$0xD020] =	vst.add.f32.msk $0xffff, v34  }
0x25f: {  	[tilespmem:s7+$0xD030] =	vst.add.f32.msk $0xffff, v35  }
0x260: {  	[tilespmem:s7+$0xD040] =	vst.add.f32.msk $0xffff, v36  }
0x261: {  	[tilespmem:s7+$0xD050] =	vst.add.f32.msk $0xffff, v37  }
0x262: {  	[tilespmem:s7+$0xD060] =	vst.add.f32.msk $0xffff, v38  }
0x263: {  	[tilespmem:s7+$0xD070] =	vst.add.f32.msk $0xffff, v39  }
0x264: {  	[tilespmem:s7+$0xD400] =	vst.add.f32.msk $0xffff, v40  }
0x265: {  	[tilespmem:s7+$0xD410] =	vst.add.f32.msk $0xffff, v41  }
0x266: {  	[tilespmem:s7+$0xD420] =	vst.add.f32.msk $0xffff, v42  }
0x267: {  	[tilespmem:s7+$0xD430] =	vst.add.f32.msk $0xffff, v43  }
0x268: {  	[tilespmem:s7+$0xD440] =	vst.add.f32.msk $0xffff, v44  }
0x269: {  	s17 =	sadd.s32 s31, s6;
	[tilespmem:s7+$0xD450] =	vst.add.f32.msk $0xffff, v45  }
0x26a: {  	s8 =	sshrl.u32 s17, $0x3;
	[tilespmem:s7+$0xD460] =	vst.add.f32.msk $0xffff, v46  }
0x26b: {  	p0 =	seq.s32 s30, $0x7;
	s9 =	sadd.s32 s3, s8;
	[tilespmem:s7+$0xC040] =	vst.add.f32.msk $0xffff, v0  }
0x26c: {  	[hbm4b:s9+s4] =	stream.linear.scatter [tilespmem:s16], [sflag:$0x6], $0x6000, $0x38;
	[tilespmem:$0x1E000] =	vst v63  }
0x26d: {  	s14 =	simm.s32 $0x0;
	s7 =	sadd.s32 @!p0 s10, s31;
	_ =	swait.ge [sflag:s22], $0x6000  }
0x26e: {  	s8 =	simm.s32 @!p0 $0x0;
	s7 =	sshrl.u32 @!p0 s7, $0x3;
	[sflag:s22] =	ssyncset.done $0x0  }
0x26f: {  	s9 =	simm.s32 @!p0 $0x6000;
	s7 =	sadd.s32 @!p0 s1, s7;
	[sflag:s22] =	ssyncadd.s32 $0xFFFFA000  }
0x270: {  	[tilespmem:s9], [sflag:$0x1] =	stream.linear.gather @!p0 [hbm4b:s7+s8], $0x6000, $0x38;
	[tilespmem:$0x1E000] =	vst v63  }
0x271: {  	s7 =	simm.s32 $0x0;
	s8 =	smul.u32 $0x1800, s14;
	_ =	swait.ge [sflag:s23], $0x6000  }
0x272: {  	s17 =	sand.u32 $0x380, s7;
	[sflag:s23] =	ssyncset.done $0x0  }
0x273: {  	s8 =	sor.u32 s17, s8;
	[sflag:s23] =	ssyncadd.s32 $0xFFFFA000  }
0x274: {  	v0 =	vld [tilespmem:s8+$0x1470]  }
0x275: {  	v3 =	vld [tilespmem:s8+$0x0]  }
0x276: {  	v4 =	vld [tilespmem:s8+$0x10]  }
0x277: {  	v5 =	vld [tilespmem:s8+$0x20]  }
0x278: {  	v6 =	vld [tilespmem:s8+$0x30]  }
0x279: {  	v7 =	vld [tilespmem:s8+$0x40]  }
0x27a: {  	v8 =	vld [tilespmem:s8+$0x50]  }
0x27b: {  	v9 =	vld [tilespmem:s8+$0x60]  }
0x27c: {  	v10 =	vld [tilespmem:s8+$0x70]  }
0x27d: {  	v11 =	vld [tilespmem:s8+$0x400]  }
0x27e: {  	v12 =	vld [tilespmem:s8+$0x410]  }
0x27f: {  	v13 =	vld [tilespmem:s8+$0x420]  }
0x280: {  	v14 =	vld [tilespmem:s8+$0x430]  }
0x281: {  	v15 =	vld [tilespmem:s8+$0x440]  }
0x282: {  	v16 =	vld [tilespmem:s8+$0x450]  }
0x283: {  	v17 =	vld [tilespmem:s8+$0x460]  }
0x284: {  	v18 =	vld [tilespmem:s8+$0x470]  }
0x285: {  	v19 =	vld [tilespmem:s8+$0x800]  }
0x286: {  	v20 =	vld [tilespmem:s8+$0x810]  }
0x287: {  	v21 =	vld [tilespmem:s8+$0x820]  }
0x288: {  	v22 =	vld [tilespmem:s8+$0x830]  }
0x289: {  	v23 =	vld [tilespmem:s8+$0x840]  }
0x28a: {  	v24 =	vld [tilespmem:s8+$0x850]  }
0x28b: {  	v25 =	vld [tilespmem:s8+$0x860]  }
0x28c: {  	v26 =	vld [tilespmem:s8+$0x870]  }
0x28d: {  	v27 =	vld [tilespmem:s8+$0xC00]  }
0x28e: {  	v28 =	vld [tilespmem:s8+$0xC10]  }
0x28f: {  	v29 =	vld [tilespmem:s8+$0xC20]  }
0x290: {  	v30 =	vld [tilespmem:s8+$0xC30]  }
0x291: {  	v48 =	vld [tilespmem:s8+$0xC40]  }
0x292: {  	v49 =	vld [tilespmem:s8+$0xC50]  }
0x293: {  	v50 =	vld [tilespmem:s8+$0xC60]  }
0x294: {  	v51 =	vld [tilespmem:s8+$0xC70]  }
0x295: {  	v52 =	vld [tilespmem:s8+$0x1000]  }
0x296: {  	v53 =	vld [tilespmem:s8+$0x1010]  }
0x297: {  	v54 =	vld [tilespmem:s8+$0x1020]  }
0x298: {  	v55 =	vld [tilespmem:s8+$0x1030]  }
0x299: {  	v56 =	vld [tilespmem:s8+$0x1040]  }
0x29a: {  	v57 =	vld [tilespmem:s8+$0x1050]  }
0x29b: {  	v58 =	vld [tilespmem:s8+$0x1060]  }
0x29c: {  	v59 =	vld [tilespmem:s8+$0x1070]  }
0x29d: {  	v60 =	vld [tilespmem:s8+$0x1400]  }
0x29e: {  	v61 =	vld [tilespmem:s8+$0x1410]  }
0x29f: {  	v62 =	vld [tilespmem:s8+$0x1420]  }
0x2a0: {  	v63 =	vld [tilespmem:s8+$0x1430]  }
0x2a1: {  	v2 =	vld [tilespmem:s8+$0x1440]  }
0x2a2: {  	v1 =	vld [tilespmem:s8+$0x1450]  }
0x2a3: {  	[tilespmem:s8+$0x13470] =	vst.add.f32.msk $0xffff, v0  }
0x2a4: {  	v0 =	vld [tilespmem:s8+$0x1460]  }
0x2a5: {  	[tilespmem:s8+$0x12000] =	vst.add.f32.msk $0xffff, v3  }
0x2a6: {  	[tilespmem:s8+$0x12010] =	vst.add.f32.msk $0xffff, v4  }
0x2a7: {  	[tilespmem:s8+$0x12020] =	vst.add.f32.msk $0xffff, v5  }
0x2a8: {  	[tilespmem:s8+$0x12030] =	vst.add.f32.msk $0xffff, v6  }
0x2a9: {  	[tilespmem:s8+$0x12040] =	vst.add.f32.msk $0xffff, v7  }
0x2aa: {  	[tilespmem:s8+$0x12050] =	vst.add.f32.msk $0xffff, v8  }
0x2ab: {  	[tilespmem:s8+$0x12060] =	vst.add.f32.msk $0xffff, v9  }
0x2ac: {  	[tilespmem:s8+$0x12070] =	vst.add.f32.msk $0xffff, v10  }
0x2ad: {  	[tilespmem:s8+$0x12400] =	vst.add.f32.msk $0xffff, v11  }
0x2ae: {  	[tilespmem:s8+$0x12410] =	vst.add.f32.msk $0xffff, v12  }
0x2af: {  	[tilespmem:s8+$0x12420] =	vst.add.f32.msk $0xffff, v13  }
0x2b0: {  	[tilespmem:s8+$0x12430] =	vst.add.f32.msk $0xffff, v14  }
0x2b1: {  	[tilespmem:s8+$0x12440] =	vst.add.f32.msk $0xffff, v15  }
0x2b2: {  	[tilespmem:s8+$0x12450] =	vst.add.f32.msk $0xffff, v16  }
0x2b3: {  	[tilespmem:s8+$0x12460] =	vst.add.f32.msk $0xffff, v17  }
0x2b4: {  	[tilespmem:s8+$0x12470] =	vst.add.f32.msk $0xffff, v18  }
0x2b5: {  	[tilespmem:s8+$0x12800] =	vst.add.f32.msk $0xffff, v19  }
0x2b6: {  	[tilespmem:s8+$0x12810] =	vst.add.f32.msk $0xffff, v20  }
0x2b7: {  	[tilespmem:s8+$0x12820] =	vst.add.f32.msk $0xffff, v21  }
0x2b8: {  	[tilespmem:s8+$0x12830] =	vst.add.f32.msk $0xffff, v22  }
0x2b9: {  	[tilespmem:s8+$0x12840] =	vst.add.f32.msk $0xffff, v23  }
0x2ba: {  	[tilespmem:s8+$0x12850] =	vst.add.f32.msk $0xffff, v24  }
0x2bb: {  	[tilespmem:s8+$0x12860] =	vst.add.f32.msk $0xffff, v25  }
0x2bc: {  	[tilespmem:s8+$0x12870] =	vst.add.f32.msk $0xffff, v26  }
0x2bd: {  	[tilespmem:s8+$0x12C00] =	vst.add.f32.msk $0xffff, v27  }
0x2be: {  	[tilespmem:s8+$0x12C10] =	vst.add.f32.msk $0xffff, v28  }
0x2bf: {  	[tilespmem:s8+$0x12C20] =	vst.add.f32.msk $0xffff, v29  }
0x2c0: {  	[tilespmem:s8+$0x12C30] =	vst.add.f32.msk $0xffff, v30  }
0x2c1: {  	[tilespmem:s8+$0x12C40] =	vst.add.f32.msk $0xffff, v48  }
0x2c2: {  	[tilespmem:s8+$0x12C50] =	vst.add.f32.msk $0xffff, v49  }
0x2c3: {  	[tilespmem:s8+$0x12C60] =	vst.add.f32.msk $0xffff, v50  }
0x2c4: {  	[tilespmem:s8+$0x12C70] =	vst.add.f32.msk $0xffff, v51  }
0x2c5: {  	[tilespmem:s8+$0x13000] =	vst.add.f32.msk $0xffff, v52  }
0x2c6: {  	[tilespmem:s8+$0x13010] =	vst.add.f32.msk $0xffff, v53  }
0x2c7: {  	[tilespmem:s8+$0x13020] =	vst.add.f32.msk $0xffff, v54  }
0x2c8: {  	[tilespmem:s8+$0x13030] =	vst.add.f32.msk $0xffff, v55  }
0x2c9: {  	[tilespmem:s8+$0x13040] =	vst.add.f32.msk $0xffff, v56  }
0x2ca: {  	[tilespmem:s8+$0x13050] =	vst.add.f32.msk $0xffff, v57  }
0x2cb: {  	[tilespmem:s8+$0x13060] =	vst.add.f32.msk $0xffff, v58  }
0x2cc: {  	[tilespmem:s8+$0x13070] =	vst.add.f32.msk $0xffff, v59  }
0x2cd: {  	[tilespmem:s8+$0x13400] =	vst.add.f32.msk $0xffff, v60  }
0x2ce: {  	[tilespmem:s8+$0x13410] =	vst.add.f32.msk $0xffff, v61  }
0x2cf: {  	[tilespmem:s8+$0x13420] =	vst.add.f32.msk $0xffff, v62  }
0x2d0: {  	s14 =	simm.s32 $0x0;
	s9 =	simm.s32 $0x2;
	[tilespmem:s8+$0x13430] =	vst.add.f32.msk $0xffff, v63  }
.LBB2_7:
0x2d1: {  	p1 =	sne.s32 s9, $0x1F;
	s14 =	smul.u32 $0x1800, s14;
	[tilespmem:s8+$0x13440] =	vst.add.f32.msk $0xffff, v2;
	s7 =	sadd.s32 $0x80, s7  }
0x2d2: {  	s17 =	sand.u32 $0x380, s7;
	[tilespmem:s8+$0x13450] =	vst.add.f32.msk $0xffff, v1  }
0x2d3: {  	[tilespmem:s8+$0x13460] =	vst.add.f32.msk $0xffff, v0;
	s8 =	sor.u32 s17, s14  }
0x2d4: {  	v0 =	vld [tilespmem:s8+$0x1470]  }
0x2d5: {  	v3 =	vld [tilespmem:s8+$0x0]  }
0x2d6: {  	v4 =	vld [tilespmem:s8+$0x10]  }
0x2d7: {  	v5 =	vld [tilespmem:s8+$0x20]  }
0x2d8: {  	v6 =	vld [tilespmem:s8+$0x30]  }
0x2d9: {  	[tilespmem:s8+$0x13470] =	vst.add.f32.msk $0xffff, v0  }
0x2da: {  	v7 =	vld [tilespmem:s8+$0x40]  }
0x2db: {  	v8 =	vld [tilespmem:s8+$0x50]  }
0x2dc: {  	v9 =	vld [tilespmem:s8+$0x60]  }
0x2dd: {  	v10 =	vld [tilespmem:s8+$0x70]  }
0x2de: {  	v11 =	vld [tilespmem:s8+$0x400]  }
0x2df: {  	v12 =	vld [tilespmem:s8+$0x410]  }
0x2e0: {  	v13 =	vld [tilespmem:s8+$0x420]  }
0x2e1: {  	v14 =	vld [tilespmem:s8+$0x430]  }
0x2e2: {  	v15 =	vld [tilespmem:s8+$0x440]  }
0x2e3: {  	v16 =	vld [tilespmem:s8+$0x450]  }
0x2e4: {  	v17 =	vld [tilespmem:s8+$0x460]  }
0x2e5: {  	v18 =	vld [tilespmem:s8+$0x470]  }
0x2e6: {  	v19 =	vld [tilespmem:s8+$0x800]  }
0x2e7: {  	v20 =	vld [tilespmem:s8+$0x810]  }
0x2e8: {  	v21 =	vld [tilespmem:s8+$0x820]  }
0x2e9: {  	v22 =	vld [tilespmem:s8+$0x830]  }
0x2ea: {  	v23 =	vld [tilespmem:s8+$0x840]  }
0x2eb: {  	v24 =	vld [tilespmem:s8+$0x850]  }
0x2ec: {  	v25 =	vld [tilespmem:s8+$0x860]  }
0x2ed: {  	v26 =	vld [tilespmem:s8+$0x870]  }
0x2ee: {  	v27 =	vld [tilespmem:s8+$0xC00]  }
0x2ef: {  	v28 =	vld [tilespmem:s8+$0xC10]  }
0x2f0: {  	v29 =	vld [tilespmem:s8+$0xC20]  }
0x2f1: {  	v30 =	vld [tilespmem:s8+$0xC30]  }
0x2f2: {  	v31 =	vld [tilespmem:s8+$0xC40]  }
0x2f3: {  	v32 =	vld [tilespmem:s8+$0xC50]  }
0x2f4: {  	v33 =	vld [tilespmem:s8+$0xC60]  }
0x2f5: {  	v34 =	vld [tilespmem:s8+$0xC70]  }
0x2f6: {  	v35 =	vld [tilespmem:s8+$0x1000]  }
0x2f7: {  	v36 =	vld [tilespmem:s8+$0x1010]  }
0x2f8: {  	v37 =	vld [tilespmem:s8+$0x1020]  }
0x2f9: {  	v38 =	vld [tilespmem:s8+$0x1030]  }
0x2fa: {  	v39 =	vld [tilespmem:s8+$0x1040]  }
0x2fb: {  	v40 =	vld [tilespmem:s8+$0x1050]  }
0x2fc: {  	v41 =	vld [tilespmem:s8+$0x1060]  }
0x2fd: {  	v42 =	vld [tilespmem:s8+$0x1070]  }
0x2fe: {  	v43 =	vld [tilespmem:s8+$0x1400]  }
0x2ff: {  	v44 =	vld [tilespmem:s8+$0x1410]  }
0x300: {  	v45 =	vld [tilespmem:s8+$0x1420]  }
0x301: {  	v46 =	vld [tilespmem:s8+$0x1430]  }
0x302: {  	v2 =	vld [tilespmem:s8+$0x1440]  }
0x303: {  	v1 =	vld [tilespmem:s8+$0x1450]  }
0x304: {  	v0 =	vld [tilespmem:s8+$0x1460]  }
0x305: {  	[tilespmem:s8+$0x12000] =	vst.add.f32.msk $0xffff, v3  }
0x306: {  	[tilespmem:s8+$0x12010] =	vst.add.f32.msk $0xffff, v4  }
0x307: {  	[tilespmem:s8+$0x12020] =	vst.add.f32.msk $0xffff, v5  }
0x308: {  	[tilespmem:s8+$0x12030] =	vst.add.f32.msk $0xffff, v6  }
0x309: {  	[tilespmem:s8+$0x12040] =	vst.add.f32.msk $0xffff, v7  }
0x30a: {  	[tilespmem:s8+$0x12050] =	vst.add.f32.msk $0xffff, v8  }
0x30b: {  	[tilespmem:s8+$0x12060] =	vst.add.f32.msk $0xffff, v9  }
0x30c: {  	[tilespmem:s8+$0x12070] =	vst.add.f32.msk $0xffff, v10  }
0x30d: {  	[tilespmem:s8+$0x12400] =	vst.add.f32.msk $0xffff, v11  }
0x30e: {  	[tilespmem:s8+$0x12410] =	vst.add.f32.msk $0xffff, v12  }
0x30f: {  	[tilespmem:s8+$0x12420] =	vst.add.f32.msk $0xffff, v13  }
0x310: {  	[tilespmem:s8+$0x12430] =	vst.add.f32.msk $0xffff, v14  }
0x311: {  	[tilespmem:s8+$0x12440] =	vst.add.f32.msk $0xffff, v15  }
0x312: {  	[tilespmem:s8+$0x12450] =	vst.add.f32.msk $0xffff, v16  }
0x313: {  	[tilespmem:s8+$0x12460] =	vst.add.f32.msk $0xffff, v17  }
0x314: {  	[tilespmem:s8+$0x12470] =	vst.add.f32.msk $0xffff, v18  }
0x315: {  	[tilespmem:s8+$0x12800] =	vst.add.f32.msk $0xffff, v19  }
0x316: {  	[tilespmem:s8+$0x12810] =	vst.add.f32.msk $0xffff, v20  }
0x317: {  	[tilespmem:s8+$0x12820] =	vst.add.f32.msk $0xffff, v21  }
0x318: {  	[tilespmem:s8+$0x12830] =	vst.add.f32.msk $0xffff, v22  }
0x319: {  	[tilespmem:s8+$0x12840] =	vst.add.f32.msk $0xffff, v23  }
0x31a: {  	[tilespmem:s8+$0x12850] =	vst.add.f32.msk $0xffff, v24  }
0x31b: {  	[tilespmem:s8+$0x12860] =	vst.add.f32.msk $0xffff, v25  }
0x31c: {  	[tilespmem:s8+$0x12870] =	vst.add.f32.msk $0xffff, v26  }
0x31d: {  	[tilespmem:s8+$0x12C00] =	vst.add.f32.msk $0xffff, v27  }
0x31e: {  	[tilespmem:s8+$0x12C10] =	vst.add.f32.msk $0xffff, v28  }
0x31f: {  	[tilespmem:s8+$0x12C20] =	vst.add.f32.msk $0xffff, v29  }
0x320: {  	[tilespmem:s8+$0x12C30] =	vst.add.f32.msk $0xffff, v30  }
0x321: {  	[tilespmem:s8+$0x12C40] =	vst.add.f32.msk $0xffff, v31  }
0x322: {  	[tilespmem:s8+$0x12C50] =	vst.add.f32.msk $0xffff, v32  }
0x323: {  	[tilespmem:s8+$0x12C60] =	vst.add.f32.msk $0xffff, v33  }
0x324: {  	[tilespmem:s8+$0x12C70] =	vst.add.f32.msk $0xffff, v34  }
0x325: {  	[tilespmem:s8+$0x13000] =	vst.add.f32.msk $0xffff, v35  }
0x326: {  	[tilespmem:s8+$0x13010] =	vst.add.f32.msk $0xffff, v36  }
0x327: {  	[tilespmem:s8+$0x13020] =	vst.add.f32.msk $0xffff, v37  }
0x328: {  	[tilespmem:s8+$0x13030] =	vst.add.f32.msk $0xffff, v38  }
0x329: {  	[tilespmem:s8+$0x13040] =	vst.add.f32.msk $0xffff, v39  }
0x32a: {  	[tilespmem:s8+$0x13050] =	vst.add.f32.msk $0xffff, v40  }
0x32b: {  	[tilespmem:s8+$0x13060] =	vst.add.f32.msk $0xffff, v41  }
.Ltmp2:
0x32c: {  	[tilespmem:s8+$0x13070] =	vst.add.f32.msk $0xffff, v42;
	(pc) =	sbr.rel @p1 .LBB2_7-.Ltmp2, $4  }
0x32d: {  	[tilespmem:s8+$0x13400] =	vst.add.f32.msk $0xffff, v43  }
0x32e: {  	[tilespmem:s8+$0x13410] =	vst.add.f32.msk $0xffff, v44  }
0x32f: {  	[tilespmem:s8+$0x13420] =	vst.add.f32.msk $0xffff, v45  }
0x330: {  	s14 =	sshrl.u32 s9, $0x3;
	s9 =	sadd.s32 $0x1, s9;
	[tilespmem:s8+$0x13430] =	vst.add.f32.msk $0xffff, v46  }
0x331: {  	s9 =	smul.u32 $0x1800, s14;
	[tilespmem:s8+$0x13440] =	vst.add.f32.msk $0xffff, v2;
	s7 =	sadd.s32 $0x80, s7  }
0x332: {  	[tilespmem:s8+$0x13450] =	vst.add.f32.msk $0xffff, v1;
	s7 =	sand.u32 $0x380, s7  }
0x333: {  	[tilespmem:s8+$0x13460] =	vst.add.f32.msk $0xffff, v0;
	s7 =	sor.u32 s7, s9  }
0x334: {  	v0 =	vld [tilespmem:s7+$0x1470]  }
0x335: {  	v1 =	vld [tilespmem:s7+$0x0]  }
0x336: {  	v2 =	vld [tilespmem:s7+$0x10]  }
0x337: {  	v3 =	vld [tilespmem:s7+$0x20]  }
0x338: {  	v4 =	vld [tilespmem:s7+$0x30]  }
0x339: {  	v5 =	vld [tilespmem:s7+$0x50]  }
0x33a: {  	v6 =	vld [tilespmem:s7+$0x60]  }
0x33b: {  	v7 =	vld [tilespmem:s7+$0x70]  }
0x33c: {  	v8 =	vld [tilespmem:s7+$0x400]  }
0x33d: {  	v9 =	vld [tilespmem:s7+$0x410]  }
0x33e: {  	v10 =	vld [tilespmem:s7+$0x420]  }
0x33f: {  	v11 =	vld [tilespmem:s7+$0x430]  }
0x340: {  	v12 =	vld [tilespmem:s7+$0x440]  }
0x341: {  	v13 =	vld [tilespmem:s7+$0x450]  }
0x342: {  	v14 =	vld [tilespmem:s7+$0x460]  }
0x343: {  	v15 =	vld [tilespmem:s7+$0x470]  }
0x344: {  	v16 =	vld [tilespmem:s7+$0x800]  }
0x345: {  	v17 =	vld [tilespmem:s7+$0x810]  }
0x346: {  	v18 =	vld [tilespmem:s7+$0x820]  }
0x347: {  	v19 =	vld [tilespmem:s7+$0x830]  }
0x348: {  	v20 =	vld [tilespmem:s7+$0x840]  }
0x349: {  	v21 =	vld [tilespmem:s7+$0x850]  }
0x34a: {  	v22 =	vld [tilespmem:s7+$0x860]  }
0x34b: {  	v23 =	vld [tilespmem:s7+$0x870]  }
0x34c: {  	v24 =	vld [tilespmem:s7+$0xC00]  }
0x34d: {  	v25 =	vld [tilespmem:s7+$0xC10]  }
0x34e: {  	v26 =	vld [tilespmem:s7+$0xC20]  }
0x34f: {  	v27 =	vld [tilespmem:s7+$0xC30]  }
0x350: {  	v28 =	vld [tilespmem:s7+$0xC40]  }
0x351: {  	v29 =	vld [tilespmem:s7+$0xC50]  }
0x352: {  	v30 =	vld [tilespmem:s7+$0xC60]  }
0x353: {  	v31 =	vld [tilespmem:s7+$0xC70]  }
0x354: {  	v32 =	vld [tilespmem:s7+$0x1000]  }
0x355: {  	v33 =	vld [tilespmem:s7+$0x1010]  }
0x356: {  	v34 =	vld [tilespmem:s7+$0x1020]  }
0x357: {  	v35 =	vld [tilespmem:s7+$0x1030]  }
0x358: {  	v36 =	vld [tilespmem:s7+$0x1040]  }
0x359: {  	v37 =	vld [tilespmem:s7+$0x1050]  }
0x35a: {  	v38 =	vld [tilespmem:s7+$0x1060]  }
0x35b: {  	v39 =	vld [tilespmem:s7+$0x1070]  }
0x35c: {  	v40 =	vld [tilespmem:s7+$0x1400]  }
0x35d: {  	v41 =	vld [tilespmem:s7+$0x1410]  }
0x35e: {  	v42 =	vld [tilespmem:s7+$0x1420]  }
0x35f: {  	v43 =	vld [tilespmem:s7+$0x1430]  }
0x360: {  	v44 =	vld [tilespmem:s7+$0x1440]  }
0x361: {  	v45 =	vld [tilespmem:s7+$0x1450]  }
0x362: {  	v46 =	vld [tilespmem:s7+$0x1460]  }
0x363: {  	[tilespmem:s7+$0x13470] =	vst.add.f32.msk $0xffff, v0  }
0x364: {  	v0 =	vld [tilespmem:s7+$0x40]  }
0x365: {  	[tilespmem:s7+$0x12000] =	vst.add.f32.msk $0xffff, v1  }
0x366: {  	[tilespmem:s7+$0x12010] =	vst.add.f32.msk $0xffff, v2  }
0x367: {  	[tilespmem:s7+$0x12020] =	vst.add.f32.msk $0xffff, v3  }
0x368: {  	[tilespmem:s7+$0x12030] =	vst.add.f32.msk $0xffff, v4  }
0x369: {  	[tilespmem:s7+$0x12050] =	vst.add.f32.msk $0xffff, v5  }
0x36a: {  	[tilespmem:s7+$0x12060] =	vst.add.f32.msk $0xffff, v6  }
0x36b: {  	[tilespmem:s7+$0x12070] =	vst.add.f32.msk $0xffff, v7  }
0x36c: {  	[tilespmem:s7+$0x12400] =	vst.add.f32.msk $0xffff, v8  }
0x36d: {  	[tilespmem:s7+$0x12410] =	vst.add.f32.msk $0xffff, v9  }
0x36e: {  	[tilespmem:s7+$0x12420] =	vst.add.f32.msk $0xffff, v10  }
0x36f: {  	[tilespmem:s7+$0x12430] =	vst.add.f32.msk $0xffff, v11  }
0x370: {  	[tilespmem:s7+$0x12440] =	vst.add.f32.msk $0xffff, v12  }
0x371: {  	[tilespmem:s7+$0x12450] =	vst.add.f32.msk $0xffff, v13  }
0x372: {  	[tilespmem:s7+$0x12460] =	vst.add.f32.msk $0xffff, v14  }
0x373: {  	[tilespmem:s7+$0x12470] =	vst.add.f32.msk $0xffff, v15  }
0x374: {  	[tilespmem:s7+$0x12800] =	vst.add.f32.msk $0xffff, v16  }
0x375: {  	[tilespmem:s7+$0x12810] =	vst.add.f32.msk $0xffff, v17  }
0x376: {  	[tilespmem:s7+$0x12820] =	vst.add.f32.msk $0xffff, v18  }
0x377: {  	[tilespmem:s7+$0x12830] =	vst.add.f32.msk $0xffff, v19  }
0x378: {  	[tilespmem:s7+$0x12840] =	vst.add.f32.msk $0xffff, v20  }
0x379: {  	[tilespmem:s7+$0x12850] =	vst.add.f32.msk $0xffff, v21  }
0x37a: {  	[tilespmem:s7+$0x12860] =	vst.add.f32.msk $0xffff, v22  }
0x37b: {  	[tilespmem:s7+$0x12870] =	vst.add.f32.msk $0xffff, v23  }
0x37c: {  	[tilespmem:s7+$0x12C00] =	vst.add.f32.msk $0xffff, v24  }
0x37d: {  	[tilespmem:s7+$0x12C10] =	vst.add.f32.msk $0xffff, v25  }
0x37e: {  	[tilespmem:s7+$0x12C20] =	vst.add.f32.msk $0xffff, v26  }
0x37f: {  	[tilespmem:s7+$0x12C30] =	vst.add.f32.msk $0xffff, v27  }
0x380: {  	[tilespmem:s7+$0x12C40] =	vst.add.f32.msk $0xffff, v28  }
0x381: {  	[tilespmem:s7+$0x12C50] =	vst.add.f32.msk $0xffff, v29  }
0x382: {  	[tilespmem:s7+$0x12C60] =	vst.add.f32.msk $0xffff, v30  }
0x383: {  	[tilespmem:s7+$0x12C70] =	vst.add.f32.msk $0xffff, v31  }
0x384: {  	[tilespmem:s7+$0x13000] =	vst.add.f32.msk $0xffff, v32  }
0x385: {  	[tilespmem:s7+$0x13010] =	vst.add.f32.msk $0xffff, v33  }
0x386: {  	[tilespmem:s7+$0x13020] =	vst.add.f32.msk $0xffff, v34  }
0x387: {  	[tilespmem:s7+$0x13030] =	vst.add.f32.msk $0xffff, v35  }
0x388: {  	[tilespmem:s7+$0x13040] =	vst.add.f32.msk $0xffff, v36  }
0x389: {  	[tilespmem:s7+$0x13050] =	vst.add.f32.msk $0xffff, v37  }
0x38a: {  	[tilespmem:s7+$0x13060] =	vst.add.f32.msk $0xffff, v38  }
0x38b: {  	[tilespmem:s7+$0x13070] =	vst.add.f32.msk $0xffff, v39  }
0x38c: {  	[tilespmem:s7+$0x13400] =	vst.add.f32.msk $0xffff, v40  }
0x38d: {  	[tilespmem:s7+$0x13410] =	vst.add.f32.msk $0xffff, v41  }
0x38e: {  	[tilespmem:s7+$0x13420] =	vst.add.f32.msk $0xffff, v42  }
0x38f: {  	[tilespmem:s7+$0x13430] =	vst.add.f32.msk $0xffff, v43  }
0x390: {  	[tilespmem:s7+$0x13440] =	vst.add.f32.msk $0xffff, v44  }
0x391: {  	[tilespmem:s7+$0x13450] =	vst.add.f32.msk $0xffff, v45  }
0x392: {  	[tilespmem:s7+$0x13460] =	vst.add.f32.msk $0xffff, v46  }
0x393: {  	s2 =	sadd.s32 s3, s2;
	[tilespmem:s7+$0x12040] =	vst.add.f32.msk $0xffff, v0  }
0x394: {  	[hbm4b:s2+s4] =	stream.linear.scatter [tilespmem:s18], [sflag:$0x7], $0x6000, $0x38;
	[tilespmem:$0x1E000] =	vst v63  }
0x395: {  	s8 =	simm.s32 @!p0 $0xC000;
	s2 =	sadd.s32 @!p0 s31, s13;
	_ =	swait.ge [sflag:s24], $0x6000  }
0x396: {  	s17 =	simm.s32 $0x0;
	s2 =	sshrl.u32 @!p0 s2, $0x3;
	[sflag:s24] =	ssyncset.done $0x0  }
0x397: {  	s7 =	simm.s32 @!p0 $0x0;
	s2 =	sadd.s32 @!p0 s1, s2;
	[sflag:s24] =	ssyncadd.s32 $0xFFFFA000  }
0x398: {  	[tilespmem:s8], [sflag:$0x2] =	stream.linear.gather @!p0 [hbm4b:s2+s7], $0x6000, $0x38;
	[tilespmem:$0x1E000] =	vst v63  }
0x399: {  	s2 =	simm.s32 $0x0;
	s7 =	smul.u32 $0x1800, s17;
	_ =	swait.ge [sflag:s25], $0x6000  }
0x39a: {  	s31 =	sand.u32 $0x380, s2;
	[sflag:s25] =	ssyncset.done $0x0  }
0x39b: {  	s7 =	sor.u32 s31, s7;
	[sflag:s25] =	ssyncadd.s32 $0xFFFFA000  }
0x39c: {  	v0 =	vld [tilespmem:s7+$0x1470]  }
0x39d: {  	v3 =	vld [tilespmem:s7+$0x0]  }
0x39e: {  	v4 =	vld [tilespmem:s7+$0x10]  }
0x39f: {  	v5 =	vld [tilespmem:s7+$0x20]  }
0x3a0: {  	v6 =	vld [tilespmem:s7+$0x30]  }
0x3a1: {  	v7 =	vld [tilespmem:s7+$0x40]  }
0x3a2: {  	v8 =	vld [tilespmem:s7+$0x50]  }
0x3a3: {  	v9 =	vld [tilespmem:s7+$0x60]  }
0x3a4: {  	v10 =	vld [tilespmem:s7+$0x70]  }
0x3a5: {  	v11 =	vld [tilespmem:s7+$0x400]  }
0x3a6: {  	v12 =	vld [tilespmem:s7+$0x410]  }
0x3a7: {  	v13 =	vld [tilespmem:s7+$0x420]  }
0x3a8: {  	v14 =	vld [tilespmem:s7+$0x430]  }
0x3a9: {  	v15 =	vld [tilespmem:s7+$0x440]  }
0x3aa: {  	v16 =	vld [tilespmem:s7+$0x450]  }
0x3ab: {  	v17 =	vld [tilespmem:s7+$0x460]  }
0x3ac: {  	v18 =	vld [tilespmem:s7+$0x470]  }
0x3ad: {  	v19 =	vld [tilespmem:s7+$0x800]  }
0x3ae: {  	v20 =	vld [tilespmem:s7+$0x810]  }
0x3af: {  	v21 =	vld [tilespmem:s7+$0x820]  }
0x3b0: {  	v22 =	vld [tilespmem:s7+$0x830]  }
0x3b1: {  	v23 =	vld [tilespmem:s7+$0x840]  }
0x3b2: {  	v24 =	vld [tilespmem:s7+$0x850]  }
0x3b3: {  	v25 =	vld [tilespmem:s7+$0x860]  }
0x3b4: {  	v26 =	vld [tilespmem:s7+$0x870]  }
0x3b5: {  	v27 =	vld [tilespmem:s7+$0xC00]  }
0x3b6: {  	v28 =	vld [tilespmem:s7+$0xC10]  }
0x3b7: {  	v29 =	vld [tilespmem:s7+$0xC20]  }
0x3b8: {  	v30 =	vld [tilespmem:s7+$0xC30]  }
0x3b9: {  	v48 =	vld [tilespmem:s7+$0xC40]  }
0x3ba: {  	v49 =	vld [tilespmem:s7+$0xC50]  }
0x3bb: {  	v50 =	vld [tilespmem:s7+$0xC60]  }
0x3bc: {  	v51 =	vld [tilespmem:s7+$0xC70]  }
0x3bd: {  	v52 =	vld [tilespmem:s7+$0x1000]  }
0x3be: {  	v53 =	vld [tilespmem:s7+$0x1010]  }
0x3bf: {  	v54 =	vld [tilespmem:s7+$0x1020]  }
0x3c0: {  	v55 =	vld [tilespmem:s7+$0x1030]  }
0x3c1: {  	v56 =	vld [tilespmem:s7+$0x1040]  }
0x3c2: {  	v57 =	vld [tilespmem:s7+$0x1050]  }
0x3c3: {  	v58 =	vld [tilespmem:s7+$0x1060]  }
0x3c4: {  	v59 =	vld [tilespmem:s7+$0x1070]  }
0x3c5: {  	v60 =	vld [tilespmem:s7+$0x1400]  }
0x3c6: {  	v61 =	vld [tilespmem:s7+$0x1410]  }
0x3c7: {  	v62 =	vld [tilespmem:s7+$0x1420]  }
0x3c8: {  	v63 =	vld [tilespmem:s7+$0x1430]  }
0x3c9: {  	v2 =	vld [tilespmem:s7+$0x1440]  }
0x3ca: {  	v1 =	vld [tilespmem:s7+$0x1450]  }
0x3cb: {  	[tilespmem:s7+$0x19470] =	vst.add.f32.msk $0xffff, v0  }
0x3cc: {  	v0 =	vld [tilespmem:s7+$0x1460]  }
0x3cd: {  	[tilespmem:s7+$0x18000] =	vst.add.f32.msk $0xffff, v3  }
0x3ce: {  	[tilespmem:s7+$0x18010] =	vst.add.f32.msk $0xffff, v4  }
0x3cf: {  	[tilespmem:s7+$0x18020] =	vst.add.f32.msk $0xffff, v5  }
0x3d0: {  	[tilespmem:s7+$0x18030] =	vst.add.f32.msk $0xffff, v6  }
0x3d1: {  	[tilespmem:s7+$0x18040] =	vst.add.f32.msk $0xffff, v7  }
0x3d2: {  	[tilespmem:s7+$0x18050] =	vst.add.f32.msk $0xffff, v8  }
0x3d3: {  	[tilespmem:s7+$0x18060] =	vst.add.f32.msk $0xffff, v9  }
0x3d4: {  	[tilespmem:s7+$0x18070] =	vst.add.f32.msk $0xffff, v10  }
0x3d5: {  	[tilespmem:s7+$0x18400] =	vst.add.f32.msk $0xffff, v11  }
0x3d6: {  	[tilespmem:s7+$0x18410] =	vst.add.f32.msk $0xffff, v12  }
0x3d7: {  	[tilespmem:s7+$0x18420] =	vst.add.f32.msk $0xffff, v13  }
0x3d8: {  	[tilespmem:s7+$0x18430] =	vst.add.f32.msk $0xffff, v14  }
0x3d9: {  	[tilespmem:s7+$0x18440] =	vst.add.f32.msk $0xffff, v15  }
0x3da: {  	[tilespmem:s7+$0x18450] =	vst.add.f32.msk $0xffff, v16  }
0x3db: {  	[tilespmem:s7+$0x18460] =	vst.add.f32.msk $0xffff, v17  }
0x3dc: {  	[tilespmem:s7+$0x18470] =	vst.add.f32.msk $0xffff, v18  }
0x3dd: {  	[tilespmem:s7+$0x18800] =	vst.add.f32.msk $0xffff, v19  }
0x3de: {  	[tilespmem:s7+$0x18810] =	vst.add.f32.msk $0xffff, v20  }
0x3df: {  	[tilespmem:s7+$0x18820] =	vst.add.f32.msk $0xffff, v21  }
0x3e0: {  	[tilespmem:s7+$0x18830] =	vst.add.f32.msk $0xffff, v22  }
0x3e1: {  	[tilespmem:s7+$0x18840] =	vst.add.f32.msk $0xffff, v23  }
0x3e2: {  	[tilespmem:s7+$0x18850] =	vst.add.f32.msk $0xffff, v24  }
0x3e3: {  	[tilespmem:s7+$0x18860] =	vst.add.f32.msk $0xffff, v25  }
0x3e4: {  	[tilespmem:s7+$0x18870] =	vst.add.f32.msk $0xffff, v26  }
0x3e5: {  	[tilespmem:s7+$0x18C00] =	vst.add.f32.msk $0xffff, v27  }
0x3e6: {  	[tilespmem:s7+$0x18C10] =	vst.add.f32.msk $0xffff, v28  }
0x3e7: {  	[tilespmem:s7+$0x18C20] =	vst.add.f32.msk $0xffff, v29  }
0x3e8: {  	[tilespmem:s7+$0x18C30] =	vst.add.f32.msk $0xffff, v30  }
0x3e9: {  	[tilespmem:s7+$0x18C40] =	vst.add.f32.msk $0xffff, v48  }
0x3ea: {  	[tilespmem:s7+$0x18C50] =	vst.add.f32.msk $0xffff, v49  }
0x3eb: {  	[tilespmem:s7+$0x18C60] =	vst.add.f32.msk $0xffff, v50  }
0x3ec: {  	[tilespmem:s7+$0x18C70] =	vst.add.f32.msk $0xffff, v51  }
0x3ed: {  	[tilespmem:s7+$0x19000] =	vst.add.f32.msk $0xffff, v52  }
0x3ee: {  	[tilespmem:s7+$0x19010] =	vst.add.f32.msk $0xffff, v53  }
0x3ef: {  	[tilespmem:s7+$0x19020] =	vst.add.f32.msk $0xffff, v54  }
0x3f0: {  	[tilespmem:s7+$0x19030] =	vst.add.f32.msk $0xffff, v55  }
0x3f1: {  	[tilespmem:s7+$0x19040] =	vst.add.f32.msk $0xffff, v56  }
0x3f2: {  	[tilespmem:s7+$0x19050] =	vst.add.f32.msk $0xffff, v57  }
0x3f3: {  	[tilespmem:s7+$0x19060] =	vst.add.f32.msk $0xffff, v58  }
0x3f4: {  	[tilespmem:s7+$0x19070] =	vst.add.f32.msk $0xffff, v59  }
0x3f5: {  	[tilespmem:s7+$0x19400] =	vst.add.f32.msk $0xffff, v60  }
0x3f6: {  	[tilespmem:s7+$0x19410] =	vst.add.f32.msk $0xffff, v61  }
0x3f7: {  	[tilespmem:s7+$0x19420] =	vst.add.f32.msk $0xffff, v62  }
0x3f8: {  	s9 =	simm.s32 $0x0;
	s8 =	simm.s32 $0x2;
	[tilespmem:s7+$0x19430] =	vst.add.f32.msk $0xffff, v63  }
.LBB2_9:
0x3f9: {  	p0 =	sne.s32 s8, $0x1F;
	s9 =	smul.u32 $0x1800, s9;
	[tilespmem:s7+$0x19440] =	vst.add.f32.msk $0xffff, v2;
	s2 =	sadd.s32 $0x80, s2  }
0x3fa: {  	s14 =	sand.u32 $0x380, s2;
	[tilespmem:s7+$0x19450] =	vst.add.f32.msk $0xffff, v1  }
0x3fb: {  	[tilespmem:s7+$0x19460] =	vst.add.f32.msk $0xffff, v0;
	s7 =	sor.u32 s14, s9  }
0x3fc: {  	v0 =	vld [tilespmem:s7+$0x1470]  }
0x3fd: {  	v3 =	vld [tilespmem:s7+$0x0]  }
0x3fe: {  	v4 =	vld [tilespmem:s7+$0x10]  }
0x3ff: {  	v5 =	vld [tilespmem:s7+$0x20]  }
0x400: {  	v6 =	vld [tilespmem:s7+$0x30]  }
0x401: {  	[tilespmem:s7+$0x19470] =	vst.add.f32.msk $0xffff, v0  }
0x402: {  	v7 =	vld [tilespmem:s7+$0x40]  }
0x403: {  	v8 =	vld [tilespmem:s7+$0x50]  }
0x404: {  	v9 =	vld [tilespmem:s7+$0x60]  }
0x405: {  	v10 =	vld [tilespmem:s7+$0x70]  }
0x406: {  	v11 =	vld [tilespmem:s7+$0x400]  }
0x407: {  	v12 =	vld [tilespmem:s7+$0x410]  }
0x408: {  	v13 =	vld [tilespmem:s7+$0x420]  }
0x409: {  	v14 =	vld [tilespmem:s7+$0x430]  }
0x40a: {  	v15 =	vld [tilespmem:s7+$0x440]  }
0x40b: {  	v16 =	vld [tilespmem:s7+$0x450]  }
0x40c: {  	v17 =	vld [tilespmem:s7+$0x460]  }
0x40d: {  	v18 =	vld [tilespmem:s7+$0x470]  }
0x40e: {  	v19 =	vld [tilespmem:s7+$0x800]  }
0x40f: {  	v20 =	vld [tilespmem:s7+$0x810]  }
0x410: {  	v21 =	vld [tilespmem:s7+$0x820]  }
0x411: {  	v22 =	vld [tilespmem:s7+$0x830]  }
0x412: {  	v23 =	vld [tilespmem:s7+$0x840]  }
0x413: {  	v24 =	vld [tilespmem:s7+$0x850]  }
0x414: {  	v25 =	vld [tilespmem:s7+$0x860]  }
0x415: {  	v26 =	vld [tilespmem:s7+$0x870]  }
0x416: {  	v27 =	vld [tilespmem:s7+$0xC00]  }
0x417: {  	v28 =	vld [tilespmem:s7+$0xC10]  }
0x418: {  	v29 =	vld [tilespmem:s7+$0xC20]  }
0x419: {  	v30 =	vld [tilespmem:s7+$0xC30]  }
0x41a: {  	v31 =	vld [tilespmem:s7+$0xC40]  }
0x41b: {  	v32 =	vld [tilespmem:s7+$0xC50]  }
0x41c: {  	v33 =	vld [tilespmem:s7+$0xC60]  }
0x41d: {  	v34 =	vld [tilespmem:s7+$0xC70]  }
0x41e: {  	v35 =	vld [tilespmem:s7+$0x1000]  }
0x41f: {  	v36 =	vld [tilespmem:s7+$0x1010]  }
0x420: {  	v37 =	vld [tilespmem:s7+$0x1020]  }
0x421: {  	v38 =	vld [tilespmem:s7+$0x1030]  }
0x422: {  	v39 =	vld [tilespmem:s7+$0x1040]  }
0x423: {  	v40 =	vld [tilespmem:s7+$0x1050]  }
0x424: {  	v41 =	vld [tilespmem:s7+$0x1060]  }
0x425: {  	v42 =	vld [tilespmem:s7+$0x1070]  }
0x426: {  	v43 =	vld [tilespmem:s7+$0x1400]  }
0x427: {  	v44 =	vld [tilespmem:s7+$0x1410]  }
0x428: {  	v45 =	vld [tilespmem:s7+$0x1420]  }
0x429: {  	v46 =	vld [tilespmem:s7+$0x1430]  }
0x42a: {  	v2 =	vld [tilespmem:s7+$0x1440]  }
0x42b: {  	v1 =	vld [tilespmem:s7+$0x1450]  }
0x42c: {  	v0 =	vld [tilespmem:s7+$0x1460]  }
0x42d: {  	[tilespmem:s7+$0x18000] =	vst.add.f32.msk $0xffff, v3  }
0x42e: {  	[tilespmem:s7+$0x18010] =	vst.add.f32.msk $0xffff, v4  }
0x42f: {  	[tilespmem:s7+$0x18020] =	vst.add.f32.msk $0xffff, v5  }
0x430: {  	[tilespmem:s7+$0x18030] =	vst.add.f32.msk $0xffff, v6  }
0x431: {  	[tilespmem:s7+$0x18040] =	vst.add.f32.msk $0xffff, v7  }
0x432: {  	[tilespmem:s7+$0x18050] =	vst.add.f32.msk $0xffff, v8  }
0x433: {  	[tilespmem:s7+$0x18060] =	vst.add.f32.msk $0xffff, v9  }
0x434: {  	[tilespmem:s7+$0x18070] =	vst.add.f32.msk $0xffff, v10  }
0x435: {  	[tilespmem:s7+$0x18400] =	vst.add.f32.msk $0xffff, v11  }
0x436: {  	[tilespmem:s7+$0x18410] =	vst.add.f32.msk $0xffff, v12  }
0x437: {  	[tilespmem:s7+$0x18420] =	vst.add.f32.msk $0xffff, v13  }
0x438: {  	[tilespmem:s7+$0x18430] =	vst.add.f32.msk $0xffff, v14  }
0x439: {  	[tilespmem:s7+$0x18440] =	vst.add.f32.msk $0xffff, v15  }
0x43a: {  	[tilespmem:s7+$0x18450] =	vst.add.f32.msk $0xffff, v16  }
0x43b: {  	[tilespmem:s7+$0x18460] =	vst.add.f32.msk $0xffff, v17  }
0x43c: {  	[tilespmem:s7+$0x18470] =	vst.add.f32.msk $0xffff, v18  }
0x43d: {  	[tilespmem:s7+$0x18800] =	vst.add.f32.msk $0xffff, v19  }
0x43e: {  	[tilespmem:s7+$0x18810] =	vst.add.f32.msk $0xffff, v20  }
0x43f: {  	[tilespmem:s7+$0x18820] =	vst.add.f32.msk $0xffff, v21  }
0x440: {  	[tilespmem:s7+$0x18830] =	vst.add.f32.msk $0xffff, v22  }
0x441: {  	[tilespmem:s7+$0x18840] =	vst.add.f32.msk $0xffff, v23  }
0x442: {  	[tilespmem:s7+$0x18850] =	vst.add.f32.msk $0xffff, v24  }
0x443: {  	[tilespmem:s7+$0x18860] =	vst.add.f32.msk $0xffff, v25  }
0x444: {  	[tilespmem:s7+$0x18870] =	vst.add.f32.msk $0xffff, v26  }
0x445: {  	[tilespmem:s7+$0x18C00] =	vst.add.f32.msk $0xffff, v27  }
0x446: {  	[tilespmem:s7+$0x18C10] =	vst.add.f32.msk $0xffff, v28  }
0x447: {  	[tilespmem:s7+$0x18C20] =	vst.add.f32.msk $0xffff, v29  }
0x448: {  	[tilespmem:s7+$0x18C30] =	vst.add.f32.msk $0xffff, v30  }
0x449: {  	[tilespmem:s7+$0x18C40] =	vst.add.f32.msk $0xffff, v31  }
0x44a: {  	[tilespmem:s7+$0x18C50] =	vst.add.f32.msk $0xffff, v32  }
0x44b: {  	[tilespmem:s7+$0x18C60] =	vst.add.f32.msk $0xffff, v33  }
0x44c: {  	[tilespmem:s7+$0x18C70] =	vst.add.f32.msk $0xffff, v34  }
0x44d: {  	[tilespmem:s7+$0x19000] =	vst.add.f32.msk $0xffff, v35  }
0x44e: {  	[tilespmem:s7+$0x19010] =	vst.add.f32.msk $0xffff, v36  }
0x44f: {  	[tilespmem:s7+$0x19020] =	vst.add.f32.msk $0xffff, v37  }
0x450: {  	[tilespmem:s7+$0x19030] =	vst.add.f32.msk $0xffff, v38  }
0x451: {  	[tilespmem:s7+$0x19040] =	vst.add.f32.msk $0xffff, v39  }
0x452: {  	[tilespmem:s7+$0x19050] =	vst.add.f32.msk $0xffff, v40  }
0x453: {  	[tilespmem:s7+$0x19060] =	vst.add.f32.msk $0xffff, v41  }
.Ltmp3:
0x454: {  	[tilespmem:s7+$0x19070] =	vst.add.f32.msk $0xffff, v42;
	(pc) =	sbr.rel @p0 .LBB2_9-.Ltmp3, $4  }
0x455: {  	[tilespmem:s7+$0x19400] =	vst.add.f32.msk $0xffff, v43  }
0x456: {  	[tilespmem:s7+$0x19410] =	vst.add.f32.msk $0xffff, v44  }
0x457: {  	[tilespmem:s7+$0x19420] =	vst.add.f32.msk $0xffff, v45  }
0x458: {  	s9 =	sshrl.u32 s8, $0x3;
	s8 =	sadd.s32 $0x1, s8;
	[tilespmem:s7+$0x19430] =	vst.add.f32.msk $0xffff, v46  }
0x459: {  	s8 =	smul.u32 $0x1800, s9;
	[tilespmem:s7+$0x19440] =	vst.add.f32.msk $0xffff, v2;
	s2 =	sadd.s32 $0x80, s2  }
0x45a: {  	[tilespmem:s7+$0x19450] =	vst.add.f32.msk $0xffff, v1;
	s2 =	sand.u32 $0x380, s2  }
0x45b: {  	[tilespmem:s7+$0x19460] =	vst.add.f32.msk $0xffff, v0;
	s2 =	sor.u32 s2, s8  }
0x45c: {  	v60 =	vld [tilespmem:s2+$0x1470]  }
0x45d: {  	v61 =	vld [tilespmem:s2+$0x0]  }
0x45e: {  	v62 =	vld [tilespmem:s2+$0x10]  }
0x45f: {  	v3 =	vld [tilespmem:s2+$0x20]  }
0x460: {  	v4 =	vld [tilespmem:s2+$0x30]  }
0x461: {  	v63 =	vld [tilespmem:s2+$0x40]  }
0x462: {  	v5 =	vld [tilespmem:s2+$0x50]  }
0x463: {  	v6 =	vld [tilespmem:s2+$0x60]  }
0x464: {  	v7 =	vld [tilespmem:s2+$0x70]  }
0x465: {  	v8 =	vld [tilespmem:s2+$0x400]  }
0x466: {  	v9 =	vld [tilespmem:s2+$0x410]  }
0x467: {  	v10 =	vld [tilespmem:s2+$0x420]  }
0x468: {  	v11 =	vld [tilespmem:s2+$0x430]  }
0x469: {  	v12 =	vld [tilespmem:s2+$0x440]  }
0x46a: {  	v13 =	vld [tilespmem:s2+$0x450]  }
0x46b: {  	v14 =	vld [tilespmem:s2+$0x460]  }
0x46c: {  	v15 =	vld [tilespmem:s2+$0x470]  }
0x46d: {  	v16 =	vld [tilespmem:s2+$0x800]  }
0x46e: {  	v17 =	vld [tilespmem:s2+$0x810]  }
0x46f: {  	v18 =	vld [tilespmem:s2+$0x820]  }
0x470: {  	v19 =	vld [tilespmem:s2+$0x830]  }
0x471: {  	v20 =	vld [tilespmem:s2+$0x840]  }
0x472: {  	v21 =	vld [tilespmem:s2+$0x850]  }
0x473: {  	v22 =	vld [tilespmem:s2+$0x860]  }
0x474: {  	v23 =	vld [tilespmem:s2+$0x870]  }
0x475: {  	v24 =	vld [tilespmem:s2+$0xC00]  }
0x476: {  	v25 =	vld [tilespmem:s2+$0xC10]  }
0x477: {  	v26 =	vld [tilespmem:s2+$0xC20]  }
0x478: {  	v27 =	vld [tilespmem:s2+$0xC30]  }
0x479: {  	v28 =	vld [tilespmem:s2+$0xC40]  }
0x47a: {  	v29 =	vld [tilespmem:s2+$0xC50]  }
0x47b: {  	v30 =	vld [tilespmem:s2+$0xC60]  }
0x47c: {  	v31 =	vld [tilespmem:s2+$0xC70]  }
0x47d: {  	v32 =	vld [tilespmem:s2+$0x1000]  }
0x47e: {  	v33 =	vld [tilespmem:s2+$0x1010]  }
0x47f: {  	v34 =	vld [tilespmem:s2+$0x1020]  }
0x480: {  	v35 =	vld [tilespmem:s2+$0x1030]  }
0x481: {  	v36 =	vld [tilespmem:s2+$0x1040]  }
0x482: {  	v37 =	vld [tilespmem:s2+$0x1050]  }
0x483: {  	v38 =	vld [tilespmem:s2+$0x1060]  }
0x484: {  	v39 =	vld [tilespmem:s2+$0x1070]  }
0x485: {  	v40 =	vld [tilespmem:s2+$0x1400]  }
0x486: {  	v41 =	vld [tilespmem:s2+$0x1410]  }
0x487: {  	v42 =	vld [tilespmem:s2+$0x1420]  }
0x488: {  	v43 =	vld [tilespmem:s2+$0x1430]  }
0x489: {  	v44 =	vld [tilespmem:s2+$0x1440]  }
0x48a: {  	v45 =	vld [tilespmem:s2+$0x1450]  }
0x48b: {  	v46 =	vld [tilespmem:s2+$0x1460]  }
0x48c: {  	[tilespmem:s2+$0x19470] =	vst.add.f32.msk $0xffff, v60  }
0x48d: {  	[tilespmem:s2+$0x18000] =	vst.add.f32.msk $0xffff, v61  }
0x48e: {  	[tilespmem:s2+$0x18010] =	vst.add.f32.msk $0xffff, v62  }
0x48f: {  	[tilespmem:s2+$0x18020] =	vst.add.f32.msk $0xffff, v3  }
0x490: {  	[tilespmem:s2+$0x18030] =	vst.add.f32.msk $0xffff, v4  }
0x491: {  	[tilespmem:s2+$0x18040] =	vst.add.f32.msk $0xffff, v63  }
0x492: {  	[tilespmem:s2+$0x18050] =	vst.add.f32.msk $0xffff, v5  }
0x493: {  	[tilespmem:s2+$0x18060] =	vst.add.f32.msk $0xffff, v6  }
0x494: {  	[tilespmem:s2+$0x18070] =	vst.add.f32.msk $0xffff, v7  }
0x495: {  	[tilespmem:s2+$0x18400] =	vst.add.f32.msk $0xffff, v8  }
0x496: {  	[tilespmem:s2+$0x18410] =	vst.add.f32.msk $0xffff, v9  }
0x497: {  	[tilespmem:s2+$0x18420] =	vst.add.f32.msk $0xffff, v10  }
0x498: {  	[tilespmem:s2+$0x18430] =	vst.add.f32.msk $0xffff, v11  }
0x499: {  	[tilespmem:s2+$0x18440] =	vst.add.f32.msk $0xffff, v12  }
0x49a: {  	[tilespmem:s2+$0x18450] =	vst.add.f32.msk $0xffff, v13  }
0x49b: {  	[tilespmem:s2+$0x18460] =	vst.add.f32.msk $0xffff, v14  }
0x49c: {  	[tilespmem:s2+$0x18470] =	vst.add.f32.msk $0xffff, v15  }
0x49d: {  	[tilespmem:s2+$0x18800] =	vst.add.f32.msk $0xffff, v16  }
0x49e: {  	[tilespmem:s2+$0x18810] =	vst.add.f32.msk $0xffff, v17  }
0x49f: {  	[tilespmem:s2+$0x18820] =	vst.add.f32.msk $0xffff, v18  }
0x4a0: {  	[tilespmem:s2+$0x18830] =	vst.add.f32.msk $0xffff, v19  }
0x4a1: {  	[tilespmem:s2+$0x18840] =	vst.add.f32.msk $0xffff, v20  }
0x4a2: {  	[tilespmem:s2+$0x18850] =	vst.add.f32.msk $0xffff, v21  }
0x4a3: {  	[tilespmem:s2+$0x18860] =	vst.add.f32.msk $0xffff, v22  }
0x4a4: {  	[tilespmem:s2+$0x18870] =	vst.add.f32.msk $0xffff, v23  }
0x4a5: {  	[tilespmem:s2+$0x18C00] =	vst.add.f32.msk $0xffff, v24  }
0x4a6: {  	[tilespmem:s2+$0x18C10] =	vst.add.f32.msk $0xffff, v25  }
0x4a7: {  	[tilespmem:s2+$0x18C20] =	vst.add.f32.msk $0xffff, v26  }
0x4a8: {  	[tilespmem:s2+$0x18C30] =	vst.add.f32.msk $0xffff, v27  }
0x4a9: {  	[tilespmem:s2+$0x18C40] =	vst.add.f32.msk $0xffff, v28  }
0x4aa: {  	[tilespmem:s2+$0x18C50] =	vst.add.f32.msk $0xffff, v29  }
0x4ab: {  	[tilespmem:s2+$0x18C60] =	vst.add.f32.msk $0xffff, v30  }
0x4ac: {  	[tilespmem:s2+$0x18C70] =	vst.add.f32.msk $0xffff, v31  }
0x4ad: {  	[tilespmem:s2+$0x19000] =	vst.add.f32.msk $0xffff, v32  }
0x4ae: {  	[tilespmem:s2+$0x19010] =	vst.add.f32.msk $0xffff, v33  }
0x4af: {  	[tilespmem:s2+$0x19020] =	vst.add.f32.msk $0xffff, v34  }
0x4b0: {  	[tilespmem:s2+$0x19030] =	vst.add.f32.msk $0xffff, v35  }
0x4b1: {  	[tilespmem:s2+$0x19040] =	vst.add.f32.msk $0xffff, v36  }
0x4b2: {  	[tilespmem:s2+$0x19050] =	vst.add.f32.msk $0xffff, v37  }
0x4b3: {  	[tilespmem:s2+$0x19060] =	vst.add.f32.msk $0xffff, v38  }
0x4b4: {  	[tilespmem:s2+$0x19070] =	vst.add.f32.msk $0xffff, v39  }
0x4b5: {  	[tilespmem:s2+$0x19400] =	vst.add.f32.msk $0xffff, v40  }
0x4b6: {  	s30 =	sadd.s32 $0x1, s30;
	[tilespmem:s2+$0x19410] =	vst.add.f32.msk $0xffff, v41  }
0x4b7: {  	p0 =	sne.s32 s30, $0x8;
	[tilespmem:s2+$0x19420] =	vst.add.f32.msk $0xffff, v42  }
.Ltmp4:
0x4b8: {  	[tilespmem:s2+$0x19430] =	vst.add.f32.msk $0xffff, v43;
	(pc) =	sbr.rel @p0 .LBB2_2-.Ltmp4, $4  }
0x4b9: {  	[tilespmem:s2+$0x19440] =	vst.add.f32.msk $0xffff, v44  }
0x4ba: {  	[tilespmem:s2+$0x19450] =	vst.add.f32.msk $0xffff, v45  }
0x4bb: {  	s0 =	sadd.s32 s3, s0;
	[tilespmem:s2+$0x19460] =	vst.add.f32.msk $0xffff, v46  }
0x4bc: {  	[hbm4b:s0+s4] =	stream.linear.scatter [tilespmem:s20], [sflag:$0x8], $0x6000, $0x38;
	[tilespmem:$0x1E000] =	vst v63  }
0x4bd: {  	_ =	swait.ge [sflag:s26], $0x6000  }
0x4be: {  	[sflag:s26] =	ssyncset.done $0x0  }
0x4bf: {  	[sflag:s26] =	ssyncadd.s32 $0xFFFFA000  }
0x4c0: {  	_ =	swait.ge [sflag:s28], $0x6000  }
0x4c1: {  	s29 =	sadd.s32 $0x1, s29;
	s0 =	rddreg [dreg:$0x7]  }
0x4c2: {  	p0 =	sne.s32 s29, s0  }
.Ltmp5:
0x4c3: {  	_ = 	snop;
	(pc) =	sbr.rel @p0 .LBB2_1-.Ltmp5, $3  }
0x4c4: {  	_ =	sdelay $0x1  }
0x4c5: {  	[sflag:s28] =	ssyncset.done $0x0  }
0x4c6: {  	[sflag:s28] =	ssyncadd.s32 $0xFFFFA000  }
0x4c7: {  	_ =	sfence.sel $0x180000  }
0x4c8: {  	[bflag:$0x0] =	sbarrier.arrive $0xFFFF  }
0x4c9: {  	_ =	strace $0x90000047  }
0x4ca: {  	s0 =	stileid.u32;
	[bflag:$0x2] =	sbarrier.arrive $0xFFFF  }
0x4cb: {  	p0 =	sne.s32 s0, $0x0;
	s0 =	rddreg [dreg:$0x3]  }
0x4cc: {  	s0 =	sadd.s32 @!p0 $0x100000, s0  }
0x4cd: {  	[sflag:s0] =	ssyncadd.tile.s32 @!p0 $0x1;
	_ =	shalt  }
.Lfunc_end2:
_tile_overlayer_lowered:
.L_overlay_start_2:
0x4ce: {  	(tag) =	ssettag $0x2  }
0x4cf: {  	s0 =	rddreg [dreg:$0x0];
	s2 =	stileid.u32  }
0x4d0: {  	s1 =	rddreg [dreg:$0x1];
	p0 =	sne.s32 s2, $0x0  }
0x4d1: {  	s3 =	rddreg [dreg:$0x2];
	[bflag:$0x3] =	sbarrier.arrive $0xFFFF;
	s2 =	simm.s32 @!p0 $0x1C09  }
0x4d2: {  	[timem:s3], [sflag:s2] =	dma.local @!p0 [hbm:s0], s1  }
0x4d3: {  	s0 =	simm.s32 @!p0 $0x9  }
0x4d4: {  	_ =	swait.ge @!p0 [sflag:s0], s1  }
0x4d5: {  	s1 =	ssub.s32 @!p0 $0x0, s1;
	[sflag:s0] =	ssyncset.done @!p0 $0x0  }
0x4d6: {  	[sflag:s0] =	ssyncadd.s32 @!p0 s1  }
0x4d7: {  	[bflag:$0x3] =	sbarrier.arrive $0xFFFF  }
0x4d8: {  	_ =	shalt  }

</sc_bundles>
